<compile_context>
chip_gen: v7x
topology: tpu7x:2x2x1
jax: 0.10.2.dev20260603
libtpu: 0.0.44.dev20260713+nightly
codegen_flags: <defaults>
</compile_context>

<pallas_src>
import functools

import jax
import jax.numpy as jnp
from jax import lax
from jax.experimental import pallas as pl
from jax.experimental.pallas import tpu as pltpu
from jax.experimental.pallas import tpu_sc as plsc

B, T = 64, 256
NUM_CAT = 26
NUM_NUM = 13
VOCAB = 100001
H = 32
N = B * T
F = NUM_CAT + NUM_NUM
INV_FIELDS = 1.0 / (NUM_CAT + NUM_NUM)

_SELU_SCALE = 1.0507009873554805
_SELU_ALPHA = 1.6732632423543772

NW = 32
LANES = 16

VBLK = 128
SUPER_VB = 4
SUPW = VBLK * SUPER_VB
NSUP_TBL = 195
VTAIL0 = NSUP_TBL * SUPW
VTAIL = VOCAB - VTAIL0
NSUP = NUM_CAT * NSUP_TBL
SUP_PER_W = -(-NSUP // NW)

TOK_PER_W = N // NW
CHUNK = 64
NCHUNK = TOK_PER_W // CHUNK
IDX_PER_CHUNK = CHUNK * NUM_CAT
GATHER_SPLIT = 128
NGATHER = IDX_PER_CHUNK // GATHER_SPLIT

TC_BLK = 512
PAD = 128


def _tc_prep_body(x_ref, w1t_ref, b1_ref, w2r_ref, b2r_ref, idx_ref, mlp_ref):
    xb = x_ref[...]
    xc = xb[:, :NUM_CAT].astype(jnp.int32)
    offs = lax.broadcasted_iota(jnp.int32, (TC_BLK, NUM_CAT), 1) * VOCAB
    idx_ref[...] = jnp.concatenate(
        [xc + offs, jnp.zeros((TC_BLK, PAD - NUM_CAT), jnp.int32)], axis=1)
    xn = xb[:, NUM_CAT:]
    h1 = jnp.dot(xn, w1t_ref[...], preferred_element_type=jnp.float32) + b1_ref[...]
    h1 = _SELU_SCALE * jnp.where(h1 > 0, h1, _SELU_ALPHA * (jnp.exp(h1) - 1.0))
    acc = jnp.zeros((TC_BLK, H), jnp.float32)
    for j in range(NUM_NUM):
        m = (xn[:, j:j + 1] != 0.0).astype(jnp.float32)
        lg = jnp.dot(h1, w2r_ref[j], preferred_element_type=jnp.float32) + b2r_ref[j:j + 1, :]
        acc = acc + m * lg
    mlp_ref[...] = jnp.concatenate(
        [acc, jnp.zeros((TC_BLK, PAD - H), jnp.float32)], axis=1)


def _tc_prep(x, w1t, b1, w2r, b2r):
    grid = N // TC_BLK
    return pl.pallas_call(
        _tc_prep_body,
        grid=(grid,),
        in_specs=[
            pl.BlockSpec((TC_BLK, F), lambda i: (i, 0)),
            pl.BlockSpec((NUM_NUM, H), lambda i: (0, 0)),
            pl.BlockSpec((1, H), lambda i: (0, 0)),
            pl.BlockSpec((NUM_NUM, H, H), lambda i: (0, 0, 0)),
            pl.BlockSpec((NUM_NUM, H), lambda i: (0, 0)),
        ],
        out_specs=[
            pl.BlockSpec((TC_BLK, PAD), lambda i: (i, 0)),
            pl.BlockSpec((TC_BLK, PAD), lambda i: (i, 0)),
        ],
        out_shape=[
            jax.ShapeDtypeStruct((N, PAD), jnp.int32),
            jax.ShapeDtypeStruct((N, PAD), jnp.float32),
        ],
    )(x, w1t, b1, w2r, b2r)


def _sc_detile(emb_hm, tail_lin):
    mesh = plsc.VectorSubcoreMesh(core_axis_name="c", subcore_axis_name="s")

    @functools.partial(
        pl.kernel,
        out_type=jax.ShapeDtypeStruct((NUM_CAT * VOCAB * H,), jnp.float32),
        mesh=mesh,
        scratch_types=[
            pltpu.VMEM((H, SUPW), jnp.float32),
            pltpu.VMEM((H, SUPW), jnp.float32),
            pltpu.VMEM((SUPW * H,), jnp.float32),
            pltpu.VMEM((SUPW * H,), jnp.float32),
            pltpu.SemaphoreType.DMA,
            pltpu.SemaphoreType.DMA,
            pltpu.SemaphoreType.DMA,
            pltpu.SemaphoreType.DMA,
        ],
        compiler_params=pltpu.CompilerParams(
            use_tc_tiling_on_sc=True, needs_layout_passes=False),
    )
    def body(emb_hbm, tail_hbm, out_hbm, stage_a, stage_b, tr_a, tr_b,
             in_a, in_b, out_a, out_b):
        cid = lax.axis_index("c")
        sid = lax.axis_index("s")
        wid = sid * 2 + cid
        lanes = lax.iota(jnp.int32, LANES)
        hhalf = [lanes, lanes + LANES]

        def src_slice(i):
            gid = jnp.minimum(wid * SUP_PER_W + i, NSUP - 1)
            f = gid // NSUP_TBL
            s = gid - f * NSUP_TBL
            return f, s, emb_hbm.at[pl.ds(f * H, H), pl.ds(s * SUPW, SUPW)]

        def start_in(i, stage, sem):
            _, _, src = src_slice(i)
            return pltpu.async_copy(src, stage, sem)

        def step(i, stage, tr, sem_in, sem_out):
            pltpu.make_async_copy(
                emb_hbm.at[pl.ds(0, H), pl.ds(0, SUPW)], stage, sem_in).wait()
            @pl.when(i >= 2)
            def _():
                pltpu.make_async_copy(
                    out_hbm.at[pl.ds(0, SUPW * H)], tr, sem_out).wait()

            def vg_body(vg, carry):
                v0 = vg * LANES
                for half in range(2):
                    for d in range(LANES):
                        v_idx = jnp.bitwise_xor(lanes, d) + v0
                        x = plsc.load_gather(stage, [hhalf[half], v_idx])
                        s = v_idx * H + hhalf[half]
                        plsc.store_scatter(tr, [s], x)
                return carry

            lax.fori_loop(0, SUPW // LANES, vg_body, 0)
            f, s, _ = src_slice(i)
            pltpu.async_copy(
                tr, out_hbm.at[pl.ds((f * VOCAB + s * SUPW) * H, SUPW * H)],
                sem_out)

        start_in(0, stage_a, in_a)

        def loop(i, carry):
            @pl.when(i % 2 == 0)
            def _():
                start_in(i + 1, stage_b, in_b)
                step(i, stage_a, tr_a, in_a, out_a)

            @pl.when(i % 2 == 1)
            def _():
                start_in(i + 1, stage_a, in_a)
                step(i, stage_b, tr_b, in_b, out_b)
            return carry

        lax.fori_loop(0, SUP_PER_W - 1, loop, 0)
        i_last = SUP_PER_W - 1
        if SUP_PER_W % 2 == 1:
            step(i_last, stage_a, tr_a, in_a, out_a)
        else:
            step(i_last, stage_b, tr_b, in_b, out_b)
        pltpu.make_async_copy(out_hbm.at[pl.ds(0, SUPW * H)], tr_a, out_a).wait()
        pltpu.make_async_copy(out_hbm.at[pl.ds(0, SUPW * H)], tr_b, out_b).wait()

        @pl.when(wid < NUM_CAT)
        def _():
            f = wid
            pltpu.sync_copy(tail_hbm.at[pl.ds(f * VTAIL * H, VTAIL * H)],
                            tr_a.at[pl.ds(0, VTAIL * H)])
            pltpu.sync_copy(
                tr_a.at[pl.ds(0, VTAIL * H)],
                out_hbm.at[pl.ds((f * VOCAB + VTAIL0) * H, VTAIL * H)])

    return body(emb_hm, tail_lin)


def _sc_gather_combine(idx_pad, emb_rows, mlp_pad):
    mesh = plsc.VectorSubcoreMesh(core_axis_name="c", subcore_axis_name="s")

    @functools.partial(
        pl.kernel,
        out_type=jax.ShapeDtypeStruct((N, H), jnp.float32),
        mesh=mesh,
        scratch_types=[
            pltpu.VMEM((CHUNK, PAD), jnp.int32),
            pltpu.VMEM((IDX_PER_CHUNK + LANES,), jnp.int32),
            pltpu.VMEM((IDX_PER_CHUNK, H), jnp.float32),
            pltpu.VMEM((CHUNK, PAD), jnp.float32),
            pltpu.VMEM((CHUNK, H), jnp.float32),
            pltpu.SemaphoreType.DMA,
        ],
        compiler_params=pltpu.CompilerParams(use_tc_tiling_on_sc=False),
    )
    def body(idx_hbm, emb_hbm, mlp_hbm, out_hbm, idx_v, flat_v, rows_v,
             mlp_v, acc_v, gsem):
        cid = lax.axis_index("c")
        sid = lax.axis_index("s")
        wid = sid * 2 + cid
        tok0 = wid * TOK_PER_W

        def chunk_body(c, carry):
            base = tok0 + c * CHUNK
            pltpu.sync_copy(idx_hbm.at[pl.ds(base, CHUNK)], idx_v)

            def compact_body(t, carry2):
                flat_v[pl.ds(t * NUM_CAT, LANES)] = idx_v[t, pl.ds(0, LANES)]
                flat_v[pl.ds(t * NUM_CAT + LANES, LANES)] = idx_v[t, pl.ds(LANES, LANES)]
                return carry2

            lax.fori_loop(0, CHUNK, compact_body, 0)
            handles = []
            for j in range(NGATHER):
                handles.append(pltpu.async_copy(
                    emb_hbm.at[flat_v.at[pl.ds(j * GATHER_SPLIT, GATHER_SPLIT)]],
                    rows_v.at[pl.ds(j * GATHER_SPLIT, GATHER_SPLIT)],
                    gsem,
                ))
            pltpu.sync_copy(mlp_hbm.at[pl.ds(base, CHUNK)], mlp_v)
            for h in handles:
                h.wait()

            def tok_body(t, carry2):
                a0 = mlp_v[t, pl.ds(0, LANES)]
                a1 = mlp_v[t, pl.ds(LANES, LANES)]
                r = t * NUM_CAT
                for j in range(NUM_CAT):
                    a0 = a0 + rows_v[r + j, pl.ds(0, LANES)]
                    a1 = a1 + rows_v[r + j, pl.ds(LANES, LANES)]
                acc_v[t, pl.ds(0, LANES)] = a0 * INV_FIELDS
                acc_v[t, pl.ds(LANES, LANES)] = a1 * INV_FIELDS
                return carry2

            lax.fori_loop(0, CHUNK, tok_body, 0)
            pltpu.sync_copy(acc_v, out_hbm.at[pl.ds(base, CHUNK)])
            return carry

        lax.fori_loop(0, NCHUNK, chunk_body, 0)

    return body(idx_pad, emb_rows, mlp_pad)


def kernel(x_bt_f, emb_tables, mlp_w1, mlp_b1, mlp_w2, mlp_b2):
    x = x_bt_f.reshape(N, F)
    w1t = mlp_w1.T
    b1 = mlp_b1.reshape(1, H)
    w2r = mlp_w2.reshape(NUM_NUM, H, H).transpose(0, 2, 1)
    b2r = mlp_b2.reshape(NUM_NUM, H)
    idx_pad, mlp_pad = _tc_prep(x, w1t, b1, w2r, b2r)
    emb_hm = emb_tables.transpose(0, 2, 1).reshape(NUM_CAT * H, VOCAB)
    tail_lin = emb_tables[:, VTAIL0:, :].reshape(-1)
    rowmaj = _sc_detile(emb_hm, tail_lin)
    out = _sc_gather_combine(idx_pad, rowmaj.reshape(NUM_CAT * VOCAB, H), mlp_pad)
    return out.reshape(B, T, H)

# --- scband reference (transcript-rebuilt; emitter-appended) ---
"""Pipeline reference for scband-trace-style-embeddings-36936718746151 (READ-ONLY COPY).

The authoritative reference and input builder live on the scoring server;
editing this copy changes nothing except your own understanding.
"""

import jax, jax.numpy as jnp
import numpy as np

B, T = 64, 256
NUM_CAT = 26
NUM_NUM = 13
VOCAB = 100001  # feature_metadata size 100000 -> nn.Embedding(100000 + 1, H, padding_idx=0)
H = 32


def setup_inputs(seed: int = 0) -> dict:
    key = jax.random.key(seed)
    kc, kn, kt, kw1, kw2 = jax.random.split(key, 5)
    # categorical columns: integer ids in [0, VOCAB) stored as float (separated/cast inside forward)
    x_cat = jax.random.randint(kc, (B, T, NUM_CAT), 0, VOCAB).astype(jnp.float32)
    # continuous columns: standard normal
    x_num = jax.random.normal(kn, (B, T, NUM_NUM), dtype=jnp.float32)
    x_bt_f = jnp.concatenate([x_cat, x_num], axis=-1)
    # embedding tables (kaiming-uniform-like over fan_in = H)
    bound = float(np.sqrt(6.0 / H))
    emb_tables = jax.random.uniform(kt, (NUM_CAT, VOCAB, H), minval=-bound, maxval=bound, dtype=jnp.float32)
    # num_mlp params: Linear(13 -> H), SELU, Linear(H -> H*13); init normal(0, 0.02), bias 0
    mlp_w1 = jax.random.normal(kw1, (H, NUM_NUM), dtype=jnp.float32) * 0.02
    mlp_b1 = jnp.zeros((H,), dtype=jnp.float32)
    mlp_w2 = jax.random.normal(kw2, (H * NUM_NUM, H), dtype=jnp.float32) * 0.02
    mlp_b2 = jnp.zeros((H * NUM_NUM,), dtype=jnp.float32)
    return {
        "x_bt_f": x_bt_f,
        "emb_tables": emb_tables,
        "mlp_w1": mlp_w1,
        "mlp_b1": mlp_b1,
        "mlp_w2": mlp_w2,
        "mlp_b2": mlp_b2,
    }


def reference(x_bt_f, emb_tables, mlp_w1, mlp_b1, mlp_w2, mlp_b2):
    B_, T_, F_ = x_bt_f.shape
    x = x_bt_f.reshape(B_ * T_, F_)
    # separate_features_by_index: num_indices = [26..38]
    x_cat = x[:, :NUM_CAT].astype(jnp.int32)
    x_num = x[:, NUM_CAT:]
    # per-field embedding lookup -> [N, 26, H]  (gather; SparseCore-friendly)
    x_tok = emb_tables[jnp.arange(NUM_CAT)[None, :], x_cat]
    # num_mlp: flatten -> Linear -> SELU -> Linear -> reshape [N, 13, H]
    h1 = jax.nn.selu(x_num @ mlp_w1.T + mlp_b1)
    logits = h1 @ mlp_w2.T + mlp_b2
    x_num_w = logits.reshape(B_ * T_, NUM_NUM, H)
    x_num_mask = (x_num != 0.0).astype(x_num_w.dtype)[..., None]
    x_num_w = x_num_mask * x_num_w
    x_all = jnp.concatenate([x_num_w, x_tok], axis=1)  # [N, 13+26, H]
    h_bf = x_all.mean(axis=1)
    return h_bf.reshape(B_, T_, H)

if __name__ == "__main__":
    import jax
    _d = setup_inputs()
    print(jax.jit(kernel)(*tuple(_d.values())))

</pallas_src>

<mosaic_0001>
#map = affine_map<(d0, d1) -> (0, 0)>
#map1 = affine_map<(d0, d1) -> (0)>
module attributes {stable_mosaic.version = 14 : i64} {
  func.func @body(%arg0: i32, %arg1: i32, %arg2: memref<832x100001xf32, #tpu.memory_space<hbm>>, %arg3: memref<133952xf32, #tpu.memory_space<hbm>>, %arg4: memref<83200832xf32, #tpu.memory_space<hbm>>, %arg5: memref<32x512xf32, #tpu.memory_space<vmem>>, %arg6: memref<32x512xf32, #tpu.memory_space<vmem>>, %arg7: memref<16384xf32, #tpu.memory_space<vmem>>, %arg8: memref<16384xf32, #tpu.memory_space<vmem>>, %arg9: memref<!tpu.dma_semaphore, #tpu.memory_space<semaphore_mem>>, %arg10: memref<!tpu.dma_semaphore, #tpu.memory_space<semaphore_mem>>, %arg11: memref<!tpu.dma_semaphore, #tpu.memory_space<semaphore_mem>>, %arg12: memref<!tpu.dma_semaphore, #tpu.memory_space<semaphore_mem>>) attributes {dimension_semantics = [#tpu.dimension_semantics<core_parallel>, #tpu.dimension_semantics<subcore_parallel>], iteration_bounds = array<i64: 2, 16>, scalar_prefetch = 0 : i64, scratch_operands = 8 : i64, tpu.core_type = #tpu.core_type<sc_vector_subcore>, window_params = [{transform_indices = #map}, {transform_indices = #map1}, {transform_indices = #map1}]} {
    %mul3A = arith.constant 2 : i32
    %mul3A_0 = arith.muli %arg1, %mul3A : i32
    %add3A = arith.addi %mul3A_0, %arg0 : i32
    %iota3A = tpu.iota {dimensions = array<i32: 0>} : vector<16xi32>
    %add3A_1 = arith.constant 16 : i32
    %add3A_2 = vector.broadcast %add3A_1 : i32 to vector<16xi32>
    %add3A_3 = arith.addi %iota3A, %add3A_2 : vector<16xi32>
    %mul3A_4 = arith.constant 159 : i32
    %mul3A_5 = arith.muli %add3A, %mul3A_4 : i32
    %add3A_6 = arith.constant 0 : i32
    %add3A_7 = arith.addi %mul3A_5, %add3A_6 : i32
    %min3A = arith.constant 5069 : i32
    %min3A_8 = arith.minsi %add3A_7, %min3A : i32
    %jit3A = arith.constant 195 : i32
    %div3A = arith.divsi %min3A_8, %jit3A : i32
    %sign3A = arith.constant 0 : i32
    %sign3A_9 = arith.cmpi sgt, %min3A_8, %sign3A : i32
    %sign3A_10 = arith.extui %sign3A_9 : i1 to i32
    %sign3A_11 = arith.constant 0 : i32
    %sign3A_12 = arith.cmpi slt, %min3A_8, %sign3A_11 : i32
    %sign3A_13 = arith.extui %sign3A_12 : i1 to i32
    %sign3A_14 = arith.subi %sign3A_10, %sign3A_13 : i32
    %sign3A_15 = arith.constant 0 : i32
    %sign3A_16 = arith.cmpi sgt, %jit3A, %sign3A_15 : i32
    %sign3A_17 = arith.extui %sign3A_16 : i1 to i32
    %sign3A_18 = arith.constant 0 : i32
    %sign3A_19 = arith.cmpi slt, %jit3A, %sign3A_18 : i32
    %sign3A_20 = arith.extui %sign3A_19 : i1 to i32
    %sign3A_21 = arith.subi %sign3A_17, %sign3A_20 : i32
    %ne3A = arith.cmpi ne, %sign3A_14, %sign3A_21 : i32
    %rem3A = arith.remsi %min3A_8, %jit3A : i32
    %ne3A_22 = arith.constant 0 : i32
    %ne3A_23 = arith.cmpi ne, %rem3A, %ne3A_22 : i32
    %and3A = arith.andi %ne3A, %ne3A_23 : i1
    %sub3A = arith.constant 1 : i32
    %sub3A_24 = arith.subi %div3A, %sub3A : i32
    %select_n3A = arith.select %and3A, %sub3A_24, %div3A : i32
    %mul3A_25 = arith.constant 195 : i32
    %mul3A_26 = arith.muli %select_n3A, %mul3A_25 : i32
    %sub3A_27 = arith.subi %min3A_8, %mul3A_26 : i32
    %mul3A_28 = arith.constant 32 : i32
    %mul3A_29 = arith.muli %select_n3A, %mul3A_28 : i32
    %mul3A_30 = arith.constant 512 : i32
    %mul3A_31 = arith.muli %sub3A_27, %mul3A_30 : i32
    %dma_start3A = tpu.memref_slice %arg2[%mul3A_29, %mul3A_31] : memref<832x100001xf32, #tpu.memory_space<hbm>> -> memref<32x512xf32, #tpu.memory_space<hbm>>
    %dma_start3A_32 = tpu.memref_slice %arg2[%mul3A_29, %mul3A_31] : memref<832x100001xf32, #tpu.memory_space<hbm>> -> memref<32x512xf32, #tpu.memory_space<hbm>>
    tpu.enqueue_dma source(%dma_start3A_32 : memref<32x512xf32, #tpu.memory_space<hbm>>) target(%arg5 : memref<32x512xf32, #tpu.memory_space<vmem>>) target_semaphore(%arg9 : memref<!tpu.dma_semaphore, #tpu.memory_space<semaphore_mem>>)
    %scan3A = arith.constant 0 : i32
    %scan3A_33 = arith.constant 0 : i32
    %scan3A_34 = arith.constant 158 : i32
    %scan3A_35 = arith.addi %scan3A_33, %scan3A_34 : i32
    %scan3A_36 = arith.constant 1 : i32
    scf.for %scan3A_109 = %scan3A_33 to %scan3A_35 step %scan3A_36  : i32 {
      %jit3A_110 = arith.constant 2 : i32
      %eq3A = arith.constant 0 : i32
      %eq3A_111 = arith.cmpi eq, %jit3A_110, %eq3A : i32
      %jit3A_112 = arith.constant 1 : i32
      %select_n3A_113 = arith.select %eq3A_111, %jit3A_112, %jit3A_110 : i32
      %rem3A_114 = arith.remsi %scan3A_109, %select_n3A_113 : i32
      %ne3A_115 = arith.constant 0 : i32
      %ne3A_116 = arith.cmpi ne, %rem3A_114, %ne3A_115 : i32
      %lt3A_117 = arith.constant 0 : i32
      %lt3A_118 = arith.cmpi slt, %rem3A_114, %lt3A_117 : i32
      %lt3A_119 = arith.constant 0 : i32
      %lt3A_120 = arith.cmpi slt, %select_n3A_113, %lt3A_119 : i32
      %ne3A_121 = arith.xori %lt3A_118, %lt3A_120 : i1
      %and3A_122 = arith.andi %ne3A_121, %ne3A_116 : i1
      %add3A_123 = arith.addi %rem3A_114, %select_n3A_113 : i32
      %select_n3A_124 = arith.select %and3A_122, %add3A_123, %rem3A_114 : i32
      %eq3A_125 = arith.constant 0 : i32
      %eq3A_126 = arith.cmpi eq, %select_n3A_124, %eq3A_125 : i32
      %convert_element_type3A_127 = arith.extui %eq3A_126 : i1 to i32
      %cond3A_128 = arith.constant 0 : i32
      %cond3A_129 = arith.cmpi ne, %convert_element_type3A_127, %cond3A_128 : i32
      scf.if %cond3A_129 {
        %add3A_151 = arith.constant 1 : i32
        %add3A_152 = arith.addi %scan3A_109, %add3A_151 : i32
        %mul3A_153 = arith.constant 159 : i32
        %mul3A_154 = arith.muli %add3A, %mul3A_153 : i32
        %add3A_155 = arith.addi %mul3A_154, %add3A_152 : i32
        %min3A_156 = arith.constant 5069 : i32
        %min3A_157 = arith.minsi %add3A_155, %min3A_156 : i32
        %jit3A_158 = arith.constant 195 : i32
        %div3A_159 = arith.divsi %min3A_157, %jit3A_158 : i32
        %sign3A_160 = arith.constant 0 : i32
        %sign3A_161 = arith.cmpi sgt, %min3A_157, %sign3A_160 : i32
        %sign3A_162 = arith.extui %sign3A_161 : i1 to i32
        %sign3A_163 = arith.constant 0 : i32
        %sign3A_164 = arith.cmpi slt, %min3A_157, %sign3A_163 : i32
        %sign3A_165 = arith.extui %sign3A_164 : i1 to i32
        %sign3A_166 = arith.subi %sign3A_162, %sign3A_165 : i32
        %sign3A_167 = arith.constant 0 : i32
        %sign3A_168 = arith.cmpi sgt, %jit3A_158, %sign3A_167 : i32
        %sign3A_169 = arith.extui %sign3A_168 : i1 to i32
        %sign3A_170 = arith.constant 0 : i32
        %sign3A_171 = arith.cmpi slt, %jit3A_158, %sign3A_170 : i32
        %sign3A_172 = arith.extui %sign3A_171 : i1 to i32
        %sign3A_173 = arith.subi %sign3A_169, %sign3A_172 : i32
        %ne3A_174 = arith.cmpi ne, %sign3A_166, %sign3A_173 : i32
        %rem3A_175 = arith.remsi %min3A_157, %jit3A_158 : i32
        %ne3A_176 = arith.constant 0 : i32
        %ne3A_177 = arith.cmpi ne, %rem3A_175, %ne3A_176 : i32
        %and3A_178 = arith.andi %ne3A_174, %ne3A_177 : i1
        %sub3A_179 = arith.constant 1 : i32
        %sub3A_180 = arith.subi %div3A_159, %sub3A_179 : i32
        %select_n3A_181 = arith.select %and3A_178, %sub3A_180, %div3A_159 : i32
        %mul3A_182 = arith.constant 195 : i32
        %mul3A_183 = arith.muli %select_n3A_181, %mul3A_182 : i32
        %sub3A_184 = arith.subi %min3A_157, %mul3A_183 : i32
        %mul3A_185 = arith.constant 32 : i32
        %mul3A_186 = arith.muli %select_n3A_181, %mul3A_185 : i32
        %mul3A_187 = arith.constant 512 : i32
        %mul3A_188 = arith.muli %sub3A_184, %mul3A_187 : i32
        %dma_start3A_189 = tpu.memref_slice %arg2[%mul3A_186, %mul3A_188] : memref<832x100001xf32, #tpu.memory_space<hbm>> -> memref<32x512xf32, #tpu.memory_space<hbm>>
        %dma_start3A_190 = tpu.memref_slice %arg2[%mul3A_186, %mul3A_188] : memref<832x100001xf32, #tpu.memory_space<hbm>> -> memref<32x512xf32, #tpu.memory_space<hbm>>
        tpu.enqueue_dma source(%dma_start3A_190 : memref<32x512xf32, #tpu.memory_space<hbm>>) target(%arg6 : memref<32x512xf32, #tpu.memory_space<vmem>>) target_semaphore(%arg10 : memref<!tpu.dma_semaphore, #tpu.memory_space<semaphore_mem>>)
        %dma_wait3A_191 = arith.constant 0 : i32
        %dma_wait3A_192 = arith.constant 0 : i32
        %dma_wait3A_193 = tpu.memref_slice %arg2[%dma_wait3A_191, %dma_wait3A_192] : memref<832x100001xf32, #tpu.memory_space<hbm>> -> memref<32x512xf32, #tpu.memory_space<hbm>>
        %dma_wait3A_194 = arith.constant 0 : i32
        %dma_wait3A_195 = arith.constant 0 : i32
        %dma_wait3A_196 = tpu.memref_slice %arg2[%dma_wait3A_194, %dma_wait3A_195] : memref<832x100001xf32, #tpu.memory_space<hbm>> -> memref<32x512xf32, #tpu.memory_space<hbm>>
        tpu.wait_dma2 semaphore(%arg9 : memref<!tpu.dma_semaphore, #tpu.memory_space<semaphore_mem>>) src(%dma_wait3A_196 : memref<32x512xf32, #tpu.memory_space<hbm>>) dst(%arg5 : memref<32x512xf32, #tpu.memory_space<vmem>>)
        %ge3A = arith.constant 2 : i32
        %ge3A_197 = arith.cmpi sge, %scan3A_109, %ge3A : i32
        %convert_element_type3A_198 = arith.extui %ge3A_197 : i1 to i32
        %cond3A_199 = arith.constant 0 : i32
        %cond3A_200 = arith.cmpi ne, %convert_element_type3A_198, %cond3A_199 : i32
        scf.if %cond3A_200 {
          %dma_wait3A_252 = arith.constant 0 : i32
          %dma_wait3A_253 = tpu.memref_slice %arg4[%dma_wait3A_252] : memref<83200832xf32, #tpu.memory_space<hbm>> -> memref<16384xf32, #tpu.memory_space<hbm>>
          %dma_wait3A_254 = arith.constant 0 : i32
          %dma_wait3A_255 = tpu.memref_slice %arg4[%dma_wait3A_254] : memref<83200832xf32, #tpu.memory_space<hbm>> -> memref<16384xf32, #tpu.memory_space<hbm>>
          tpu.wait_dma2 semaphore(%arg11 : memref<!tpu.dma_semaphore, #tpu.memory_space<semaphore_mem>>) src(%dma_wait3A_255 : memref<16384xf32, #tpu.memory_space<hbm>>) dst(%arg7 : memref<16384xf32, #tpu.memory_space<vmem>>)
        } else {
        }
        %scan3A_201 = arith.constant 0 : i32
        %scan3A_202 = arith.constant 0 : i32
        %scan3A_203 = arith.constant 32 : i32
        %scan3A_204 = arith.addi %scan3A_202, %scan3A_203 : i32
        %scan3A_205 = arith.constant 1 : i32
        scf.for %scan3A_252 = %scan3A_202 to %scan3A_204 step %scan3A_205  : i32 {
          %mul3A_253 = arith.constant 16 : i32
          %mul3A_254 = arith.muli %scan3A_252, %mul3A_253 : i32
          %xor3A = arith.constant 0 : i32
          %xor3A_255 = vector.broadcast %xor3A : i32 to vector<16xi32>
          %xor3A_256 = arith.xori %iota3A, %xor3A_255 : vector<16xi32>
          %add3A_257 = vector.broadcast %mul3A_254 : i32 to vector<16xi32>
          %add3A_258 = arith.addi %xor3A_256, %add3A_257 : vector<16xi32>
          %gather3A = tpu.vector_load_idx %arg5[%iota3A, %add3A_258] : memref<32x512xf32, #tpu.memory_space<vmem>>[vector<16xi32>, vector<16xi32>], vector<16xf32>,
          %mul3A_259 = arith.constant 32 : i32
          %mul3A_260 = vector.broadcast %mul3A_259 : i32 to vector<16xi32>
          %mul3A_261 = arith.muli %add3A_258, %mul3A_260 : vector<16xi32>
          %add3A_262 = arith.addi %mul3A_261, %iota3A : vector<16xi32>
          tpu.vector_store_idx %arg7[%add3A_262], %gather3A : memref<16384xf32, #tpu.memory_space<vmem>>[vector<16xi32>], vector<16xf32>,
          %xor3A_263 = arith.constant 1 : i32
          %xor3A_264 = vector.broadcast %xor3A_263 : i32 to vector<16xi32>
          %xor3A_265 = arith.xori %iota3A, %xor3A_264 : vector<16xi32>
          %add3A_266 = vector.broadcast %mul3A_254 : i32 to vector<16xi32>
          %add3A_267 = arith.addi %xor3A_265, %add3A_266 : vector<16xi32>
          %gather3A_268 = tpu.vector_load_idx %arg5[%iota3A, %add3A_267] : memref<32x512xf32, #tpu.memory_space<vmem>>[vector<16xi32>, vector<16xi32>], vector<16xf32>,
          %mul3A_269 = arith.constant 32 : i32
          %mul3A_270 = vector.broadcast %mul3A_269 : i32 to vector<16xi32>
          %mul3A_271 = arith.muli %add3A_267, %mul3A_270 : vector<16xi32>
          %add3A_272 = arith.addi %mul3A_271, %iota3A : vector<16xi32>
          tpu.vector_store_idx %arg7[%add3A_272], %gather3A_268 : memref<16384xf32, #tpu.memory_space<vmem>>[vector<16xi32>], vector<16xf32>,
          %xor3A_273 = arith.constant 2 : i32
          %xor3A_274 = vector.broadcast %xor3A_273 : i32 to vector<16xi32>
          %xor3A_275 = arith.xori %iota3A, %xor3A_274 : vector<16xi32>
          %add3A_276 = vector.broadcast %mul3A_254 : i32 to vector<16xi32>
          %add3A_277 = arith.addi %xor3A_275, %add3A_276 : vector<16xi32>
          %gather3A_278 = tpu.vector_load_idx %arg5[%iota3A, %add3A_277] : memref<32x512xf32, #tpu.memory_space<vmem>>[vector<16xi32>, vector<16xi32>], vector<16xf32>,
          %mul3A_279 = arith.constant 32 : i32
          %mul3A_280 = vector.broadcast %mul3A_279 : i32 to vector<16xi32>
          %mul3A_281 = arith.muli %add3A_277, %mul3A_280 : vector<16xi32>
          %add3A_282 = arith.addi %mul3A_281, %iota3A : vector<16xi32>
          tpu.vector_store_idx %arg7[%add3A_282], %gather3A_278 : memref<16384xf32, #tpu.memory_space<vmem>>[vector<16xi32>], vector<16xf32>,
          %xor3A_283 = arith.constant 3 : i32
          %xor3A_284 = vector.broadcast %xor3A_283 : i32 to vector<16xi32>
          %xor3A_285 = arith.xori %iota3A, %xor3A_284 : vector<16xi32>
          %add3A_286 = vector.broadcast %mul3A_254 : i32 to vector<16xi32>
          %add3A_287 = arith.addi %xor3A_285, %add3A_286 : vector<16xi32>
          %gather3A_288 = tpu.vector_load_idx %arg5[%iota3A, %add3A_287] : memref<32x512xf32, #tpu.memory_space<vmem>>[vector<16xi32>, vector<16xi32>], vector<16xf32>,
          %mul3A_289 = arith.constant 32 : i32
          %mul3A_290 = vector.broadcast %mul3A_289 : i32 to vector<16xi32>
          %mul3A_291 = arith.muli %add3A_287, %mul3A_290 : vector<16xi32>
          %add3A_292 = arith.addi %mul3A_291, %iota3A : vector<16xi32>
          tpu.vector_store_idx %arg7[%add3A_292], %gather3A_288 : memref<16384xf32, #tpu.memory_space<vmem>>[vector<16xi32>], vector<16xf32>,
          %xor3A_293 = arith.constant 4 : i32
          %xor3A_294 = vector.broadcast %xor3A_293 : i32 to vector<16xi32>
          %xor3A_295 = arith.xori %iota3A, %xor3A_294 : vector<16xi32>
          %add3A_296 = vector.broadcast %mul3A_254 : i32 to vector<16xi32>
          %add3A_297 = arith.addi %xor3A_295, %add3A_296 : vector<16xi32>
          %gather3A_298 = tpu.vector_load_idx %arg5[%iota3A, %add3A_297] : memref<32x512xf32, #tpu.memory_space<vmem>>[vector<16xi32>, vector<16xi32>], vector<16xf32>,
          %mul3A_299 = arith.constant 32 : i32
          %mul3A_300 = vector.broadcast %mul3A_299 : i32 to vector<16xi32>
          %mul3A_301 = arith.muli %add3A_297, %mul3A_300 : vector<16xi32>
          %add3A_302 = arith.addi %mul3A_301, %iota3A : vector<16xi32>
          tpu.vector_store_idx %arg7[%add3A_302], %gather3A_298 : memref<16384xf32, #tpu.memory_space<vmem>>[vector<16xi32>], vector<16xf32>,
          %xor3A_303 = arith.constant 5 : i32
          %xor3A_304 = vector.broadcast %xor3A_303 : i32 to vector<16xi32>
          %xor3A_305 = arith.xori %iota3A, %xor3A_304 : vector<16xi32>
          %add3A_306 = vector.broadcast %mul3A_254 : i32 to vector<16xi32>
          %add3A_307 = arith.addi %xor3A_305, %add3A_306 : vector<16xi32>
          %gather3A_308 = tpu.vector_load_idx %arg5[%iota3A, %add3A_307] : memref<32x512xf32, #tpu.memory_space<vmem>>[vector<16xi32>, vector<16xi32>], vector<16xf32>,
          %mul3A_309 = arith.constant 32 : i32
          %mul3A_310 = vector.broadcast %mul3A_309 : i32 to vector<16xi32>
          %mul3A_311 = arith.muli %add3A_307, %mul3A_310 : vector<16xi32>
          %add3A_312 = arith.addi %mul3A_311, %iota3A : vector<16xi32>
          tpu.vector_store_idx %arg7[%add3A_312], %gather3A_308 : memref<16384xf32, #tpu.memory_space<vmem>>[vector<16xi32>], vector<16xf32>,
          %xor3A_313 = arith.constant 6 : i32
          %xor3A_314 = vector.broadcast %xor3A_313 : i32 to vector<16xi32>
          %xor3A_315 = arith.xori %iota3A, %xor3A_314 : vector<16xi32>
          %add3A_316 = vector.broadcast %mul3A_254 : i32 to vector<16xi32>
          %add3A_317 = arith.addi %xor3A_315, %add3A_316 : vector<16xi32>
          %gather3A_318 = tpu.vector_load_idx %arg5[%iota3A, %add3A_317] : memref<32x512xf32, #tpu.memory_space<vmem>>[vector<16xi32>, vector<16xi32>], vector<16xf32>,
          %mul3A_319 = arith.constant 32 : i32
          %mul3A_320 = vector.broadcast %mul3A_319 : i32 to vector<16xi32>
          %mul3A_321 = arith.muli %add3A_317, %mul3A_320 : vector<16xi32>
          %add3A_322 = arith.addi %mul3A_321, %iota3A : vector<16xi32>
          tpu.vector_store_idx %arg7[%add3A_322], %gather3A_318 : memref<16384xf32, #tpu.memory_space<vmem>>[vector<16xi32>], vector<16xf32>,
          %xor3A_323 = arith.constant 7 : i32
          %xor3A_324 = vector.broadcast %xor3A_323 : i32 to vector<16xi32>
          %xor3A_325 = arith.xori %iota3A, %xor3A_324 : vector<16xi32>
          %add3A_326 = vector.broadcast %mul3A_254 : i32 to vector<16xi32>
          %add3A_327 = arith.addi %xor3A_325, %add3A_326 : vector<16xi32>
          %gather3A_328 = tpu.vector_load_idx %arg5[%iota3A, %add3A_327] : memref<32x512xf32, #tpu.memory_space<vmem>>[vector<16xi32>, vector<16xi32>], vector<16xf32>,
          %mul3A_329 = arith.constant 32 : i32
          %mul3A_330 = vector.broadcast %mul3A_329 : i32 to vector<16xi32>
          %mul3A_331 = arith.muli %add3A_327, %mul3A_330 : vector<16xi32>
          %add3A_332 = arith.addi %mul3A_331, %iota3A : vector<16xi32>
          tpu.vector_store_idx %arg7[%add3A_332], %gather3A_328 : memref<16384xf32, #tpu.memory_space<vmem>>[vector<16xi32>], vector<16xf32>,
          %xor3A_333 = arith.constant 8 : i32
          %xor3A_334 = vector.broadcast %xor3A_333 : i32 to vector<16xi32>
          %xor3A_335 = arith.xori %iota3A, %xor3A_334 : vector<16xi32>
          %add3A_336 = vector.broadcast %mul3A_254 : i32 to vector<16xi32>
          %add3A_337 = arith.addi %xor3A_335, %add3A_336 : vector<16xi32>
          %gather3A_338 = tpu.vector_load_idx %arg5[%iota3A, %add3A_337] : memref<32x512xf32, #tpu.memory_space<vmem>>[vector<16xi32>, vector<16xi32>], vector<16xf32>,
          %mul3A_339 = arith.constant 32 : i32
          %mul3A_340 = vector.broadcast %mul3A_339 : i32 to vector<16xi32>
          %mul3A_341 = arith.muli %add3A_337, %mul3A_340 : vector<16xi32>
          %add3A_342 = arith.addi %mul3A_341, %iota3A : vector<16xi32>
          tpu.vector_store_idx %arg7[%add3A_342], %gather3A_338 : memref<16384xf32, #tpu.memory_space<vmem>>[vector<16xi32>], vector<16xf32>,
          %xor3A_343 = arith.constant 9 : i32
          %xor3A_344 = vector.broadcast %xor3A_343 : i32 to vector<16xi32>
          %xor3A_345 = arith.xori %iota3A, %xor3A_344 : vector<16xi32>
          %add3A_346 = vector.broadcast %mul3A_254 : i32 to vector<16xi32>
          %add3A_347 = arith.addi %xor3A_345, %add3A_346 : vector<16xi32>
          %gather3A_348 = tpu.vector_load_idx %arg5[%iota3A, %add3A_347] : memref<32x512xf32, #tpu.memory_space<vmem>>[vector<16xi32>, vector<16xi32>], vector<16xf32>,
          %mul3A_349 = arith.constant 32 : i32
          %mul3A_350 = vector.broadcast %mul3A_349 : i32 to vector<16xi32>
          %mul3A_351 = arith.muli %add3A_347, %mul3A_350 : vector<16xi32>
          %add3A_352 = arith.addi %mul3A_351, %iota3A : vector<16xi32>
          tpu.vector_store_idx %arg7[%add3A_352], %gather3A_348 : memref<16384xf32, #tpu.memory_space<vmem>>[vector<16xi32>], vector<16xf32>,
          %xor3A_353 = arith.constant 10 : i32
          %xor3A_354 = vector.broadcast %xor3A_353 : i32 to vector<16xi32>
          %xor3A_355 = arith.xori %iota3A, %xor3A_354 : vector<16xi32>
          %add3A_356 = vector.broadcast %mul3A_254 : i32 to vector<16xi32>
          %add3A_357 = arith.addi %xor3A_355, %add3A_356 : vector<16xi32>
          %gather3A_358 = tpu.vector_load_idx %arg5[%iota3A, %add3A_357] : memref<32x512xf32, #tpu.memory_space<vmem>>[vector<16xi32>, vector<16xi32>], vector<16xf32>,
          %mul3A_359 = arith.constant 32 : i32
          %mul3A_360 = vector.broadcast %mul3A_359 : i32 to vector<16xi32>
          %mul3A_361 = arith.muli %add3A_357, %mul3A_360 : vector<16xi32>
          %add3A_362 = arith.addi %mul3A_361, %iota3A : vector<16xi32>
          tpu.vector_store_idx %arg7[%add3A_362], %gather3A_358 : memref<16384xf32, #tpu.memory_space<vmem>>[vector<16xi32>], vector<16xf32>,
          %xor3A_363 = arith.constant 11 : i32
          %xor3A_364 = vector.broadcast %xor3A_363 : i32 to vector<16xi32>
          %xor3A_365 = arith.xori %iota3A, %xor3A_364 : vector<16xi32>
          %add3A_366 = vector.broadcast %mul3A_254 : i32 to vector<16xi32>
          %add3A_367 = arith.addi %xor3A_365, %add3A_366 : vector<16xi32>
          %gather3A_368 = tpu.vector_load_idx %arg5[%iota3A, %add3A_367] : memref<32x512xf32, #tpu.memory_space<vmem>>[vector<16xi32>, vector<16xi32>], vector<16xf32>,
          %mul3A_369 = arith.constant 32 : i32
          %mul3A_370 = vector.broadcast %mul3A_369 : i32 to vector<16xi32>
          %mul3A_371 = arith.muli %add3A_367, %mul3A_370 : vector<16xi32>
          %add3A_372 = arith.addi %mul3A_371, %iota3A : vector<16xi32>
          tpu.vector_store_idx %arg7[%add3A_372], %gather3A_368 : memref<16384xf32, #tpu.memory_space<vmem>>[vector<16xi32>], vector<16xf32>,
          %xor3A_373 = arith.constant 12 : i32
          %xor3A_374 = vector.broadcast %xor3A_373 : i32 to vector<16xi32>
          %xor3A_375 = arith.xori %iota3A, %xor3A_374 : vector<16xi32>
          %add3A_376 = vector.broadcast %mul3A_254 : i32 to vector<16xi32>
          %add3A_377 = arith.addi %xor3A_375, %add3A_376 : vector<16xi32>
          %gather3A_378 = tpu.vector_load_idx %arg5[%iota3A, %add3A_377] : memref<32x512xf32, #tpu.memory_space<vmem>>[vector<16xi32>, vector<16xi32>], vector<16xf32>,
          %mul3A_379 = arith.constant 32 : i32
          %mul3A_380 = vector.broadcast %mul3A_379 : i32 to vector<16xi32>
          %mul3A_381 = arith.muli %add3A_377, %mul3A_380 : vector<16xi32>
          %add3A_382 = arith.addi %mul3A_381, %iota3A : vector<16xi32>
          tpu.vector_store_idx %arg7[%add3A_382], %gather3A_378 : memref<16384xf32, #tpu.memory_space<vmem>>[vector<16xi32>], vector<16xf32>,
          %xor3A_383 = arith.constant 13 : i32
          %xor3A_384 = vector.broadcast %xor3A_383 : i32 to vector<16xi32>
          %xor3A_385 = arith.xori %iota3A, %xor3A_384 : vector<16xi32>
          %add3A_386 = vector.broadcast %mul3A_254 : i32 to vector<16xi32>
          %add3A_387 = arith.addi %xor3A_385, %add3A_386 : vector<16xi32>
          %gather3A_388 = tpu.vector_load_idx %arg5[%iota3A, %add3A_387] : memref<32x512xf32, #tpu.memory_space<vmem>>[vector<16xi32>, vector<16xi32>], vector<16xf32>,
          %mul3A_389 = arith.constant 32 : i32
          %mul3A_390 = vector.broadcast %mul3A_389 : i32 to vector<16xi32>
          %mul3A_391 = arith.muli %add3A_387, %mul3A_390 : vector<16xi32>
          %add3A_392 = arith.addi %mul3A_391, %iota3A : vector<16xi32>
          tpu.vector_store_idx %arg7[%add3A_392], %gather3A_388 : memref<16384xf32, #tpu.memory_space<vmem>>[vector<16xi32>], vector<16xf32>,
          %xor3A_393 = arith.constant 14 : i32
          %xor3A_394 = vector.broadcast %xor3A_393 : i32 to vector<16xi32>
          %xor3A_395 = arith.xori %iota3A, %xor3A_394 : vector<16xi32>
          %add3A_396 = vector.broadcast %mul3A_254 : i32 to vector<16xi32>
          %add3A_397 = arith.addi %xor3A_395, %add3A_396 : vector<16xi32>
          %gather3A_398 = tpu.vector_load_idx %arg5[%iota3A, %add3A_397] : memref<32x512xf32, #tpu.memory_space<vmem>>[vector<16xi32>, vector<16xi32>], vector<16xf32>,
          %mul3A_399 = arith.constant 32 : i32
          %mul3A_400 = vector.broadcast %mul3A_399 : i32 to vector<16xi32>
          %mul3A_401 = arith.muli %add3A_397, %mul3A_400 : vector<16xi32>
          %add3A_402 = arith.addi %mul3A_401, %iota3A : vector<16xi32>
          tpu.vector_store_idx %arg7[%add3A_402], %gather3A_398 : memref<16384xf32, #tpu.memory_space<vmem>>[vector<16xi32>], vector<16xf32>,
          %xor3A_403 = arith.constant 15 : i32
          %xor3A_404 = vector.broadcast %xor3A_403 : i32 to vector<16xi32>
          %xor3A_405 = arith.xori %iota3A, %xor3A_404 : vector<16xi32>
          %add3A_406 = vector.broadcast %mul3A_254 : i32 to vector<16xi32>
          %add3A_407 = arith.addi %xor3A_405, %add3A_406 : vector<16xi32>
          %gather3A_408 = tpu.vector_load_idx %arg5[%iota3A, %add3A_407] : memref<32x512xf32, #tpu.memory_space<vmem>>[vector<16xi32>, vector<16xi32>], vector<16xf32>,
          %mul3A_409 = arith.constant 32 : i32
          %mul3A_410 = vector.broadcast %mul3A_409 : i32 to vector<16xi32>
          %mul3A_411 = arith.muli %add3A_407, %mul3A_410 : vector<16xi32>
          %add3A_412 = arith.addi %mul3A_411, %iota3A : vector<16xi32>
          tpu.vector_store_idx %arg7[%add3A_412], %gather3A_408 : memref<16384xf32, #tpu.memory_space<vmem>>[vector<16xi32>], vector<16xf32>,
          %xor3A_413 = arith.constant 0 : i32
          %xor3A_414 = vector.broadcast %xor3A_413 : i32 to vector<16xi32>
          %xor3A_415 = arith.xori %iota3A, %xor3A_414 : vector<16xi32>
          %add3A_416 = vector.broadcast %mul3A_254 : i32 to vector<16xi32>
          %add3A_417 = arith.addi %xor3A_415, %add3A_416 : vector<16xi32>
          %gather3A_418 = tpu.vector_load_idx %arg5[%add3A_3, %add3A_417] : memref<32x512xf32, #tpu.memory_space<vmem>>[vector<16xi32>, vector<16xi32>], vector<16xf32>,
          %mul3A_419 = arith.constant 32 : i32
          %mul3A_420 = vector.broadcast %mul3A_419 : i32 to vector<16xi32>
          %mul3A_421 = arith.muli %add3A_417, %mul3A_420 : vector<16xi32>
          %add3A_422 = arith.addi %mul3A_421, %add3A_3 : vector<16xi32>
          tpu.vector_store_idx %arg7[%add3A_422], %gather3A_418 : memref<16384xf32, #tpu.memory_space<vmem>>[vector<16xi32>], vector<16xf32>,
          %xor3A_423 = arith.constant 1 : i32
          %xor3A_424 = vector.broadcast %xor3A_423 : i32 to vector<16xi32>
          %xor3A_425 = arith.xori %iota3A, %xor3A_424 : vector<16xi32>
          %add3A_426 = vector.broadcast %mul3A_254 : i32 to vector<16xi32>
          %add3A_427 = arith.addi %xor3A_425, %add3A_426 : vector<16xi32>
          %gather3A_428 = tpu.vector_load_idx %arg5[%add3A_3, %add3A_427] : memref<32x512xf32, #tpu.memory_space<vmem>>[vector<16xi32>, vector<16xi32>], vector<16xf32>,
          %mul3A_429 = arith.constant 32 : i32
          %mul3A_430 = vector.broadcast %mul3A_429 : i32 to vector<16xi32>
          %mul3A_431 = arith.muli %add3A_427, %mul3A_430 : vector<16xi32>
          %add3A_432 = arith.addi %mul3A_431, %add3A_3 : vector<16xi32>
          tpu.vector_store_idx %arg7[%add3A_432], %gather3A_428 : memref<16384xf32, #tpu.memory_space<vmem>>[vector<16xi32>], vector<16xf32>,
          %xor3A_433 = arith.constant 2 : i32
          %xor3A_434 = vector.broadcast %xor3A_433 : i32 to vector<16xi32>
          %xor3A_435 = arith.xori %iota3A, %xor3A_434 : vector<16xi32>
          %add3A_436 = vector.broadcast %mul3A_254 : i32 to vector<16xi32>
          %add3A_437 = arith.addi %xor3A_435, %add3A_436 : vector<16xi32>
          %gather3A_438 = tpu.vector_load_idx %arg5[%add3A_3, %add3A_437] : memref<32x512xf32, #tpu.memory_space<vmem>>[vector<16xi32>, vector<16xi32>], vector<16xf32>,
          %mul3A_439 = arith.constant 32 : i32
          %mul3A_440 = vector.broadcast %mul3A_439 : i32 to vector<16xi32>
          %mul3A_441 = arith.muli %add3A_437, %mul3A_440 : vector<16xi32>
          %add3A_442 = arith.addi %mul3A_441, %add3A_3 : vector<16xi32>
          tpu.vector_store_idx %arg7[%add3A_442], %gather3A_438 : memref<16384xf32, #tpu.memory_space<vmem>>[vector<16xi32>], vector<16xf32>,
          %xor3A_443 = arith.constant 3 : i32
          %xor3A_444 = vector.broadcast %xor3A_443 : i32 to vector<16xi32>
          %xor3A_445 = arith.xori %iota3A, %xor3A_444 : vector<16xi32>
          %add3A_446 = vector.broadcast %mul3A_254 : i32 to vector<16xi32>
          %add3A_447 = arith.addi %xor3A_445, %add3A_446 : vector<16xi32>
          %gather3A_448 = tpu.vector_load_idx %arg5[%add3A_3, %add3A_447] : memref<32x512xf32, #tpu.memory_space<vmem>>[vector<16xi32>, vector<16xi32>], vector<16xf32>,
          %mul3A_449 = arith.constant 32 : i32
          %mul3A_450 = vector.broadcast %mul3A_449 : i32 to vector<16xi32>
          %mul3A_451 = arith.muli %add3A_447, %mul3A_450 : vector<16xi32>
          %add3A_452 = arith.addi %mul3A_451, %add3A_3 : vector<16xi32>
          tpu.vector_store_idx %arg7[%add3A_452], %gather3A_448 : memref<16384xf32, #tpu.memory_space<vmem>>[vector<16xi32>], vector<16xf32>,
          %xor3A_453 = arith.constant 4 : i32
          %xor3A_454 = vector.broadcast %xor3A_453 : i32 to vector<16xi32>
          %xor3A_455 = arith.xori %iota3A, %xor3A_454 : vector<16xi32>
          %add3A_456 = vector.broadcast %mul3A_254 : i32 to vector<16xi32>
          %add3A_457 = arith.addi %xor3A_455, %add3A_456 : vector<16xi32>
          %gather3A_458 = tpu.vector_load_idx %arg5[%add3A_3, %add3A_457] : memref<32x512xf32, #tpu.memory_space<vmem>>[vector<16xi32>, vector<16xi32>], vector<16xf32>,
          %mul3A_459 = arith.constant 32 : i32
          %mul3A_460 = vector.broadcast %mul3A_459 : i32 to vector<16xi32>
          %mul3A_461 = arith.muli %add3A_457, %mul3A_460 : vector<16xi32>
          %add3A_462 = arith.addi %mul3A_461, %add3A_3 : vector<16xi32>
          tpu.vector_store_idx %arg7[%add3A_462], %gather3A_458 : memref<16384xf32, #tpu.memory_space<vmem>>[vector<16xi32>], vector<16xf32>,
          %xor3A_463 = arith.constant 5 : i32
          %xor3A_464 = vector.broadcast %xor3A_463 : i32 to vector<16xi32>
          %xor3A_465 = arith.xori %iota3A, %xor3A_464 : vector<16xi32>
          %add3A_466 = vector.broadcast %mul3A_254 : i32 to vector<16xi32>
          %add3A_467 = arith.addi %xor3A_465, %add3A_466 : vector<16xi32>
          %gather3A_468 = tpu.vector_load_idx %arg5[%add3A_3, %add3A_467] : memref<32x512xf32, #tpu.memory_space<vmem>>[vector<16xi32>, vector<16xi32>], vector<16xf32>,
          %mul3A_469 = arith.constant 32 : i32
          %mul3A_470 = vector.broadcast %mul3A_469 : i32 to vector<16xi32>
          %mul3A_471 = arith.muli %add3A_467, %mul3A_470 : vector<16xi32>
          %add3A_472 = arith.addi %mul3A_471, %add3A_3 : vector<16xi32>
          tpu.vector_store_idx %arg7[%add3A_472], %gather3A_468 : memref<16384xf32, #tpu.memory_space<vmem>>[vector<16xi32>], vector<16xf32>,
          %xor3A_473 = arith.constant 6 : i32
          %xor3A_474 = vector.broadcast %xor3A_473 : i32 to vector<16xi32>
          %xor3A_475 = arith.xori %iota3A, %xor3A_474 : vector<16xi32>
          %add3A_476 = vector.broadcast %mul3A_254 : i32 to vector<16xi32>
          %add3A_477 = arith.addi %xor3A_475, %add3A_476 : vector<16xi32>
          %gather3A_478 = tpu.vector_load_idx %arg5[%add3A_3, %add3A_477] : memref<32x512xf32, #tpu.memory_space<vmem>>[vector<16xi32>, vector<16xi32>], vector<16xf32>,
          %mul3A_479 = arith.constant 32 : i32
          %mul3A_480 = vector.broadcast %mul3A_479 : i32 to vector<16xi32>
          %mul3A_481 = arith.muli %add3A_477, %mul3A_480 : vector<16xi32>
          %add3A_482 = arith.addi %mul3A_481, %add3A_3 : vector<16xi32>
          tpu.vector_store_idx %arg7[%add3A_482], %gather3A_478 : memref<16384xf32, #tpu.memory_space<vmem>>[vector<16xi32>], vector<16xf32>,
          %xor3A_483 = arith.constant 7 : i32
          %xor3A_484 = vector.broadcast %xor3A_483 : i32 to vector<16xi32>
          %xor3A_485 = arith.xori %iota3A, %xor3A_484 : vector<16xi32>
          %add3A_486 = vector.broadcast %mul3A_254 : i32 to vector<16xi32>
          %add3A_487 = arith.addi %xor3A_485, %add3A_486 : vector<16xi32>
          %gather3A_488 = tpu.vector_load_idx %arg5[%add3A_3, %add3A_487] : memref<32x512xf32, #tpu.memory_space<vmem>>[vector<16xi32>, vector<16xi32>], vector<16xf32>,
          %mul3A_489 = arith.constant 32 : i32
          %mul3A_490 = vector.broadcast %mul3A_489 : i32 to vector<16xi32>
          %mul3A_491 = arith.muli %add3A_487, %mul3A_490 : vector<16xi32>
          %add3A_492 = arith.addi %mul3A_491, %add3A_3 : vector<16xi32>
          tpu.vector_store_idx %arg7[%add3A_492], %gather3A_488 : memref<16384xf32, #tpu.memory_space<vmem>>[vector<16xi32>], vector<16xf32>,
          %xor3A_493 = arith.constant 8 : i32
          %xor3A_494 = vector.broadcast %xor3A_493 : i32 to vector<16xi32>
          %xor3A_495 = arith.xori %iota3A, %xor3A_494 : vector<16xi32>
          %add3A_496 = vector.broadcast %mul3A_254 : i32 to vector<16xi32>
          %add3A_497 = arith.addi %xor3A_495, %add3A_496 : vector<16xi32>
          %gather3A_498 = tpu.vector_load_idx %arg5[%add3A_3, %add3A_497] : memref<32x512xf32, #tpu.memory_space<vmem>>[vector<16xi32>, vector<16xi32>], vector<16xf32>,
          %mul3A_499 = arith.constant 32 : i32
          %mul3A_500 = vector.broadcast %mul3A_499 : i32 to vector<16xi32>
          %mul3A_501 = arith.muli %add3A_497, %mul3A_500 : vector<16xi32>
          %add3A_502 = arith.addi %mul3A_501, %add3A_3 : vector<16xi32>
          tpu.vector_store_idx %arg7[%add3A_502], %gather3A_498 : memref<16384xf32, #tpu.memory_space<vmem>>[vector<16xi32>], vector<16xf32>,
          %xor3A_503 = arith.constant 9 : i32
          %xor3A_504 = vector.broadcast %xor3A_503 : i32 to vector<16xi32>
          %xor3A_505 = arith.xori %iota3A, %xor3A_504 : vector<16xi32>
          %add3A_506 = vector.broadcast %mul3A_254 : i32 to vector<16xi32>
          %add3A_507 = arith.addi %xor3A_505, %add3A_506 : vector<16xi32>
          %gather3A_508 = tpu.vector_load_idx %arg5[%add3A_3, %add3A_507] : memref<32x512xf32, #tpu.memory_space<vmem>>[vector<16xi32>, vector<16xi32>], vector<16xf32>,
          %mul3A_509 = arith.constant 32 : i32
          %mul3A_510 = vector.broadcast %mul3A_509 : i32 to vector<16xi32>
          %mul3A_511 = arith.muli %add3A_507, %mul3A_510 : vector<16xi32>
          %add3A_512 = arith.addi %mul3A_511, %add3A_3 : vector<16xi32>
          tpu.vector_store_idx %arg7[%add3A_512], %gather3A_508 : memref<16384xf32, #tpu.memory_space<vmem>>[vector<16xi32>], vector<16xf32>,
          %xor3A_513 = arith.constant 10 : i32
          %xor3A_514 = vector.broadcast %xor3A_513 : i32 to vector<16xi32>
          %xor3A_515 = arith.xori %iota3A, %xor3A_514 : vector<16xi32>
          %add3A_516 = vector.broadcast %mul3A_254 : i32 to vector<16xi32>
          %add3A_517 = arith.addi %xor3A_515, %add3A_516 : vector<16xi32>
          %gather3A_518 = tpu.vector_load_idx %arg5[%add3A_3, %add3A_517] : memref<32x512xf32, #tpu.memory_space<vmem>>[vector<16xi32>, vector<16xi32>], vector<16xf32>,
          %mul3A_519 = arith.constant 32 : i32
          %mul3A_520 = vector.broadcast %mul3A_519 : i32 to vector<16xi32>
          %mul3A_521 = arith.muli %add3A_517, %mul3A_520 : vector<16xi32>
          %add3A_522 = arith.addi %mul3A_521, %add3A_3 : vector<16xi32>
          tpu.vector_store_idx %arg7[%add3A_522], %gather3A_518 : memref<16384xf32, #tpu.memory_space<vmem>>[vector<16xi32>], vector<16xf32>,
          %xor3A_523 = arith.constant 11 : i32
          %xor3A_524 = vector.broadcast %xor3A_523 : i32 to vector<16xi32>
          %xor3A_525 = arith.xori %iota3A, %xor3A_524 : vector<16xi32>
          %add3A_526 = vector.broadcast %mul3A_254 : i32 to vector<16xi32>
          %add3A_527 = arith.addi %xor3A_525, %add3A_526 : vector<16xi32>
          %gather3A_528 = tpu.vector_load_idx %arg5[%add3A_3, %add3A_527] : memref<32x512xf32, #tpu.memory_space<vmem>>[vector<16xi32>, vector<16xi32>], vector<16xf32>,
          %mul3A_529 = arith.constant 32 : i32
          %mul3A_530 = vector.broadcast %mul3A_529 : i32 to vector<16xi32>
          %mul3A_531 = arith.muli %add3A_527, %mul3A_530 : vector<16xi32>
          %add3A_532 = arith.addi %mul3A_531, %add3A_3 : vector<16xi32>
          tpu.vector_store_idx %arg7[%add3A_532], %gather3A_528 : memref<16384xf32, #tpu.memory_space<vmem>>[vector<16xi32>], vector<16xf32>,
          %xor3A_533 = arith.constant 12 : i32
          %xor3A_534 = vector.broadcast %xor3A_533 : i32 to vector<16xi32>
          %xor3A_535 = arith.xori %iota3A, %xor3A_534 : vector<16xi32>
          %add3A_536 = vector.broadcast %mul3A_254 : i32 to vector<16xi32>
          %add3A_537 = arith.addi %xor3A_535, %add3A_536 : vector<16xi32>
          %gather3A_538 = tpu.vector_load_idx %arg5[%add3A_3, %add3A_537] : memref<32x512xf32, #tpu.memory_space<vmem>>[vector<16xi32>, vector<16xi32>], vector<16xf32>,
          %mul3A_539 = arith.constant 32 : i32
          %mul3A_540 = vector.broadcast %mul3A_539 : i32 to vector<16xi32>
          %mul3A_541 = arith.muli %add3A_537, %mul3A_540 : vector<16xi32>
          %add3A_542 = arith.addi %mul3A_541, %add3A_3 : vector<16xi32>
          tpu.vector_store_idx %arg7[%add3A_542], %gather3A_538 : memref<16384xf32, #tpu.memory_space<vmem>>[vector<16xi32>], vector<16xf32>,
          %xor3A_543 = arith.constant 13 : i32
          %xor3A_544 = vector.broadcast %xor3A_543 : i32 to vector<16xi32>
          %xor3A_545 = arith.xori %iota3A, %xor3A_544 : vector<16xi32>
          %add3A_546 = vector.broadcast %mul3A_254 : i32 to vector<16xi32>
          %add3A_547 = arith.addi %xor3A_545, %add3A_546 : vector<16xi32>
          %gather3A_548 = tpu.vector_load_idx %arg5[%add3A_3, %add3A_547] : memref<32x512xf32, #tpu.memory_space<vmem>>[vector<16xi32>, vector<16xi32>], vector<16xf32>,
          %mul3A_549 = arith.constant 32 : i32
          %mul3A_550 = vector.broadcast %mul3A_549 : i32 to vector<16xi32>
          %mul3A_551 = arith.muli %add3A_547, %mul3A_550 : vector<16xi32>
          %add3A_552 = arith.addi %mul3A_551, %add3A_3 : vector<16xi32>
          tpu.vector_store_idx %arg7[%add3A_552], %gather3A_548 : memref<16384xf32, #tpu.memory_space<vmem>>[vector<16xi32>], vector<16xf32>,
          %xor3A_553 = arith.constant 14 : i32
          %xor3A_554 = vector.broadcast %xor3A_553 : i32 to vector<16xi32>
          %xor3A_555 = arith.xori %iota3A, %xor3A_554 : vector<16xi32>
          %add3A_556 = vector.broadcast %mul3A_254 : i32 to vector<16xi32>
          %add3A_557 = arith.addi %xor3A_555, %add3A_556 : vector<16xi32>
          %gather3A_558 = tpu.vector_load_idx %arg5[%add3A_3, %add3A_557] : memref<32x512xf32, #tpu.memory_space<vmem>>[vector<16xi32>, vector<16xi32>], vector<16xf32>,
          %mul3A_559 = arith.constant 32 : i32
          %mul3A_560 = vector.broadcast %mul3A_559 : i32 to vector<16xi32>
          %mul3A_561 = arith.muli %add3A_557, %mul3A_560 : vector<16xi32>
          %add3A_562 = arith.addi %mul3A_561, %add3A_3 : vector<16xi32>
          tpu.vector_store_idx %arg7[%add3A_562], %gather3A_558 : memref<16384xf32, #tpu.memory_space<vmem>>[vector<16xi32>], vector<16xf32>,
          %xor3A_563 = arith.constant 15 : i32
          %xor3A_564 = vector.broadcast %xor3A_563 : i32 to vector<16xi32>
          %xor3A_565 = arith.xori %iota3A, %xor3A_564 : vector<16xi32>
          %add3A_566 = vector.broadcast %mul3A_254 : i32 to vector<16xi32>
          %add3A_567 = arith.addi %xor3A_565, %add3A_566 : vector<16xi32>
          %gather3A_568 = tpu.vector_load_idx %arg5[%add3A_3, %add3A_567] : memref<32x512xf32, #tpu.memory_space<vmem>>[vector<16xi32>, vector<16xi32>], vector<16xf32>,
          %mul3A_569 = arith.constant 32 : i32
          %mul3A_570 = vector.broadcast %mul3A_569 : i32 to vector<16xi32>
          %mul3A_571 = arith.muli %add3A_567, %mul3A_570 : vector<16xi32>
          %add3A_572 = arith.addi %mul3A_571, %add3A_3 : vector<16xi32>
          tpu.vector_store_idx %arg7[%add3A_572], %gather3A_568 : memref<16384xf32, #tpu.memory_space<vmem>>[vector<16xi32>], vector<16xf32>,
        }
        %scan3A_206 = arith.constant 32 : i32
        %mul3A_207 = arith.constant 159 : i32
        %mul3A_208 = arith.muli %add3A, %mul3A_207 : i32
        %add3A_209 = arith.addi %mul3A_208, %scan3A_109 : i32
        %min3A_210 = arith.constant 5069 : i32
        %min3A_211 = arith.minsi %add3A_209, %min3A_210 : i32
        %jit3A_212 = arith.constant 195 : i32
        %div3A_213 = arith.divsi %min3A_211, %jit3A_212 : i32
        %sign3A_214 = arith.constant 0 : i32
        %sign3A_215 = arith.cmpi sgt, %min3A_211, %sign3A_214 : i32
        %sign3A_216 = arith.extui %sign3A_215 : i1 to i32
        %sign3A_217 = arith.constant 0 : i32
        %sign3A_218 = arith.cmpi slt, %min3A_211, %sign3A_217 : i32
        %sign3A_219 = arith.extui %sign3A_218 : i1 to i32
        %sign3A_220 = arith.subi %sign3A_216, %sign3A_219 : i32
        %sign3A_221 = arith.constant 0 : i32
        %sign3A_222 = arith.cmpi sgt, %jit3A_212, %sign3A_221 : i32
        %sign3A_223 = arith.extui %sign3A_222 : i1 to i32
        %sign3A_224 = arith.constant 0 : i32
        %sign3A_225 = arith.cmpi slt, %jit3A_212, %sign3A_224 : i32
        %sign3A_226 = arith.extui %sign3A_225 : i1 to i32
        %sign3A_227 = arith.subi %sign3A_223, %sign3A_226 : i32
        %ne3A_228 = arith.cmpi ne, %sign3A_220, %sign3A_227 : i32
        %rem3A_229 = arith.remsi %min3A_211, %jit3A_212 : i32
        %ne3A_230 = arith.constant 0 : i32
        %ne3A_231 = arith.cmpi ne, %rem3A_229, %ne3A_230 : i32
        %and3A_232 = arith.andi %ne3A_228, %ne3A_231 : i1
        %sub3A_233 = arith.constant 1 : i32
        %sub3A_234 = arith.subi %div3A_213, %sub3A_233 : i32
        %select_n3A_235 = arith.select %and3A_232, %sub3A_234, %div3A_213 : i32
        %mul3A_236 = arith.constant 195 : i32
        %mul3A_237 = arith.muli %select_n3A_235, %mul3A_236 : i32
        %sub3A_238 = arith.subi %min3A_211, %mul3A_237 : i32
        %mul3A_239 = arith.constant 32 : i32
        %mul3A_240 = arith.muli %select_n3A_235, %mul3A_239 : i32
        %mul3A_241 = arith.constant 512 : i32
        %mul3A_242 = arith.muli %sub3A_238, %mul3A_241 : i32
        %mul3A_243 = arith.constant 100001 : i32
        %mul3A_244 = arith.muli %select_n3A_235, %mul3A_243 : i32
        %mul3A_245 = arith.constant 512 : i32
        %mul3A_246 = arith.muli %sub3A_238, %mul3A_245 : i32
        %add3A_247 = arith.addi %mul3A_244, %mul3A_246 : i32
        %mul3A_248 = arith.constant 32 : i32
        %mul3A_249 = arith.muli %add3A_247, %mul3A_248 : i32
        %dma_start3A_250 = tpu.memref_slice %arg4[%mul3A_249] : memref<83200832xf32, #tpu.memory_space<hbm>> -> memref<16384xf32, #tpu.memory_space<hbm>>
        %dma_start3A_251 = tpu.memref_slice %arg4[%mul3A_249] : memref<83200832xf32, #tpu.memory_space<hbm>> -> memref<16384xf32, #tpu.memory_space<hbm>>
        tpu.enqueue_dma source(%arg7 : memref<16384xf32, #tpu.memory_space<vmem>>) target(%dma_start3A_251 : memref<16384xf32, #tpu.memory_space<hbm>>) target_semaphore(%arg11 : memref<!tpu.dma_semaphore, #tpu.memory_space<semaphore_mem>>)
      } else {
      }
      %jit3A_130 = arith.constant 2 : i32
      %eq3A_131 = arith.constant 0 : i32
      %eq3A_132 = arith.cmpi eq, %jit3A_130, %eq3A_131 : i32
      %jit3A_133 = arith.constant 1 : i32
      %select_n3A_134 = arith.select %eq3A_132, %jit3A_133, %jit3A_130 : i32
      %rem3A_135 = arith.remsi %scan3A_109, %select_n3A_134 : i32
      %ne3A_136 = arith.constant 0 : i32
      %ne3A_137 = arith.cmpi ne, %rem3A_135, %ne3A_136 : i32
      %lt3A_138 = arith.constant 0 : i32
      %lt3A_139 = arith.cmpi slt, %rem3A_135, %lt3A_138 : i32
      %lt3A_140 = arith.constant 0 : i32
      %lt3A_141 = arith.cmpi slt, %select_n3A_134, %lt3A_140 : i32
      %ne3A_142 = arith.xori %lt3A_139, %lt3A_141 : i1
      %and3A_143 = arith.andi %ne3A_142, %ne3A_137 : i1
      %add3A_144 = arith.addi %rem3A_135, %select_n3A_134 : i32
      %select_n3A_145 = arith.select %and3A_143, %add3A_144, %rem3A_135 : i32
      %eq3A_146 = arith.constant 1 : i32
      %eq3A_147 = arith.cmpi eq, %select_n3A_145, %eq3A_146 : i32
      %convert_element_type3A_148 = arith.extui %eq3A_147 : i1 to i32
      %cond3A_149 = arith.constant 0 : i32
      %cond3A_150 = arith.cmpi ne, %convert_element_type3A_148, %cond3A_149 : i32
      scf.if %cond3A_150 {
        %add3A_151 = arith.constant 1 : i32
        %add3A_152 = arith.addi %scan3A_109, %add3A_151 : i32
        %mul3A_153 = arith.constant 159 : i32
        %mul3A_154 = arith.muli %add3A, %mul3A_153 : i32
        %add3A_155 = arith.addi %mul3A_154, %add3A_152 : i32
        %min3A_156 = arith.constant 5069 : i32
        %min3A_157 = arith.minsi %add3A_155, %min3A_156 : i32
        %jit3A_158 = arith.constant 195 : i32
        %div3A_159 = arith.divsi %min3A_157, %jit3A_158 : i32
        %sign3A_160 = arith.constant 0 : i32
        %sign3A_161 = arith.cmpi sgt, %min3A_157, %sign3A_160 : i32
        %sign3A_162 = arith.extui %sign3A_161 : i1 to i32
        %sign3A_163 = arith.constant 0 : i32
        %sign3A_164 = arith.cmpi slt, %min3A_157, %sign3A_163 : i32
        %sign3A_165 = arith.extui %sign3A_164 : i1 to i32
        %sign3A_166 = arith.subi %sign3A_162, %sign3A_165 : i32
        %sign3A_167 = arith.constant 0 : i32
        %sign3A_168 = arith.cmpi sgt, %jit3A_158, %sign3A_167 : i32
        %sign3A_169 = arith.extui %sign3A_168 : i1 to i32
        %sign3A_170 = arith.constant 0 : i32
        %sign3A_171 = arith.cmpi slt, %jit3A_158, %sign3A_170 : i32
        %sign3A_172 = arith.extui %sign3A_171 : i1 to i32
        %sign3A_173 = arith.subi %sign3A_169, %sign3A_172 : i32
        %ne3A_174 = arith.cmpi ne, %sign3A_166, %sign3A_173 : i32
        %rem3A_175 = arith.remsi %min3A_157, %jit3A_158 : i32
        %ne3A_176 = arith.constant 0 : i32
        %ne3A_177 = arith.cmpi ne, %rem3A_175, %ne3A_176 : i32
        %and3A_178 = arith.andi %ne3A_174, %ne3A_177 : i1
        %sub3A_179 = arith.constant 1 : i32
        %sub3A_180 = arith.subi %div3A_159, %sub3A_179 : i32
        %select_n3A_181 = arith.select %and3A_178, %sub3A_180, %div3A_159 : i32
        %mul3A_182 = arith.constant 195 : i32
        %mul3A_183 = arith.muli %select_n3A_181, %mul3A_182 : i32
        %sub3A_184 = arith.subi %min3A_157, %mul3A_183 : i32
        %mul3A_185 = arith.constant 32 : i32
        %mul3A_186 = arith.muli %select_n3A_181, %mul3A_185 : i32
        %mul3A_187 = arith.constant 512 : i32
        %mul3A_188 = arith.muli %sub3A_184, %mul3A_187 : i32
        %dma_start3A_189 = tpu.memref_slice %arg2[%mul3A_186, %mul3A_188] : memref<832x100001xf32, #tpu.memory_space<hbm>> -> memref<32x512xf32, #tpu.memory_space<hbm>>
        %dma_start3A_190 = tpu.memref_slice %arg2[%mul3A_186, %mul3A_188] : memref<832x100001xf32, #tpu.memory_space<hbm>> -> memref<32x512xf32, #tpu.memory_space<hbm>>
        tpu.enqueue_dma source(%dma_start3A_190 : memref<32x512xf32, #tpu.memory_space<hbm>>) target(%arg5 : memref<32x512xf32, #tpu.memory_space<vmem>>) target_semaphore(%arg9 : memref<!tpu.dma_semaphore, #tpu.memory_space<semaphore_mem>>)
        %dma_wait3A_191 = arith.constant 0 : i32
        %dma_wait3A_192 = arith.constant 0 : i32
        %dma_wait3A_193 = tpu.memref_slice %arg2[%dma_wait3A_191, %dma_wait3A_192] : memref<832x100001xf32, #tpu.memory_space<hbm>> -> memref<32x512xf32, #tpu.memory_space<hbm>>
        %dma_wait3A_194 = arith.constant 0 : i32
        %dma_wait3A_195 = arith.constant 0 : i32
        %dma_wait3A_196 = tpu.memref_slice %arg2[%dma_wait3A_194, %dma_wait3A_195] : memref<832x100001xf32, #tpu.memory_space<hbm>> -> memref<32x512xf32, #tpu.memory_space<hbm>>
        tpu.wait_dma2 semaphore(%arg10 : memref<!tpu.dma_semaphore, #tpu.memory_space<semaphore_mem>>) src(%dma_wait3A_196 : memref<32x512xf32, #tpu.memory_space<hbm>>) dst(%arg6 : memref<32x512xf32, #tpu.memory_space<vmem>>)
        %ge3A = arith.constant 2 : i32
        %ge3A_197 = arith.cmpi sge, %scan3A_109, %ge3A : i32
        %convert_element_type3A_198 = arith.extui %ge3A_197 : i1 to i32
        %cond3A_199 = arith.constant 0 : i32
        %cond3A_200 = arith.cmpi ne, %convert_element_type3A_198, %cond3A_199 : i32
        scf.if %cond3A_200 {
          %dma_wait3A_252 = arith.constant 0 : i32
          %dma_wait3A_253 = tpu.memref_slice %arg4[%dma_wait3A_252] : memref<83200832xf32, #tpu.memory_space<hbm>> -> memref<16384xf32, #tpu.memory_space<hbm>>
          %dma_wait3A_254 = arith.constant 0 : i32
          %dma_wait3A_255 = tpu.memref_slice %arg4[%dma_wait3A_254] : memref<83200832xf32, #tpu.memory_space<hbm>> -> memref<16384xf32, #tpu.memory_space<hbm>>
          tpu.wait_dma2 semaphore(%arg12 : memref<!tpu.dma_semaphore, #tpu.memory_space<semaphore_mem>>) src(%dma_wait3A_255 : memref<16384xf32, #tpu.memory_space<hbm>>) dst(%arg8 : memref<16384xf32, #tpu.memory_space<vmem>>)
        } else {
        }
        %scan3A_201 = arith.constant 0 : i32
        %scan3A_202 = arith.constant 0 : i32
        %scan3A_203 = arith.constant 32 : i32
        %scan3A_204 = arith.addi %scan3A_202, %scan3A_203 : i32
        %scan3A_205 = arith.constant 1 : i32
        scf.for %scan3A_252 = %scan3A_202 to %scan3A_204 step %scan3A_205  : i32 {
          %mul3A_253 = arith.constant 16 : i32
          %mul3A_254 = arith.muli %scan3A_252, %mul3A_253 : i32
          %xor3A = arith.constant 0 : i32
          %xor3A_255 = vector.broadcast %xor3A : i32 to vector<16xi32>
          %xor3A_256 = arith.xori %iota3A, %xor3A_255 : vector<16xi32>
          %add3A_257 = vector.broadcast %mul3A_254 : i32 to vector<16xi32>
          %add3A_258 = arith.addi %xor3A_256, %add3A_257 : vector<16xi32>
          %gather3A = tpu.vector_load_idx %arg6[%iota3A, %add3A_258] : memref<32x512xf32, #tpu.memory_space<vmem>>[vector<16xi32>, vector<16xi32>], vector<16xf32>,
          %mul3A_259 = arith.constant 32 : i32
          %mul3A_260 = vector.broadcast %mul3A_259 : i32 to vector<16xi32>
          %mul3A_261 = arith.muli %add3A_258, %mul3A_260 : vector<16xi32>
          %add3A_262 = arith.addi %mul3A_261, %iota3A : vector<16xi32>
          tpu.vector_store_idx %arg8[%add3A_262], %gather3A : memref<16384xf32, #tpu.memory_space<vmem>>[vector<16xi32>], vector<16xf32>,
          %xor3A_263 = arith.constant 1 : i32
          %xor3A_264 = vector.broadcast %xor3A_263 : i32 to vector<16xi32>
          %xor3A_265 = arith.xori %iota3A, %xor3A_264 : vector<16xi32>
          %add3A_266 = vector.broadcast %mul3A_254 : i32 to vector<16xi32>
          %add3A_267 = arith.addi %xor3A_265, %add3A_266 : vector<16xi32>
          %gather3A_268 = tpu.vector_load_idx %arg6[%iota3A, %add3A_267] : memref<32x512xf32, #tpu.memory_space<vmem>>[vector<16xi32>, vector<16xi32>], vector<16xf32>,
          %mul3A_269 = arith.constant 32 : i32
          %mul3A_270 = vector.broadcast %mul3A_269 : i32 to vector<16xi32>
          %mul3A_271 = arith.muli %add3A_267, %mul3A_270 : vector<16xi32>
          %add3A_272 = arith.addi %mul3A_271, %iota3A : vector<16xi32>
          tpu.vector_store_idx %arg8[%add3A_272], %gather3A_268 : memref<16384xf32, #tpu.memory_space<vmem>>[vector<16xi32>], vector<16xf32>,
          %xor3A_273 = arith.constant 2 : i32
          %xor3A_274 = vector.broadcast %xor3A_273 : i32 to vector<16xi32>
          %xor3A_275 = arith.xori %iota3A, %xor3A_274 : vector<16xi32>
          %add3A_276 = vector.broadcast %mul3A_254 : i32 to vector<16xi32>
          %add3A_277 = arith.addi %xor3A_275, %add3A_276 : vector<16xi32>
          %gather3A_278 = tpu.vector_load_idx %arg6[%iota3A, %add3A_277] : memref<32x512xf32, #tpu.memory_space<vmem>>[vector<16xi32>, vector<16xi32>], vector<16xf32>,
          %mul3A_279 = arith.constant 32 : i32
          %mul3A_280 = vector.broadcast %mul3A_279 : i32 to vector<16xi32>
          %mul3A_281 = arith.muli %add3A_277, %mul3A_280 : vector<16xi32>
          %add3A_282 = arith.addi %mul3A_281, %iota3A : vector<16xi32>
          tpu.vector_store_idx %arg8[%add3A_282], %gather3A_278 : memref<16384xf32, #tpu.memory_space<vmem>>[vector<16xi32>], vector<16xf32>,
          %xor3A_283 = arith.constant 3 : i32
          %xor3A_284 = vector.broadcast %xor3A_283 : i32 to vector<16xi32>
          %xor3A_285 = arith.xori %iota3A, %xor3A_284 : vector<16xi32>
          %add3A_286 = vector.broadcast %mul3A_254 : i32 to vector<16xi32>
          %add3A_287 = arith.addi %xor3A_285, %add3A_286 : vector<16xi32>
          %gather3A_288 = tpu.vector_load_idx %arg6[%iota3A, %add3A_287] : memref<32x512xf32, #tpu.memory_space<vmem>>[vector<16xi32>, vector<16xi32>], vector<16xf32>,
          %mul3A_289 = arith.constant 32 : i32
          %mul3A_290 = vector.broadcast %mul3A_289 : i32 to vector<16xi32>
          %mul3A_291 = arith.muli %add3A_287, %mul3A_290 : vector<16xi32>
          %add3A_292 = arith.addi %mul3A_291, %iota3A : vector<16xi32>
          tpu.vector_store_idx %arg8[%add3A_292], %gather3A_288 : memref<16384xf32, #tpu.memory_space<vmem>>[vector<16xi32>], vector<16xf32>,
          %xor3A_293 = arith.constant 4 : i32
          %xor3A_294 = vector.broadcast %xor3A_293 : i32 to vector<16xi32>
          %xor3A_295 = arith.xori %iota3A, %xor3A_294 : vector<16xi32>
          %add3A_296 = vector.broadcast %mul3A_254 : i32 to vector<16xi32>
          %add3A_297 = arith.addi %xor3A_295, %add3A_296 : vector<16xi32>
          %gather3A_298 = tpu.vector_load_idx %arg6[%iota3A, %add3A_297] : memref<32x512xf32, #tpu.memory_space<vmem>>[vector<16xi32>, vector<16xi32>], vector<16xf32>,
          %mul3A_299 = arith.constant 32 : i32
          %mul3A_300 = vector.broadcast %mul3A_299 : i32 to vector<16xi32>
          %mul3A_301 = arith.muli %add3A_297, %mul3A_300 : vector<16xi32>
          %add3A_302 = arith.addi %mul3A_301, %iota3A : vector<16xi32>
          tpu.vector_store_idx %arg8[%add3A_302], %gather3A_298 : memref<16384xf32, #tpu.memory_space<vmem>>[vector<16xi32>], vector<16xf32>,
          %xor3A_303 = arith.constant 5 : i32
          %xor3A_304 = vector.broadcast %xor3A_303 : i32 to vector<16xi32>
          %xor3A_305 = arith.xori %iota3A, %xor3A_304 : vector<16xi32>
          %add3A_306 = vector.broadcast %mul3A_254 : i32 to vector<16xi32>
          %add3A_307 = arith.addi %xor3A_305, %add3A_306 : vector<16xi32>
          %gather3A_308 = tpu.vector_load_idx %arg6[%iota3A, %add3A_307] : memref<32x512xf32, #tpu.memory_space<vmem>>[vector<16xi32>, vector<16xi32>], vector<16xf32>,
          %mul3A_309 = arith.constant 32 : i32
          %mul3A_310 = vector.broadcast %mul3A_309 : i32 to vector<16xi32>
          %mul3A_311 = arith.muli %add3A_307, %mul3A_310 : vector<16xi32>
          %add3A_312 = arith.addi %mul3A_311, %iota3A : vector<16xi32>
          tpu.vector_store_idx %arg8[%add3A_312], %gather3A_308 : memref<16384xf32, #tpu.memory_space<vmem>>[vector<16xi32>], vector<16xf32>,
          %xor3A_313 = arith.constant 6 : i32
          %xor3A_314 = vector.broadcast %xor3A_313 : i32 to vector<16xi32>
          %xor3A_315 = arith.xori %iota3A, %xor3A_314 : vector<16xi32>
          %add3A_316 = vector.broadcast %mul3A_254 : i32 to vector<16xi32>
          %add3A_317 = arith.addi %xor3A_315, %add3A_316 : vector<16xi32>
          %gather3A_318 = tpu.vector_load_idx %arg6[%iota3A, %add3A_317] : memref<32x512xf32, #tpu.memory_space<vmem>>[vector<16xi32>, vector<16xi32>], vector<16xf32>,
          %mul3A_319 = arith.constant 32 : i32
          %mul3A_320 = vector.broadcast %mul3A_319 : i32 to vector<16xi32>
          %mul3A_321 = arith.muli %add3A_317, %mul3A_320 : vector<16xi32>
          %add3A_322 = arith.addi %mul3A_321, %iota3A : vector<16xi32>
          tpu.vector_store_idx %arg8[%add3A_322], %gather3A_318 : memref<16384xf32, #tpu.memory_space<vmem>>[vector<16xi32>], vector<16xf32>,
          %xor3A_323 = arith.constant 7 : i32
          %xor3A_324 = vector.broadcast %xor3A_323 : i32 to vector<16xi32>
          %xor3A_325 = arith.xori %iota3A, %xor3A_324 : vector<16xi32>
          %add3A_326 = vector.broadcast %mul3A_254 : i32 to vector<16xi32>
          %add3A_327 = arith.addi %xor3A_325, %add3A_326 : vector<16xi32>
          %gather3A_328 = tpu.vector_load_idx %arg6[%iota3A, %add3A_327] : memref<32x512xf32, #tpu.memory_space<vmem>>[vector<16xi32>, vector<16xi32>], vector<16xf32>,
          %mul3A_329 = arith.constant 32 : i32
          %mul3A_330 = vector.broadcast %mul3A_329 : i32 to vector<16xi32>
          %mul3A_331 = arith.muli %add3A_327, %mul3A_330 : vector<16xi32>
          %add3A_332 = arith.addi %mul3A_331, %iota3A : vector<16xi32>
          tpu.vector_store_idx %arg8[%add3A_332], %gather3A_328 : memref<16384xf32, #tpu.memory_space<vmem>>[vector<16xi32>], vector<16xf32>,
          %xor3A_333 = arith.constant 8 : i32
          %xor3A_334 = vector.broadcast %xor3A_333 : i32 to vector<16xi32>
          %xor3A_335 = arith.xori %iota3A, %xor3A_334 : vector<16xi32>
          %add3A_336 = vector.broadcast %mul3A_254 : i32 to vector<16xi32>
          %add3A_337 = arith.addi %xor3A_335, %add3A_336 : vector<16xi32>
          %gather3A_338 = tpu.vector_load_idx %arg6[%iota3A, %add3A_337] : memref<32x512xf32, #tpu.memory_space<vmem>>[vector<16xi32>, vector<16xi32>], vector<16xf32>,
          %mul3A_339 = arith.constant 32 : i32
          %mul3A_340 = vector.broadcast %mul3A_339 : i32 to vector<16xi32>
          %mul3A_341 = arith.muli %add3A_337, %mul3A_340 : vector<16xi32>
          %add3A_342 = arith.addi %mul3A_341, %iota3A : vector<16xi32>
          tpu.vector_store_idx %arg8[%add3A_342], %gather3A_338 : memref<16384xf32, #tpu.memory_space<vmem>>[vector<16xi32>], vector<16xf32>,
          %xor3A_343 = arith.constant 9 : i32
          %xor3A_344 = vector.broadcast %xor3A_343 : i32 to vector<16xi32>
          %xor3A_345 = arith.xori %iota3A, %xor3A_344 : vector<16xi32>
          %add3A_346 = vector.broadcast %mul3A_254 : i32 to vector<16xi32>
          %add3A_347 = arith.addi %xor3A_345, %add3A_346 : vector<16xi32>
          %gather3A_348 = tpu.vector_load_idx %arg6[%iota3A, %add3A_347] : memref<32x512xf32, #tpu.memory_space<vmem>>[vector<16xi32>, vector<16xi32>], vector<16xf32>,
          %mul3A_349 = arith.constant 32 : i32
          %mul3A_350 = vector.broadcast %mul3A_349 : i32 to vector<16xi32>
          %mul3A_351 = arith.muli %add3A_347, %mul3A_350 : vector<16xi32>
          %add3A_352 = arith.addi %mul3A_351, %iota3A : vector<16xi32>
          tpu.vector_store_idx %arg8[%add3A_352], %gather3A_348 : memref<16384xf32, #tpu.memory_space<vmem>>[vector<16xi32>], vector<16xf32>,
          %xor3A_353 = arith.constant 10 : i32
          %xor3A_354 = vector.broadcast %xor3A_353 : i32 to vector<16xi32>
          %xor3A_355 = arith.xori %iota3A, %xor3A_354 : vector<16xi32>
          %add3A_356 = vector.broadcast %mul3A_254 : i32 to vector<16xi32>
          %add3A_357 = arith.addi %xor3A_355, %add3A_356 : vector<16xi32>
          %gather3A_358 = tpu.vector_load_idx %arg6[%iota3A, %add3A_357] : memref<32x512xf32, #tpu.memory_space<vmem>>[vector<16xi32>, vector<16xi32>], vector<16xf32>,
          %mul3A_359 = arith.constant 32 : i32
          %mul3A_360 = vector.broadcast %mul3A_359 : i32 to vector<16xi32>
          %mul3A_361 = arith.muli %add3A_357, %mul3A_360 : vector<16xi32>
          %add3A_362 = arith.addi %mul3A_361, %iota3A : vector<16xi32>
          tpu.vector_store_idx %arg8[%add3A_362], %gather3A_358 : memref<16384xf32, #tpu.memory_space<vmem>>[vector<16xi32>], vector<16xf32>,
          %xor3A_363 = arith.constant 11 : i32
          %xor3A_364 = vector.broadcast %xor3A_363 : i32 to vector<16xi32>
          %xor3A_365 = arith.xori %iota3A, %xor3A_364 : vector<16xi32>
          %add3A_366 = vector.broadcast %mul3A_254 : i32 to vector<16xi32>
          %add3A_367 = arith.addi %xor3A_365, %add3A_366 : vector<16xi32>
          %gather3A_368 = tpu.vector_load_idx %arg6[%iota3A, %add3A_367] : memref<32x512xf32, #tpu.memory_space<vmem>>[vector<16xi32>, vector<16xi32>], vector<16xf32>,
          %mul3A_369 = arith.constant 32 : i32
          %mul3A_370 = vector.broadcast %mul3A_369 : i32 to vector<16xi32>
          %mul3A_371 = arith.muli %add3A_367, %mul3A_370 : vector<16xi32>
          %add3A_372 = arith.addi %mul3A_371, %iota3A : vector<16xi32>
          tpu.vector_store_idx %arg8[%add3A_372], %gather3A_368 : memref<16384xf32, #tpu.memory_space<vmem>>[vector<16xi32>], vector<16xf32>,
          %xor3A_373 = arith.constant 12 : i32
          %xor3A_374 = vector.broadcast %xor3A_373 : i32 to vector<16xi32>
          %xor3A_375 = arith.xori %iota3A, %xor3A_374 : vector<16xi32>
          %add3A_376 = vector.broadcast %mul3A_254 : i32 to vector<16xi32>
          %add3A_377 = arith.addi %xor3A_375, %add3A_376 : vector<16xi32>
          %gather3A_378 = tpu.vector_load_idx %arg6[%iota3A, %add3A_377] : memref<32x512xf32, #tpu.memory_space<vmem>>[vector<16xi32>, vector<16xi32>], vector<16xf32>,
          %mul3A_379 = arith.constant 32 : i32
          %mul3A_380 = vector.broadcast %mul3A_379 : i32 to vector<16xi32>
          %mul3A_381 = arith.muli %add3A_377, %mul3A_380 : vector<16xi32>
          %add3A_382 = arith.addi %mul3A_381, %iota3A : vector<16xi32>
          tpu.vector_store_idx %arg8[%add3A_382], %gather3A_378 : memref<16384xf32, #tpu.memory_space<vmem>>[vector<16xi32>], vector<16xf32>,
          %xor3A_383 = arith.constant 13 : i32
          %xor3A_384 = vector.broadcast %xor3A_383 : i32 to vector<16xi32>
          %xor3A_385 = arith.xori %iota3A, %xor3A_384 : vector<16xi32>
          %add3A_386 = vector.broadcast %mul3A_254 : i32 to vector<16xi32>
          %add3A_387 = arith.addi %xor3A_385, %add3A_386 : vector<16xi32>
          %gather3A_388 = tpu.vector_load_idx %arg6[%iota3A, %add3A_387] : memref<32x512xf32, #tpu.memory_space<vmem>>[vector<16xi32>, vector<16xi32>], vector<16xf32>,
          %mul3A_389 = arith.constant 32 : i32
          %mul3A_390 = vector.broadcast %mul3A_389 : i32 to vector<16xi32>
          %mul3A_391 = arith.muli %add3A_387, %mul3A_390 : vector<16xi32>
          %add3A_392 = arith.addi %mul3A_391, %iota3A : vector<16xi32>
          tpu.vector_store_idx %arg8[%add3A_392], %gather3A_388 : memref<16384xf32, #tpu.memory_space<vmem>>[vector<16xi32>], vector<16xf32>,
          %xor3A_393 = arith.constant 14 : i32
          %xor3A_394 = vector.broadcast %xor3A_393 : i32 to vector<16xi32>
          %xor3A_395 = arith.xori %iota3A, %xor3A_394 : vector<16xi32>
          %add3A_396 = vector.broadcast %mul3A_254 : i32 to vector<16xi32>
          %add3A_397 = arith.addi %xor3A_395, %add3A_396 : vector<16xi32>
          %gather3A_398 = tpu.vector_load_idx %arg6[%iota3A, %add3A_397] : memref<32x512xf32, #tpu.memory_space<vmem>>[vector<16xi32>, vector<16xi32>], vector<16xf32>,
          %mul3A_399 = arith.constant 32 : i32
          %mul3A_400 = vector.broadcast %mul3A_399 : i32 to vector<16xi32>
          %mul3A_401 = arith.muli %add3A_397, %mul3A_400 : vector<16xi32>
          %add3A_402 = arith.addi %mul3A_401, %iota3A : vector<16xi32>
          tpu.vector_store_idx %arg8[%add3A_402], %gather3A_398 : memref<16384xf32, #tpu.memory_space<vmem>>[vector<16xi32>], vector<16xf32>,
          %xor3A_403 = arith.constant 15 : i32
          %xor3A_404 = vector.broadcast %xor3A_403 : i32 to vector<16xi32>
          %xor3A_405 = arith.xori %iota3A, %xor3A_404 : vector<16xi32>
          %add3A_406 = vector.broadcast %mul3A_254 : i32 to vector<16xi32>
          %add3A_407 = arith.addi %xor3A_405, %add3A_406 : vector<16xi32>
          %gather3A_408 = tpu.vector_load_idx %arg6[%iota3A, %add3A_407] : memref<32x512xf32, #tpu.memory_space<vmem>>[vector<16xi32>, vector<16xi32>], vector<16xf32>,
          %mul3A_409 = arith.constant 32 : i32
          %mul3A_410 = vector.broadcast %mul3A_409 : i32 to vector<16xi32>
          %mul3A_411 = arith.muli %add3A_407, %mul3A_410 : vector<16xi32>
          %add3A_412 = arith.addi %mul3A_411, %iota3A : vector<16xi32>
          tpu.vector_store_idx %arg8[%add3A_412], %gather3A_408 : memref<16384xf32, #tpu.memory_space<vmem>>[vector<16xi32>], vector<16xf32>,
          %xor3A_413 = arith.constant 0 : i32
          %xor3A_414 = vector.broadcast %xor3A_413 : i32 to vector<16xi32>
          %xor3A_415 = arith.xori %iota3A, %xor3A_414 : vector<16xi32>
          %add3A_416 = vector.broadcast %mul3A_254 : i32 to vector<16xi32>
          %add3A_417 = arith.addi %xor3A_415, %add3A_416 : vector<16xi32>
          %gather3A_418 = tpu.vector_load_idx %arg6[%add3A_3, %add3A_417] : memref<32x512xf32, #tpu.memory_space<vmem>>[vector<16xi32>, vector<16xi32>], vector<16xf32>,
          %mul3A_419 = arith.constant 32 : i32
          %mul3A_420 = vector.broadcast %mul3A_419 : i32 to vector<16xi32>
          %mul3A_421 = arith.muli %add3A_417, %mul3A_420 : vector<16xi32>
          %add3A_422 = arith.addi %mul3A_421, %add3A_3 : vector<16xi32>
          tpu.vector_store_idx %arg8[%add3A_422], %gather3A_418 : memref<16384xf32, #tpu.memory_space<vmem>>[vector<16xi32>], vector<16xf32>,
          %xor3A_423 = arith.constant 1 : i32
          %xor3A_424 = vector.broadcast %xor3A_423 : i32 to vector<16xi32>
          %xor3A_425 = arith.xori %iota3A, %xor3A_424 : vector<16xi32>
          %add3A_426 = vector.broadcast %mul3A_254 : i32 to vector<16xi32>
          %add3A_427 = arith.addi %xor3A_425, %add3A_426 : vector<16xi32>
          %gather3A_428 = tpu.vector_load_idx %arg6[%add3A_3, %add3A_427] : memref<32x512xf32, #tpu.memory_space<vmem>>[vector<16xi32>, vector<16xi32>], vector<16xf32>,
          %mul3A_429 = arith.constant 32 : i32
          %mul3A_430 = vector.broadcast %mul3A_429 : i32 to vector<16xi32>
          %mul3A_431 = arith.muli %add3A_427, %mul3A_430 : vector<16xi32>
          %add3A_432 = arith.addi %mul3A_431, %add3A_3 : vector<16xi32>
          tpu.vector_store_idx %arg8[%add3A_432], %gather3A_428 : memref<16384xf32, #tpu.memory_space<vmem>>[vector<16xi32>], vector<16xf32>,
          %xor3A_433 = arith.constant 2 : i32
          %xor3A_434 = vector.broadcast %xor3A_433 : i32 to vector<16xi32>
          %xor3A_435 = arith.xori %iota3A, %xor3A_434 : vector<16xi32>
          %add3A_436 = vector.broadcast %mul3A_254 : i32 to vector<16xi32>
          %add3A_437 = arith.addi %xor3A_435, %add3A_436 : vector<16xi32>
          %gather3A_438 = tpu.vector_load_idx %arg6[%add3A_3, %add3A_437] : memref<32x512xf32, #tpu.memory_space<vmem>>[vector<16xi32>, vector<16xi32>], vector<16xf32>,
          %mul3A_439 = arith.constant 32 : i32
          %mul3A_440 = vector.broadcast %mul3A_439 : i32 to vector<16xi32>
          %mul3A_441 = arith.muli %add3A_437, %mul3A_440 : vector<16xi32>
          %add3A_442 = arith.addi %mul3A_441, %add3A_3 : vector<16xi32>
          tpu.vector_store_idx %arg8[%add3A_442], %gather3A_438 : memref<16384xf32, #tpu.memory_space<vmem>>[vector<16xi32>], vector<16xf32>,
          %xor3A_443 = arith.constant 3 : i32
          %xor3A_444 = vector.broadcast %xor3A_443 : i32 to vector<16xi32>
          %xor3A_445 = arith.xori %iota3A, %xor3A_444 : vector<16xi32>
          %add3A_446 = vector.broadcast %mul3A_254 : i32 to vector<16xi32>
          %add3A_447 = arith.addi %xor3A_445, %add3A_446 : vector<16xi32>
          %gather3A_448 = tpu.vector_load_idx %arg6[%add3A_3, %add3A_447] : memref<32x512xf32, #tpu.memory_space<vmem>>[vector<16xi32>, vector<16xi32>], vector<16xf32>,
          %mul3A_449 = arith.constant 32 : i32
          %mul3A_450 = vector.broadcast %mul3A_449 : i32 to vector<16xi32>
          %mul3A_451 = arith.muli %add3A_447, %mul3A_450 : vector<16xi32>
          %add3A_452 = arith.addi %mul3A_451, %add3A_3 : vector<16xi32>
          tpu.vector_store_idx %arg8[%add3A_452], %gather3A_448 : memref<16384xf32, #tpu.memory_space<vmem>>[vector<16xi32>], vector<16xf32>,
          %xor3A_453 = arith.constant 4 : i32
          %xor3A_454 = vector.broadcast %xor3A_453 : i32 to vector<16xi32>
          %xor3A_455 = arith.xori %iota3A, %xor3A_454 : vector<16xi32>
          %add3A_456 = vector.broadcast %mul3A_254 : i32 to vector<16xi32>
          %add3A_457 = arith.addi %xor3A_455, %add3A_456 : vector<16xi32>
          %gather3A_458 = tpu.vector_load_idx %arg6[%add3A_3, %add3A_457] : memref<32x512xf32, #tpu.memory_space<vmem>>[vector<16xi32>, vector<16xi32>], vector<16xf32>,
          %mul3A_459 = arith.constant 32 : i32
          %mul3A_460 = vector.broadcast %mul3A_459 : i32 to vector<16xi32>
          %mul3A_461 = arith.muli %add3A_457, %mul3A_460 : vector<16xi32>
          %add3A_462 = arith.addi %mul3A_461, %add3A_3 : vector<16xi32>
          tpu.vector_store_idx %arg8[%add3A_462], %gather3A_458 : memref<16384xf32, #tpu.memory_space<vmem>>[vector<16xi32>], vector<16xf32>,
          %xor3A_463 = arith.constant 5 : i32
          %xor3A_464 = vector.broadcast %xor3A_463 : i32 to vector<16xi32>
          %xor3A_465 = arith.xori %iota3A, %xor3A_464 : vector<16xi32>
          %add3A_466 = vector.broadcast %mul3A_254 : i32 to vector<16xi32>
          %add3A_467 = arith.addi %xor3A_465, %add3A_466 : vector<16xi32>
          %gather3A_468 = tpu.vector_load_idx %arg6[%add3A_3, %add3A_467] : memref<32x512xf32, #tpu.memory_space<vmem>>[vector<16xi32>, vector<16xi32>], vector<16xf32>,
          %mul3A_469 = arith.constant 32 : i32
          %mul3A_470 = vector.broadcast %mul3A_469 : i32 to vector<16xi32>
          %mul3A_471 = arith.muli %add3A_467, %mul3A_470 : vector<16xi32>
          %add3A_472 = arith.addi %mul3A_471, %add3A_3 : vector<16xi32>
          tpu.vector_store_idx %arg8[%add3A_472], %gather3A_468 : memref<16384xf32, #tpu.memory_space<vmem>>[vector<16xi32>], vector<16xf32>,
          %xor3A_473 = arith.constant 6 : i32
          %xor3A_474 = vector.broadcast %xor3A_473 : i32 to vector<16xi32>
          %xor3A_475 = arith.xori %iota3A, %xor3A_474 : vector<16xi32>
          %add3A_476 = vector.broadcast %mul3A_254 : i32 to vector<16xi32>
          %add3A_477 = arith.addi %xor3A_475, %add3A_476 : vector<16xi32>
          %gather3A_478 = tpu.vector_load_idx %arg6[%add3A_3, %add3A_477] : memref<32x512xf32, #tpu.memory_space<vmem>>[vector<16xi32>, vector<16xi32>], vector<16xf32>,
          %mul3A_479 = arith.constant 32 : i32
          %mul3A_480 = vector.broadcast %mul3A_479 : i32 to vector<16xi32>
          %mul3A_481 = arith.muli %add3A_477, %mul3A_480 : vector<16xi32>
          %add3A_482 = arith.addi %mul3A_481, %add3A_3 : vector<16xi32>
          tpu.vector_store_idx %arg8[%add3A_482], %gather3A_478 : memref<16384xf32, #tpu.memory_space<vmem>>[vector<16xi32>], vector<16xf32>,
          %xor3A_483 = arith.constant 7 : i32
          %xor3A_484 = vector.broadcast %xor3A_483 : i32 to vector<16xi32>
          %xor3A_485 = arith.xori %iota3A, %xor3A_484 : vector<16xi32>
          %add3A_486 = vector.broadcast %mul3A_254 : i32 to vector<16xi32>
          %add3A_487 = arith.addi %xor3A_485, %add3A_486 : vector<16xi32>
          %gather3A_488 = tpu.vector_load_idx %arg6[%add3A_3, %add3A_487] : memref<32x512xf32, #tpu.memory_space<vmem>>[vector<16xi32>, vector<16xi32>], vector<16xf32>,
          %mul3A_489 = arith.constant 32 : i32
          %mul3A_490 = vector.broadcast %mul3A_489 : i32 to vector<16xi32>
          %mul3A_491 = arith.muli %add3A_487, %mul3A_490 : vector<16xi32>
          %add3A_492 = arith.addi %mul3A_491, %add3A_3 : vector<16xi32>
          tpu.vector_store_idx %arg8[%add3A_492], %gather3A_488 : memref<16384xf32, #tpu.memory_space<vmem>>[vector<16xi32>], vector<16xf32>,
          %xor3A_493 = arith.constant 8 : i32
          %xor3A_494 = vector.broadcast %xor3A_493 : i32 to vector<16xi32>
          %xor3A_495 = arith.xori %iota3A, %xor3A_494 : vector<16xi32>
          %add3A_496 = vector.broadcast %mul3A_254 : i32 to vector<16xi32>
          %add3A_497 = arith.addi %xor3A_495, %add3A_496 : vector<16xi32>
          %gather3A_498 = tpu.vector_load_idx %arg6[%add3A_3, %add3A_497] : memref<32x512xf32, #tpu.memory_space<vmem>>[vector<16xi32>, vector<16xi32>], vector<16xf32>,
          %mul3A_499 = arith.constant 32 : i32
          %mul3A_500 = vector.broadcast %mul3A_499 : i32 to vector<16xi32>
          %mul3A_501 = arith.muli %add3A_497, %mul3A_500 : vector<16xi32>
          %add3A_502 = arith.addi %mul3A_501, %add3A_3 : vector<16xi32>
          tpu.vector_store_idx %arg8[%add3A_502], %gather3A_498 : memref<16384xf32, #tpu.memory_space<vmem>>[vector<16xi32>], vector<16xf32>,
          %xor3A_503 = arith.constant 9 : i32
          %xor3A_504 = vector.broadcast %xor3A_503 : i32 to vector<16xi32>
          %xor3A_505 = arith.xori %iota3A, %xor3A_504 : vector<16xi32>
          %add3A_506 = vector.broadcast %mul3A_254 : i32 to vector<16xi32>
          %add3A_507 = arith.addi %xor3A_505, %add3A_506 : vector<16xi32>
          %gather3A_508 = tpu.vector_load_idx %arg6[%add3A_3, %add3A_507] : memref<32x512xf32, #tpu.memory_space<vmem>>[vector<16xi32>, vector<16xi32>], vector<16xf32>,
          %mul3A_509 = arith.constant 32 : i32
          %mul3A_510 = vector.broadcast %mul3A_509 : i32 to vector<16xi32>
          %mul3A_511 = arith.muli %add3A_507, %mul3A_510 : vector<16xi32>
          %add3A_512 = arith.addi %mul3A_511, %add3A_3 : vector<16xi32>
          tpu.vector_store_idx %arg8[%add3A_512], %gather3A_508 : memref<16384xf32, #tpu.memory_space<vmem>>[vector<16xi32>], vector<16xf32>,
          %xor3A_513 = arith.constant 10 : i32
          %xor3A_514 = vector.broadcast %xor3A_513 : i32 to vector<16xi32>
          %xor3A_515 = arith.xori %iota3A, %xor3A_514 : vector<16xi32>
          %add3A_516 = vector.broadcast %mul3A_254 : i32 to vector<16xi32>
          %add3A_517 = arith.addi %xor3A_515, %add3A_516 : vector<16xi32>
          %gather3A_518 = tpu.vector_load_idx %arg6[%add3A_3, %add3A_517] : memref<32x512xf32, #tpu.memory_space<vmem>>[vector<16xi32>, vector<16xi32>], vector<16xf32>,
          %mul3A_519 = arith.constant 32 : i32
          %mul3A_520 = vector.broadcast %mul3A_519 : i32 to vector<16xi32>
          %mul3A_521 = arith.muli %add3A_517, %mul3A_520 : vector<16xi32>
          %add3A_522 = arith.addi %mul3A_521, %add3A_3 : vector<16xi32>
          tpu.vector_store_idx %arg8[%add3A_522], %gather3A_518 : memref<16384xf32, #tpu.memory_space<vmem>>[vector<16xi32>], vector<16xf32>,
          %xor3A_523 = arith.constant 11 : i32
          %xor3A_524 = vector.broadcast %xor3A_523 : i32 to vector<16xi32>
          %xor3A_525 = arith.xori %iota3A, %xor3A_524 : vector<16xi32>
          %add3A_526 = vector.broadcast %mul3A_254 : i32 to vector<16xi32>
          %add3A_527 = arith.addi %xor3A_525, %add3A_526 : vector<16xi32>
          %gather3A_528 = tpu.vector_load_idx %arg6[%add3A_3, %add3A_527] : memref<32x512xf32, #tpu.memory_space<vmem>>[vector<16xi32>, vector<16xi32>], vector<16xf32>,
          %mul3A_529 = arith.constant 32 : i32
          %mul3A_530 = vector.broadcast %mul3A_529 : i32 to vector<16xi32>
          %mul3A_531 = arith.muli %add3A_527, %mul3A_530 : vector<16xi32>
          %add3A_532 = arith.addi %mul3A_531, %add3A_3 : vector<16xi32>
          tpu.vector_store_idx %arg8[%add3A_532], %gather3A_528 : memref<16384xf32, #tpu.memory_space<vmem>>[vector<16xi32>], vector<16xf32>,
          %xor3A_533 = arith.constant 12 : i32
          %xor3A_534 = vector.broadcast %xor3A_533 : i32 to vector<16xi32>
          %xor3A_535 = arith.xori %iota3A, %xor3A_534 : vector<16xi32>
          %add3A_536 = vector.broadcast %mul3A_254 : i32 to vector<16xi32>
          %add3A_537 = arith.addi %xor3A_535, %add3A_536 : vector<16xi32>
          %gather3A_538 = tpu.vector_load_idx %arg6[%add3A_3, %add3A_537] : memref<32x512xf32, #tpu.memory_space<vmem>>[vector<16xi32>, vector<16xi32>], vector<16xf32>,
          %mul3A_539 = arith.constant 32 : i32
          %mul3A_540 = vector.broadcast %mul3A_539 : i32 to vector<16xi32>
          %mul3A_541 = arith.muli %add3A_537, %mul3A_540 : vector<16xi32>
          %add3A_542 = arith.addi %mul3A_541, %add3A_3 : vector<16xi32>
          tpu.vector_store_idx %arg8[%add3A_542], %gather3A_538 : memref<16384xf32, #tpu.memory_space<vmem>>[vector<16xi32>], vector<16xf32>,
          %xor3A_543 = arith.constant 13 : i32
          %xor3A_544 = vector.broadcast %xor3A_543 : i32 to vector<16xi32>
          %xor3A_545 = arith.xori %iota3A, %xor3A_544 : vector<16xi32>
          %add3A_546 = vector.broadcast %mul3A_254 : i32 to vector<16xi32>
          %add3A_547 = arith.addi %xor3A_545, %add3A_546 : vector<16xi32>
          %gather3A_548 = tpu.vector_load_idx %arg6[%add3A_3, %add3A_547] : memref<32x512xf32, #tpu.memory_space<vmem>>[vector<16xi32>, vector<16xi32>], vector<16xf32>,
          %mul3A_549 = arith.constant 32 : i32
          %mul3A_550 = vector.broadcast %mul3A_549 : i32 to vector<16xi32>
          %mul3A_551 = arith.muli %add3A_547, %mul3A_550 : vector<16xi32>
          %add3A_552 = arith.addi %mul3A_551, %add3A_3 : vector<16xi32>
          tpu.vector_store_idx %arg8[%add3A_552], %gather3A_548 : memref<16384xf32, #tpu.memory_space<vmem>>[vector<16xi32>], vector<16xf32>,
          %xor3A_553 = arith.constant 14 : i32
          %xor3A_554 = vector.broadcast %xor3A_553 : i32 to vector<16xi32>
          %xor3A_555 = arith.xori %iota3A, %xor3A_554 : vector<16xi32>
          %add3A_556 = vector.broadcast %mul3A_254 : i32 to vector<16xi32>
          %add3A_557 = arith.addi %xor3A_555, %add3A_556 : vector<16xi32>
          %gather3A_558 = tpu.vector_load_idx %arg6[%add3A_3, %add3A_557] : memref<32x512xf32, #tpu.memory_space<vmem>>[vector<16xi32>, vector<16xi32>], vector<16xf32>,
          %mul3A_559 = arith.constant 32 : i32
          %mul3A_560 = vector.broadcast %mul3A_559 : i32 to vector<16xi32>
          %mul3A_561 = arith.muli %add3A_557, %mul3A_560 : vector<16xi32>
          %add3A_562 = arith.addi %mul3A_561, %add3A_3 : vector<16xi32>
          tpu.vector_store_idx %arg8[%add3A_562], %gather3A_558 : memref<16384xf32, #tpu.memory_space<vmem>>[vector<16xi32>], vector<16xf32>,
          %xor3A_563 = arith.constant 15 : i32
          %xor3A_564 = vector.broadcast %xor3A_563 : i32 to vector<16xi32>
          %xor3A_565 = arith.xori %iota3A, %xor3A_564 : vector<16xi32>
          %add3A_566 = vector.broadcast %mul3A_254 : i32 to vector<16xi32>
          %add3A_567 = arith.addi %xor3A_565, %add3A_566 : vector<16xi32>
          %gather3A_568 = tpu.vector_load_idx %arg6[%add3A_3, %add3A_567] : memref<32x512xf32, #tpu.memory_space<vmem>>[vector<16xi32>, vector<16xi32>], vector<16xf32>,
          %mul3A_569 = arith.constant 32 : i32
          %mul3A_570 = vector.broadcast %mul3A_569 : i32 to vector<16xi32>
          %mul3A_571 = arith.muli %add3A_567, %mul3A_570 : vector<16xi32>
          %add3A_572 = arith.addi %mul3A_571, %add3A_3 : vector<16xi32>
          tpu.vector_store_idx %arg8[%add3A_572], %gather3A_568 : memref<16384xf32, #tpu.memory_space<vmem>>[vector<16xi32>], vector<16xf32>,
        }
        %scan3A_206 = arith.constant 32 : i32
        %mul3A_207 = arith.constant 159 : i32
        %mul3A_208 = arith.muli %add3A, %mul3A_207 : i32
        %add3A_209 = arith.addi %mul3A_208, %scan3A_109 : i32
        %min3A_210 = arith.constant 5069 : i32
        %min3A_211 = arith.minsi %add3A_209, %min3A_210 : i32
        %jit3A_212 = arith.constant 195 : i32
        %div3A_213 = arith.divsi %min3A_211, %jit3A_212 : i32
        %sign3A_214 = arith.constant 0 : i32
        %sign3A_215 = arith.cmpi sgt, %min3A_211, %sign3A_214 : i32
        %sign3A_216 = arith.extui %sign3A_215 : i1 to i32
        %sign3A_217 = arith.constant 0 : i32
        %sign3A_218 = arith.cmpi slt, %min3A_211, %sign3A_217 : i32
        %sign3A_219 = arith.extui %sign3A_218 : i1 to i32
        %sign3A_220 = arith.subi %sign3A_216, %sign3A_219 : i32
        %sign3A_221 = arith.constant 0 : i32
        %sign3A_222 = arith.cmpi sgt, %jit3A_212, %sign3A_221 : i32
        %sign3A_223 = arith.extui %sign3A_222 : i1 to i32
        %sign3A_224 = arith.constant 0 : i32
        %sign3A_225 = arith.cmpi slt, %jit3A_212, %sign3A_224 : i32
        %sign3A_226 = arith.extui %sign3A_225 : i1 to i32
        %sign3A_227 = arith.subi %sign3A_223, %sign3A_226 : i32
        %ne3A_228 = arith.cmpi ne, %sign3A_220, %sign3A_227 : i32
        %rem3A_229 = arith.remsi %min3A_211, %jit3A_212 : i32
        %ne3A_230 = arith.constant 0 : i32
        %ne3A_231 = arith.cmpi ne, %rem3A_229, %ne3A_230 : i32
        %and3A_232 = arith.andi %ne3A_228, %ne3A_231 : i1
        %sub3A_233 = arith.constant 1 : i32
        %sub3A_234 = arith.subi %div3A_213, %sub3A_233 : i32
        %select_n3A_235 = arith.select %and3A_232, %sub3A_234, %div3A_213 : i32
        %mul3A_236 = arith.constant 195 : i32
        %mul3A_237 = arith.muli %select_n3A_235, %mul3A_236 : i32
        %sub3A_238 = arith.subi %min3A_211, %mul3A_237 : i32
        %mul3A_239 = arith.constant 32 : i32
        %mul3A_240 = arith.muli %select_n3A_235, %mul3A_239 : i32
        %mul3A_241 = arith.constant 512 : i32
        %mul3A_242 = arith.muli %sub3A_238, %mul3A_241 : i32
        %mul3A_243 = arith.constant 100001 : i32
        %mul3A_244 = arith.muli %select_n3A_235, %mul3A_243 : i32
        %mul3A_245 = arith.constant 512 : i32
        %mul3A_246 = arith.muli %sub3A_238, %mul3A_245 : i32
        %add3A_247 = arith.addi %mul3A_244, %mul3A_246 : i32
        %mul3A_248 = arith.constant 32 : i32
        %mul3A_249 = arith.muli %add3A_247, %mul3A_248 : i32
        %dma_start3A_250 = tpu.memref_slice %arg4[%mul3A_249] : memref<83200832xf32, #tpu.memory_space<hbm>> -> memref<16384xf32, #tpu.memory_space<hbm>>
        %dma_start3A_251 = tpu.memref_slice %arg4[%mul3A_249] : memref<83200832xf32, #tpu.memory_space<hbm>> -> memref<16384xf32, #tpu.memory_space<hbm>>
        tpu.enqueue_dma source(%arg8 : memref<16384xf32, #tpu.memory_space<vmem>>) target(%dma_start3A_251 : memref<16384xf32, #tpu.memory_space<hbm>>) target_semaphore(%arg12 : memref<!tpu.dma_semaphore, #tpu.memory_space<semaphore_mem>>)
      } else {
      }
    }
    %scan3A_37 = arith.constant 158 : i32
    %dma_wait3A = arith.constant 0 : i32
    %dma_wait3A_38 = arith.constant 0 : i32
    %dma_wait3A_39 = tpu.memref_slice %arg2[%dma_wait3A, %dma_wait3A_38] : memref<832x100001xf32, #tpu.memory_space<hbm>> -> memref<32x512xf32, #tpu.memory_space<hbm>>
    %dma_wait3A_40 = arith.constant 0 : i32
    %dma_wait3A_41 = arith.constant 0 : i32
    %dma_wait3A_42 = tpu.memref_slice %arg2[%dma_wait3A_40, %dma_wait3A_41] : memref<832x100001xf32, #tpu.memory_space<hbm>> -> memref<32x512xf32, #tpu.memory_space<hbm>>
    tpu.wait_dma2 semaphore(%arg9 : memref<!tpu.dma_semaphore, #tpu.memory_space<semaphore_mem>>) src(%dma_wait3A_42 : memref<32x512xf32, #tpu.memory_space<hbm>>) dst(%arg5 : memref<32x512xf32, #tpu.memory_space<vmem>>)
    %dma_wait3A_43 = arith.constant 0 : i32
    %dma_wait3A_44 = tpu.memref_slice %arg4[%dma_wait3A_43] : memref<83200832xf32, #tpu.memory_space<hbm>> -> memref<16384xf32, #tpu.memory_space<hbm>>
    %dma_wait3A_45 = arith.constant 0 : i32
    %dma_wait3A_46 = tpu.memref_slice %arg4[%dma_wait3A_45] : memref<83200832xf32, #tpu.memory_space<hbm>> -> memref<16384xf32, #tpu.memory_space<hbm>>
    tpu.wait_dma2 semaphore(%arg11 : memref<!tpu.dma_semaphore, #tpu.memory_space<semaphore_mem>>) src(%dma_wait3A_46 : memref<16384xf32, #tpu.memory_space<hbm>>) dst(%arg7 : memref<16384xf32, #tpu.memory_space<vmem>>)
    %scan3A_47 = arith.constant 0 : i32
    %scan3A_48 = arith.constant 0 : i32
    %scan3A_49 = arith.constant 32 : i32
    %scan3A_50 = arith.addi %scan3A_48, %scan3A_49 : i32
    %scan3A_51 = arith.constant 1 : i32
    scf.for %scan3A_109 = %scan3A_48 to %scan3A_50 step %scan3A_51  : i32 {
      %mul3A_110 = arith.constant 16 : i32
      %mul3A_111 = arith.muli %scan3A_109, %mul3A_110 : i32
      %xor3A = arith.constant 0 : i32
      %xor3A_112 = vector.broadcast %xor3A : i32 to vector<16xi32>
      %xor3A_113 = arith.xori %iota3A, %xor3A_112 : vector<16xi32>
      %add3A_114 = vector.broadcast %mul3A_111 : i32 to vector<16xi32>
      %add3A_115 = arith.addi %xor3A_113, %add3A_114 : vector<16xi32>
      %gather3A = tpu.vector_load_idx %arg5[%iota3A, %add3A_115] : memref<32x512xf32, #tpu.memory_space<vmem>>[vector<16xi32>, vector<16xi32>], vector<16xf32>,
      %mul3A_116 = arith.constant 32 : i32
      %mul3A_117 = vector.broadcast %mul3A_116 : i32 to vector<16xi32>
      %mul3A_118 = arith.muli %add3A_115, %mul3A_117 : vector<16xi32>
      %add3A_119 = arith.addi %mul3A_118, %iota3A : vector<16xi32>
      tpu.vector_store_idx %arg7[%add3A_119], %gather3A : memref<16384xf32, #tpu.memory_space<vmem>>[vector<16xi32>], vector<16xf32>,
      %xor3A_120 = arith.constant 1 : i32
      %xor3A_121 = vector.broadcast %xor3A_120 : i32 to vector<16xi32>
      %xor3A_122 = arith.xori %iota3A, %xor3A_121 : vector<16xi32>
      %add3A_123 = vector.broadcast %mul3A_111 : i32 to vector<16xi32>
      %add3A_124 = arith.addi %xor3A_122, %add3A_123 : vector<16xi32>
      %gather3A_125 = tpu.vector_load_idx %arg5[%iota3A, %add3A_124] : memref<32x512xf32, #tpu.memory_space<vmem>>[vector<16xi32>, vector<16xi32>], vector<16xf32>,
      %mul3A_126 = arith.constant 32 : i32
      %mul3A_127 = vector.broadcast %mul3A_126 : i32 to vector<16xi32>
      %mul3A_128 = arith.muli %add3A_124, %mul3A_127 : vector<16xi32>
      %add3A_129 = arith.addi %mul3A_128, %iota3A : vector<16xi32>
      tpu.vector_store_idx %arg7[%add3A_129], %gather3A_125 : memref<16384xf32, #tpu.memory_space<vmem>>[vector<16xi32>], vector<16xf32>,
      %xor3A_130 = arith.constant 2 : i32
      %xor3A_131 = vector.broadcast %xor3A_130 : i32 to vector<16xi32>
      %xor3A_132 = arith.xori %iota3A, %xor3A_131 : vector<16xi32>
      %add3A_133 = vector.broadcast %mul3A_111 : i32 to vector<16xi32>
      %add3A_134 = arith.addi %xor3A_132, %add3A_133 : vector<16xi32>
      %gather3A_135 = tpu.vector_load_idx %arg5[%iota3A, %add3A_134] : memref<32x512xf32, #tpu.memory_space<vmem>>[vector<16xi32>, vector<16xi32>], vector<16xf32>,
      %mul3A_136 = arith.constant 32 : i32
      %mul3A_137 = vector.broadcast %mul3A_136 : i32 to vector<16xi32>
      %mul3A_138 = arith.muli %add3A_134, %mul3A_137 : vector<16xi32>
      %add3A_139 = arith.addi %mul3A_138, %iota3A : vector<16xi32>
      tpu.vector_store_idx %arg7[%add3A_139], %gather3A_135 : memref<16384xf32, #tpu.memory_space<vmem>>[vector<16xi32>], vector<16xf32>,
      %xor3A_140 = arith.constant 3 : i32
      %xor3A_141 = vector.broadcast %xor3A_140 : i32 to vector<16xi32>
      %xor3A_142 = arith.xori %iota3A, %xor3A_141 : vector<16xi32>
      %add3A_143 = vector.broadcast %mul3A_111 : i32 to vector<16xi32>
      %add3A_144 = arith.addi %xor3A_142, %add3A_143 : vector<16xi32>
      %gather3A_145 = tpu.vector_load_idx %arg5[%iota3A, %add3A_144] : memref<32x512xf32, #tpu.memory_space<vmem>>[vector<16xi32>, vector<16xi32>], vector<16xf32>,
      %mul3A_146 = arith.constant 32 : i32
      %mul3A_147 = vector.broadcast %mul3A_146 : i32 to vector<16xi32>
      %mul3A_148 = arith.muli %add3A_144, %mul3A_147 : vector<16xi32>
      %add3A_149 = arith.addi %mul3A_148, %iota3A : vector<16xi32>
      tpu.vector_store_idx %arg7[%add3A_149], %gather3A_145 : memref<16384xf32, #tpu.memory_space<vmem>>[vector<16xi32>], vector<16xf32>,
      %xor3A_150 = arith.constant 4 : i32
      %xor3A_151 = vector.broadcast %xor3A_150 : i32 to vector<16xi32>
      %xor3A_152 = arith.xori %iota3A, %xor3A_151 : vector<16xi32>
      %add3A_153 = vector.broadcast %mul3A_111 : i32 to vector<16xi32>
      %add3A_154 = arith.addi %xor3A_152, %add3A_153 : vector<16xi32>
      %gather3A_155 = tpu.vector_load_idx %arg5[%iota3A, %add3A_154] : memref<32x512xf32, #tpu.memory_space<vmem>>[vector<16xi32>, vector<16xi32>], vector<16xf32>,
      %mul3A_156 = arith.constant 32 : i32
      %mul3A_157 = vector.broadcast %mul3A_156 : i32 to vector<16xi32>
      %mul3A_158 = arith.muli %add3A_154, %mul3A_157 : vector<16xi32>
      %add3A_159 = arith.addi %mul3A_158, %iota3A : vector<16xi32>
      tpu.vector_store_idx %arg7[%add3A_159], %gather3A_155 : memref<16384xf32, #tpu.memory_space<vmem>>[vector<16xi32>], vector<16xf32>,
      %xor3A_160 = arith.constant 5 : i32
      %xor3A_161 = vector.broadcast %xor3A_160 : i32 to vector<16xi32>
      %xor3A_162 = arith.xori %iota3A, %xor3A_161 : vector<16xi32>
      %add3A_163 = vector.broadcast %mul3A_111 : i32 to vector<16xi32>
      %add3A_164 = arith.addi %xor3A_162, %add3A_163 : vector<16xi32>
      %gather3A_165 = tpu.vector_load_idx %arg5[%iota3A, %add3A_164] : memref<32x512xf32, #tpu.memory_space<vmem>>[vector<16xi32>, vector<16xi32>], vector<16xf32>,
      %mul3A_166 = arith.constant 32 : i32
      %mul3A_167 = vector.broadcast %mul3A_166 : i32 to vector<16xi32>
      %mul3A_168 = arith.muli %add3A_164, %mul3A_167 : vector<16xi32>
      %add3A_169 = arith.addi %mul3A_168, %iota3A : vector<16xi32>
      tpu.vector_store_idx %arg7[%add3A_169], %gather3A_165 : memref<16384xf32, #tpu.memory_space<vmem>>[vector<16xi32>], vector<16xf32>,
      %xor3A_170 = arith.constant 6 : i32
      %xor3A_171 = vector.broadcast %xor3A_170 : i32 to vector<16xi32>
      %xor3A_172 = arith.xori %iota3A, %xor3A_171 : vector<16xi32>
      %add3A_173 = vector.broadcast %mul3A_111 : i32 to vector<16xi32>
      %add3A_174 = arith.addi %xor3A_172, %add3A_173 : vector<16xi32>
      %gather3A_175 = tpu.vector_load_idx %arg5[%iota3A, %add3A_174] : memref<32x512xf32, #tpu.memory_space<vmem>>[vector<16xi32>, vector<16xi32>], vector<16xf32>,
      %mul3A_176 = arith.constant 32 : i32
      %mul3A_177 = vector.broadcast %mul3A_176 : i32 to vector<16xi32>
      %mul3A_178 = arith.muli %add3A_174, %mul3A_177 : vector<16xi32>
      %add3A_179 = arith.addi %mul3A_178, %iota3A : vector<16xi32>
      tpu.vector_store_idx %arg7[%add3A_179], %gather3A_175 : memref<16384xf32, #tpu.memory_space<vmem>>[vector<16xi32>], vector<16xf32>,
      %xor3A_180 = arith.constant 7 : i32
      %xor3A_181 = vector.broadcast %xor3A_180 : i32 to vector<16xi32>
      %xor3A_182 = arith.xori %iota3A, %xor3A_181 : vector<16xi32>
      %add3A_183 = vector.broadcast %mul3A_111 : i32 to vector<16xi32>
      %add3A_184 = arith.addi %xor3A_182, %add3A_183 : vector<16xi32>
      %gather3A_185 = tpu.vector_load_idx %arg5[%iota3A, %add3A_184] : memref<32x512xf32, #tpu.memory_space<vmem>>[vector<16xi32>, vector<16xi32>], vector<16xf32>,
      %mul3A_186 = arith.constant 32 : i32
      %mul3A_187 = vector.broadcast %mul3A_186 : i32 to vector<16xi32>
      %mul3A_188 = arith.muli %add3A_184, %mul3A_187 : vector<16xi32>
      %add3A_189 = arith.addi %mul3A_188, %iota3A : vector<16xi32>
      tpu.vector_store_idx %arg7[%add3A_189], %gather3A_185 : memref<16384xf32, #tpu.memory_space<vmem>>[vector<16xi32>], vector<16xf32>,
      %xor3A_190 = arith.constant 8 : i32
      %xor3A_191 = vector.broadcast %xor3A_190 : i32 to vector<16xi32>
      %xor3A_192 = arith.xori %iota3A, %xor3A_191 : vector<16xi32>
      %add3A_193 = vector.broadcast %mul3A_111 : i32 to vector<16xi32>
      %add3A_194 = arith.addi %xor3A_192, %add3A_193 : vector<16xi32>
      %gather3A_195 = tpu.vector_load_idx %arg5[%iota3A, %add3A_194] : memref<32x512xf32, #tpu.memory_space<vmem>>[vector<16xi32>, vector<16xi32>], vector<16xf32>,
      %mul3A_196 = arith.constant 32 : i32
      %mul3A_197 = vector.broadcast %mul3A_196 : i32 to vector<16xi32>
      %mul3A_198 = arith.muli %add3A_194, %mul3A_197 : vector<16xi32>
      %add3A_199 = arith.addi %mul3A_198, %iota3A : vector<16xi32>
      tpu.vector_store_idx %arg7[%add3A_199], %gather3A_195 : memref<16384xf32, #tpu.memory_space<vmem>>[vector<16xi32>], vector<16xf32>,
      %xor3A_200 = arith.constant 9 : i32
      %xor3A_201 = vector.broadcast %xor3A_200 : i32 to vector<16xi32>
      %xor3A_202 = arith.xori %iota3A, %xor3A_201 : vector<16xi32>
      %add3A_203 = vector.broadcast %mul3A_111 : i32 to vector<16xi32>
      %add3A_204 = arith.addi %xor3A_202, %add3A_203 : vector<16xi32>
      %gather3A_205 = tpu.vector_load_idx %arg5[%iota3A, %add3A_204] : memref<32x512xf32, #tpu.memory_space<vmem>>[vector<16xi32>, vector<16xi32>], vector<16xf32>,
      %mul3A_206 = arith.constant 32 : i32
      %mul3A_207 = vector.broadcast %mul3A_206 : i32 to vector<16xi32>
      %mul3A_208 = arith.muli %add3A_204, %mul3A_207 : vector<16xi32>
      %add3A_209 = arith.addi %mul3A_208, %iota3A : vector<16xi32>
      tpu.vector_store_idx %arg7[%add3A_209], %gather3A_205 : memref<16384xf32, #tpu.memory_space<vmem>>[vector<16xi32>], vector<16xf32>,
      %xor3A_210 = arith.constant 10 : i32
      %xor3A_211 = vector.broadcast %xor3A_210 : i32 to vector<16xi32>
      %xor3A_212 = arith.xori %iota3A, %xor3A_211 : vector<16xi32>
      %add3A_213 = vector.broadcast %mul3A_111 : i32 to vector<16xi32>
      %add3A_214 = arith.addi %xor3A_212, %add3A_213 : vector<16xi32>
      %gather3A_215 = tpu.vector_load_idx %arg5[%iota3A, %add3A_214] : memref<32x512xf32, #tpu.memory_space<vmem>>[vector<16xi32>, vector<16xi32>], vector<16xf32>,
      %mul3A_216 = arith.constant 32 : i32
      %mul3A_217 = vector.broadcast %mul3A_216 : i32 to vector<16xi32>
      %mul3A_218 = arith.muli %add3A_214, %mul3A_217 : vector<16xi32>
      %add3A_219 = arith.addi %mul3A_218, %iota3A : vector<16xi32>
      tpu.vector_store_idx %arg7[%add3A_219], %gather3A_215 : memref<16384xf32, #tpu.memory_space<vmem>>[vector<16xi32>], vector<16xf32>,
      %xor3A_220 = arith.constant 11 : i32
      %xor3A_221 = vector.broadcast %xor3A_220 : i32 to vector<16xi32>
      %xor3A_222 = arith.xori %iota3A, %xor3A_221 : vector<16xi32>
      %add3A_223 = vector.broadcast %mul3A_111 : i32 to vector<16xi32>
      %add3A_224 = arith.addi %xor3A_222, %add3A_223 : vector<16xi32>
      %gather3A_225 = tpu.vector_load_idx %arg5[%iota3A, %add3A_224] : memref<32x512xf32, #tpu.memory_space<vmem>>[vector<16xi32>, vector<16xi32>], vector<16xf32>,
      %mul3A_226 = arith.constant 32 : i32
      %mul3A_227 = vector.broadcast %mul3A_226 : i32 to vector<16xi32>
      %mul3A_228 = arith.muli %add3A_224, %mul3A_227 : vector<16xi32>
      %add3A_229 = arith.addi %mul3A_228, %iota3A : vector<16xi32>
      tpu.vector_store_idx %arg7[%add3A_229], %gather3A_225 : memref<16384xf32, #tpu.memory_space<vmem>>[vector<16xi32>], vector<16xf32>,
      %xor3A_230 = arith.constant 12 : i32
      %xor3A_231 = vector.broadcast %xor3A_230 : i32 to vector<16xi32>
      %xor3A_232 = arith.xori %iota3A, %xor3A_231 : vector<16xi32>
      %add3A_233 = vector.broadcast %mul3A_111 : i32 to vector<16xi32>
      %add3A_234 = arith.addi %xor3A_232, %add3A_233 : vector<16xi32>
      %gather3A_235 = tpu.vector_load_idx %arg5[%iota3A, %add3A_234] : memref<32x512xf32, #tpu.memory_space<vmem>>[vector<16xi32>, vector<16xi32>], vector<16xf32>,
      %mul3A_236 = arith.constant 32 : i32
      %mul3A_237 = vector.broadcast %mul3A_236 : i32 to vector<16xi32>
      %mul3A_238 = arith.muli %add3A_234, %mul3A_237 : vector<16xi32>
      %add3A_239 = arith.addi %mul3A_238, %iota3A : vector<16xi32>
      tpu.vector_store_idx %arg7[%add3A_239], %gather3A_235 : memref<16384xf32, #tpu.memory_space<vmem>>[vector<16xi32>], vector<16xf32>,
      %xor3A_240 = arith.constant 13 : i32
      %xor3A_241 = vector.broadcast %xor3A_240 : i32 to vector<16xi32>
      %xor3A_242 = arith.xori %iota3A, %xor3A_241 : vector<16xi32>
      %add3A_243 = vector.broadcast %mul3A_111 : i32 to vector<16xi32>
      %add3A_244 = arith.addi %xor3A_242, %add3A_243 : vector<16xi32>
      %gather3A_245 = tpu.vector_load_idx %arg5[%iota3A, %add3A_244] : memref<32x512xf32, #tpu.memory_space<vmem>>[vector<16xi32>, vector<16xi32>], vector<16xf32>,
      %mul3A_246 = arith.constant 32 : i32
      %mul3A_247 = vector.broadcast %mul3A_246 : i32 to vector<16xi32>
      %mul3A_248 = arith.muli %add3A_244, %mul3A_247 : vector<16xi32>
      %add3A_249 = arith.addi %mul3A_248, %iota3A : vector<16xi32>
      tpu.vector_store_idx %arg7[%add3A_249], %gather3A_245 : memref<16384xf32, #tpu.memory_space<vmem>>[vector<16xi32>], vector<16xf32>,
      %xor3A_250 = arith.constant 14 : i32
      %xor3A_251 = vector.broadcast %xor3A_250 : i32 to vector<16xi32>
      %xor3A_252 = arith.xori %iota3A, %xor3A_251 : vector<16xi32>
      %add3A_253 = vector.broadcast %mul3A_111 : i32 to vector<16xi32>
      %add3A_254 = arith.addi %xor3A_252, %add3A_253 : vector<16xi32>
      %gather3A_255 = tpu.vector_load_idx %arg5[%iota3A, %add3A_254] : memref<32x512xf32, #tpu.memory_space<vmem>>[vector<16xi32>, vector<16xi32>], vector<16xf32>,
      %mul3A_256 = arith.constant 32 : i32
      %mul3A_257 = vector.broadcast %mul3A_256 : i32 to vector<16xi32>
      %mul3A_258 = arith.muli %add3A_254, %mul3A_257 : vector<16xi32>
      %add3A_259 = arith.addi %mul3A_258, %iota3A : vector<16xi32>
      tpu.vector_store_idx %arg7[%add3A_259], %gather3A_255 : memref<16384xf32, #tpu.memory_space<vmem>>[vector<16xi32>], vector<16xf32>,
      %xor3A_260 = arith.constant 15 : i32
      %xor3A_261 = vector.broadcast %xor3A_260 : i32 to vector<16xi32>
      %xor3A_262 = arith.xori %iota3A, %xor3A_261 : vector<16xi32>
      %add3A_263 = vector.broadcast %mul3A_111 : i32 to vector<16xi32>
      %add3A_264 = arith.addi %xor3A_262, %add3A_263 : vector<16xi32>
      %gather3A_265 = tpu.vector_load_idx %arg5[%iota3A, %add3A_264] : memref<32x512xf32, #tpu.memory_space<vmem>>[vector<16xi32>, vector<16xi32>], vector<16xf32>,
      %mul3A_266 = arith.constant 32 : i32
      %mul3A_267 = vector.broadcast %mul3A_266 : i32 to vector<16xi32>
      %mul3A_268 = arith.muli %add3A_264, %mul3A_267 : vector<16xi32>
      %add3A_269 = arith.addi %mul3A_268, %iota3A : vector<16xi32>
      tpu.vector_store_idx %arg7[%add3A_269], %gather3A_265 : memref<16384xf32, #tpu.memory_space<vmem>>[vector<16xi32>], vector<16xf32>,
      %xor3A_270 = arith.constant 0 : i32
      %xor3A_271 = vector.broadcast %xor3A_270 : i32 to vector<16xi32>
      %xor3A_272 = arith.xori %iota3A, %xor3A_271 : vector<16xi32>
      %add3A_273 = vector.broadcast %mul3A_111 : i32 to vector<16xi32>
      %add3A_274 = arith.addi %xor3A_272, %add3A_273 : vector<16xi32>
      %gather3A_275 = tpu.vector_load_idx %arg5[%add3A_3, %add3A_274] : memref<32x512xf32, #tpu.memory_space<vmem>>[vector<16xi32>, vector<16xi32>], vector<16xf32>,
      %mul3A_276 = arith.constant 32 : i32
      %mul3A_277 = vector.broadcast %mul3A_276 : i32 to vector<16xi32>
      %mul3A_278 = arith.muli %add3A_274, %mul3A_277 : vector<16xi32>
      %add3A_279 = arith.addi %mul3A_278, %add3A_3 : vector<16xi32>
      tpu.vector_store_idx %arg7[%add3A_279], %gather3A_275 : memref<16384xf32, #tpu.memory_space<vmem>>[vector<16xi32>], vector<16xf32>,
      %xor3A_280 = arith.constant 1 : i32
      %xor3A_281 = vector.broadcast %xor3A_280 : i32 to vector<16xi32>
      %xor3A_282 = arith.xori %iota3A, %xor3A_281 : vector<16xi32>
      %add3A_283 = vector.broadcast %mul3A_111 : i32 to vector<16xi32>
      %add3A_284 = arith.addi %xor3A_282, %add3A_283 : vector<16xi32>
      %gather3A_285 = tpu.vector_load_idx %arg5[%add3A_3, %add3A_284] : memref<32x512xf32, #tpu.memory_space<vmem>>[vector<16xi32>, vector<16xi32>], vector<16xf32>,
      %mul3A_286 = arith.constant 32 : i32
      %mul3A_287 = vector.broadcast %mul3A_286 : i32 to vector<16xi32>
      %mul3A_288 = arith.muli %add3A_284, %mul3A_287 : vector<16xi32>
      %add3A_289 = arith.addi %mul3A_288, %add3A_3 : vector<16xi32>
      tpu.vector_store_idx %arg7[%add3A_289], %gather3A_285 : memref<16384xf32, #tpu.memory_space<vmem>>[vector<16xi32>], vector<16xf32>,
      %xor3A_290 = arith.constant 2 : i32
      %xor3A_291 = vector.broadcast %xor3A_290 : i32 to vector<16xi32>
      %xor3A_292 = arith.xori %iota3A, %xor3A_291 : vector<16xi32>
      %add3A_293 = vector.broadcast %mul3A_111 : i32 to vector<16xi32>
      %add3A_294 = arith.addi %xor3A_292, %add3A_293 : vector<16xi32>
      %gather3A_295 = tpu.vector_load_idx %arg5[%add3A_3, %add3A_294] : memref<32x512xf32, #tpu.memory_space<vmem>>[vector<16xi32>, vector<16xi32>], vector<16xf32>,
      %mul3A_296 = arith.constant 32 : i32
      %mul3A_297 = vector.broadcast %mul3A_296 : i32 to vector<16xi32>
      %mul3A_298 = arith.muli %add3A_294, %mul3A_297 : vector<16xi32>
      %add3A_299 = arith.addi %mul3A_298, %add3A_3 : vector<16xi32>
      tpu.vector_store_idx %arg7[%add3A_299], %gather3A_295 : memref<16384xf32, #tpu.memory_space<vmem>>[vector<16xi32>], vector<16xf32>,
      %xor3A_300 = arith.constant 3 : i32
      %xor3A_301 = vector.broadcast %xor3A_300 : i32 to vector<16xi32>
      %xor3A_302 = arith.xori %iota3A, %xor3A_301 : vector<16xi32>
      %add3A_303 = vector.broadcast %mul3A_111 : i32 to vector<16xi32>
      %add3A_304 = arith.addi %xor3A_302, %add3A_303 : vector<16xi32>
      %gather3A_305 = tpu.vector_load_idx %arg5[%add3A_3, %add3A_304] : memref<32x512xf32, #tpu.memory_space<vmem>>[vector<16xi32>, vector<16xi32>], vector<16xf32>,
      %mul3A_306 = arith.constant 32 : i32
      %mul3A_307 = vector.broadcast %mul3A_306 : i32 to vector<16xi32>
      %mul3A_308 = arith.muli %add3A_304, %mul3A_307 : vector<16xi32>
      %add3A_309 = arith.addi %mul3A_308, %add3A_3 : vector<16xi32>
      tpu.vector_store_idx %arg7[%add3A_309], %gather3A_305 : memref<16384xf32, #tpu.memory_space<vmem>>[vector<16xi32>], vector<16xf32>,
      %xor3A_310 = arith.constant 4 : i32
      %xor3A_311 = vector.broadcast %xor3A_310 : i32 to vector<16xi32>
      %xor3A_312 = arith.xori %iota3A, %xor3A_311 : vector<16xi32>
      %add3A_313 = vector.broadcast %mul3A_111 : i32 to vector<16xi32>
      %add3A_314 = arith.addi %xor3A_312, %add3A_313 : vector<16xi32>
      %gather3A_315 = tpu.vector_load_idx %arg5[%add3A_3, %add3A_314] : memref<32x512xf32, #tpu.memory_space<vmem>>[vector<16xi32>, vector<16xi32>], vector<16xf32>,
      %mul3A_316 = arith.constant 32 : i32
      %mul3A_317 = vector.broadcast %mul3A_316 : i32 to vector<16xi32>
      %mul3A_318 = arith.muli %add3A_314, %mul3A_317 : vector<16xi32>
      %add3A_319 = arith.addi %mul3A_318, %add3A_3 : vector<16xi32>
      tpu.vector_store_idx %arg7[%add3A_319], %gather3A_315 : memref<16384xf32, #tpu.memory_space<vmem>>[vector<16xi32>], vector<16xf32>,
      %xor3A_320 = arith.constant 5 : i32
      %xor3A_321 = vector.broadcast %xor3A_320 : i32 to vector<16xi32>
      %xor3A_322 = arith.xori %iota3A, %xor3A_321 : vector<16xi32>
      %add3A_323 = vector.broadcast %mul3A_111 : i32 to vector<16xi32>
      %add3A_324 = arith.addi %xor3A_322, %add3A_323 : vector<16xi32>
      %gather3A_325 = tpu.vector_load_idx %arg5[%add3A_3, %add3A_324] : memref<32x512xf32, #tpu.memory_space<vmem>>[vector<16xi32>, vector<16xi32>], vector<16xf32>,
      %mul3A_326 = arith.constant 32 : i32
      %mul3A_327 = vector.broadcast %mul3A_326 : i32 to vector<16xi32>
      %mul3A_328 = arith.muli %add3A_324, %mul3A_327 : vector<16xi32>
      %add3A_329 = arith.addi %mul3A_328, %add3A_3 : vector<16xi32>
      tpu.vector_store_idx %arg7[%add3A_329], %gather3A_325 : memref<16384xf32, #tpu.memory_space<vmem>>[vector<16xi32>], vector<16xf32>,
      %xor3A_330 = arith.constant 6 : i32
      %xor3A_331 = vector.broadcast %xor3A_330 : i32 to vector<16xi32>
      %xor3A_332 = arith.xori %iota3A, %xor3A_331 : vector<16xi32>
      %add3A_333 = vector.broadcast %mul3A_111 : i32 to vector<16xi32>
      %add3A_334 = arith.addi %xor3A_332, %add3A_333 : vector<16xi32>
      %gather3A_335 = tpu.vector_load_idx %arg5[%add3A_3, %add3A_334] : memref<32x512xf32, #tpu.memory_space<vmem>>[vector<16xi32>, vector<16xi32>], vector<16xf32>,
      %mul3A_336 = arith.constant 32 : i32
      %mul3A_337 = vector.broadcast %mul3A_336 : i32 to vector<16xi32>
      %mul3A_338 = arith.muli %add3A_334, %mul3A_337 : vector<16xi32>
      %add3A_339 = arith.addi %mul3A_338, %add3A_3 : vector<16xi32>
      tpu.vector_store_idx %arg7[%add3A_339], %gather3A_335 : memref<16384xf32, #tpu.memory_space<vmem>>[vector<16xi32>], vector<16xf32>,
      %xor3A_340 = arith.constant 7 : i32
      %xor3A_341 = vector.broadcast %xor3A_340 : i32 to vector<16xi32>
      %xor3A_342 = arith.xori %iota3A, %xor3A_341 : vector<16xi32>
      %add3A_343 = vector.broadcast %mul3A_111 : i32 to vector<16xi32>
      %add3A_344 = arith.addi %xor3A_342, %add3A_343 : vector<16xi32>
      %gather3A_345 = tpu.vector_load_idx %arg5[%add3A_3, %add3A_344] : memref<32x512xf32, #tpu.memory_space<vmem>>[vector<16xi32>, vector<16xi32>], vector<16xf32>,
      %mul3A_346 = arith.constant 32 : i32
      %mul3A_347 = vector.broadcast %mul3A_346 : i32 to vector<16xi32>
      %mul3A_348 = arith.muli %add3A_344, %mul3A_347 : vector<16xi32>
      %add3A_349 = arith.addi %mul3A_348, %add3A_3 : vector<16xi32>
      tpu.vector_store_idx %arg7[%add3A_349], %gather3A_345 : memref<16384xf32, #tpu.memory_space<vmem>>[vector<16xi32>], vector<16xf32>,
      %xor3A_350 = arith.constant 8 : i32
      %xor3A_351 = vector.broadcast %xor3A_350 : i32 to vector<16xi32>
      %xor3A_352 = arith.xori %iota3A, %xor3A_351 : vector<16xi32>
      %add3A_353 = vector.broadcast %mul3A_111 : i32 to vector<16xi32>
      %add3A_354 = arith.addi %xor3A_352, %add3A_353 : vector<16xi32>
      %gather3A_355 = tpu.vector_load_idx %arg5[%add3A_3, %add3A_354] : memref<32x512xf32, #tpu.memory_space<vmem>>[vector<16xi32>, vector<16xi32>], vector<16xf32>,
      %mul3A_356 = arith.constant 32 : i32
      %mul3A_357 = vector.broadcast %mul3A_356 : i32 to vector<16xi32>
      %mul3A_358 = arith.muli %add3A_354, %mul3A_357 : vector<16xi32>
      %add3A_359 = arith.addi %mul3A_358, %add3A_3 : vector<16xi32>
      tpu.vector_store_idx %arg7[%add3A_359], %gather3A_355 : memref<16384xf32, #tpu.memory_space<vmem>>[vector<16xi32>], vector<16xf32>,
      %xor3A_360 = arith.constant 9 : i32
      %xor3A_361 = vector.broadcast %xor3A_360 : i32 to vector<16xi32>
      %xor3A_362 = arith.xori %iota3A, %xor3A_361 : vector<16xi32>
      %add3A_363 = vector.broadcast %mul3A_111 : i32 to vector<16xi32>
      %add3A_364 = arith.addi %xor3A_362, %add3A_363 : vector<16xi32>
      %gather3A_365 = tpu.vector_load_idx %arg5[%add3A_3, %add3A_364] : memref<32x512xf32, #tpu.memory_space<vmem>>[vector<16xi32>, vector<16xi32>], vector<16xf32>,
      %mul3A_366 = arith.constant 32 : i32
      %mul3A_367 = vector.broadcast %mul3A_366 : i32 to vector<16xi32>
      %mul3A_368 = arith.muli %add3A_364, %mul3A_367 : vector<16xi32>
      %add3A_369 = arith.addi %mul3A_368, %add3A_3 : vector<16xi32>
      tpu.vector_store_idx %arg7[%add3A_369], %gather3A_365 : memref<16384xf32, #tpu.memory_space<vmem>>[vector<16xi32>], vector<16xf32>,
      %xor3A_370 = arith.constant 10 : i32
      %xor3A_371 = vector.broadcast %xor3A_370 : i32 to vector<16xi32>
      %xor3A_372 = arith.xori %iota3A, %xor3A_371 : vector<16xi32>
      %add3A_373 = vector.broadcast %mul3A_111 : i32 to vector<16xi32>
      %add3A_374 = arith.addi %xor3A_372, %add3A_373 : vector<16xi32>
      %gather3A_375 = tpu.vector_load_idx %arg5[%add3A_3, %add3A_374] : memref<32x512xf32, #tpu.memory_space<vmem>>[vector<16xi32>, vector<16xi32>], vector<16xf32>,
      %mul3A_376 = arith.constant 32 : i32
      %mul3A_377 = vector.broadcast %mul3A_376 : i32 to vector<16xi32>
      %mul3A_378 = arith.muli %add3A_374, %mul3A_377 : vector<16xi32>
      %add3A_379 = arith.addi %mul3A_378, %add3A_3 : vector<16xi32>
      tpu.vector_store_idx %arg7[%add3A_379], %gather3A_375 : memref<16384xf32, #tpu.memory_space<vmem>>[vector<16xi32>], vector<16xf32>,
      %xor3A_380 = arith.constant 11 : i32
      %xor3A_381 = vector.broadcast %xor3A_380 : i32 to vector<16xi32>
      %xor3A_382 = arith.xori %iota3A, %xor3A_381 : vector<16xi32>
      %add3A_383 = vector.broadcast %mul3A_111 : i32 to vector<16xi32>
      %add3A_384 = arith.addi %xor3A_382, %add3A_383 : vector<16xi32>
      %gather3A_385 = tpu.vector_load_idx %arg5[%add3A_3, %add3A_384] : memref<32x512xf32, #tpu.memory_space<vmem>>[vector<16xi32>, vector<16xi32>], vector<16xf32>,
      %mul3A_386 = arith.constant 32 : i32
      %mul3A_387 = vector.broadcast %mul3A_386 : i32 to vector<16xi32>
      %mul3A_388 = arith.muli %add3A_384, %mul3A_387 : vector<16xi32>
      %add3A_389 = arith.addi %mul3A_388, %add3A_3 : vector<16xi32>
      tpu.vector_store_idx %arg7[%add3A_389], %gather3A_385 : memref<16384xf32, #tpu.memory_space<vmem>>[vector<16xi32>], vector<16xf32>,
      %xor3A_390 = arith.constant 12 : i32
      %xor3A_391 = vector.broadcast %xor3A_390 : i32 to vector<16xi32>
      %xor3A_392 = arith.xori %iota3A, %xor3A_391 : vector<16xi32>
      %add3A_393 = vector.broadcast %mul3A_111 : i32 to vector<16xi32>
      %add3A_394 = arith.addi %xor3A_392, %add3A_393 : vector<16xi32>
      %gather3A_395 = tpu.vector_load_idx %arg5[%add3A_3, %add3A_394] : memref<32x512xf32, #tpu.memory_space<vmem>>[vector<16xi32>, vector<16xi32>], vector<16xf32>,
      %mul3A_396 = arith.constant 32 : i32
      %mul3A_397 = vector.broadcast %mul3A_396 : i32 to vector<16xi32>
      %mul3A_398 = arith.muli %add3A_394, %mul3A_397 : vector<16xi32>
      %add3A_399 = arith.addi %mul3A_398, %add3A_3 : vector<16xi32>
      tpu.vector_store_idx %arg7[%add3A_399], %gather3A_395 : memref<16384xf32, #tpu.memory_space<vmem>>[vector<16xi32>], vector<16xf32>,
      %xor3A_400 = arith.constant 13 : i32
      %xor3A_401 = vector.broadcast %xor3A_400 : i32 to vector<16xi32>
      %xor3A_402 = arith.xori %iota3A, %xor3A_401 : vector<16xi32>
      %add3A_403 = vector.broadcast %mul3A_111 : i32 to vector<16xi32>
      %add3A_404 = arith.addi %xor3A_402, %add3A_403 : vector<16xi32>
      %gather3A_405 = tpu.vector_load_idx %arg5[%add3A_3, %add3A_404] : memref<32x512xf32, #tpu.memory_space<vmem>>[vector<16xi32>, vector<16xi32>], vector<16xf32>,
      %mul3A_406 = arith.constant 32 : i32
      %mul3A_407 = vector.broadcast %mul3A_406 : i32 to vector<16xi32>
      %mul3A_408 = arith.muli %add3A_404, %mul3A_407 : vector<16xi32>
      %add3A_409 = arith.addi %mul3A_408, %add3A_3 : vector<16xi32>
      tpu.vector_store_idx %arg7[%add3A_409], %gather3A_405 : memref<16384xf32, #tpu.memory_space<vmem>>[vector<16xi32>], vector<16xf32>,
      %xor3A_410 = arith.constant 14 : i32
      %xor3A_411 = vector.broadcast %xor3A_410 : i32 to vector<16xi32>
      %xor3A_412 = arith.xori %iota3A, %xor3A_411 : vector<16xi32>
      %add3A_413 = vector.broadcast %mul3A_111 : i32 to vector<16xi32>
      %add3A_414 = arith.addi %xor3A_412, %add3A_413 : vector<16xi32>
      %gather3A_415 = tpu.vector_load_idx %arg5[%add3A_3, %add3A_414] : memref<32x512xf32, #tpu.memory_space<vmem>>[vector<16xi32>, vector<16xi32>], vector<16xf32>,
      %mul3A_416 = arith.constant 32 : i32
      %mul3A_417 = vector.broadcast %mul3A_416 : i32 to vector<16xi32>
      %mul3A_418 = arith.muli %add3A_414, %mul3A_417 : vector<16xi32>
      %add3A_419 = arith.addi %mul3A_418, %add3A_3 : vector<16xi32>
      tpu.vector_store_idx %arg7[%add3A_419], %gather3A_415 : memref<16384xf32, #tpu.memory_space<vmem>>[vector<16xi32>], vector<16xf32>,
      %xor3A_420 = arith.constant 15 : i32
      %xor3A_421 = vector.broadcast %xor3A_420 : i32 to vector<16xi32>
      %xor3A_422 = arith.xori %iota3A, %xor3A_421 : vector<16xi32>
      %add3A_423 = vector.broadcast %mul3A_111 : i32 to vector<16xi32>
      %add3A_424 = arith.addi %xor3A_422, %add3A_423 : vector<16xi32>
      %gather3A_425 = tpu.vector_load_idx %arg5[%add3A_3, %add3A_424] : memref<32x512xf32, #tpu.memory_space<vmem>>[vector<16xi32>, vector<16xi32>], vector<16xf32>,
      %mul3A_426 = arith.constant 32 : i32
      %mul3A_427 = vector.broadcast %mul3A_426 : i32 to vector<16xi32>
      %mul3A_428 = arith.muli %add3A_424, %mul3A_427 : vector<16xi32>
      %add3A_429 = arith.addi %mul3A_428, %add3A_3 : vector<16xi32>
      tpu.vector_store_idx %arg7[%add3A_429], %gather3A_425 : memref<16384xf32, #tpu.memory_space<vmem>>[vector<16xi32>], vector<16xf32>,
    }
    %scan3A_52 = arith.constant 32 : i32
    %mul3A_53 = arith.constant 159 : i32
    %mul3A_54 = arith.muli %add3A, %mul3A_53 : i32
    %add3A_55 = arith.constant 158 : i32
    %add3A_56 = arith.addi %mul3A_54, %add3A_55 : i32
    %min3A_57 = arith.constant 5069 : i32
    %min3A_58 = arith.minsi %add3A_56, %min3A_57 : i32
    %jit3A_59 = arith.constant 195 : i32
    %div3A_60 = arith.divsi %min3A_58, %jit3A_59 : i32
    %sign3A_61 = arith.constant 0 : i32
    %sign3A_62 = arith.cmpi sgt, %min3A_58, %sign3A_61 : i32
    %sign3A_63 = arith.extui %sign3A_62 : i1 to i32
    %sign3A_64 = arith.constant 0 : i32
    %sign3A_65 = arith.cmpi slt, %min3A_58, %sign3A_64 : i32
    %sign3A_66 = arith.extui %sign3A_65 : i1 to i32
    %sign3A_67 = arith.subi %sign3A_63, %sign3A_66 : i32
    %sign3A_68 = arith.constant 0 : i32
    %sign3A_69 = arith.cmpi sgt, %jit3A_59, %sign3A_68 : i32
    %sign3A_70 = arith.extui %sign3A_69 : i1 to i32
    %sign3A_71 = arith.constant 0 : i32
    %sign3A_72 = arith.cmpi slt, %jit3A_59, %sign3A_71 : i32
    %sign3A_73 = arith.extui %sign3A_72 : i1 to i32
    %sign3A_74 = arith.subi %sign3A_70, %sign3A_73 : i32
    %ne3A_75 = arith.cmpi ne, %sign3A_67, %sign3A_74 : i32
    %rem3A_76 = arith.remsi %min3A_58, %jit3A_59 : i32
    %ne3A_77 = arith.constant 0 : i32
    %ne3A_78 = arith.cmpi ne, %rem3A_76, %ne3A_77 : i32
    %and3A_79 = arith.andi %ne3A_75, %ne3A_78 : i1
    %sub3A_80 = arith.constant 1 : i32
    %sub3A_81 = arith.subi %div3A_60, %sub3A_80 : i32
    %select_n3A_82 = arith.select %and3A_79, %sub3A_81, %div3A_60 : i32
    %mul3A_83 = arith.constant 195 : i32
    %mul3A_84 = arith.muli %select_n3A_82, %mul3A_83 : i32
    %sub3A_85 = arith.subi %min3A_58, %mul3A_84 : i32
    %mul3A_86 = arith.constant 32 : i32
    %mul3A_87 = arith.muli %select_n3A_82, %mul3A_86 : i32
    %mul3A_88 = arith.constant 512 : i32
    %mul3A_89 = arith.muli %sub3A_85, %mul3A_88 : i32
    %mul3A_90 = arith.constant 100001 : i32
    %mul3A_91 = arith.muli %select_n3A_82, %mul3A_90 : i32
    %mul3A_92 = arith.constant 512 : i32
    %mul3A_93 = arith.muli %sub3A_85, %mul3A_92 : i32
    %add3A_94 = arith.addi %mul3A_91, %mul3A_93 : i32
    %mul3A_95 = arith.constant 32 : i32
    %mul3A_96 = arith.muli %add3A_94, %mul3A_95 : i32
    %dma_start3A_97 = tpu.memref_slice %arg4[%mul3A_96] : memref<83200832xf32, #tpu.memory_space<hbm>> -> memref<16384xf32, #tpu.memory_space<hbm>>
    %dma_start3A_98 = tpu.memref_slice %arg4[%mul3A_96] : memref<83200832xf32, #tpu.memory_space<hbm>> -> memref<16384xf32, #tpu.memory_space<hbm>>
    tpu.enqueue_dma source(%arg7 : memref<16384xf32, #tpu.memory_space<vmem>>) target(%dma_start3A_98 : memref<16384xf32, #tpu.memory_space<hbm>>) target_semaphore(%arg11 : memref<!tpu.dma_semaphore, #tpu.memory_space<semaphore_mem>>)
    %dma_wait3A_99 = arith.constant 0 : i32
    %dma_wait3A_100 = tpu.memref_slice %arg4[%dma_wait3A_99] : memref<83200832xf32, #tpu.memory_space<hbm>> -> memref<16384xf32, #tpu.memory_space<hbm>>
    %dma_wait3A_101 = arith.constant 0 : i32
    %dma_wait3A_102 = tpu.memref_slice %arg4[%dma_wait3A_101] : memref<83200832xf32, #tpu.memory_space<hbm>> -> memref<16384xf32, #tpu.memory_space<hbm>>
    tpu.wait_dma2 semaphore(%arg11 : memref<!tpu.dma_semaphore, #tpu.memory_space<semaphore_mem>>) src(%dma_wait3A_102 : memref<16384xf32, #tpu.memory_space<hbm>>) dst(%arg7 : memref<16384xf32, #tpu.memory_space<vmem>>)
    %dma_wait3A_103 = arith.constant 0 : i32
    %dma_wait3A_104 = tpu.memref_slice %arg4[%dma_wait3A_103] : memref<83200832xf32, #tpu.memory_space<hbm>> -> memref<16384xf32, #tpu.memory_space<hbm>>
    %dma_wait3A_105 = arith.constant 0 : i32
    %dma_wait3A_106 = tpu.memref_slice %arg4[%dma_wait3A_105] : memref<83200832xf32, #tpu.memory_space<hbm>> -> memref<16384xf32, #tpu.memory_space<hbm>>
    tpu.wait_dma2 semaphore(%arg12 : memref<!tpu.dma_semaphore, #tpu.memory_space<semaphore_mem>>) src(%dma_wait3A_106 : memref<16384xf32, #tpu.memory_space<hbm>>) dst(%arg8 : memref<16384xf32, #tpu.memory_space<vmem>>)
    %lt3A = arith.constant 26 : i32
    %lt3A_107 = arith.cmpi slt, %add3A, %lt3A : i32
    %convert_element_type3A = arith.extui %lt3A_107 : i1 to i32
    %cond3A = arith.constant 0 : i32
    %cond3A_108 = arith.cmpi ne, %convert_element_type3A, %cond3A : i32
    scf.if %cond3A_108 {
      %mul3A_109 = arith.constant 161 : i32
      %mul3A_110 = arith.muli %add3A, %mul3A_109 : i32
      %mul3A_111 = arith.constant 32 : i32
      %mul3A_112 = arith.muli %mul3A_110, %mul3A_111 : i32
      "tpu.region"() ({
        %run_scoped3A = tpu.sem_alloc : memref<!tpu.dma_semaphore, #tpu.memory_space<semaphore_mem>>
        %dma_start3A_119 = arith.constant 0 : i32
        %dma_start3A_120 = tpu.memref_slice %arg7[%dma_start3A_119] : memref<16384xf32, #tpu.memory_space<vmem>> -> memref<5152xf32, #tpu.memory_space<vmem>>
        %dma_start3A_121 = tpu.memref_slice %arg3[%mul3A_112] : memref<133952xf32, #tpu.memory_space<hbm>> -> memref<5152xf32, #tpu.memory_space<hbm>>
        %dma_start3A_122 = arith.constant 0 : i32
        %dma_start3A_123 = tpu.memref_slice %arg7[%dma_start3A_122] : memref<16384xf32, #tpu.memory_space<vmem>> -> memref<5152xf32, #tpu.memory_space<vmem>>
        %dma_start3A_124 = tpu.memref_slice %arg3[%mul3A_112] : memref<133952xf32, #tpu.memory_space<hbm>> -> memref<5152xf32, #tpu.memory_space<hbm>>
        tpu.enqueue_dma source(%dma_start3A_124 : memref<5152xf32, #tpu.memory_space<hbm>>) target(%dma_start3A_123 : memref<5152xf32, #tpu.memory_space<vmem>>) target_semaphore(%run_scoped3A : memref<!tpu.dma_semaphore, #tpu.memory_space<semaphore_mem>>)
        %dma_wait3A_125 = arith.constant 0 : i32
        %dma_wait3A_126 = tpu.memref_slice %arg7[%dma_wait3A_125] : memref<16384xf32, #tpu.memory_space<vmem>> -> memref<5152xf32, #tpu.memory_space<vmem>>
        %dma_wait3A_127 = tpu.memref_slice %arg3[%mul3A_112] : memref<133952xf32, #tpu.memory_space<hbm>> -> memref<5152xf32, #tpu.memory_space<hbm>>
        %dma_wait3A_128 = arith.constant 0 : i32
        %dma_wait3A_129 = tpu.memref_slice %arg7[%dma_wait3A_128] : memref<16384xf32, #tpu.memory_space<vmem>> -> memref<5152xf32, #tpu.memory_space<vmem>>
        %dma_wait3A_130 = tpu.memref_slice %arg3[%mul3A_112] : memref<133952xf32, #tpu.memory_space<hbm>> -> memref<5152xf32, #tpu.memory_space<hbm>>
        tpu.wait_dma2 semaphore(%run_scoped3A : memref<!tpu.dma_semaphore, #tpu.memory_space<semaphore_mem>>) src(%dma_wait3A_130 : memref<5152xf32, #tpu.memory_space<hbm>>) dst(%dma_wait3A_129 : memref<5152xf32, #tpu.memory_space<vmem>>)
        tpu.yield
      }) : () -> ()
      %mul3A_113 = arith.constant 100001 : i32
      %mul3A_114 = arith.muli %add3A, %mul3A_113 : i32
      %add3A_115 = arith.constant 99840 : i32
      %add3A_116 = arith.addi %mul3A_114, %add3A_115 : i32
      %mul3A_117 = arith.constant 32 : i32
      %mul3A_118 = arith.muli %add3A_116, %mul3A_117 : i32
      "tpu.region"() ({
        %run_scoped3A = tpu.sem_alloc : memref<!tpu.dma_semaphore, #tpu.memory_space<semaphore_mem>>
        %dma_start3A_119 = arith.constant 0 : i32
        %dma_start3A_120 = tpu.memref_slice %arg7[%dma_start3A_119] : memref<16384xf32, #tpu.memory_space<vmem>> -> memref<5152xf32, #tpu.memory_space<vmem>>
        %dma_start3A_121 = tpu.memref_slice %arg4[%mul3A_118] : memref<83200832xf32, #tpu.memory_space<hbm>> -> memref<5152xf32, #tpu.memory_space<hbm>>
        %dma_start3A_122 = tpu.memref_slice %arg4[%mul3A_118] : memref<83200832xf32, #tpu.memory_space<hbm>> -> memref<5152xf32, #tpu.memory_space<hbm>>
        %dma_start3A_123 = arith.constant 0 : i32
        %dma_start3A_124 = tpu.memref_slice %arg7[%dma_start3A_123] : memref<16384xf32, #tpu.memory_space<vmem>> -> memref<5152xf32, #tpu.memory_space<vmem>>
        tpu.enqueue_dma source(%dma_start3A_124 : memref<5152xf32, #tpu.memory_space<vmem>>) target(%dma_start3A_122 : memref<5152xf32, #tpu.memory_space<hbm>>) target_semaphore(%run_scoped3A : memref<!tpu.dma_semaphore, #tpu.memory_space<semaphore_mem>>)
        %dma_wait3A_125 = arith.constant 0 : i32
        %dma_wait3A_126 = tpu.memref_slice %arg7[%dma_wait3A_125] : memref<16384xf32, #tpu.memory_space<vmem>> -> memref<5152xf32, #tpu.memory_space<vmem>>
        %dma_wait3A_127 = tpu.memref_slice %arg4[%mul3A_118] : memref<83200832xf32, #tpu.memory_space<hbm>> -> memref<5152xf32, #tpu.memory_space<hbm>>
        %dma_wait3A_128 = tpu.memref_slice %arg4[%mul3A_118] : memref<83200832xf32, #tpu.memory_space<hbm>> -> memref<5152xf32, #tpu.memory_space<hbm>>
        %dma_wait3A_129 = arith.constant 0 : i32
        %dma_wait3A_130 = tpu.memref_slice %arg7[%dma_wait3A_129] : memref<16384xf32, #tpu.memory_space<vmem>> -> memref<5152xf32, #tpu.memory_space<vmem>>
        tpu.wait_dma2 semaphore(%run_scoped3A : memref<!tpu.dma_semaphore, #tpu.memory_space<semaphore_mem>>) src(%dma_wait3A_130 : memref<5152xf32, #tpu.memory_space<vmem>>) dst(%dma_wait3A_128 : memref<5152xf32, #tpu.memory_space<hbm>>)
        tpu.yield
      }) : () -> ()
    } else {
    }
    return
  }
}

#map = affine_map<(d0, d1) -> (0, 0)>
module attributes {stable_mosaic.version = 14 : i64} {
  func.func @body(%arg0: i32, %arg1: i32, %arg2: memref<16384x128xi32, #tpu.memory_space<hbm>>, %arg3: memref<2600026x32xf32, #tpu.memory_space<hbm>>, %arg4: memref<16384x128xf32, #tpu.memory_space<hbm>>, %arg5: memref<16384x32xf32, #tpu.memory_space<hbm>>, %arg6: memref<64x128xi32, #tpu.memory_space<vmem>>, %arg7: memref<1680xi32, #tpu.memory_space<vmem>>, %arg8: memref<1664x32xf32, #tpu.memory_space<vmem>>, %arg9: memref<64x128xf32, #tpu.memory_space<vmem>>, %arg10: memref<64x32xf32, #tpu.memory_space<vmem>>, %arg11: memref<!tpu.dma_semaphore, #tpu.memory_space<semaphore_mem>>) attributes {dimension_semantics = [#tpu.dimension_semantics<core_parallel>, #tpu.dimension_semantics<subcore_parallel>], iteration_bounds = array<i64: 2, 16>, scalar_prefetch = 0 : i64, scratch_operands = 6 : i64, tpu.core_type = #tpu.core_type<sc_vector_subcore>, window_params = [{transform_indices = #map}, {transform_indices = #map}, {transform_indices = #map}, {transform_indices = #map}]} {
    %mul3A = arith.constant 2 : i32
    %mul3A_0 = arith.muli %arg1, %mul3A : i32
    %add3A = arith.addi %mul3A_0, %arg0 : i32
    %mul3A_1 = arith.constant 512 : i32
    %mul3A_2 = arith.muli %add3A, %mul3A_1 : i32
    %scan3A = arith.constant 0 : i32
    %scan3A_3 = arith.constant 0 : i32
    %scan3A_4 = arith.constant 8 : i32
    %scan3A_5 = arith.addi %scan3A_3, %scan3A_4 : i32
    %scan3A_6 = arith.constant 1 : i32
    scf.for %scan3A_8 = %scan3A_3 to %scan3A_5 step %scan3A_6  : i32 {
      %mul3A_9 = arith.constant 64 : i32
      %mul3A_10 = arith.muli %scan3A_8, %mul3A_9 : i32
      %add3A_11 = arith.addi %mul3A_2, %mul3A_10 : i32
      "tpu.region"() ({
        %run_scoped3A = tpu.sem_alloc : memref<!tpu.dma_semaphore, #tpu.memory_space<semaphore_mem>>
        %dma_start3A_230 = arith.constant 0 : i32
        %dma_start3A_231 = tpu.memref_slice %arg2[%add3A_11, %dma_start3A_230] : memref<16384x128xi32, #tpu.memory_space<hbm>> -> memref<64x128xi32, #tpu.memory_space<hbm>>
        %dma_start3A_232 = arith.constant 0 : i32
        %dma_start3A_233 = tpu.memref_slice %arg2[%add3A_11, %dma_start3A_232] : memref<16384x128xi32, #tpu.memory_space<hbm>> -> memref<64x128xi32, #tpu.memory_space<hbm>>
        tpu.enqueue_dma source(%dma_start3A_233 : memref<64x128xi32, #tpu.memory_space<hbm>>) target(%arg6 : memref<64x128xi32, #tpu.memory_space<vmem>>) target_semaphore(%run_scoped3A : memref<!tpu.dma_semaphore, #tpu.memory_space<semaphore_mem>>)
        %dma_wait3A_234 = arith.constant 0 : i32
        %dma_wait3A_235 = tpu.memref_slice %arg2[%add3A_11, %dma_wait3A_234] : memref<16384x128xi32, #tpu.memory_space<hbm>> -> memref<64x128xi32, #tpu.memory_space<hbm>>
        %dma_wait3A_236 = arith.constant 0 : i32
        %dma_wait3A_237 = tpu.memref_slice %arg2[%add3A_11, %dma_wait3A_236] : memref<16384x128xi32, #tpu.memory_space<hbm>> -> memref<64x128xi32, #tpu.memory_space<hbm>>
        tpu.wait_dma2 semaphore(%run_scoped3A : memref<!tpu.dma_semaphore, #tpu.memory_space<semaphore_mem>>) src(%dma_wait3A_237 : memref<64x128xi32, #tpu.memory_space<hbm>>) dst(%arg6 : memref<64x128xi32, #tpu.memory_space<vmem>>)
        tpu.yield
      }) : () -> ()
      %scan3A_12 = arith.constant 0 : i32
      %scan3A_13 = arith.constant 0 : i32
      %scan3A_14 = arith.constant 64 : i32
      %scan3A_15 = arith.addi %scan3A_13, %scan3A_14 : i32
      %scan3A_16 = arith.constant 1 : i32
      scf.for %scan3A_230 = %scan3A_13 to %scan3A_15 step %scan3A_16  : i32 {
        %get3A = arith.index_cast %scan3A_230 : i32 to index
        %get3A_231 = arith.constant 0 : index
        %get3A_232 = tpu.vector_load %arg6[%get3A, %get3A_231] {strides = array<i32>} : memref<64x128xi32, #tpu.memory_space<vmem>>, vector<1x16xi32>,
        %get3A_233 = vector.shape_cast %get3A_232 : vector<1x16xi32> to vector<16xi32>
        %mul3A_234 = arith.constant 26 : i32
        %mul3A_235 = arith.muli %scan3A_230, %mul3A_234 : i32
        %swap3A = arith.index_cast %mul3A_235 : i32 to index
        %swap3A_236 = tpu.vector_load %arg7[%swap3A] {strides = array<i32>} : memref<1680xi32, #tpu.memory_space<vmem>>, vector<16xi32>,
        %swap3A_237 = vector.shape_cast %swap3A_236 : vector<16xi32> to vector<16xi32>
        %swap3A_238 = vector.shape_cast %get3A_233 : vector<16xi32> to vector<16xi32>
        tpu.vector_store %arg7[%swap3A], %swap3A_238 {strides = array<i32>} : memref<1680xi32, #tpu.memory_space<vmem>>, vector<16xi32>,
        %get3A_239 = arith.index_cast %scan3A_230 : i32 to index
        %get3A_240 = arith.constant 16 : index
        %get3A_241 = tpu.vector_load %arg6[%get3A_239, %get3A_240] {strides = array<i32>} : memref<64x128xi32, #tpu.memory_space<vmem>>, vector<1x16xi32>,
        %get3A_242 = vector.shape_cast %get3A_241 : vector<1x16xi32> to vector<16xi32>
        %mul3A_243 = arith.constant 26 : i32
        %mul3A_244 = arith.muli %scan3A_230, %mul3A_243 : i32
        %add3A_245 = arith.constant 16 : i32
        %add3A_246 = arith.addi %mul3A_244, %add3A_245 : i32
        %swap3A_247 = arith.index_cast %add3A_246 : i32 to index
        %swap3A_248 = tpu.vector_load %arg7[%swap3A_247] {strides = array<i32>} : memref<1680xi32, #tpu.memory_space<vmem>>, vector<16xi32>,
        %swap3A_249 = vector.shape_cast %swap3A_248 : vector<16xi32> to vector<16xi32>
        %swap3A_250 = vector.shape_cast %get3A_242 : vector<16xi32> to vector<16xi32>
        tpu.vector_store %arg7[%swap3A_247], %swap3A_250 {strides = array<i32>} : memref<1680xi32, #tpu.memory_space<vmem>>, vector<16xi32>,
      }
      %scan3A_17 = arith.constant 64 : i32
      %dma_start3A = arith.constant 0 : i32
      %dma_start3A_18 = arith.constant 0 : i32
      %dma_start3A_19 = tpu.memref_slice %arg8[%dma_start3A, %dma_start3A_18] : memref<1664x32xf32, #tpu.memory_space<vmem>> -> memref<128x32xf32, #tpu.memory_space<vmem>>
      %dma_start3A_20 = arith.constant 0 : i32
      %dma_start3A_21 = tpu.memref_slice %arg7[%dma_start3A_20] : memref<1680xi32, #tpu.memory_space<vmem>> -> memref<128xi32, #tpu.memory_space<vmem>>
      %dma_start3A_22 = arith.constant 0 : i32
      %dma_start3A_23 = arith.constant 0 : i32
      %dma_start3A_24 = tpu.memref_slice %arg3[%dma_start3A_22, %dma_start3A_23] : memref<2600026x32xf32, #tpu.memory_space<hbm>> -> memref<2600026x32xf32, #tpu.memory_space<hbm>>
      tpu.enqueue_indirect_dma source(%dma_start3A_24 : memref<2600026x32xf32, #tpu.memory_space<hbm>>) target(%dma_start3A_19 : memref<128x32xf32, #tpu.memory_space<vmem>>) offsets(%dma_start3A_21 : memref<128xi32, #tpu.memory_space<vmem>>) semaphore(%arg11 : memref<!tpu.dma_semaphore, #tpu.memory_space<semaphore_mem>>)
      %dma_start3A_25 = arith.constant 128 : i32
      %dma_start3A_26 = arith.constant 0 : i32
      %dma_start3A_27 = tpu.memref_slice %arg8[%dma_start3A_25, %dma_start3A_26] : memref<1664x32xf32, #tpu.memory_space<vmem>> -> memref<128x32xf32, #tpu.memory_space<vmem>>
      %dma_start3A_28 = arith.constant 128 : i32
      %dma_start3A_29 = tpu.memref_slice %arg7[%dma_start3A_28] : memref<1680xi32, #tpu.memory_space<vmem>> -> memref<128xi32, #tpu.memory_space<vmem>>
      %dma_start3A_30 = arith.constant 0 : i32
      %dma_start3A_31 = arith.constant 0 : i32
      %dma_start3A_32 = tpu.memref_slice %arg3[%dma_start3A_30, %dma_start3A_31] : memref<2600026x32xf32, #tpu.memory_space<hbm>> -> memref<2600026x32xf32, #tpu.memory_space<hbm>>
      tpu.enqueue_indirect_dma source(%dma_start3A_32 : memref<2600026x32xf32, #tpu.memory_space<hbm>>) target(%dma_start3A_27 : memref<128x32xf32, #tpu.memory_space<vmem>>) offsets(%dma_start3A_29 : memref<128xi32, #tpu.memory_space<vmem>>) semaphore(%arg11 : memref<!tpu.dma_semaphore, #tpu.memory_space<semaphore_mem>>)
      %dma_start3A_33 = arith.constant 256 : i32
      %dma_start3A_34 = arith.constant 0 : i32
      %dma_start3A_35 = tpu.memref_slice %arg8[%dma_start3A_33, %dma_start3A_34] : memref<1664x32xf32, #tpu.memory_space<vmem>> -> memref<128x32xf32, #tpu.memory_space<vmem>>
      %dma_start3A_36 = arith.constant 256 : i32
      %dma_start3A_37 = tpu.memref_slice %arg7[%dma_start3A_36] : memref<1680xi32, #tpu.memory_space<vmem>> -> memref<128xi32, #tpu.memory_space<vmem>>
      %dma_start3A_38 = arith.constant 0 : i32
      %dma_start3A_39 = arith.constant 0 : i32
      %dma_start3A_40 = tpu.memref_slice %arg3[%dma_start3A_38, %dma_start3A_39] : memref<2600026x32xf32, #tpu.memory_space<hbm>> -> memref<2600026x32xf32, #tpu.memory_space<hbm>>
      tpu.enqueue_indirect_dma source(%dma_start3A_40 : memref<2600026x32xf32, #tpu.memory_space<hbm>>) target(%dma_start3A_35 : memref<128x32xf32, #tpu.memory_space<vmem>>) offsets(%dma_start3A_37 : memref<128xi32, #tpu.memory_space<vmem>>) semaphore(%arg11 : memref<!tpu.dma_semaphore, #tpu.memory_space<semaphore_mem>>)
      %dma_start3A_41 = arith.constant 384 : i32
      %dma_start3A_42 = arith.constant 0 : i32
      %dma_start3A_43 = tpu.memref_slice %arg8[%dma_start3A_41, %dma_start3A_42] : memref<1664x32xf32, #tpu.memory_space<vmem>> -> memref<128x32xf32, #tpu.memory_space<vmem>>
      %dma_start3A_44 = arith.constant 384 : i32
      %dma_start3A_45 = tpu.memref_slice %arg7[%dma_start3A_44] : memref<1680xi32, #tpu.memory_space<vmem>> -> memref<128xi32, #tpu.memory_space<vmem>>
      %dma_start3A_46 = arith.constant 0 : i32
      %dma_start3A_47 = arith.constant 0 : i32
      %dma_start3A_48 = tpu.memref_slice %arg3[%dma_start3A_46, %dma_start3A_47] : memref<2600026x32xf32, #tpu.memory_space<hbm>> -> memref<2600026x32xf32, #tpu.memory_space<hbm>>
      tpu.enqueue_indirect_dma source(%dma_start3A_48 : memref<2600026x32xf32, #tpu.memory_space<hbm>>) target(%dma_start3A_43 : memref<128x32xf32, #tpu.memory_space<vmem>>) offsets(%dma_start3A_45 : memref<128xi32, #tpu.memory_space<vmem>>) semaphore(%arg11 : memref<!tpu.dma_semaphore, #tpu.memory_space<semaphore_mem>>)
      %dma_start3A_49 = arith.constant 512 : i32
      %dma_start3A_50 = arith.constant 0 : i32
      %dma_start3A_51 = tpu.memref_slice %arg8[%dma_start3A_49, %dma_start3A_50] : memref<1664x32xf32, #tpu.memory_space<vmem>> -> memref<128x32xf32, #tpu.memory_space<vmem>>
      %dma_start3A_52 = arith.constant 512 : i32
      %dma_start3A_53 = tpu.memref_slice %arg7[%dma_start3A_52] : memref<1680xi32, #tpu.memory_space<vmem>> -> memref<128xi32, #tpu.memory_space<vmem>>
      %dma_start3A_54 = arith.constant 0 : i32
      %dma_start3A_55 = arith.constant 0 : i32
      %dma_start3A_56 = tpu.memref_slice %arg3[%dma_start3A_54, %dma_start3A_55] : memref<2600026x32xf32, #tpu.memory_space<hbm>> -> memref<2600026x32xf32, #tpu.memory_space<hbm>>
      tpu.enqueue_indirect_dma source(%dma_start3A_56 : memref<2600026x32xf32, #tpu.memory_space<hbm>>) target(%dma_start3A_51 : memref<128x32xf32, #tpu.memory_space<vmem>>) offsets(%dma_start3A_53 : memref<128xi32, #tpu.memory_space<vmem>>) semaphore(%arg11 : memref<!tpu.dma_semaphore, #tpu.memory_space<semaphore_mem>>)
      %dma_start3A_57 = arith.constant 640 : i32
      %dma_start3A_58 = arith.constant 0 : i32
      %dma_start3A_59 = tpu.memref_slice %arg8[%dma_start3A_57, %dma_start3A_58] : memref<1664x32xf32, #tpu.memory_space<vmem>> -> memref<128x32xf32, #tpu.memory_space<vmem>>
      %dma_start3A_60 = arith.constant 640 : i32
      %dma_start3A_61 = tpu.memref_slice %arg7[%dma_start3A_60] : memref<1680xi32, #tpu.memory_space<vmem>> -> memref<128xi32, #tpu.memory_space<vmem>>
      %dma_start3A_62 = arith.constant 0 : i32
      %dma_start3A_63 = arith.constant 0 : i32
      %dma_start3A_64 = tpu.memref_slice %arg3[%dma_start3A_62, %dma_start3A_63] : memref<2600026x32xf32, #tpu.memory_space<hbm>> -> memref<2600026x32xf32, #tpu.memory_space<hbm>>
      tpu.enqueue_indirect_dma source(%dma_start3A_64 : memref<2600026x32xf32, #tpu.memory_space<hbm>>) target(%dma_start3A_59 : memref<128x32xf32, #tpu.memory_space<vmem>>) offsets(%dma_start3A_61 : memref<128xi32, #tpu.memory_space<vmem>>) semaphore(%arg11 : memref<!tpu.dma_semaphore, #tpu.memory_space<semaphore_mem>>)
      %dma_start3A_65 = arith.constant 768 : i32
      %dma_start3A_66 = arith.constant 0 : i32
      %dma_start3A_67 = tpu.memref_slice %arg8[%dma_start3A_65, %dma_start3A_66] : memref<1664x32xf32, #tpu.memory_space<vmem>> -> memref<128x32xf32, #tpu.memory_space<vmem>>
      %dma_start3A_68 = arith.constant 768 : i32
      %dma_start3A_69 = tpu.memref_slice %arg7[%dma_start3A_68] : memref<1680xi32, #tpu.memory_space<vmem>> -> memref<128xi32, #tpu.memory_space<vmem>>
      %dma_start3A_70 = arith.constant 0 : i32
      %dma_start3A_71 = arith.constant 0 : i32
      %dma_start3A_72 = tpu.memref_slice %arg3[%dma_start3A_70, %dma_start3A_71] : memref<2600026x32xf32, #tpu.memory_space<hbm>> -> memref<2600026x32xf32, #tpu.memory_space<hbm>>
      tpu.enqueue_indirect_dma source(%dma_start3A_72 : memref<2600026x32xf32, #tpu.memory_space<hbm>>) target(%dma_start3A_67 : memref<128x32xf32, #tpu.memory_space<vmem>>) offsets(%dma_start3A_69 : memref<128xi32, #tpu.memory_space<vmem>>) semaphore(%arg11 : memref<!tpu.dma_semaphore, #tpu.memory_space<semaphore_mem>>)
      %dma_start3A_73 = arith.constant 896 : i32
      %dma_start3A_74 = arith.constant 0 : i32
      %dma_start3A_75 = tpu.memref_slice %arg8[%dma_start3A_73, %dma_start3A_74] : memref<1664x32xf32, #tpu.memory_space<vmem>> -> memref<128x32xf32, #tpu.memory_space<vmem>>
      %dma_start3A_76 = arith.constant 896 : i32
      %dma_start3A_77 = tpu.memref_slice %arg7[%dma_start3A_76] : memref<1680xi32, #tpu.memory_space<vmem>> -> memref<128xi32, #tpu.memory_space<vmem>>
      %dma_start3A_78 = arith.constant 0 : i32
      %dma_start3A_79 = arith.constant 0 : i32
      %dma_start3A_80 = tpu.memref_slice %arg3[%dma_start3A_78, %dma_start3A_79] : memref<2600026x32xf32, #tpu.memory_space<hbm>> -> memref<2600026x32xf32, #tpu.memory_space<hbm>>
      tpu.enqueue_indirect_dma source(%dma_start3A_80 : memref<2600026x32xf32, #tpu.memory_space<hbm>>) target(%dma_start3A_75 : memref<128x32xf32, #tpu.memory_space<vmem>>) offsets(%dma_start3A_77 : memref<128xi32, #tpu.memory_space<vmem>>) semaphore(%arg11 : memref<!tpu.dma_semaphore, #tpu.memory_space<semaphore_mem>>)
      %dma_start3A_81 = arith.constant 1024 : i32
      %dma_start3A_82 = arith.constant 0 : i32
      %dma_start3A_83 = tpu.memref_slice %arg8[%dma_start3A_81, %dma_start3A_82] : memref<1664x32xf32, #tpu.memory_space<vmem>> -> memref<128x32xf32, #tpu.memory_space<vmem>>
      %dma_start3A_84 = arith.constant 1024 : i32
      %dma_start3A_85 = tpu.memref_slice %arg7[%dma_start3A_84] : memref<1680xi32, #tpu.memory_space<vmem>> -> memref<128xi32, #tpu.memory_space<vmem>>
      %dma_start3A_86 = arith.constant 0 : i32
      %dma_start3A_87 = arith.constant 0 : i32
      %dma_start3A_88 = tpu.memref_slice %arg3[%dma_start3A_86, %dma_start3A_87] : memref<2600026x32xf32, #tpu.memory_space<hbm>> -> memref<2600026x32xf32, #tpu.memory_space<hbm>>
      tpu.enqueue_indirect_dma source(%dma_start3A_88 : memref<2600026x32xf32, #tpu.memory_space<hbm>>) target(%dma_start3A_83 : memref<128x32xf32, #tpu.memory_space<vmem>>) offsets(%dma_start3A_85 : memref<128xi32, #tpu.memory_space<vmem>>) semaphore(%arg11 : memref<!tpu.dma_semaphore, #tpu.memory_space<semaphore_mem>>)
      %dma_start3A_89 = arith.constant 1152 : i32
      %dma_start3A_90 = arith.constant 0 : i32
      %dma_start3A_91 = tpu.memref_slice %arg8[%dma_start3A_89, %dma_start3A_90] : memref<1664x32xf32, #tpu.memory_space<vmem>> -> memref<128x32xf32, #tpu.memory_space<vmem>>
      %dma_start3A_92 = arith.constant 1152 : i32
      %dma_start3A_93 = tpu.memref_slice %arg7[%dma_start3A_92] : memref<1680xi32, #tpu.memory_space<vmem>> -> memref<128xi32, #tpu.memory_space<vmem>>
      %dma_start3A_94 = arith.constant 0 : i32
      %dma_start3A_95 = arith.constant 0 : i32
      %dma_start3A_96 = tpu.memref_slice %arg3[%dma_start3A_94, %dma_start3A_95] : memref<2600026x32xf32, #tpu.memory_space<hbm>> -> memref<2600026x32xf32, #tpu.memory_space<hbm>>
      tpu.enqueue_indirect_dma source(%dma_start3A_96 : memref<2600026x32xf32, #tpu.memory_space<hbm>>) target(%dma_start3A_91 : memref<128x32xf32, #tpu.memory_space<vmem>>) offsets(%dma_start3A_93 : memref<128xi32, #tpu.memory_space<vmem>>) semaphore(%arg11 : memref<!tpu.dma_semaphore, #tpu.memory_space<semaphore_mem>>)
      %dma_start3A_97 = arith.constant 1280 : i32
      %dma_start3A_98 = arith.constant 0 : i32
      %dma_start3A_99 = tpu.memref_slice %arg8[%dma_start3A_97, %dma_start3A_98] : memref<1664x32xf32, #tpu.memory_space<vmem>> -> memref<128x32xf32, #tpu.memory_space<vmem>>
      %dma_start3A_100 = arith.constant 1280 : i32
      %dma_start3A_101 = tpu.memref_slice %arg7[%dma_start3A_100] : memref<1680xi32, #tpu.memory_space<vmem>> -> memref<128xi32, #tpu.memory_space<vmem>>
      %dma_start3A_102 = arith.constant 0 : i32
      %dma_start3A_103 = arith.constant 0 : i32
      %dma_start3A_104 = tpu.memref_slice %arg3[%dma_start3A_102, %dma_start3A_103] : memref<2600026x32xf32, #tpu.memory_space<hbm>> -> memref<2600026x32xf32, #tpu.memory_space<hbm>>
      tpu.enqueue_indirect_dma source(%dma_start3A_104 : memref<2600026x32xf32, #tpu.memory_space<hbm>>) target(%dma_start3A_99 : memref<128x32xf32, #tpu.memory_space<vmem>>) offsets(%dma_start3A_101 : memref<128xi32, #tpu.memory_space<vmem>>) semaphore(%arg11 : memref<!tpu.dma_semaphore, #tpu.memory_space<semaphore_mem>>)
      %dma_start3A_105 = arith.constant 1408 : i32
      %dma_start3A_106 = arith.constant 0 : i32
      %dma_start3A_107 = tpu.memref_slice %arg8[%dma_start3A_105, %dma_start3A_106] : memref<1664x32xf32, #tpu.memory_space<vmem>> -> memref<128x32xf32, #tpu.memory_space<vmem>>
      %dma_start3A_108 = arith.constant 1408 : i32
      %dma_start3A_109 = tpu.memref_slice %arg7[%dma_start3A_108] : memref<1680xi32, #tpu.memory_space<vmem>> -> memref<128xi32, #tpu.memory_space<vmem>>
      %dma_start3A_110 = arith.constant 0 : i32
      %dma_start3A_111 = arith.constant 0 : i32
      %dma_start3A_112 = tpu.memref_slice %arg3[%dma_start3A_110, %dma_start3A_111] : memref<2600026x32xf32, #tpu.memory_space<hbm>> -> memref<2600026x32xf32, #tpu.memory_space<hbm>>
      tpu.enqueue_indirect_dma source(%dma_start3A_112 : memref<2600026x32xf32, #tpu.memory_space<hbm>>) target(%dma_start3A_107 : memref<128x32xf32, #tpu.memory_space<vmem>>) offsets(%dma_start3A_109 : memref<128xi32, #tpu.memory_space<vmem>>) semaphore(%arg11 : memref<!tpu.dma_semaphore, #tpu.memory_space<semaphore_mem>>)
      %dma_start3A_113 = arith.constant 1536 : i32
      %dma_start3A_114 = arith.constant 0 : i32
      %dma_start3A_115 = tpu.memref_slice %arg8[%dma_start3A_113, %dma_start3A_114] : memref<1664x32xf32, #tpu.memory_space<vmem>> -> memref<128x32xf32, #tpu.memory_space<vmem>>
      %dma_start3A_116 = arith.constant 1536 : i32
      %dma_start3A_117 = tpu.memref_slice %arg7[%dma_start3A_116] : memref<1680xi32, #tpu.memory_space<vmem>> -> memref<128xi32, #tpu.memory_space<vmem>>
      %dma_start3A_118 = arith.constant 0 : i32
      %dma_start3A_119 = arith.constant 0 : i32
      %dma_start3A_120 = tpu.memref_slice %arg3[%dma_start3A_118, %dma_start3A_119] : memref<2600026x32xf32, #tpu.memory_space<hbm>> -> memref<2600026x32xf32, #tpu.memory_space<hbm>>
      tpu.enqueue_indirect_dma source(%dma_start3A_120 : memref<2600026x32xf32, #tpu.memory_space<hbm>>) target(%dma_start3A_115 : memref<128x32xf32, #tpu.memory_space<vmem>>) offsets(%dma_start3A_117 : memref<128xi32, #tpu.memory_space<vmem>>) semaphore(%arg11 : memref<!tpu.dma_semaphore, #tpu.memory_space<semaphore_mem>>)
      "tpu.region"() ({
        %run_scoped3A = tpu.sem_alloc : memref<!tpu.dma_semaphore, #tpu.memory_space<semaphore_mem>>
        %dma_start3A_230 = arith.constant 0 : i32
        %dma_start3A_231 = tpu.memref_slice %arg4[%add3A_11, %dma_start3A_230] : memref<16384x128xf32, #tpu.memory_space<hbm>> -> memref<64x128xf32, #tpu.memory_space<hbm>>
        %dma_start3A_232 = arith.constant 0 : i32
        %dma_start3A_233 = tpu.memref_slice %arg4[%add3A_11, %dma_start3A_232] : memref<16384x128xf32, #tpu.memory_space<hbm>> -> memref<64x128xf32, #tpu.memory_space<hbm>>
        tpu.enqueue_dma source(%dma_start3A_233 : memref<64x128xf32, #tpu.memory_space<hbm>>) target(%arg9 : memref<64x128xf32, #tpu.memory_space<vmem>>) target_semaphore(%run_scoped3A : memref<!tpu.dma_semaphore, #tpu.memory_space<semaphore_mem>>)
        %dma_wait3A_234 = arith.constant 0 : i32
        %dma_wait3A_235 = tpu.memref_slice %arg4[%add3A_11, %dma_wait3A_234] : memref<16384x128xf32, #tpu.memory_space<hbm>> -> memref<64x128xf32, #tpu.memory_space<hbm>>
        %dma_wait3A_236 = arith.constant 0 : i32
        %dma_wait3A_237 = tpu.memref_slice %arg4[%add3A_11, %dma_wait3A_236] : memref<16384x128xf32, #tpu.memory_space<hbm>> -> memref<64x128xf32, #tpu.memory_space<hbm>>
        tpu.wait_dma2 semaphore(%run_scoped3A : memref<!tpu.dma_semaphore, #tpu.memory_space<semaphore_mem>>) src(%dma_wait3A_237 : memref<64x128xf32, #tpu.memory_space<hbm>>) dst(%arg9 : memref<64x128xf32, #tpu.memory_space<vmem>>)
        tpu.yield
      }) : () -> ()
      %dma_wait3A = arith.constant 0 : i32
      %dma_wait3A_121 = arith.constant 0 : i32
      %dma_wait3A_122 = tpu.memref_slice %arg8[%dma_wait3A, %dma_wait3A_121] : memref<1664x32xf32, #tpu.memory_space<vmem>> -> memref<128x32xf32, #tpu.memory_space<vmem>>
      %dma_wait3A_123 = arith.constant 0 : i32
      %dma_wait3A_124 = tpu.memref_slice %arg7[%dma_wait3A_123] : memref<1680xi32, #tpu.memory_space<vmem>> -> memref<128xi32, #tpu.memory_space<vmem>>
      %dma_wait3A_125 = arith.constant 0 : i32
      %dma_wait3A_126 = arith.constant 0 : i32
      %dma_wait3A_127 = tpu.memref_slice %arg3[%dma_wait3A_125, %dma_wait3A_126] : memref<2600026x32xf32, #tpu.memory_space<hbm>> -> memref<2600026x32xf32, #tpu.memory_space<hbm>>
      tpu.wait_indirect_dma semaphore(%arg11 : memref<!tpu.dma_semaphore, #tpu.memory_space<semaphore_mem>>) src(%dma_wait3A_127 : memref<2600026x32xf32, #tpu.memory_space<hbm>>) dst(%dma_wait3A_122 : memref<128x32xf32, #tpu.memory_space<vmem>>)
      %dma_wait3A_128 = arith.constant 128 : i32
      %dma_wait3A_129 = arith.constant 0 : i32
      %dma_wait3A_130 = tpu.memref_slice %arg8[%dma_wait3A_128, %dma_wait3A_129] : memref<1664x32xf32, #tpu.memory_space<vmem>> -> memref<128x32xf32, #tpu.memory_space<vmem>>
      %dma_wait3A_131 = arith.constant 128 : i32
      %dma_wait3A_132 = tpu.memref_slice %arg7[%dma_wait3A_131] : memref<1680xi32, #tpu.memory_space<vmem>> -> memref<128xi32, #tpu.memory_space<vmem>>
      %dma_wait3A_133 = arith.constant 0 : i32
      %dma_wait3A_134 = arith.constant 0 : i32
      %dma_wait3A_135 = tpu.memref_slice %arg3[%dma_wait3A_133, %dma_wait3A_134] : memref<2600026x32xf32, #tpu.memory_space<hbm>> -> memref<2600026x32xf32, #tpu.memory_space<hbm>>
      tpu.wait_indirect_dma semaphore(%arg11 : memref<!tpu.dma_semaphore, #tpu.memory_space<semaphore_mem>>) src(%dma_wait3A_135 : memref<2600026x32xf32, #tpu.memory_space<hbm>>) dst(%dma_wait3A_130 : memref<128x32xf32, #tpu.memory_space<vmem>>)
      %dma_wait3A_136 = arith.constant 256 : i32
      %dma_wait3A_137 = arith.constant 0 : i32
      %dma_wait3A_138 = tpu.memref_slice %arg8[%dma_wait3A_136, %dma_wait3A_137] : memref<1664x32xf32, #tpu.memory_space<vmem>> -> memref<128x32xf32, #tpu.memory_space<vmem>>
      %dma_wait3A_139 = arith.constant 256 : i32
      %dma_wait3A_140 = tpu.memref_slice %arg7[%dma_wait3A_139] : memref<1680xi32, #tpu.memory_space<vmem>> -> memref<128xi32, #tpu.memory_space<vmem>>
      %dma_wait3A_141 = arith.constant 0 : i32
      %dma_wait3A_142 = arith.constant 0 : i32
      %dma_wait3A_143 = tpu.memref_slice %arg3[%dma_wait3A_141, %dma_wait3A_142] : memref<2600026x32xf32, #tpu.memory_space<hbm>> -> memref<2600026x32xf32, #tpu.memory_space<hbm>>
      tpu.wait_indirect_dma semaphore(%arg11 : memref<!tpu.dma_semaphore, #tpu.memory_space<semaphore_mem>>) src(%dma_wait3A_143 : memref<2600026x32xf32, #tpu.memory_space<hbm>>) dst(%dma_wait3A_138 : memref<128x32xf32, #tpu.memory_space<vmem>>)
      %dma_wait3A_144 = arith.constant 384 : i32
      %dma_wait3A_145 = arith.constant 0 : i32
      %dma_wait3A_146 = tpu.memref_slice %arg8[%dma_wait3A_144, %dma_wait3A_145] : memref<1664x32xf32, #tpu.memory_space<vmem>> -> memref<128x32xf32, #tpu.memory_space<vmem>>
      %dma_wait3A_147 = arith.constant 384 : i32
      %dma_wait3A_148 = tpu.memref_slice %arg7[%dma_wait3A_147] : memref<1680xi32, #tpu.memory_space<vmem>> -> memref<128xi32, #tpu.memory_space<vmem>>
      %dma_wait3A_149 = arith.constant 0 : i32
      %dma_wait3A_150 = arith.constant 0 : i32
      %dma_wait3A_151 = tpu.memref_slice %arg3[%dma_wait3A_149, %dma_wait3A_150] : memref<2600026x32xf32, #tpu.memory_space<hbm>> -> memref<2600026x32xf32, #tpu.memory_space<hbm>>
      tpu.wait_indirect_dma semaphore(%arg11 : memref<!tpu.dma_semaphore, #tpu.memory_space<semaphore_mem>>) src(%dma_wait3A_151 : memref<2600026x32xf32, #tpu.memory_space<hbm>>) dst(%dma_wait3A_146 : memref<128x32xf32, #tpu.memory_space<vmem>>)
      %dma_wait3A_152 = arith.constant 512 : i32
      %dma_wait3A_153 = arith.constant 0 : i32
      %dma_wait3A_154 = tpu.memref_slice %arg8[%dma_wait3A_152, %dma_wait3A_153] : memref<1664x32xf32, #tpu.memory_space<vmem>> -> memref<128x32xf32, #tpu.memory_space<vmem>>
      %dma_wait3A_155 = arith.constant 512 : i32
      %dma_wait3A_156 = tpu.memref_slice %arg7[%dma_wait3A_155] : memref<1680xi32, #tpu.memory_space<vmem>> -> memref<128xi32, #tpu.memory_space<vmem>>
      %dma_wait3A_157 = arith.constant 0 : i32
      %dma_wait3A_158 = arith.constant 0 : i32
      %dma_wait3A_159 = tpu.memref_slice %arg3[%dma_wait3A_157, %dma_wait3A_158] : memref<2600026x32xf32, #tpu.memory_space<hbm>> -> memref<2600026x32xf32, #tpu.memory_space<hbm>>
      tpu.wait_indirect_dma semaphore(%arg11 : memref<!tpu.dma_semaphore, #tpu.memory_space<semaphore_mem>>) src(%dma_wait3A_159 : memref<2600026x32xf32, #tpu.memory_space<hbm>>) dst(%dma_wait3A_154 : memref<128x32xf32, #tpu.memory_space<vmem>>)
      %dma_wait3A_160 = arith.constant 640 : i32
      %dma_wait3A_161 = arith.constant 0 : i32
      %dma_wait3A_162 = tpu.memref_slice %arg8[%dma_wait3A_160, %dma_wait3A_161] : memref<1664x32xf32, #tpu.memory_space<vmem>> -> memref<128x32xf32, #tpu.memory_space<vmem>>
      %dma_wait3A_163 = arith.constant 640 : i32
      %dma_wait3A_164 = tpu.memref_slice %arg7[%dma_wait3A_163] : memref<1680xi32, #tpu.memory_space<vmem>> -> memref<128xi32, #tpu.memory_space<vmem>>
      %dma_wait3A_165 = arith.constant 0 : i32
      %dma_wait3A_166 = arith.constant 0 : i32
      %dma_wait3A_167 = tpu.memref_slice %arg3[%dma_wait3A_165, %dma_wait3A_166] : memref<2600026x32xf32, #tpu.memory_space<hbm>> -> memref<2600026x32xf32, #tpu.memory_space<hbm>>
      tpu.wait_indirect_dma semaphore(%arg11 : memref<!tpu.dma_semaphore, #tpu.memory_space<semaphore_mem>>) src(%dma_wait3A_167 : memref<2600026x32xf32, #tpu.memory_space<hbm>>) dst(%dma_wait3A_162 : memref<128x32xf32, #tpu.memory_space<vmem>>)
      %dma_wait3A_168 = arith.constant 768 : i32
      %dma_wait3A_169 = arith.constant 0 : i32
      %dma_wait3A_170 = tpu.memref_slice %arg8[%dma_wait3A_168, %dma_wait3A_169] : memref<1664x32xf32, #tpu.memory_space<vmem>> -> memref<128x32xf32, #tpu.memory_space<vmem>>
      %dma_wait3A_171 = arith.constant 768 : i32
      %dma_wait3A_172 = tpu.memref_slice %arg7[%dma_wait3A_171] : memref<1680xi32, #tpu.memory_space<vmem>> -> memref<128xi32, #tpu.memory_space<vmem>>
      %dma_wait3A_173 = arith.constant 0 : i32
      %dma_wait3A_174 = arith.constant 0 : i32
      %dma_wait3A_175 = tpu.memref_slice %arg3[%dma_wait3A_173, %dma_wait3A_174] : memref<2600026x32xf32, #tpu.memory_space<hbm>> -> memref<2600026x32xf32, #tpu.memory_space<hbm>>
      tpu.wait_indirect_dma semaphore(%arg11 : memref<!tpu.dma_semaphore, #tpu.memory_space<semaphore_mem>>) src(%dma_wait3A_175 : memref<2600026x32xf32, #tpu.memory_space<hbm>>) dst(%dma_wait3A_170 : memref<128x32xf32, #tpu.memory_space<vmem>>)
      %dma_wait3A_176 = arith.constant 896 : i32
      %dma_wait3A_177 = arith.constant 0 : i32
      %dma_wait3A_178 = tpu.memref_slice %arg8[%dma_wait3A_176, %dma_wait3A_177] : memref<1664x32xf32, #tpu.memory_space<vmem>> -> memref<128x32xf32, #tpu.memory_space<vmem>>
      %dma_wait3A_179 = arith.constant 896 : i32
      %dma_wait3A_180 = tpu.memref_slice %arg7[%dma_wait3A_179] : memref<1680xi32, #tpu.memory_space<vmem>> -> memref<128xi32, #tpu.memory_space<vmem>>
      %dma_wait3A_181 = arith.constant 0 : i32
      %dma_wait3A_182 = arith.constant 0 : i32
      %dma_wait3A_183 = tpu.memref_slice %arg3[%dma_wait3A_181, %dma_wait3A_182] : memref<2600026x32xf32, #tpu.memory_space<hbm>> -> memref<2600026x32xf32, #tpu.memory_space<hbm>>
      tpu.wait_indirect_dma semaphore(%arg11 : memref<!tpu.dma_semaphore, #tpu.memory_space<semaphore_mem>>) src(%dma_wait3A_183 : memref<2600026x32xf32, #tpu.memory_space<hbm>>) dst(%dma_wait3A_178 : memref<128x32xf32, #tpu.memory_space<vmem>>)
      %dma_wait3A_184 = arith.constant 1024 : i32
      %dma_wait3A_185 = arith.constant 0 : i32
      %dma_wait3A_186 = tpu.memref_slice %arg8[%dma_wait3A_184, %dma_wait3A_185] : memref<1664x32xf32, #tpu.memory_space<vmem>> -> memref<128x32xf32, #tpu.memory_space<vmem>>
      %dma_wait3A_187 = arith.constant 1024 : i32
      %dma_wait3A_188 = tpu.memref_slice %arg7[%dma_wait3A_187] : memref<1680xi32, #tpu.memory_space<vmem>> -> memref<128xi32, #tpu.memory_space<vmem>>
      %dma_wait3A_189 = arith.constant 0 : i32
      %dma_wait3A_190 = arith.constant 0 : i32
      %dma_wait3A_191 = tpu.memref_slice %arg3[%dma_wait3A_189, %dma_wait3A_190] : memref<2600026x32xf32, #tpu.memory_space<hbm>> -> memref<2600026x32xf32, #tpu.memory_space<hbm>>
      tpu.wait_indirect_dma semaphore(%arg11 : memref<!tpu.dma_semaphore, #tpu.memory_space<semaphore_mem>>) src(%dma_wait3A_191 : memref<2600026x32xf32, #tpu.memory_space<hbm>>) dst(%dma_wait3A_186 : memref<128x32xf32, #tpu.memory_space<vmem>>)
      %dma_wait3A_192 = arith.constant 1152 : i32
      %dma_wait3A_193 = arith.constant 0 : i32
      %dma_wait3A_194 = tpu.memref_slice %arg8[%dma_wait3A_192, %dma_wait3A_193] : memref<1664x32xf32, #tpu.memory_space<vmem>> -> memref<128x32xf32, #tpu.memory_space<vmem>>
      %dma_wait3A_195 = arith.constant 1152 : i32
      %dma_wait3A_196 = tpu.memref_slice %arg7[%dma_wait3A_195] : memref<1680xi32, #tpu.memory_space<vmem>> -> memref<128xi32, #tpu.memory_space<vmem>>
      %dma_wait3A_197 = arith.constant 0 : i32
      %dma_wait3A_198 = arith.constant 0 : i32
      %dma_wait3A_199 = tpu.memref_slice %arg3[%dma_wait3A_197, %dma_wait3A_198] : memref<2600026x32xf32, #tpu.memory_space<hbm>> -> memref<2600026x32xf32, #tpu.memory_space<hbm>>
      tpu.wait_indirect_dma semaphore(%arg11 : memref<!tpu.dma_semaphore, #tpu.memory_space<semaphore_mem>>) src(%dma_wait3A_199 : memref<2600026x32xf32, #tpu.memory_space<hbm>>) dst(%dma_wait3A_194 : memref<128x32xf32, #tpu.memory_space<vmem>>)
      %dma_wait3A_200 = arith.constant 1280 : i32
      %dma_wait3A_201 = arith.constant 0 : i32
      %dma_wait3A_202 = tpu.memref_slice %arg8[%dma_wait3A_200, %dma_wait3A_201] : memref<1664x32xf32, #tpu.memory_space<vmem>> -> memref<128x32xf32, #tpu.memory_space<vmem>>
      %dma_wait3A_203 = arith.constant 1280 : i32
      %dma_wait3A_204 = tpu.memref_slice %arg7[%dma_wait3A_203] : memref<1680xi32, #tpu.memory_space<vmem>> -> memref<128xi32, #tpu.memory_space<vmem>>
      %dma_wait3A_205 = arith.constant 0 : i32
      %dma_wait3A_206 = arith.constant 0 : i32
      %dma_wait3A_207 = tpu.memref_slice %arg3[%dma_wait3A_205, %dma_wait3A_206] : memref<2600026x32xf32, #tpu.memory_space<hbm>> -> memref<2600026x32xf32, #tpu.memory_space<hbm>>
      tpu.wait_indirect_dma semaphore(%arg11 : memref<!tpu.dma_semaphore, #tpu.memory_space<semaphore_mem>>) src(%dma_wait3A_207 : memref<2600026x32xf32, #tpu.memory_space<hbm>>) dst(%dma_wait3A_202 : memref<128x32xf32, #tpu.memory_space<vmem>>)
      %dma_wait3A_208 = arith.constant 1408 : i32
      %dma_wait3A_209 = arith.constant 0 : i32
      %dma_wait3A_210 = tpu.memref_slice %arg8[%dma_wait3A_208, %dma_wait3A_209] : memref<1664x32xf32, #tpu.memory_space<vmem>> -> memref<128x32xf32, #tpu.memory_space<vmem>>
      %dma_wait3A_211 = arith.constant 1408 : i32
      %dma_wait3A_212 = tpu.memref_slice %arg7[%dma_wait3A_211] : memref<1680xi32, #tpu.memory_space<vmem>> -> memref<128xi32, #tpu.memory_space<vmem>>
      %dma_wait3A_213 = arith.constant 0 : i32
      %dma_wait3A_214 = arith.constant 0 : i32
      %dma_wait3A_215 = tpu.memref_slice %arg3[%dma_wait3A_213, %dma_wait3A_214] : memref<2600026x32xf32, #tpu.memory_space<hbm>> -> memref<2600026x32xf32, #tpu.memory_space<hbm>>
      tpu.wait_indirect_dma semaphore(%arg11 : memref<!tpu.dma_semaphore, #tpu.memory_space<semaphore_mem>>) src(%dma_wait3A_215 : memref<2600026x32xf32, #tpu.memory_space<hbm>>) dst(%dma_wait3A_210 : memref<128x32xf32, #tpu.memory_space<vmem>>)
      %dma_wait3A_216 = arith.constant 1536 : i32
      %dma_wait3A_217 = arith.constant 0 : i32
      %dma_wait3A_218 = tpu.memref_slice %arg8[%dma_wait3A_216, %dma_wait3A_217] : memref<1664x32xf32, #tpu.memory_space<vmem>> -> memref<128x32xf32, #tpu.memory_space<vmem>>
      %dma_wait3A_219 = arith.constant 1536 : i32
      %dma_wait3A_220 = tpu.memref_slice %arg7[%dma_wait3A_219] : memref<1680xi32, #tpu.memory_space<vmem>> -> memref<128xi32, #tpu.memory_space<vmem>>
      %dma_wait3A_221 = arith.constant 0 : i32
      %dma_wait3A_222 = arith.constant 0 : i32
      %dma_wait3A_223 = tpu.memref_slice %arg3[%dma_wait3A_221, %dma_wait3A_222] : memref<2600026x32xf32, #tpu.memory_space<hbm>> -> memref<2600026x32xf32, #tpu.memory_space<hbm>>
      tpu.wait_indirect_dma semaphore(%arg11 : memref<!tpu.dma_semaphore, #tpu.memory_space<semaphore_mem>>) src(%dma_wait3A_223 : memref<2600026x32xf32, #tpu.memory_space<hbm>>) dst(%dma_wait3A_218 : memref<128x32xf32, #tpu.memory_space<vmem>>)
      %scan3A_224 = arith.constant 0 : i32
      %scan3A_225 = arith.constant 0 : i32
      %scan3A_226 = arith.constant 64 : i32
      %scan3A_227 = arith.addi %scan3A_225, %scan3A_226 : i32
      %scan3A_228 = arith.constant 1 : i32
      scf.for %scan3A_230 = %scan3A_225 to %scan3A_227 step %scan3A_228  : i32 {
        %get3A = arith.index_cast %scan3A_230 : i32 to index
        %get3A_231 = arith.constant 0 : index
        %get3A_232 = tpu.vector_load %arg9[%get3A, %get3A_231] {strides = array<i32>} : memref<64x128xf32, #tpu.memory_space<vmem>>, vector<1x16xf32>,
        %get3A_233 = vector.shape_cast %get3A_232 : vector<1x16xf32> to vector<16xf32>
        %get3A_234 = arith.index_cast %scan3A_230 : i32 to index
        %get3A_235 = arith.constant 16 : index
        %get3A_236 = tpu.vector_load %arg9[%get3A_234, %get3A_235] {strides = array<i32>} : memref<64x128xf32, #tpu.memory_space<vmem>>, vector<1x16xf32>,
        %get3A_237 = vector.shape_cast %get3A_236 : vector<1x16xf32> to vector<16xf32>
        %mul3A_238 = arith.constant 26 : i32
        %mul3A_239 = arith.muli %scan3A_230, %mul3A_238 : i32
        %add3A_240 = arith.constant 0 : i32
        %add3A_241 = arith.addi %mul3A_239, %add3A_240 : i32
        %get3A_242 = arith.index_cast %add3A_241 : i32 to index
        %get3A_243 = arith.constant 0 : index
        %get3A_244 = tpu.vector_load %arg8[%get3A_242, %get3A_243] {strides = array<i32>} : memref<1664x32xf32, #tpu.memory_space<vmem>>, vector<1x16xf32>,
        %get3A_245 = vector.shape_cast %get3A_244 : vector<1x16xf32> to vector<16xf32>
        %add3A_246 = arith.addf %get3A_233, %get3A_245 : vector<16xf32>
        %add3A_247 = arith.constant 0 : i32
        %add3A_248 = arith.addi %mul3A_239, %add3A_247 : i32
        %get3A_249 = arith.index_cast %add3A_248 : i32 to index
        %get3A_250 = arith.constant 16 : index
        %get3A_251 = tpu.vector_load %arg8[%get3A_249, %get3A_250] {strides = array<i32>} : memref<1664x32xf32, #tpu.memory_space<vmem>>, vector<1x16xf32>,
        %get3A_252 = vector.shape_cast %get3A_251 : vector<1x16xf32> to vector<16xf32>
        %add3A_253 = arith.addf %get3A_237, %get3A_252 : vector<16xf32>
        %add3A_254 = arith.constant 1 : i32
        %add3A_255 = arith.addi %mul3A_239, %add3A_254 : i32
        %get3A_256 = arith.index_cast %add3A_255 : i32 to index
        %get3A_257 = arith.constant 0 : index
        %get3A_258 = tpu.vector_load %arg8[%get3A_256, %get3A_257] {strides = array<i32>} : memref<1664x32xf32, #tpu.memory_space<vmem>>, vector<1x16xf32>,
        %get3A_259 = vector.shape_cast %get3A_258 : vector<1x16xf32> to vector<16xf32>
        %add3A_260 = arith.addf %add3A_246, %get3A_259 : vector<16xf32>
        %add3A_261 = arith.constant 1 : i32
        %add3A_262 = arith.addi %mul3A_239, %add3A_261 : i32
        %get3A_263 = arith.index_cast %add3A_262 : i32 to index
        %get3A_264 = arith.constant 16 : index
        %get3A_265 = tpu.vector_load %arg8[%get3A_263, %get3A_264] {strides = array<i32>} : memref<1664x32xf32, #tpu.memory_space<vmem>>, vector<1x16xf32>,
        %get3A_266 = vector.shape_cast %get3A_265 : vector<1x16xf32> to vector<16xf32>
        %add3A_267 = arith.addf %add3A_253, %get3A_266 : vector<16xf32>
        %add3A_268 = arith.constant 2 : i32
        %add3A_269 = arith.addi %mul3A_239, %add3A_268 : i32
        %get3A_270 = arith.index_cast %add3A_269 : i32 to index
        %get3A_271 = arith.constant 0 : index
        %get3A_272 = tpu.vector_load %arg8[%get3A_270, %get3A_271] {strides = array<i32>} : memref<1664x32xf32, #tpu.memory_space<vmem>>, vector<1x16xf32>,
        %get3A_273 = vector.shape_cast %get3A_272 : vector<1x16xf32> to vector<16xf32>
        %add3A_274 = arith.addf %add3A_260, %get3A_273 : vector<16xf32>
        %add3A_275 = arith.constant 2 : i32
        %add3A_276 = arith.addi %mul3A_239, %add3A_275 : i32
        %get3A_277 = arith.index_cast %add3A_276 : i32 to index
        %get3A_278 = arith.constant 16 : index
        %get3A_279 = tpu.vector_load %arg8[%get3A_277, %get3A_278] {strides = array<i32>} : memref<1664x32xf32, #tpu.memory_space<vmem>>, vector<1x16xf32>,
        %get3A_280 = vector.shape_cast %get3A_279 : vector<1x16xf32> to vector<16xf32>
        %add3A_281 = arith.addf %add3A_267, %get3A_280 : vector<16xf32>
        %add3A_282 = arith.constant 3 : i32
        %add3A_283 = arith.addi %mul3A_239, %add3A_282 : i32
        %get3A_284 = arith.index_cast %add3A_283 : i32 to index
        %get3A_285 = arith.constant 0 : index
        %get3A_286 = tpu.vector_load %arg8[%get3A_284, %get3A_285] {strides = array<i32>} : memref<1664x32xf32, #tpu.memory_space<vmem>>, vector<1x16xf32>,
        %get3A_287 = vector.shape_cast %get3A_286 : vector<1x16xf32> to vector<16xf32>
        %add3A_288 = arith.addf %add3A_274, %get3A_287 : vector<16xf32>
        %add3A_289 = arith.constant 3 : i32
        %add3A_290 = arith.addi %mul3A_239, %add3A_289 : i32
        %get3A_291 = arith.index_cast %add3A_290 : i32 to index
        %get3A_292 = arith.constant 16 : index
        %get3A_293 = tpu.vector_load %arg8[%get3A_291, %get3A_292] {strides = array<i32>} : memref<1664x32xf32, #tpu.memory_space<vmem>>, vector<1x16xf32>,
        %get3A_294 = vector.shape_cast %get3A_293 : vector<1x16xf32> to vector<16xf32>
        %add3A_295 = arith.addf %add3A_281, %get3A_294 : vector<16xf32>
        %add3A_296 = arith.constant 4 : i32
        %add3A_297 = arith.addi %mul3A_239, %add3A_296 : i32
        %get3A_298 = arith.index_cast %add3A_297 : i32 to index
        %get3A_299 = arith.constant 0 : index
        %get3A_300 = tpu.vector_load %arg8[%get3A_298, %get3A_299] {strides = array<i32>} : memref<1664x32xf32, #tpu.memory_space<vmem>>, vector<1x16xf32>,
        %get3A_301 = vector.shape_cast %get3A_300 : vector<1x16xf32> to vector<16xf32>
        %add3A_302 = arith.addf %add3A_288, %get3A_301 : vector<16xf32>
        %add3A_303 = arith.constant 4 : i32
        %add3A_304 = arith.addi %mul3A_239, %add3A_303 : i32
        %get3A_305 = arith.index_cast %add3A_304 : i32 to index
        %get3A_306 = arith.constant 16 : index
        %get3A_307 = tpu.vector_load %arg8[%get3A_305, %get3A_306] {strides = array<i32>} : memref<1664x32xf32, #tpu.memory_space<vmem>>, vector<1x16xf32>,
        %get3A_308 = vector.shape_cast %get3A_307 : vector<1x16xf32> to vector<16xf32>
        %add3A_309 = arith.addf %add3A_295, %get3A_308 : vector<16xf32>
        %add3A_310 = arith.constant 5 : i32
        %add3A_311 = arith.addi %mul3A_239, %add3A_310 : i32
        %get3A_312 = arith.index_cast %add3A_311 : i32 to index
        %get3A_313 = arith.constant 0 : index
        %get3A_314 = tpu.vector_load %arg8[%get3A_312, %get3A_313] {strides = array<i32>} : memref<1664x32xf32, #tpu.memory_space<vmem>>, vector<1x16xf32>,
        %get3A_315 = vector.shape_cast %get3A_314 : vector<1x16xf32> to vector<16xf32>
        %add3A_316 = arith.addf %add3A_302, %get3A_315 : vector<16xf32>
        %add3A_317 = arith.constant 5 : i32
        %add3A_318 = arith.addi %mul3A_239, %add3A_317 : i32
        %get3A_319 = arith.index_cast %add3A_318 : i32 to index
        %get3A_320 = arith.constant 16 : index
        %get3A_321 = tpu.vector_load %arg8[%get3A_319, %get3A_320] {strides = array<i32>} : memref<1664x32xf32, #tpu.memory_space<vmem>>, vector<1x16xf32>,
        %get3A_322 = vector.shape_cast %get3A_321 : vector<1x16xf32> to vector<16xf32>
        %add3A_323 = arith.addf %add3A_309, %get3A_322 : vector<16xf32>
        %add3A_324 = arith.constant 6 : i32
        %add3A_325 = arith.addi %mul3A_239, %add3A_324 : i32
        %get3A_326 = arith.index_cast %add3A_325 : i32 to index
        %get3A_327 = arith.constant 0 : index
        %get3A_328 = tpu.vector_load %arg8[%get3A_326, %get3A_327] {strides = array<i32>} : memref<1664x32xf32, #tpu.memory_space<vmem>>, vector<1x16xf32>,
        %get3A_329 = vector.shape_cast %get3A_328 : vector<1x16xf32> to vector<16xf32>
        %add3A_330 = arith.addf %add3A_316, %get3A_329 : vector<16xf32>
        %add3A_331 = arith.constant 6 : i32
        %add3A_332 = arith.addi %mul3A_239, %add3A_331 : i32
        %get3A_333 = arith.index_cast %add3A_332 : i32 to index
        %get3A_334 = arith.constant 16 : index
        %get3A_335 = tpu.vector_load %arg8[%get3A_333, %get3A_334] {strides = array<i32>} : memref<1664x32xf32, #tpu.memory_space<vmem>>, vector<1x16xf32>,
        %get3A_336 = vector.shape_cast %get3A_335 : vector<1x16xf32> to vector<16xf32>
        %add3A_337 = arith.addf %add3A_323, %get3A_336 : vector<16xf32>
        %add3A_338 = arith.constant 7 : i32
        %add3A_339 = arith.addi %mul3A_239, %add3A_338 : i32
        %get3A_340 = arith.index_cast %add3A_339 : i32 to index
        %get3A_341 = arith.constant 0 : index
        %get3A_342 = tpu.vector_load %arg8[%get3A_340, %get3A_341] {strides = array<i32>} : memref<1664x32xf32, #tpu.memory_space<vmem>>, vector<1x16xf32>,
        %get3A_343 = vector.shape_cast %get3A_342 : vector<1x16xf32> to vector<16xf32>
        %add3A_344 = arith.addf %add3A_330, %get3A_343 : vector<16xf32>
        %add3A_345 = arith.constant 7 : i32
        %add3A_346 = arith.addi %mul3A_239, %add3A_345 : i32
        %get3A_347 = arith.index_cast %add3A_346 : i32 to index
        %get3A_348 = arith.constant 16 : index
        %get3A_349 = tpu.vector_load %arg8[%get3A_347, %get3A_348] {strides = array<i32>} : memref<1664x32xf32, #tpu.memory_space<vmem>>, vector<1x16xf32>,
        %get3A_350 = vector.shape_cast %get3A_349 : vector<1x16xf32> to vector<16xf32>
        %add3A_351 = arith.addf %add3A_337, %get3A_350 : vector<16xf32>
        %add3A_352 = arith.constant 8 : i32
        %add3A_353 = arith.addi %mul3A_239, %add3A_352 : i32
        %get3A_354 = arith.index_cast %add3A_353 : i32 to index
        %get3A_355 = arith.constant 0 : index
        %get3A_356 = tpu.vector_load %arg8[%get3A_354, %get3A_355] {strides = array<i32>} : memref<1664x32xf32, #tpu.memory_space<vmem>>, vector<1x16xf32>,
        %get3A_357 = vector.shape_cast %get3A_356 : vector<1x16xf32> to vector<16xf32>
        %add3A_358 = arith.addf %add3A_344, %get3A_357 : vector<16xf32>
        %add3A_359 = arith.constant 8 : i32
        %add3A_360 = arith.addi %mul3A_239, %add3A_359 : i32
        %get3A_361 = arith.index_cast %add3A_360 : i32 to index
        %get3A_362 = arith.constant 16 : index
        %get3A_363 = tpu.vector_load %arg8[%get3A_361, %get3A_362] {strides = array<i32>} : memref<1664x32xf32, #tpu.memory_space<vmem>>, vector<1x16xf32>,
        %get3A_364 = vector.shape_cast %get3A_363 : vector<1x16xf32> to vector<16xf32>
        %add3A_365 = arith.addf %add3A_351, %get3A_364 : vector<16xf32>
        %add3A_366 = arith.constant 9 : i32
        %add3A_367 = arith.addi %mul3A_239, %add3A_366 : i32
        %get3A_368 = arith.index_cast %add3A_367 : i32 to index
        %get3A_369 = arith.constant 0 : index
        %get3A_370 = tpu.vector_load %arg8[%get3A_368, %get3A_369] {strides = array<i32>} : memref<1664x32xf32, #tpu.memory_space<vmem>>, vector<1x16xf32>,
        %get3A_371 = vector.shape_cast %get3A_370 : vector<1x16xf32> to vector<16xf32>
        %add3A_372 = arith.addf %add3A_358, %get3A_371 : vector<16xf32>
        %add3A_373 = arith.constant 9 : i32
        %add3A_374 = arith.addi %mul3A_239, %add3A_373 : i32
        %get3A_375 = arith.index_cast %add3A_374 : i32 to index
        %get3A_376 = arith.constant 16 : index
        %get3A_377 = tpu.vector_load %arg8[%get3A_375, %get3A_376] {strides = array<i32>} : memref<1664x32xf32, #tpu.memory_space<vmem>>, vector<1x16xf32>,
        %get3A_378 = vector.shape_cast %get3A_377 : vector<1x16xf32> to vector<16xf32>
        %add3A_379 = arith.addf %add3A_365, %get3A_378 : vector<16xf32>
        %add3A_380 = arith.constant 10 : i32
        %add3A_381 = arith.addi %mul3A_239, %add3A_380 : i32
        %get3A_382 = arith.index_cast %add3A_381 : i32 to index
        %get3A_383 = arith.constant 0 : index
        %get3A_384 = tpu.vector_load %arg8[%get3A_382, %get3A_383] {strides = array<i32>} : memref<1664x32xf32, #tpu.memory_space<vmem>>, vector<1x16xf32>,
        %get3A_385 = vector.shape_cast %get3A_384 : vector<1x16xf32> to vector<16xf32>
        %add3A_386 = arith.addf %add3A_372, %get3A_385 : vector<16xf32>
        %add3A_387 = arith.constant 10 : i32
        %add3A_388 = arith.addi %mul3A_239, %add3A_387 : i32
        %get3A_389 = arith.index_cast %add3A_388 : i32 to index
        %get3A_390 = arith.constant 16 : index
        %get3A_391 = tpu.vector_load %arg8[%get3A_389, %get3A_390] {strides = array<i32>} : memref<1664x32xf32, #tpu.memory_space<vmem>>, vector<1x16xf32>,
        %get3A_392 = vector.shape_cast %get3A_391 : vector<1x16xf32> to vector<16xf32>
        %add3A_393 = arith.addf %add3A_379, %get3A_392 : vector<16xf32>
        %add3A_394 = arith.constant 11 : i32
        %add3A_395 = arith.addi %mul3A_239, %add3A_394 : i32
        %get3A_396 = arith.index_cast %add3A_395 : i32 to index
        %get3A_397 = arith.constant 0 : index
        %get3A_398 = tpu.vector_load %arg8[%get3A_396, %get3A_397] {strides = array<i32>} : memref<1664x32xf32, #tpu.memory_space<vmem>>, vector<1x16xf32>,
        %get3A_399 = vector.shape_cast %get3A_398 : vector<1x16xf32> to vector<16xf32>
        %add3A_400 = arith.addf %add3A_386, %get3A_399 : vector<16xf32>
        %add3A_401 = arith.constant 11 : i32
        %add3A_402 = arith.addi %mul3A_239, %add3A_401 : i32
        %get3A_403 = arith.index_cast %add3A_402 : i32 to index
        %get3A_404 = arith.constant 16 : index
        %get3A_405 = tpu.vector_load %arg8[%get3A_403, %get3A_404] {strides = array<i32>} : memref<1664x32xf32, #tpu.memory_space<vmem>>, vector<1x16xf32>,
        %get3A_406 = vector.shape_cast %get3A_405 : vector<1x16xf32> to vector<16xf32>
        %add3A_407 = arith.addf %add3A_393, %get3A_406 : vector<16xf32>
        %add3A_408 = arith.constant 12 : i32
        %add3A_409 = arith.addi %mul3A_239, %add3A_408 : i32
        %get3A_410 = arith.index_cast %add3A_409 : i32 to index
        %get3A_411 = arith.constant 0 : index
        %get3A_412 = tpu.vector_load %arg8[%get3A_410, %get3A_411] {strides = array<i32>} : memref<1664x32xf32, #tpu.memory_space<vmem>>, vector<1x16xf32>,
        %get3A_413 = vector.shape_cast %get3A_412 : vector<1x16xf32> to vector<16xf32>
        %add3A_414 = arith.addf %add3A_400, %get3A_413 : vector<16xf32>
        %add3A_415 = arith.constant 12 : i32
        %add3A_416 = arith.addi %mul3A_239, %add3A_415 : i32
        %get3A_417 = arith.index_cast %add3A_416 : i32 to index
        %get3A_418 = arith.constant 16 : index
        %get3A_419 = tpu.vector_load %arg8[%get3A_417, %get3A_418] {strides = array<i32>} : memref<1664x32xf32, #tpu.memory_space<vmem>>, vector<1x16xf32>,
        %get3A_420 = vector.shape_cast %get3A_419 : vector<1x16xf32> to vector<16xf32>
        %add3A_421 = arith.addf %add3A_407, %get3A_420 : vector<16xf32>
        %add3A_422 = arith.constant 13 : i32
        %add3A_423 = arith.addi %mul3A_239, %add3A_422 : i32
        %get3A_424 = arith.index_cast %add3A_423 : i32 to index
        %get3A_425 = arith.constant 0 : index
        %get3A_426 = tpu.vector_load %arg8[%get3A_424, %get3A_425] {strides = array<i32>} : memref<1664x32xf32, #tpu.memory_space<vmem>>, vector<1x16xf32>,
        %get3A_427 = vector.shape_cast %get3A_426 : vector<1x16xf32> to vector<16xf32>
        %add3A_428 = arith.addf %add3A_414, %get3A_427 : vector<16xf32>
        %add3A_429 = arith.constant 13 : i32
        %add3A_430 = arith.addi %mul3A_239, %add3A_429 : i32
        %get3A_431 = arith.index_cast %add3A_430 : i32 to index
        %get3A_432 = arith.constant 16 : index
        %get3A_433 = tpu.vector_load %arg8[%get3A_431, %get3A_432] {strides = array<i32>} : memref<1664x32xf32, #tpu.memory_space<vmem>>, vector<1x16xf32>,
        %get3A_434 = vector.shape_cast %get3A_433 : vector<1x16xf32> to vector<16xf32>
        %add3A_435 = arith.addf %add3A_421, %get3A_434 : vector<16xf32>
        %add3A_436 = arith.constant 14 : i32
        %add3A_437 = arith.addi %mul3A_239, %add3A_436 : i32
        %get3A_438 = arith.index_cast %add3A_437 : i32 to index
        %get3A_439 = arith.constant 0 : index
        %get3A_440 = tpu.vector_load %arg8[%get3A_438, %get3A_439] {strides = array<i32>} : memref<1664x32xf32, #tpu.memory_space<vmem>>, vector<1x16xf32>,
        %get3A_441 = vector.shape_cast %get3A_440 : vector<1x16xf32> to vector<16xf32>
        %add3A_442 = arith.addf %add3A_428, %get3A_441 : vector<16xf32>
        %add3A_443 = arith.constant 14 : i32
        %add3A_444 = arith.addi %mul3A_239, %add3A_443 : i32
        %get3A_445 = arith.index_cast %add3A_444 : i32 to index
        %get3A_446 = arith.constant 16 : index
        %get3A_447 = tpu.vector_load %arg8[%get3A_445, %get3A_446] {strides = array<i32>} : memref<1664x32xf32, #tpu.memory_space<vmem>>, vector<1x16xf32>,
        %get3A_448 = vector.shape_cast %get3A_447 : vector<1x16xf32> to vector<16xf32>
        %add3A_449 = arith.addf %add3A_435, %get3A_448 : vector<16xf32>
        %add3A_450 = arith.constant 15 : i32
        %add3A_451 = arith.addi %mul3A_239, %add3A_450 : i32
        %get3A_452 = arith.index_cast %add3A_451 : i32 to index
        %get3A_453 = arith.constant 0 : index
        %get3A_454 = tpu.vector_load %arg8[%get3A_452, %get3A_453] {strides = array<i32>} : memref<1664x32xf32, #tpu.memory_space<vmem>>, vector<1x16xf32>,
        %get3A_455 = vector.shape_cast %get3A_454 : vector<1x16xf32> to vector<16xf32>
        %add3A_456 = arith.addf %add3A_442, %get3A_455 : vector<16xf32>
        %add3A_457 = arith.constant 15 : i32
        %add3A_458 = arith.addi %mul3A_239, %add3A_457 : i32
        %get3A_459 = arith.index_cast %add3A_458 : i32 to index
        %get3A_460 = arith.constant 16 : index
        %get3A_461 = tpu.vector_load %arg8[%get3A_459, %get3A_460] {strides = array<i32>} : memref<1664x32xf32, #tpu.memory_space<vmem>>, vector<1x16xf32>,
        %get3A_462 = vector.shape_cast %get3A_461 : vector<1x16xf32> to vector<16xf32>
        %add3A_463 = arith.addf %add3A_449, %get3A_462 : vector<16xf32>
        %add3A_464 = arith.constant 16 : i32
        %add3A_465 = arith.addi %mul3A_239, %add3A_464 : i32
        %get3A_466 = arith.index_cast %add3A_465 : i32 to index
        %get3A_467 = arith.constant 0 : index
        %get3A_468 = tpu.vector_load %arg8[%get3A_466, %get3A_467] {strides = array<i32>} : memref<1664x32xf32, #tpu.memory_space<vmem>>, vector<1x16xf32>,
        %get3A_469 = vector.shape_cast %get3A_468 : vector<1x16xf32> to vector<16xf32>
        %add3A_470 = arith.addf %add3A_456, %get3A_469 : vector<16xf32>
        %add3A_471 = arith.constant 16 : i32
        %add3A_472 = arith.addi %mul3A_239, %add3A_471 : i32
        %get3A_473 = arith.index_cast %add3A_472 : i32 to index
        %get3A_474 = arith.constant 16 : index
        %get3A_475 = tpu.vector_load %arg8[%get3A_473, %get3A_474] {strides = array<i32>} : memref<1664x32xf32, #tpu.memory_space<vmem>>, vector<1x16xf32>,
        %get3A_476 = vector.shape_cast %get3A_475 : vector<1x16xf32> to vector<16xf32>
        %add3A_477 = arith.addf %add3A_463, %get3A_476 : vector<16xf32>
        %add3A_478 = arith.constant 17 : i32
        %add3A_479 = arith.addi %mul3A_239, %add3A_478 : i32
        %get3A_480 = arith.index_cast %add3A_479 : i32 to index
        %get3A_481 = arith.constant 0 : index
        %get3A_482 = tpu.vector_load %arg8[%get3A_480, %get3A_481] {strides = array<i32>} : memref<1664x32xf32, #tpu.memory_space<vmem>>, vector<1x16xf32>,
        %get3A_483 = vector.shape_cast %get3A_482 : vector<1x16xf32> to vector<16xf32>
        %add3A_484 = arith.addf %add3A_470, %get3A_483 : vector<16xf32>
        %add3A_485 = arith.constant 17 : i32
        %add3A_486 = arith.addi %mul3A_239, %add3A_485 : i32
        %get3A_487 = arith.index_cast %add3A_486 : i32 to index
        %get3A_488 = arith.constant 16 : index
        %get3A_489 = tpu.vector_load %arg8[%get3A_487, %get3A_488] {strides = array<i32>} : memref<1664x32xf32, #tpu.memory_space<vmem>>, vector<1x16xf32>,
        %get3A_490 = vector.shape_cast %get3A_489 : vector<1x16xf32> to vector<16xf32>
        %add3A_491 = arith.addf %add3A_477, %get3A_490 : vector<16xf32>
        %add3A_492 = arith.constant 18 : i32
        %add3A_493 = arith.addi %mul3A_239, %add3A_492 : i32
        %get3A_494 = arith.index_cast %add3A_493 : i32 to index
        %get3A_495 = arith.constant 0 : index
        %get3A_496 = tpu.vector_load %arg8[%get3A_494, %get3A_495] {strides = array<i32>} : memref<1664x32xf32, #tpu.memory_space<vmem>>, vector<1x16xf32>,
        %get3A_497 = vector.shape_cast %get3A_496 : vector<1x16xf32> to vector<16xf32>
        %add3A_498 = arith.addf %add3A_484, %get3A_497 : vector<16xf32>
        %add3A_499 = arith.constant 18 : i32
        %add3A_500 = arith.addi %mul3A_239, %add3A_499 : i32
        %get3A_501 = arith.index_cast %add3A_500 : i32 to index
        %get3A_502 = arith.constant 16 : index
        %get3A_503 = tpu.vector_load %arg8[%get3A_501, %get3A_502] {strides = array<i32>} : memref<1664x32xf32, #tpu.memory_space<vmem>>, vector<1x16xf32>,
        %get3A_504 = vector.shape_cast %get3A_503 : vector<1x16xf32> to vector<16xf32>
        %add3A_505 = arith.addf %add3A_491, %get3A_504 : vector<16xf32>
        %add3A_506 = arith.constant 19 : i32
        %add3A_507 = arith.addi %mul3A_239, %add3A_506 : i32
        %get3A_508 = arith.index_cast %add3A_507 : i32 to index
        %get3A_509 = arith.constant 0 : index
        %get3A_510 = tpu.vector_load %arg8[%get3A_508, %get3A_509] {strides = array<i32>} : memref<1664x32xf32, #tpu.memory_space<vmem>>, vector<1x16xf32>,
        %get3A_511 = vector.shape_cast %get3A_510 : vector<1x16xf32> to vector<16xf32>
        %add3A_512 = arith.addf %add3A_498, %get3A_511 : vector<16xf32>
        %add3A_513 = arith.constant 19 : i32
        %add3A_514 = arith.addi %mul3A_239, %add3A_513 : i32
        %get3A_515 = arith.index_cast %add3A_514 : i32 to index
        %get3A_516 = arith.constant 16 : index
        %get3A_517 = tpu.vector_load %arg8[%get3A_515, %get3A_516] {strides = array<i32>} : memref<1664x32xf32, #tpu.memory_space<vmem>>, vector<1x16xf32>,
        %get3A_518 = vector.shape_cast %get3A_517 : vector<1x16xf32> to vector<16xf32>
        %add3A_519 = arith.addf %add3A_505, %get3A_518 : vector<16xf32>
        %add3A_520 = arith.constant 20 : i32
        %add3A_521 = arith.addi %mul3A_239, %add3A_520 : i32
        %get3A_522 = arith.index_cast %add3A_521 : i32 to index
        %get3A_523 = arith.constant 0 : index
        %get3A_524 = tpu.vector_load %arg8[%get3A_522, %get3A_523] {strides = array<i32>} : memref<1664x32xf32, #tpu.memory_space<vmem>>, vector<1x16xf32>,
        %get3A_525 = vector.shape_cast %get3A_524 : vector<1x16xf32> to vector<16xf32>
        %add3A_526 = arith.addf %add3A_512, %get3A_525 : vector<16xf32>
        %add3A_527 = arith.constant 20 : i32
        %add3A_528 = arith.addi %mul3A_239, %add3A_527 : i32
        %get3A_529 = arith.index_cast %add3A_528 : i32 to index
        %get3A_530 = arith.constant 16 : index
        %get3A_531 = tpu.vector_load %arg8[%get3A_529, %get3A_530] {strides = array<i32>} : memref<1664x32xf32, #tpu.memory_space<vmem>>, vector<1x16xf32>,
        %get3A_532 = vector.shape_cast %get3A_531 : vector<1x16xf32> to vector<16xf32>
        %add3A_533 = arith.addf %add3A_519, %get3A_532 : vector<16xf32>
        %add3A_534 = arith.constant 21 : i32
        %add3A_535 = arith.addi %mul3A_239, %add3A_534 : i32
        %get3A_536 = arith.index_cast %add3A_535 : i32 to index
        %get3A_537 = arith.constant 0 : index
        %get3A_538 = tpu.vector_load %arg8[%get3A_536, %get3A_537] {strides = array<i32>} : memref<1664x32xf32, #tpu.memory_space<vmem>>, vector<1x16xf32>,
        %get3A_539 = vector.shape_cast %get3A_538 : vector<1x16xf32> to vector<16xf32>
        %add3A_540 = arith.addf %add3A_526, %get3A_539 : vector<16xf32>
        %add3A_541 = arith.constant 21 : i32
        %add3A_542 = arith.addi %mul3A_239, %add3A_541 : i32
        %get3A_543 = arith.index_cast %add3A_542 : i32 to index
        %get3A_544 = arith.constant 16 : index
        %get3A_545 = tpu.vector_load %arg8[%get3A_543, %get3A_544] {strides = array<i32>} : memref<1664x32xf32, #tpu.memory_space<vmem>>, vector<1x16xf32>,
        %get3A_546 = vector.shape_cast %get3A_545 : vector<1x16xf32> to vector<16xf32>
        %add3A_547 = arith.addf %add3A_533, %get3A_546 : vector<16xf32>
        %add3A_548 = arith.constant 22 : i32
        %add3A_549 = arith.addi %mul3A_239, %add3A_548 : i32
        %get3A_550 = arith.index_cast %add3A_549 : i32 to index
        %get3A_551 = arith.constant 0 : index
        %get3A_552 = tpu.vector_load %arg8[%get3A_550, %get3A_551] {strides = array<i32>} : memref<1664x32xf32, #tpu.memory_space<vmem>>, vector<1x16xf32>,
        %get3A_553 = vector.shape_cast %get3A_552 : vector<1x16xf32> to vector<16xf32>
        %add3A_554 = arith.addf %add3A_540, %get3A_553 : vector<16xf32>
        %add3A_555 = arith.constant 22 : i32
        %add3A_556 = arith.addi %mul3A_239, %add3A_555 : i32
        %get3A_557 = arith.index_cast %add3A_556 : i32 to index
        %get3A_558 = arith.constant 16 : index
        %get3A_559 = tpu.vector_load %arg8[%get3A_557, %get3A_558] {strides = array<i32>} : memref<1664x32xf32, #tpu.memory_space<vmem>>, vector<1x16xf32>,
        %get3A_560 = vector.shape_cast %get3A_559 : vector<1x16xf32> to vector<16xf32>
        %add3A_561 = arith.addf %add3A_547, %get3A_560 : vector<16xf32>
        %add3A_562 = arith.constant 23 : i32
        %add3A_563 = arith.addi %mul3A_239, %add3A_562 : i32
        %get3A_564 = arith.index_cast %add3A_563 : i32 to index
        %get3A_565 = arith.constant 0 : index
        %get3A_566 = tpu.vector_load %arg8[%get3A_564, %get3A_565] {strides = array<i32>} : memref<1664x32xf32, #tpu.memory_space<vmem>>, vector<1x16xf32>,
        %get3A_567 = vector.shape_cast %get3A_566 : vector<1x16xf32> to vector<16xf32>
        %add3A_568 = arith.addf %add3A_554, %get3A_567 : vector<16xf32>
        %add3A_569 = arith.constant 23 : i32
        %add3A_570 = arith.addi %mul3A_239, %add3A_569 : i32
        %get3A_571 = arith.index_cast %add3A_570 : i32 to index
        %get3A_572 = arith.constant 16 : index
        %get3A_573 = tpu.vector_load %arg8[%get3A_571, %get3A_572] {strides = array<i32>} : memref<1664x32xf32, #tpu.memory_space<vmem>>, vector<1x16xf32>,
        %get3A_574 = vector.shape_cast %get3A_573 : vector<1x16xf32> to vector<16xf32>
        %add3A_575 = arith.addf %add3A_561, %get3A_574 : vector<16xf32>
        %add3A_576 = arith.constant 24 : i32
        %add3A_577 = arith.addi %mul3A_239, %add3A_576 : i32
        %get3A_578 = arith.index_cast %add3A_577 : i32 to index
        %get3A_579 = arith.constant 0 : index
        %get3A_580 = tpu.vector_load %arg8[%get3A_578, %get3A_579] {strides = array<i32>} : memref<1664x32xf32, #tpu.memory_space<vmem>>, vector<1x16xf32>,
        %get3A_581 = vector.shape_cast %get3A_580 : vector<1x16xf32> to vector<16xf32>
        %add3A_582 = arith.addf %add3A_568, %get3A_581 : vector<16xf32>
        %add3A_583 = arith.constant 24 : i32
        %add3A_584 = arith.addi %mul3A_239, %add3A_583 : i32
        %get3A_585 = arith.index_cast %add3A_584 : i32 to index
        %get3A_586 = arith.constant 16 : index
        %get3A_587 = tpu.vector_load %arg8[%get3A_585, %get3A_586] {strides = array<i32>} : memref<1664x32xf32, #tpu.memory_space<vmem>>, vector<1x16xf32>,
        %get3A_588 = vector.shape_cast %get3A_587 : vector<1x16xf32> to vector<16xf32>
        %add3A_589 = arith.addf %add3A_575, %get3A_588 : vector<16xf32>
        %add3A_590 = arith.constant 25 : i32
        %add3A_591 = arith.addi %mul3A_239, %add3A_590 : i32
        %get3A_592 = arith.index_cast %add3A_591 : i32 to index
        %get3A_593 = arith.constant 0 : index
        %get3A_594 = tpu.vector_load %arg8[%get3A_592, %get3A_593] {strides = array<i32>} : memref<1664x32xf32, #tpu.memory_space<vmem>>, vector<1x16xf32>,
        %get3A_595 = vector.shape_cast %get3A_594 : vector<1x16xf32> to vector<16xf32>
        %add3A_596 = arith.addf %add3A_582, %get3A_595 : vector<16xf32>
        %add3A_597 = arith.constant 25 : i32
        %add3A_598 = arith.addi %mul3A_239, %add3A_597 : i32
        %get3A_599 = arith.index_cast %add3A_598 : i32 to index
        %get3A_600 = arith.constant 16 : index
        %get3A_601 = tpu.vector_load %arg8[%get3A_599, %get3A_600] {strides = array<i32>} : memref<1664x32xf32, #tpu.memory_space<vmem>>, vector<1x16xf32>,
        %get3A_602 = vector.shape_cast %get3A_601 : vector<1x16xf32> to vector<16xf32>
        %add3A_603 = arith.addf %add3A_589, %get3A_602 : vector<16xf32>
        %mul3A_604 = arith.constant 0.025641026 : f32
        %mul3A_605 = vector.broadcast %mul3A_604 : f32 to vector<16xf32>
        %mul3A_606 = arith.mulf %add3A_596, %mul3A_605 : vector<16xf32>
        %swap3A = arith.index_cast %scan3A_230 : i32 to index
        %swap3A_607 = arith.constant 0 : index
        %swap3A_608 = tpu.vector_load %arg10[%swap3A, %swap3A_607] {strides = array<i32>} : memref<64x32xf32, #tpu.memory_space<vmem>>, vector<1x16xf32>,
        %swap3A_609 = vector.shape_cast %swap3A_608 : vector<1x16xf32> to vector<16xf32>
        %swap3A_610 = vector.shape_cast %mul3A_606 : vector<16xf32> to vector<1x16xf32>
        tpu.vector_store %arg10[%swap3A, %swap3A_607], %swap3A_610 {strides = array<i32>} : memref<64x32xf32, #tpu.memory_space<vmem>>, vector<1x16xf32>,
        %mul3A_611 = arith.constant 0.025641026 : f32
        %mul3A_612 = vector.broadcast %mul3A_611 : f32 to vector<16xf32>
        %mul3A_613 = arith.mulf %add3A_603, %mul3A_612 : vector<16xf32>
        %swap3A_614 = arith.index_cast %scan3A_230 : i32 to index
        %swap3A_615 = arith.constant 16 : index
        %swap3A_616 = tpu.vector_load %arg10[%swap3A_614, %swap3A_615] {strides = array<i32>} : memref<64x32xf32, #tpu.memory_space<vmem>>, vector<1x16xf32>,
        %swap3A_617 = vector.shape_cast %swap3A_616 : vector<1x16xf32> to vector<16xf32>
        %swap3A_618 = vector.shape_cast %mul3A_613 : vector<16xf32> to vector<1x16xf32>
        tpu.vector_store %arg10[%swap3A_614, %swap3A_615], %swap3A_618 {strides = array<i32>} : memref<64x32xf32, #tpu.memory_space<vmem>>, vector<1x16xf32>,
      }
      %scan3A_229 = arith.constant 64 : i32
      "tpu.region"() ({
        %run_scoped3A = tpu.sem_alloc : memref<!tpu.dma_semaphore, #tpu.memory_space<semaphore_mem>>
        %dma_start3A_230 = arith.constant 0 : i32
        %dma_start3A_231 = tpu.memref_slice %arg5[%add3A_11, %dma_start3A_230] : memref<16384x32xf32, #tpu.memory_space<hbm>> -> memref<64x32xf32, #tpu.memory_space<hbm>>
        %dma_start3A_232 = arith.constant 0 : i32
        %dma_start3A_233 = tpu.memref_slice %arg5[%add3A_11, %dma_start3A_232] : memref<16384x32xf32, #tpu.memory_space<hbm>> -> memref<64x32xf32, #tpu.memory_space<hbm>>
        tpu.enqueue_dma source(%arg10 : memref<64x32xf32, #tpu.memory_space<vmem>>) target(%dma_start3A_233 : memref<64x32xf32, #tpu.memory_space<hbm>>) target_semaphore(%run_scoped3A : memref<!tpu.dma_semaphore, #tpu.memory_space<semaphore_mem>>)
        %dma_wait3A_234 = arith.constant 0 : i32
        %dma_wait3A_235 = tpu.memref_slice %arg5[%add3A_11, %dma_wait3A_234] : memref<16384x32xf32, #tpu.memory_space<hbm>> -> memref<64x32xf32, #tpu.memory_space<hbm>>
        %dma_wait3A_236 = arith.constant 0 : i32
        %dma_wait3A_237 = tpu.memref_slice %arg5[%add3A_11, %dma_wait3A_236] : memref<16384x32xf32, #tpu.memory_space<hbm>> -> memref<64x32xf32, #tpu.memory_space<hbm>>
        tpu.wait_dma2 semaphore(%run_scoped3A : memref<!tpu.dma_semaphore, #tpu.memory_space<semaphore_mem>>) src(%arg10 : memref<64x32xf32, #tpu.memory_space<vmem>>) dst(%dma_wait3A_237 : memref<64x32xf32, #tpu.memory_space<hbm>>)
        tpu.yield
      }) : () -> ()
    }
    %scan3A_7 = arith.constant 8 : i32
    return
  }
}

module attributes {stable_mosaic.version = 14 : i64} {
  func.func @_tc_prep_body(%arg0: i32, %arg1: memref<512x39xf32, #tpu.memory_space<vmem>>, %arg2: memref<13x32xf32, #tpu.memory_space<vmem>>, %arg3: memref<1x32xf32, #tpu.memory_space<vmem>>, %arg4: memref<13x32x32xf32, #tpu.memory_space<vmem>>, %arg5: memref<13x32xf32, #tpu.memory_space<vmem>>, %arg6: memref<512x128xi32, #tpu.memory_space<vmem>>, %arg7: memref<512x128xf32, #tpu.memory_space<vmem>>) attributes {dimension_semantics = [#tpu.dimension_semantics<arbitrary>], iteration_bounds = array<i64: 32>, scalar_prefetch = 0 : i64, scratch_operands = 0 : i64, tpu.core_type = #tpu.core_type<tc>, window_params = [{transform_indices = @transform_0, window_bounds = array<i64: 512, 39>}, {pipeline_mode = #tpu.pipeline_mode<synchronous>, transform_indices = @transform_1, window_bounds = array<i64: 13, 32>}, {pipeline_mode = #tpu.pipeline_mode<synchronous>, transform_indices = @transform_2, window_bounds = array<i64: 1, 32>}, {pipeline_mode = #tpu.pipeline_mode<synchronous>, transform_indices = @transform_3, window_bounds = array<i64: 13, 32, 32>}, {pipeline_mode = #tpu.pipeline_mode<synchronous>, transform_indices = @transform_4, window_bounds = array<i64: 13, 32>}, {transform_indices = @transform_5, window_bounds = array<i64: 512, 128>}, {transform_indices = @transform_6, window_bounds = array<i64: 512, 128>}]} {
    %get3A = arith.constant 0 : index
    %get3A_0 = arith.constant 0 : index
    %get3A_1 = vector.load %arg1[%get3A, %get3A_0] : memref<512x39xf32, #tpu.memory_space<vmem>>, vector<512x39xf32>
    %slice3A = vector.extract_strided_slice %get3A_1 {offsets = [0, 0], sizes = [512, 26], strides = [1, 1]} : vector<512x39xf32> to vector<512x26xf32>
    %convert_element_type3A = arith.fptosi %slice3A : vector<512x26xf32> to vector<512x26xi32>
    %iota3A = tpu.iota {dimensions = array<i32: 1>} : vector<512x26xi32>
    %mul3A = arith.constant 100001 : i32
    %mul3A_2 = vector.broadcast %mul3A : i32 to vector<512x26xi32>
    %mul3A_3 = arith.muli %iota3A, %mul3A_2 : vector<512x26xi32>
    %add3A = arith.addi %convert_element_type3A, %mul3A_3 : vector<512x26xi32>
    %broadcast_in_dim3A = arith.constant 0 : i32
    %broadcast_in_dim3A_4 = vector.broadcast %broadcast_in_dim3A : i32 to vector<512x102xi32>
    %concatenate3A = tpu.concatenate %add3A, %broadcast_in_dim3A_4 in 1 : vector<512x26xi32>, vector<512x102xi32> -> vector<512x128xi32>
    %swap3A = arith.constant 0 : index
    %swap3A_5 = arith.constant 0 : index
    %swap3A_6 = vector.load %arg6[%swap3A, %swap3A_5] : memref<512x128xi32, #tpu.memory_space<vmem>>, vector<512x128xi32>
    tpu.vector_store %arg6[%swap3A, %swap3A_5], %concatenate3A {strides = array<i32>} : memref<512x128xi32, #tpu.memory_space<vmem>>, vector<512x128xi32>,
    %slice3A_7 = vector.extract_strided_slice %get3A_1 {offsets = [0, 26], sizes = [512, 13], strides = [1, 1]} : vector<512x39xf32> to vector<512x13xf32>
    %get3A_8 = arith.constant 0 : index
    %get3A_9 = arith.constant 0 : index
    %get3A_10 = vector.load %arg2[%get3A_8, %get3A_9] : memref<13x32xf32, #tpu.memory_space<vmem>>, vector<13x32xf32>
    %dot_general3A = arith.constant dense<0.000000e+00> : vector<512x32xf32>
    %dot_general3A_11 = tpu.matmul %slice3A_7, %get3A_10, %dot_general3A {dimension_numbers = #tpu.dot_dimension_numbers<[1], [0], [0], [1], [0, 0, 1, 1], [], []>, transpose_lhs_hint = false} : vector<512x13xf32>, vector<13x32xf32>, vector<512x32xf32> -> vector<512x32xf32>
    %get3A_12 = arith.constant 0 : index
    %get3A_13 = arith.constant 0 : index
    %get3A_14 = vector.load %arg3[%get3A_12, %get3A_13] : memref<1x32xf32, #tpu.memory_space<vmem>>, vector<1x32xf32>
    %add3A_15 = vector.broadcast %get3A_14 : vector<1x32xf32> to vector<512x32xf32>
    %add3A_16 = arith.addf %dot_general3A_11, %add3A_15 : vector<512x32xf32>
    %gt3A = arith.constant 0.000000e+00 : f32
    %gt3A_17 = vector.broadcast %gt3A : f32 to vector<512x32xf32>
    %gt3A_18 = arith.cmpf ogt, %add3A_16, %gt3A_17 : vector<512x32xf32>
    %exp3A = math.exp %add3A_16 : vector<512x32xf32>
    %sub3A = arith.constant 1.000000e+00 : f32
    %sub3A_19 = vector.broadcast %sub3A : f32 to vector<512x32xf32>
    %sub3A_20 = arith.subf %exp3A, %sub3A_19 : vector<512x32xf32>
    %mul3A_21 = arith.constant 1.67326319 : f32
    %mul3A_22 = vector.broadcast %mul3A_21 : f32 to vector<512x32xf32>
    %mul3A_23 = arith.mulf %mul3A_22, %sub3A_20 : vector<512x32xf32>
    %select_n3A = arith.select %gt3A_18, %add3A_16, %mul3A_23 : vector<512x32xi1>, vector<512x32xf32>
    %mul3A_24 = arith.constant 1.05070102 : f32
    %mul3A_25 = vector.broadcast %mul3A_24 : f32 to vector<512x32xf32>
    %mul3A_26 = arith.mulf %mul3A_25, %select_n3A : vector<512x32xf32>
    %broadcast_in_dim3A_27 = arith.constant 0.000000e+00 : f32
    %broadcast_in_dim3A_28 = vector.broadcast %broadcast_in_dim3A_27 : f32 to vector<512x32xf32>
    %slice3A_29 = vector.extract_strided_slice %slice3A_7 {offsets = [0, 0], sizes = [512, 1], strides = [1, 1]} : vector<512x13xf32> to vector<512x1xf32>
    %ne3A = arith.constant 0.000000e+00 : f32
    %ne3A_30 = vector.broadcast %ne3A : f32 to vector<512x1xf32>
    %ne3A_31 = arith.cmpf one, %slice3A_29, %ne3A_30 : vector<512x1xf32>
    %convert_element_type3A_32 = arith.extui %ne3A_31 : vector<512x1xi1> to vector<512x1xi32>
    %convert_element_type3A_33 = arith.sitofp %convert_element_type3A_32 : vector<512x1xi32> to vector<512x1xf32>
    %get3A_34 = arith.constant 0 : index
    %get3A_35 = arith.constant 0 : index
    %get3A_36 = arith.constant 0 : index
    %get3A_37 = vector.load %arg4[%get3A_34, %get3A_35, %get3A_36] : memref<13x32x32xf32, #tpu.memory_space<vmem>>, vector<1x32x32xf32>
    %get3A_38 = vector.shape_cast %get3A_37 : vector<1x32x32xf32> to vector<32x32xf32>
    %dot_general3A_39 = arith.constant dense<0.000000e+00> : vector<512x32xf32>
    %dot_general3A_40 = tpu.matmul %mul3A_26, %get3A_38, %dot_general3A_39 {dimension_numbers = #tpu.dot_dimension_numbers<[1], [0], [0], [1], [0, 0, 1, 1], [], []>, transpose_lhs_hint = false} : vector<512x32xf32>, vector<32x32xf32>, vector<512x32xf32> -> vector<512x32xf32>
    %get3A_41 = arith.constant 0 : index
    %get3A_42 = arith.constant 0 : index
    %get3A_43 = vector.load %arg5[%get3A_41, %get3A_42] : memref<13x32xf32, #tpu.memory_space<vmem>>, vector<1x32xf32>
    %add3A_44 = vector.broadcast %get3A_43 : vector<1x32xf32> to vector<512x32xf32>
    %add3A_45 = arith.addf %dot_general3A_40, %add3A_44 : vector<512x32xf32>
    %mul3A_46 = vector.broadcast %convert_element_type3A_33 : vector<512x1xf32> to vector<512x32xf32>
    %mul3A_47 = arith.mulf %mul3A_46, %add3A_45 : vector<512x32xf32>
    %add3A_48 = arith.addf %broadcast_in_dim3A_28, %mul3A_47 : vector<512x32xf32>
    %slice3A_49 = vector.extract_strided_slice %slice3A_7 {offsets = [0, 1], sizes = [512, 1], strides = [1, 1]} : vector<512x13xf32> to vector<512x1xf32>
    %ne3A_50 = arith.constant 0.000000e+00 : f32
    %ne3A_51 = vector.broadcast %ne3A_50 : f32 to vector<512x1xf32>
    %ne3A_52 = arith.cmpf one, %slice3A_49, %ne3A_51 : vector<512x1xf32>
    %convert_element_type3A_53 = arith.extui %ne3A_52 : vector<512x1xi1> to vector<512x1xi32>
    %convert_element_type3A_54 = arith.sitofp %convert_element_type3A_53 : vector<512x1xi32> to vector<512x1xf32>
    %get3A_55 = arith.constant 1 : index
    %get3A_56 = arith.constant 0 : index
    %get3A_57 = arith.constant 0 : index
    %get3A_58 = vector.load %arg4[%get3A_55, %get3A_56, %get3A_57] : memref<13x32x32xf32, #tpu.memory_space<vmem>>, vector<1x32x32xf32>
    %get3A_59 = vector.shape_cast %get3A_58 : vector<1x32x32xf32> to vector<32x32xf32>
    %dot_general3A_60 = arith.constant dense<0.000000e+00> : vector<512x32xf32>
    %dot_general3A_61 = tpu.matmul %mul3A_26, %get3A_59, %dot_general3A_60 {dimension_numbers = #tpu.dot_dimension_numbers<[1], [0], [0], [1], [0, 0, 1, 1], [], []>, transpose_lhs_hint = false} : vector<512x32xf32>, vector<32x32xf32>, vector<512x32xf32> -> vector<512x32xf32>
    %get3A_62 = arith.constant 1 : index
    %get3A_63 = arith.constant 0 : index
    %get3A_64 = vector.load %arg5[%get3A_62, %get3A_63] : memref<13x32xf32, #tpu.memory_space<vmem>>, vector<1x32xf32>
    %add3A_65 = vector.broadcast %get3A_64 : vector<1x32xf32> to vector<512x32xf32>
    %add3A_66 = arith.addf %dot_general3A_61, %add3A_65 : vector<512x32xf32>
    %mul3A_67 = vector.broadcast %convert_element_type3A_54 : vector<512x1xf32> to vector<512x32xf32>
    %mul3A_68 = arith.mulf %mul3A_67, %add3A_66 : vector<512x32xf32>
    %add3A_69 = arith.addf %add3A_48, %mul3A_68 : vector<512x32xf32>
    %slice3A_70 = vector.extract_strided_slice %slice3A_7 {offsets = [0, 2], sizes = [512, 1], strides = [1, 1]} : vector<512x13xf32> to vector<512x1xf32>
    %ne3A_71 = arith.constant 0.000000e+00 : f32
    %ne3A_72 = vector.broadcast %ne3A_71 : f32 to vector<512x1xf32>
    %ne3A_73 = arith.cmpf one, %slice3A_70, %ne3A_72 : vector<512x1xf32>
    %convert_element_type3A_74 = arith.extui %ne3A_73 : vector<512x1xi1> to vector<512x1xi32>
    %convert_element_type3A_75 = arith.sitofp %convert_element_type3A_74 : vector<512x1xi32> to vector<512x1xf32>
    %get3A_76 = arith.constant 2 : index
    %get3A_77 = arith.constant 0 : index
    %get3A_78 = arith.constant 0 : index
    %get3A_79 = vector.load %arg4[%get3A_76, %get3A_77, %get3A_78] : memref<13x32x32xf32, #tpu.memory_space<vmem>>, vector<1x32x32xf32>
    %get3A_80 = vector.shape_cast %get3A_79 : vector<1x32x32xf32> to vector<32x32xf32>
    %dot_general3A_81 = arith.constant dense<0.000000e+00> : vector<512x32xf32>
    %dot_general3A_82 = tpu.matmul %mul3A_26, %get3A_80, %dot_general3A_81 {dimension_numbers = #tpu.dot_dimension_numbers<[1], [0], [0], [1], [0, 0, 1, 1], [], []>, transpose_lhs_hint = false} : vector<512x32xf32>, vector<32x32xf32>, vector<512x32xf32> -> vector<512x32xf32>
    %get3A_83 = arith.constant 2 : index
    %get3A_84 = arith.constant 0 : index
    %get3A_85 = vector.load %arg5[%get3A_83, %get3A_84] : memref<13x32xf32, #tpu.memory_space<vmem>>, vector<1x32xf32>
    %add3A_86 = vector.broadcast %get3A_85 : vector<1x32xf32> to vector<512x32xf32>
    %add3A_87 = arith.addf %dot_general3A_82, %add3A_86 : vector<512x32xf32>
    %mul3A_88 = vector.broadcast %convert_element_type3A_75 : vector<512x1xf32> to vector<512x32xf32>
    %mul3A_89 = arith.mulf %mul3A_88, %add3A_87 : vector<512x32xf32>
    %add3A_90 = arith.addf %add3A_69, %mul3A_89 : vector<512x32xf32>
    %slice3A_91 = vector.extract_strided_slice %slice3A_7 {offsets = [0, 3], sizes = [512, 1], strides = [1, 1]} : vector<512x13xf32> to vector<512x1xf32>
    %ne3A_92 = arith.constant 0.000000e+00 : f32
    %ne3A_93 = vector.broadcast %ne3A_92 : f32 to vector<512x1xf32>
    %ne3A_94 = arith.cmpf one, %slice3A_91, %ne3A_93 : vector<512x1xf32>
    %convert_element_type3A_95 = arith.extui %ne3A_94 : vector<512x1xi1> to vector<512x1xi32>
    %convert_element_type3A_96 = arith.sitofp %convert_element_type3A_95 : vector<512x1xi32> to vector<512x1xf32>
    %get3A_97 = arith.constant 3 : index
    %get3A_98 = arith.constant 0 : index
    %get3A_99 = arith.constant 0 : index
    %get3A_100 = vector.load %arg4[%get3A_97, %get3A_98, %get3A_99] : memref<13x32x32xf32, #tpu.memory_space<vmem>>, vector<1x32x32xf32>
    %get3A_101 = vector.shape_cast %get3A_100 : vector<1x32x32xf32> to vector<32x32xf32>
    %dot_general3A_102 = arith.constant dense<0.000000e+00> : vector<512x32xf32>
    %dot_general3A_103 = tpu.matmul %mul3A_26, %get3A_101, %dot_general3A_102 {dimension_numbers = #tpu.dot_dimension_numbers<[1], [0], [0], [1], [0, 0, 1, 1], [], []>, transpose_lhs_hint = false} : vector<512x32xf32>, vector<32x32xf32>, vector<512x32xf32> -> vector<512x32xf32>
    %get3A_104 = arith.constant 3 : index
    %get3A_105 = arith.constant 0 : index
    %get3A_106 = vector.load %arg5[%get3A_104, %get3A_105] : memref<13x32xf32, #tpu.memory_space<vmem>>, vector<1x32xf32>
    %add3A_107 = vector.broadcast %get3A_106 : vector<1x32xf32> to vector<512x32xf32>
    %add3A_108 = arith.addf %dot_general3A_103, %add3A_107 : vector<512x32xf32>
    %mul3A_109 = vector.broadcast %convert_element_type3A_96 : vector<512x1xf32> to vector<512x32xf32>
    %mul3A_110 = arith.mulf %mul3A_109, %add3A_108 : vector<512x32xf32>
    %add3A_111 = arith.addf %add3A_90, %mul3A_110 : vector<512x32xf32>
    %slice3A_112 = vector.extract_strided_slice %slice3A_7 {offsets = [0, 4], sizes = [512, 1], strides = [1, 1]} : vector<512x13xf32> to vector<512x1xf32>
    %ne3A_113 = arith.constant 0.000000e+00 : f32
    %ne3A_114 = vector.broadcast %ne3A_113 : f32 to vector<512x1xf32>
    %ne3A_115 = arith.cmpf one, %slice3A_112, %ne3A_114 : vector<512x1xf32>
    %convert_element_type3A_116 = arith.extui %ne3A_115 : vector<512x1xi1> to vector<512x1xi32>
    %convert_element_type3A_117 = arith.sitofp %convert_element_type3A_116 : vector<512x1xi32> to vector<512x1xf32>
    %get3A_118 = arith.constant 4 : index
    %get3A_119 = arith.constant 0 : index
    %get3A_120 = arith.constant 0 : index
    %get3A_121 = vector.load %arg4[%get3A_118, %get3A_119, %get3A_120] : memref<13x32x32xf32, #tpu.memory_space<vmem>>, vector<1x32x32xf32>
    %get3A_122 = vector.shape_cast %get3A_121 : vector<1x32x32xf32> to vector<32x32xf32>
    %dot_general3A_123 = arith.constant dense<0.000000e+00> : vector<512x32xf32>
    %dot_general3A_124 = tpu.matmul %mul3A_26, %get3A_122, %dot_general3A_123 {dimension_numbers = #tpu.dot_dimension_numbers<[1], [0], [0], [1], [0, 0, 1, 1], [], []>, transpose_lhs_hint = false} : vector<512x32xf32>, vector<32x32xf32>, vector<512x32xf32> -> vector<512x32xf32>
    %get3A_125 = arith.constant 4 : index
    %get3A_126 = arith.constant 0 : index
    %get3A_127 = vector.load %arg5[%get3A_125, %get3A_126] : memref<13x32xf32, #tpu.memory_space<vmem>>, vector<1x32xf32>
    %add3A_128 = vector.broadcast %get3A_127 : vector<1x32xf32> to vector<512x32xf32>
    %add3A_129 = arith.addf %dot_general3A_124, %add3A_128 : vector<512x32xf32>
    %mul3A_130 = vector.broadcast %convert_element_type3A_117 : vector<512x1xf32> to vector<512x32xf32>
    %mul3A_131 = arith.mulf %mul3A_130, %add3A_129 : vector<512x32xf32>
    %add3A_132 = arith.addf %add3A_111, %mul3A_131 : vector<512x32xf32>
    %slice3A_133 = vector.extract_strided_slice %slice3A_7 {offsets = [0, 5], sizes = [512, 1], strides = [1, 1]} : vector<512x13xf32> to vector<512x1xf32>
    %ne3A_134 = arith.constant 0.000000e+00 : f32
    %ne3A_135 = vector.broadcast %ne3A_134 : f32 to vector<512x1xf32>
    %ne3A_136 = arith.cmpf one, %slice3A_133, %ne3A_135 : vector<512x1xf32>
    %convert_element_type3A_137 = arith.extui %ne3A_136 : vector<512x1xi1> to vector<512x1xi32>
    %convert_element_type3A_138 = arith.sitofp %convert_element_type3A_137 : vector<512x1xi32> to vector<512x1xf32>
    %get3A_139 = arith.constant 5 : index
    %get3A_140 = arith.constant 0 : index
    %get3A_141 = arith.constant 0 : index
    %get3A_142 = vector.load %arg4[%get3A_139, %get3A_140, %get3A_141] : memref<13x32x32xf32, #tpu.memory_space<vmem>>, vector<1x32x32xf32>
    %get3A_143 = vector.shape_cast %get3A_142 : vector<1x32x32xf32> to vector<32x32xf32>
    %dot_general3A_144 = arith.constant dense<0.000000e+00> : vector<512x32xf32>
    %dot_general3A_145 = tpu.matmul %mul3A_26, %get3A_143, %dot_general3A_144 {dimension_numbers = #tpu.dot_dimension_numbers<[1], [0], [0], [1], [0, 0, 1, 1], [], []>, transpose_lhs_hint = false} : vector<512x32xf32>, vector<32x32xf32>, vector<512x32xf32> -> vector<512x32xf32>
    %get3A_146 = arith.constant 5 : index
    %get3A_147 = arith.constant 0 : index
    %get3A_148 = vector.load %arg5[%get3A_146, %get3A_147] : memref<13x32xf32, #tpu.memory_space<vmem>>, vector<1x32xf32>
    %add3A_149 = vector.broadcast %get3A_148 : vector<1x32xf32> to vector<512x32xf32>
    %add3A_150 = arith.addf %dot_general3A_145, %add3A_149 : vector<512x32xf32>
    %mul3A_151 = vector.broadcast %convert_element_type3A_138 : vector<512x1xf32> to vector<512x32xf32>
    %mul3A_152 = arith.mulf %mul3A_151, %add3A_150 : vector<512x32xf32>
    %add3A_153 = arith.addf %add3A_132, %mul3A_152 : vector<512x32xf32>
    %slice3A_154 = vector.extract_strided_slice %slice3A_7 {offsets = [0, 6], sizes = [512, 1], strides = [1, 1]} : vector<512x13xf32> to vector<512x1xf32>
    %ne3A_155 = arith.constant 0.000000e+00 : f32
    %ne3A_156 = vector.broadcast %ne3A_155 : f32 to vector<512x1xf32>
    %ne3A_157 = arith.cmpf one, %slice3A_154, %ne3A_156 : vector<512x1xf32>
    %convert_element_type3A_158 = arith.extui %ne3A_157 : vector<512x1xi1> to vector<512x1xi32>
    %convert_element_type3A_159 = arith.sitofp %convert_element_type3A_158 : vector<512x1xi32> to vector<512x1xf32>
    %get3A_160 = arith.constant 6 : index
    %get3A_161 = arith.constant 0 : index
    %get3A_162 = arith.constant 0 : index
    %get3A_163 = vector.load %arg4[%get3A_160, %get3A_161, %get3A_162] : memref<13x32x32xf32, #tpu.memory_space<vmem>>, vector<1x32x32xf32>
    %get3A_164 = vector.shape_cast %get3A_163 : vector<1x32x32xf32> to vector<32x32xf32>
    %dot_general3A_165 = arith.constant dense<0.000000e+00> : vector<512x32xf32>
    %dot_general3A_166 = tpu.matmul %mul3A_26, %get3A_164, %dot_general3A_165 {dimension_numbers = #tpu.dot_dimension_numbers<[1], [0], [0], [1], [0, 0, 1, 1], [], []>, transpose_lhs_hint = false} : vector<512x32xf32>, vector<32x32xf32>, vector<512x32xf32> -> vector<512x32xf32>
    %get3A_167 = arith.constant 6 : index
    %get3A_168 = arith.constant 0 : index
    %get3A_169 = vector.load %arg5[%get3A_167, %get3A_168] : memref<13x32xf32, #tpu.memory_space<vmem>>, vector<1x32xf32>
    %add3A_170 = vector.broadcast %get3A_169 : vector<1x32xf32> to vector<512x32xf32>
    %add3A_171 = arith.addf %dot_general3A_166, %add3A_170 : vector<512x32xf32>
    %mul3A_172 = vector.broadcast %convert_element_type3A_159 : vector<512x1xf32> to vector<512x32xf32>
    %mul3A_173 = arith.mulf %mul3A_172, %add3A_171 : vector<512x32xf32>
    %add3A_174 = arith.addf %add3A_153, %mul3A_173 : vector<512x32xf32>
    %slice3A_175 = vector.extract_strided_slice %slice3A_7 {offsets = [0, 7], sizes = [512, 1], strides = [1, 1]} : vector<512x13xf32> to vector<512x1xf32>
    %ne3A_176 = arith.constant 0.000000e+00 : f32
    %ne3A_177 = vector.broadcast %ne3A_176 : f32 to vector<512x1xf32>
    %ne3A_178 = arith.cmpf one, %slice3A_175, %ne3A_177 : vector<512x1xf32>
    %convert_element_type3A_179 = arith.extui %ne3A_178 : vector<512x1xi1> to vector<512x1xi32>
    %convert_element_type3A_180 = arith.sitofp %convert_element_type3A_179 : vector<512x1xi32> to vector<512x1xf32>
    %get3A_181 = arith.constant 7 : index
    %get3A_182 = arith.constant 0 : index
    %get3A_183 = arith.constant 0 : index
    %get3A_184 = vector.load %arg4[%get3A_181, %get3A_182, %get3A_183] : memref<13x32x32xf32, #tpu.memory_space<vmem>>, vector<1x32x32xf32>
    %get3A_185 = vector.shape_cast %get3A_184 : vector<1x32x32xf32> to vector<32x32xf32>
    %dot_general3A_186 = arith.constant dense<0.000000e+00> : vector<512x32xf32>
    %dot_general3A_187 = tpu.matmul %mul3A_26, %get3A_185, %dot_general3A_186 {dimension_numbers = #tpu.dot_dimension_numbers<[1], [0], [0], [1], [0, 0, 1, 1], [], []>, transpose_lhs_hint = false} : vector<512x32xf32>, vector<32x32xf32>, vector<512x32xf32> -> vector<512x32xf32>
    %get3A_188 = arith.constant 7 : index
    %get3A_189 = arith.constant 0 : index
    %get3A_190 = vector.load %arg5[%get3A_188, %get3A_189] : memref<13x32xf32, #tpu.memory_space<vmem>>, vector<1x32xf32>
    %add3A_191 = vector.broadcast %get3A_190 : vector<1x32xf32> to vector<512x32xf32>
    %add3A_192 = arith.addf %dot_general3A_187, %add3A_191 : vector<512x32xf32>
    %mul3A_193 = vector.broadcast %convert_element_type3A_180 : vector<512x1xf32> to vector<512x32xf32>
    %mul3A_194 = arith.mulf %mul3A_193, %add3A_192 : vector<512x32xf32>
    %add3A_195 = arith.addf %add3A_174, %mul3A_194 : vector<512x32xf32>
    %slice3A_196 = vector.extract_strided_slice %slice3A_7 {offsets = [0, 8], sizes = [512, 1], strides = [1, 1]} : vector<512x13xf32> to vector<512x1xf32>
    %ne3A_197 = arith.constant 0.000000e+00 : f32
    %ne3A_198 = vector.broadcast %ne3A_197 : f32 to vector<512x1xf32>
    %ne3A_199 = arith.cmpf one, %slice3A_196, %ne3A_198 : vector<512x1xf32>
    %convert_element_type3A_200 = arith.extui %ne3A_199 : vector<512x1xi1> to vector<512x1xi32>
    %convert_element_type3A_201 = arith.sitofp %convert_element_type3A_200 : vector<512x1xi32> to vector<512x1xf32>
    %get3A_202 = arith.constant 8 : index
    %get3A_203 = arith.constant 0 : index
    %get3A_204 = arith.constant 0 : index
    %get3A_205 = vector.load %arg4[%get3A_202, %get3A_203, %get3A_204] : memref<13x32x32xf32, #tpu.memory_space<vmem>>, vector<1x32x32xf32>
    %get3A_206 = vector.shape_cast %get3A_205 : vector<1x32x32xf32> to vector<32x32xf32>
    %dot_general3A_207 = arith.constant dense<0.000000e+00> : vector<512x32xf32>
    %dot_general3A_208 = tpu.matmul %mul3A_26, %get3A_206, %dot_general3A_207 {dimension_numbers = #tpu.dot_dimension_numbers<[1], [0], [0], [1], [0, 0, 1, 1], [], []>, transpose_lhs_hint = false} : vector<512x32xf32>, vector<32x32xf32>, vector<512x32xf32> -> vector<512x32xf32>
    %get3A_209 = arith.constant 8 : index
    %get3A_210 = arith.constant 0 : index
    %get3A_211 = vector.load %arg5[%get3A_209, %get3A_210] : memref<13x32xf32, #tpu.memory_space<vmem>>, vector<1x32xf32>
    %add3A_212 = vector.broadcast %get3A_211 : vector<1x32xf32> to vector<512x32xf32>
    %add3A_213 = arith.addf %dot_general3A_208, %add3A_212 : vector<512x32xf32>
    %mul3A_214 = vector.broadcast %convert_element_type3A_201 : vector<512x1xf32> to vector<512x32xf32>
    %mul3A_215 = arith.mulf %mul3A_214, %add3A_213 : vector<512x32xf32>
    %add3A_216 = arith.addf %add3A_195, %mul3A_215 : vector<512x32xf32>
    %slice3A_217 = vector.extract_strided_slice %slice3A_7 {offsets = [0, 9], sizes = [512, 1], strides = [1, 1]} : vector<512x13xf32> to vector<512x1xf32>
    %ne3A_218 = arith.constant 0.000000e+00 : f32
    %ne3A_219 = vector.broadcast %ne3A_218 : f32 to vector<512x1xf32>
    %ne3A_220 = arith.cmpf one, %slice3A_217, %ne3A_219 : vector<512x1xf32>
    %convert_element_type3A_221 = arith.extui %ne3A_220 : vector<512x1xi1> to vector<512x1xi32>
    %convert_element_type3A_222 = arith.sitofp %convert_element_type3A_221 : vector<512x1xi32> to vector<512x1xf32>
    %get3A_223 = arith.constant 9 : index
    %get3A_224 = arith.constant 0 : index
    %get3A_225 = arith.constant 0 : index
    %get3A_226 = vector.load %arg4[%get3A_223, %get3A_224, %get3A_225] : memref<13x32x32xf32, #tpu.memory_space<vmem>>, vector<1x32x32xf32>
    %get3A_227 = vector.shape_cast %get3A_226 : vector<1x32x32xf32> to vector<32x32xf32>
    %dot_general3A_228 = arith.constant dense<0.000000e+00> : vector<512x32xf32>
    %dot_general3A_229 = tpu.matmul %mul3A_26, %get3A_227, %dot_general3A_228 {dimension_numbers = #tpu.dot_dimension_numbers<[1], [0], [0], [1], [0, 0, 1, 1], [], []>, transpose_lhs_hint = false} : vector<512x32xf32>, vector<32x32xf32>, vector<512x32xf32> -> vector<512x32xf32>
    %get3A_230 = arith.constant 9 : index
    %get3A_231 = arith.constant 0 : index
    %get3A_232 = vector.load %arg5[%get3A_230, %get3A_231] : memref<13x32xf32, #tpu.memory_space<vmem>>, vector<1x32xf32>
    %add3A_233 = vector.broadcast %get3A_232 : vector<1x32xf32> to vector<512x32xf32>
    %add3A_234 = arith.addf %dot_general3A_229, %add3A_233 : vector<512x32xf32>
    %mul3A_235 = vector.broadcast %convert_element_type3A_222 : vector<512x1xf32> to vector<512x32xf32>
    %mul3A_236 = arith.mulf %mul3A_235, %add3A_234 : vector<512x32xf32>
    %add3A_237 = arith.addf %add3A_216, %mul3A_236 : vector<512x32xf32>
    %slice3A_238 = vector.extract_strided_slice %slice3A_7 {offsets = [0, 10], sizes = [512, 1], strides = [1, 1]} : vector<512x13xf32> to vector<512x1xf32>
    %ne3A_239 = arith.constant 0.000000e+00 : f32
    %ne3A_240 = vector.broadcast %ne3A_239 : f32 to vector<512x1xf32>
    %ne3A_241 = arith.cmpf one, %slice3A_238, %ne3A_240 : vector<512x1xf32>
    %convert_element_type3A_242 = arith.extui %ne3A_241 : vector<512x1xi1> to vector<512x1xi32>
    %convert_element_type3A_243 = arith.sitofp %convert_element_type3A_242 : vector<512x1xi32> to vector<512x1xf32>
    %get3A_244 = arith.constant 10 : index
    %get3A_245 = arith.constant 0 : index
    %get3A_246 = arith.constant 0 : index
    %get3A_247 = vector.load %arg4[%get3A_244, %get3A_245, %get3A_246] : memref<13x32x32xf32, #tpu.memory_space<vmem>>, vector<1x32x32xf32>
    %get3A_248 = vector.shape_cast %get3A_247 : vector<1x32x32xf32> to vector<32x32xf32>
    %dot_general3A_249 = arith.constant dense<0.000000e+00> : vector<512x32xf32>
    %dot_general3A_250 = tpu.matmul %mul3A_26, %get3A_248, %dot_general3A_249 {dimension_numbers = #tpu.dot_dimension_numbers<[1], [0], [0], [1], [0, 0, 1, 1], [], []>, transpose_lhs_hint = false} : vector<512x32xf32>, vector<32x32xf32>, vector<512x32xf32> -> vector<512x32xf32>
    %get3A_251 = arith.constant 10 : index
    %get3A_252 = arith.constant 0 : index
    %get3A_253 = vector.load %arg5[%get3A_251, %get3A_252] : memref<13x32xf32, #tpu.memory_space<vmem>>, vector<1x32xf32>
    %add3A_254 = vector.broadcast %get3A_253 : vector<1x32xf32> to vector<512x32xf32>
    %add3A_255 = arith.addf %dot_general3A_250, %add3A_254 : vector<512x32xf32>
    %mul3A_256 = vector.broadcast %convert_element_type3A_243 : vector<512x1xf32> to vector<512x32xf32>
    %mul3A_257 = arith.mulf %mul3A_256, %add3A_255 : vector<512x32xf32>
    %add3A_258 = arith.addf %add3A_237, %mul3A_257 : vector<512x32xf32>
    %slice3A_259 = vector.extract_strided_slice %slice3A_7 {offsets = [0, 11], sizes = [512, 1], strides = [1, 1]} : vector<512x13xf32> to vector<512x1xf32>
    %ne3A_260 = arith.constant 0.000000e+00 : f32
    %ne3A_261 = vector.broadcast %ne3A_260 : f32 to vector<512x1xf32>
    %ne3A_262 = arith.cmpf one, %slice3A_259, %ne3A_261 : vector<512x1xf32>
    %convert_element_type3A_263 = arith.extui %ne3A_262 : vector<512x1xi1> to vector<512x1xi32>
    %convert_element_type3A_264 = arith.sitofp %convert_element_type3A_263 : vector<512x1xi32> to vector<512x1xf32>
    %get3A_265 = arith.constant 11 : index
    %get3A_266 = arith.constant 0 : index
    %get3A_267 = arith.constant 0 : index
    %get3A_268 = vector.load %arg4[%get3A_265, %get3A_266, %get3A_267] : memref<13x32x32xf32, #tpu.memory_space<vmem>>, vector<1x32x32xf32>
    %get3A_269 = vector.shape_cast %get3A_268 : vector<1x32x32xf32> to vector<32x32xf32>
    %dot_general3A_270 = arith.constant dense<0.000000e+00> : vector<512x32xf32>
    %dot_general3A_271 = tpu.matmul %mul3A_26, %get3A_269, %dot_general3A_270 {dimension_numbers = #tpu.dot_dimension_numbers<[1], [0], [0], [1], [0, 0, 1, 1], [], []>, transpose_lhs_hint = false} : vector<512x32xf32>, vector<32x32xf32>, vector<512x32xf32> -> vector<512x32xf32>
    %get3A_272 = arith.constant 11 : index
    %get3A_273 = arith.constant 0 : index
    %get3A_274 = vector.load %arg5[%get3A_272, %get3A_273] : memref<13x32xf32, #tpu.memory_space<vmem>>, vector<1x32xf32>
    %add3A_275 = vector.broadcast %get3A_274 : vector<1x32xf32> to vector<512x32xf32>
    %add3A_276 = arith.addf %dot_general3A_271, %add3A_275 : vector<512x32xf32>
    %mul3A_277 = vector.broadcast %convert_element_type3A_264 : vector<512x1xf32> to vector<512x32xf32>
    %mul3A_278 = arith.mulf %mul3A_277, %add3A_276 : vector<512x32xf32>
    %add3A_279 = arith.addf %add3A_258, %mul3A_278 : vector<512x32xf32>
    %slice3A_280 = vector.extract_strided_slice %slice3A_7 {offsets = [0, 12], sizes = [512, 1], strides = [1, 1]} : vector<512x13xf32> to vector<512x1xf32>
    %ne3A_281 = arith.constant 0.000000e+00 : f32
    %ne3A_282 = vector.broadcast %ne3A_281 : f32 to vector<512x1xf32>
    %ne3A_283 = arith.cmpf one, %slice3A_280, %ne3A_282 : vector<512x1xf32>
    %convert_element_type3A_284 = arith.extui %ne3A_283 : vector<512x1xi1> to vector<512x1xi32>
    %convert_element_type3A_285 = arith.sitofp %convert_element_type3A_284 : vector<512x1xi32> to vector<512x1xf32>
    %get3A_286 = arith.constant 12 : index
    %get3A_287 = arith.constant 0 : index
    %get3A_288 = arith.constant 0 : index
    %get3A_289 = vector.load %arg4[%get3A_286, %get3A_287, %get3A_288] : memref<13x32x32xf32, #tpu.memory_space<vmem>>, vector<1x32x32xf32>
    %get3A_290 = vector.shape_cast %get3A_289 : vector<1x32x32xf32> to vector<32x32xf32>
    %dot_general3A_291 = arith.constant dense<0.000000e+00> : vector<512x32xf32>
    %dot_general3A_292 = tpu.matmul %mul3A_26, %get3A_290, %dot_general3A_291 {dimension_numbers = #tpu.dot_dimension_numbers<[1], [0], [0], [1], [0, 0, 1, 1], [], []>, transpose_lhs_hint = false} : vector<512x32xf32>, vector<32x32xf32>, vector<512x32xf32> -> vector<512x32xf32>
    %get3A_293 = arith.constant 12 : index
    %get3A_294 = arith.constant 0 : index
    %get3A_295 = vector.load %arg5[%get3A_293, %get3A_294] : memref<13x32xf32, #tpu.memory_space<vmem>>, vector<1x32xf32>
    %add3A_296 = vector.broadcast %get3A_295 : vector<1x32xf32> to vector<512x32xf32>
    %add3A_297 = arith.addf %dot_general3A_292, %add3A_296 : vector<512x32xf32>
    %mul3A_298 = vector.broadcast %convert_element_type3A_285 : vector<512x1xf32> to vector<512x32xf32>
    %mul3A_299 = arith.mulf %mul3A_298, %add3A_297 : vector<512x32xf32>
    %add3A_300 = arith.addf %add3A_279, %mul3A_299 : vector<512x32xf32>
    %broadcast_in_dim3A_301 = arith.constant 0.000000e+00 : f32
    %broadcast_in_dim3A_302 = vector.broadcast %broadcast_in_dim3A_301 : f32 to vector<512x96xf32>
    %concatenate3A_303 = tpu.concatenate %add3A_300, %broadcast_in_dim3A_302 in 1 : vector<512x32xf32>, vector<512x96xf32> -> vector<512x128xf32>
    %swap3A_304 = arith.constant 0 : index
    %swap3A_305 = arith.constant 0 : index
    %swap3A_306 = vector.load %arg7[%swap3A_304, %swap3A_305] : memref<512x128xf32, #tpu.memory_space<vmem>>, vector<512x128xf32>
    tpu.vector_store %arg7[%swap3A_304, %swap3A_305], %concatenate3A_303 {strides = array<i32>} : memref<512x128xf32, #tpu.memory_space<vmem>>, vector<512x128xf32>,
    return
  }
  func.func @transform_0(%arg0: i32) -> (i32, i32) {
    %c0_i32 = arith.constant 0 : i32
    %c0_i32_0 = arith.constant 0 : i32
    return %arg0, %c0_i32 : i32, i32
  }
  func.func @transform_1(%arg0: i32) -> (i32, i32) {
    %c0_i32 = arith.constant 0 : i32
    %c0_i32_0 = arith.constant 0 : i32
    %c0_i32_1 = arith.constant 0 : i32
    return %c0_i32, %c0_i32_0 : i32, i32
  }
  func.func @transform_2(%arg0: i32) -> (i32, i32) {
    %c0_i32 = arith.constant 0 : i32
    %c0_i32_0 = arith.constant 0 : i32
    %c0_i32_1 = arith.constant 0 : i32
    return %c0_i32, %c0_i32_0 : i32, i32
  }
  func.func @transform_3(%arg0: i32) -> (i32, i32, i32) {
    %c0_i32 = arith.constant 0 : i32
    %c0_i32_0 = arith.constant 0 : i32
    %c0_i32_1 = arith.constant 0 : i32
    %c0_i32_2 = arith.constant 0 : i32
    return %c0_i32, %c0_i32_0, %c0_i32_1 : i32, i32, i32
  }
  func.func @transform_4(%arg0: i32) -> (i32, i32) {
    %c0_i32 = arith.constant 0 : i32
    %c0_i32_0 = arith.constant 0 : i32
    %c0_i32_1 = arith.constant 0 : i32
    return %c0_i32, %c0_i32_0 : i32, i32
  }
  func.func @transform_5(%arg0: i32) -> (i32, i32) {
    %c0_i32 = arith.constant 0 : i32
    %c0_i32_0 = arith.constant 0 : i32
    return %arg0, %c0_i32 : i32, i32
  }
  func.func @transform_6(%arg0: i32) -> (i32, i32) {
    %c0_i32 = arith.constant 0 : i32
    %c0_i32_0 = arith.constant 0 : i32
    return %arg0, %c0_i32 : i32, i32
  }
}

</mosaic_0001>

<sc_bundles>
// kernel: kernel.5.cloned.1.call-start
scs
__scs_entry_jumppad:
0x0: {  	(pc) =	sbr.rel $0x88, $3  }
0x1: {  	(tag) =	ssettag $0x0;
	lr =	simm.s32 $0x1  }
0x2: {  	[smem:$0x3F9B] =	sst lr;
	_ =	strace $0xD0000000  }
0x3: {  	_ = 	snop  }
0x4: {  	_ = 	snop  }
0x5: {  	_ = 	snop  }
0x6: {  	_ = 	snop  }
0x7: {  	_ = 	snop  }
__scs_overlays_trampoline_lowered:
0x8: {  	[smem:$0x3FAA] =	sst s0  }
0x9: {  	[smem:$0x3FAB] =	sst s1  }
0xa: {  	[smem:$0x3FAC] =	sst s2  }
0xb: {  	[smem:$0x3FAD] =	sst s3  }
0xc: {  	[smem:$0x3FAE] =	sst s4  }
0xd: {  	[smem:$0x3FAF] =	sst s5  }
0xe: {  	[smem:$0x3FB0] =	sst s6  }
0xf: {  	[smem:$0x3FB1] =	sst s7  }
0x10: {  	[smem:$0x3FB2] =	sst s8  }
0x11: {  	[smem:$0x3FB3] =	sst s9;
	s0 =	simm.s32 @!p0 $0x0  }
0x12: {  	s1 =	sld [smem:$0x3F99];
	s0 =	simm.s32 @p0 $0x1  }
0x13: {  	[smem:$0x3FB4] =	sst s0;
	s0 =	simm.s32 @!p1 $0x0  }
0x14: {  	s2 =	sld [smem:$0x3F98];
	s0 =	simm.s32 @p1 $0x1  }
0x15: {  	[smem:$0x3FB5] =	sst s0;
	s0 =	simm.s32 @!p2 $0x0  }
0x16: {  	s3 =	sld [smem:$0x3FDB];
	s0 =	simm.s32 @p2 $0x1  }
0x17: {  	s4 =	simm.s32 $0x1BF5;
	[smem:$0x3FB7] =	sst s0  }
0x18: {  	s0 =	sld [smem:$0x3F9A];
	_ =	swait.ge [sflag:s4], $0x0  }
0x19: {  	s7 =	sld [smem:$0x3F9B]  }
0x1a: {  	s8 =	sadd.s32 $0xFFFFE003, lr  }
0x1b: {  	s9 =	sadd.s32 $0xFFFFFEF7, lr;
	s5 =	simm.s32 $0xFFFFFFFF;
	p2 =	slt.u32 s8, $0xFFFFF086  }
0x1c: {  	p1 =	slt.u32 s9, $0xF7A;
	s5 =	simm.s32 @!p2 $0x0  }
0x1d: {  	s5 =	simm.s32 @p1 $0x1;
	p0 =	seq.s32 s7, s2  }
0x1e: {  	s7 =	smul.u32 @!p0 $0xF7A, s2;
	p2 =	seq.s32 @!p0 s5, $0x0  }
0x1f: {  	s9 =	smul.u32 $0xF7A, s1;
	s8 =	simm.s32 @!p0 $0x1BF5;
	p2 =	por !p2, p0  }
0x20: {  	[sflag:s8] =	ssyncset.s32 @!p0 $0xFFFFF086;
	s6 =	sadd.s32 @!p0 s3, s7;
	s7 =	simm.s32 @!p0 $0x108  }
0x21: {  	s3 =	sadd.s32 s3, s9;
	s6 =	sadd.s32 @!p0 $0x88, s6;
	s7 =	simm.s32 @p2 $0x1082  }
0x22: {  	[simem:s7], [sflag:s8] =	dma.local @!p0 [hbm:s6], $0xF7A  }
0x23: {  	s9 =	sor.u32 $0xD0000000, s2;
	s6 =	simm.s32 $0x108;
	_ =	swait.ge @!p0 [sflag:s8], $0x0  }
0x24: {  	s3 =	sadd.s32 $0x88, s3;
	s6 =	simm.s32 @!p1 $0x1082;
	[sflag:s4] =	ssyncset.s32 $0xFFFFF086  }
0x25: {  	[simem:s6], [sflag:s4] =	dma.local [hbm:s3], $0xF7A  }
0x26: {  	[smem:$0x3F9B] =	sst s1;
	(tag) =	ssettag s2;
	_ =	strace s9  }
0x27: {  	s1 =	sld [smem:$0x3FAB]  }
0x28: {  	s2 =	sld [smem:$0x3FAC]  }
0x29: {  	s4 =	sld [smem:$0x3FAE]  }
0x2a: {  	p0 =	seq.s32 s5, $0x0;
	s5 =	sld [smem:$0x3FAF]  }
0x2b: {  	s6 =	sld [smem:$0x3FB0]  }
0x2c: {  	s7 =	sld [smem:$0x3FB1]  }
0x2d: {  	s3 =	simm.s32 $0x108;
	s8 =	sld [smem:$0x3FB2]  }
0x2e: {  	s3 =	simm.s32 @!p0 $0x1082;
	s9 =	sld [smem:$0x3FB3]  }
0x2f: {  	lr =	sadd.s32 s0, s3;
	s0 =	sld [smem:$0x3FAA]  }
0x30: {  	s3 =	sld [smem:$0x3FAD]  }
0x31: {  	[smem:$0x3FB6] =	sst s10  }
0x32: {  	s10 =	sld [smem:$0x3FB4];
	_ =	sdelay $0x3  }
0x33: {  	p0 =	seq.s32 s10, $0x1;
	s10 =	sld [smem:$0x3FB6];
	_ =	sdelay $0x3  }
0x34: {  	[smem:$0x3FB6] =	sst s10  }
0x35: {  	s10 =	sld [smem:$0x3FB5];
	_ =	sdelay $0x3  }
0x36: {  	p1 =	seq.s32 s10, $0x1;
	s10 =	sld [smem:$0x3FB6];
	_ =	sdelay $0x3  }
0x37: {  	[smem:$0x3FB6] =	sst s10  }
0x38: {  	s10 =	sld [smem:$0x3FB7]  }
0x39: {  	_ = 	snop;
	(pc) =	sbr.ind lr, $3  }
0x3a: {  	_ = 	snop  }
0x3b: {  	_ = 	snop  }
0x3c: {  	p2 =	seq.s32 s10, $0x1;
	s10 =	sld [smem:$0x3FB6]  }
0x3d: {  	_ =	shalt  }
0x3e: {  	_ =	shalt  }
0x3f: {  	_ =	shalt  }
0x40: {  	_ =	shalt  }
0x41: {  	_ =	shalt  }
0x42: {  	_ =	shalt  }
0x43: {  	_ =	shalt  }
0x44: {  	_ =	shalt  }
0x45: {  	_ =	shalt  }
0x46: {  	_ =	shalt  }
0x47: {  	_ =	shalt  }
0x48: {  	_ =	shalt  }
0x49: {  	_ =	shalt  }
0x4a: {  	_ =	shalt  }
0x4b: {  	_ =	shalt  }
0x4c: {  	_ =	shalt  }
0x4d: {  	_ =	shalt  }
0x4e: {  	_ =	shalt  }
0x4f: {  	_ =	shalt  }
0x50: {  	_ =	shalt  }
0x51: {  	_ =	shalt  }
0x52: {  	_ =	shalt  }
0x53: {  	_ =	shalt  }
0x54: {  	_ =	shalt  }
0x55: {  	_ =	shalt  }
0x56: {  	_ =	shalt  }
0x57: {  	_ =	shalt  }
0x58: {  	_ =	shalt  }
0x59: {  	_ =	shalt  }
0x5a: {  	_ =	shalt  }
0x5b: {  	_ =	shalt  }
0x5c: {  	_ =	shalt  }
0x5d: {  	_ =	shalt  }
0x5e: {  	_ =	shalt  }
0x5f: {  	_ =	shalt  }
0x60: {  	_ =	shalt  }
0x61: {  	_ =	shalt  }
0x62: {  	_ =	shalt  }
0x63: {  	_ =	shalt  }
0x64: {  	_ =	shalt  }
0x65: {  	_ =	shalt  }
0x66: {  	_ =	shalt  }
0x67: {  	_ =	shalt  }
0x68: {  	_ =	shalt  }
0x69: {  	_ =	shalt  }
0x6a: {  	_ =	shalt  }
0x6b: {  	_ =	shalt  }
0x6c: {  	_ =	shalt  }
0x6d: {  	_ =	shalt  }
0x6e: {  	_ =	shalt  }
0x6f: {  	_ =	shalt  }
0x70: {  	_ =	shalt  }
0x71: {  	_ =	shalt  }
0x72: {  	_ =	shalt  }
0x73: {  	_ =	shalt  }
0x74: {  	_ =	shalt  }
0x75: {  	_ =	shalt  }
0x76: {  	_ =	shalt  }
0x77: {  	_ =	shalt  }
0x78: {  	_ =	shalt  }
0x79: {  	_ =	shalt  }
0x7a: {  	_ =	shalt  }
0x7b: {  	_ =	shalt  }
0x7c: {  	_ =	shalt  }
0x7d: {  	_ =	shalt  }
0x7e: {  	_ =	shalt  }
0x7f: {  	_ =	shalt  }
0x80: {  	_ =	shalt  }
0x81: {  	_ =	shalt  }
0x82: {  	_ =	shalt  }
0x83: {  	_ =	shalt  }
0x84: {  	_ =	shalt  }
0x85: {  	_ =	shalt  }
0x86: {  	_ =	shalt  }
0x87: {  	_ =	shalt  }
.Lfunc_end0:
.L_simem_size_0:
called_computation_lowered:
.L_overlay_start_0:
0x88: {  	s2 =	sld [smem:$0x3FD9]  }
0x89: {  	s3 =	sld [smem:$0x3FFE];
	_ =	sdelay $0x1  }
0x8a: {  	s1 =	srdreg.scid  }
0x8b: {  	s0 =	sand.u32 $0x1, s1  }
0x8c: {  	s17 =	sshll.u32 s0, $0xA;
	s2 =	sadd.s32 s3, s2  }
0x8d: {  	s2 =	sadd.s32 s2, s17  }
0x8e: {  	[smem:$0x3FC2] =	sst s2  }
0x8f: {  	_ = 	snop  }
0x90: {  	s2 =	sld [smem:$0x3FC8]  }
0x91: {  	s18 =	sld [smem:$0x3FD0];
	(tm) =	ssettm $0x1  }
0x92: {  	s4 =	sld [smem:$0x3FFB];
	_ =	sdelay $0x3  }
0x93: {  	_ =	strace s4  }
0x94: {  	s4 =	sld [smem:$0x3FFC];
	_ =	sdelay $0x3  }
0x95: {  	_ =	strace s4  }
0x96: {  	s4 =	sld [smem:$0x3FFD];
	_ =	sdelay $0x3  }
0x97: {  	_ =	strace s4  }
0x98: {  	_ =	strace $0x8FFFFFFF  }
0x99: {  	s19 =	sld [smem:$0x3FDB];
	_ =	sdelay $0x1  }
0x9a: {  	s5 =	simm.s32 $_scs_section_size  }
0x9b: {  	s6 =	simm.s32 $_size__tile_overlayer_lowered;
	s7 =	simm.s32 $_tile_overlayer_lowered  }
0x9c: {  	s22 =	simm.s32 $0x1BFF;
	s21 =	sshll.u32 s7, $0x1;
	s4 =	sadd.s32 s5, s19  }
0x9d: {  	s8 =	simm.s32 $0x0;
	s20 =	sshll.u32 s6, $0x1;
	s6 =	sadd.s32 s21, s4  }
0x9e: {  	[timem:s8], [sflag:s22] =	dma.local [hbm:s6], s20  }
0x9f: {  	_ =	swait.ge [sflag:s22], s20  }
0xa0: {  	s5 =	ssub.s32 $0x0, s20;
	[sflag:s22] =	ssyncset.done $0x0  }
0xa1: {  	[sflag:s22] =	ssyncadd.s32 s5;
	_ =	sdelay $0x1  }
0xa2: {  	s23 =	simm.s32 $0x1B8B  }
0xa3: {  	_ =	swait.ge [sflag:s23], $0x1  }
0xa4: {  	[sflag:s23] =	ssyncset.done $0x0  }
0xa5: {  	s25 =	simm.s32 $0x1B8E;
	s24 =	sld [smem:$0x3FFE];
	[sflag:s23] =	ssyncadd.s32 $0xFFFFFFFF  }
0xa6: {  	s26 =	simm.s32 $execute0_lowered;
	[smem:$0x3FD2] =	sst s25  }
0xa7: {  	s6 =	sshll.u32 s26, $0x1;
	_ =	strace $0x80000046;
	[dreg:$0x1] =	wrdreg $0xFFFFFFFF  }
0xa8: {  	s28 =	simm.s32 $_size_execute0_lowered;
	s4 =	sadd.s32 s4, s6;
	[dreg:$0x0] =	wrdreg $0x0  }
0xa9: {  	s6 =	sshll.u32 s28, $0x1;
	[dreg:$0x2] =	wrdreg s4  }
0xaa: {  	[dreg:$0x3] =	wrdreg s6  }
0xab: {  	[dreg:$0x4] =	wrdreg $0xC0  }
0xac: {  	_ =	task [dreg:s8], $0x5FFFF  }
0xad: {  	[dreg:$0x1] =	wrdreg $0xFFFFFFFF  }
0xae: {  	[dreg:$0x0] =	wrdreg $0x60  }
0xaf: {  	[dreg:$0x2] =	wrdreg s2  }
0xb0: {  	[dreg:$0x3] =	wrdreg s18  }
0xb1: {  	[dreg:$0x4] =	wrdreg s24  }
0xb2: {  	[dreg:$0x5] =	wrdreg $0x9  }
0xb3: {  	_ =	task.clear_ibuf [dreg:s8], $0x6FFFF;
	_ =	strace $0x90000046  }
0xb4: {  	s29 =	simm.s32 $0x9;
	_ =	strace $0x80000048  }
0xb5: {  	_ =	swait.ge [sflag:s29], $0x1  }
0xb6: {  	[sflag:s29] =	ssyncadd.s32 $0xFFFFFFFF  }
0xb7: {  	_ =	strace $0x90000048  }
0xb8: {  	_ =	sfence  }
0xb9: {  	s30 =	sld [smem:$0x0];
	_ =	sdelay $0x2  }
0xba: {  	s31 =	sshll.u32 s1, $0xD;
	s1 =	sshrl.u32 s1, $0x2  }
0xbb: {  	s3 =	sand.u32 $0x4000, s31;
	s1 =	sadd.s32 s1, s30  }
0xbc: {  	s0 =	sor.u32 s3, s0;
	s1 =	sshll.u32 s1, $0x11  }
0xbd: {  	s0 =	sor.u32 s1, s0  }
0xbe: {  	s0 =	sadd.s32 $0x8F2B, s0  }
0xbf: {  	[sflag:s0] =	ssyncadd.remote.s32 $0x1  }
0xc0: {  	_ =	sfence.sel $0xFFFF  }
0xc1: {  	[dreg:$0x0] =	wrdreg $0xFFFFFFFF;
	(pc) =	sbr.abs _section_cstart, $3  }
0xc2: {  	[dreg:$0x1] =	wrdreg $0xFFFFFFFF  }
0xc3: {  	_ =	task.clear_ibuf [dreg:s8], $0x2FFFF;
	_ =	strace $0x9FFFFFFF  }
0xc4: {  	(tm) =	ssettm $0x7FFFFFFF  }
0xc5: {  	_ =	shalt  }
tec
execute0_lowered:
.L_overlay_start_1:
0x0: {  	(tag) =	ssettag $0x1  }
0x1: {  	v0 =	vimm.s32 $0x1380  }
0x2: {  	vm14 =	vcmask $0x300;
	vm13 =	vcmask $0x704;
	vm12 =	vcmask $0xB08  }
0x3: {  	vm11 =	vcmask $0xF0C;
	vm10 =	vcmask $0x1310;
	vm9 =	vcmask $0x1714  }
0x4: {  	vm8 =	vcmask $0x1B18;
	vm7 =	vcmask $0x1F1C;
	vm6 =	vcmask $0x2320  }
0x5: {  	vm5 =	vcmask $0x2724;
	vm4 =	vcmask $0x2B28;
	vm1 =	vcmask $0x2F2C  }
0x6: {  	vm0 =	vcmask $0x3330;
	v2 =	vimm.s32 $0xEFCDAB89;
	v3 =	vimm.s32 $0x67452301  }
0x7: {  	v4 =	vimm.s32 $0xDCFE98BA;
	v5 =	vimm.s32 $0x54761032;
	vm2 =	vcmask $0x3734  }
0x8: {  	vm3 =	vcmask $0x3B38;
	v7 =	vimm.s32 $0x32107654;
	v9 =	vimm.s32 $0xFEDCBA98  }
0x9: {  	v21 =	vimm.s32 $0x76543210;
	v22 =	vimm.s32 $0x3380;
	v0 =	vsel vm14, $0x0, v0  }
0xa: {  	v2 =	vunpack.c.l.s4.s8 v2;
	v3 =	vunpack.c.l.s4.s8 v3;
	v4 =	vunpack.c.l.s4.s8 v4  }
0xb: {  	v5 =	vunpack.c.l.s4.s8 v5;
	v7 =	vunpack.c.l.s4.s8 v7;
	v9 =	vunpack.c.l.s4.s8 v9  }
0xc: {  	v21 =	vunpack.c.l.s4.s8 v21;
	v22 =	vsel vm14, $0x2000, v22;
	v0 =	vsel vm13, $0x80, v0  }
0xd: {  	v0 =	vsel vm12, $0x100, v0;
	v10 =	vunpack.c.0.s8.s32 v2;
	v11 =	vunpack.c.0.s8.s32 v3  }
0xe: {  	v12 =	vunpack.c.0.s8.s32 v4;
	v13 =	vunpack.c.0.s8.s32 v5;
	v3 =	vimm.s32 $0xCDEF89AB  }
0xf: {  	v17 =	vunpack.c.0.s8.s32 v7;
	v0 =	vsel vm11, $0x180, v0;
	v5 =	vunpack.c.l.s4.s8 v3  }
0x10: {  	v3 =	vimm.s32 $0x45670123;
	v0 =	vsel vm10, $0x200, v0;
	v2 =	vcombine.low v11, v10  }
0x11: {  	v4 =	vcombine.low v13, v12;
	v6 =	vunpack.c.l.s4.s8 v3;
	v3 =	vimm.s32 $0xBA98FEDC  }
0x12: {  	v10 =	vand.u32 $0xF, v10;
	v0 =	vsel vm9, $0x280, v0;
	v8 =	vunpack.c.l.s4.s8 v3  }
0x13: {  	v14 =	vunpack.c.0.s8.s32 v5;
	v10 =	vcombine.low v10, v11;
	v11 =	vand.u32 $0xF, v12  }
0x14: {  	v0 =	vsel vm8, $0x300, v0;
	v2 =	vand.u32 $0xF, v2;
	v3 =	vand.u32 $0xF, v4  }
0x15: {  	v15 =	vunpack.c.0.s8.s32 v6;
	v4 =	vimm.s32 $0xAB89EFCD;
	v6 =	vimm.s32 $0x23016745  }
0x16: {  	s1 =	srdreg.scid;
	s10 =	rddreg [dreg:$0x1];
	v11 =	vcombine.low v11, v13;
	v0 =	vsel vm7, $0x380, v0;
	v4 =	vunpack.c.l.s4.s8 v4  }
0x17: {  	s0 =	stileid.u32;
	s5 =	rddreg [dreg:$0x2];
	s9 =	simm.s32 $0x1;
	v16 =	vunpack.c.0.s8.s32 v8;
	v6 =	vunpack.c.l.s4.s8 v6;
	v8 =	vimm.s32 $0x98BADCFE  }
0x18: {  	s15 =	simm.s32 $0x2;
	s16 =	simm.s32 $0x4000;
	s17 =	simm.s32 $0xC000;
	v13 =	vand.u32 $0xF, v14;
	v18 =	vunpack.c.0.s8.s32 v4;
	v4 =	vunpack.c.l.s4.s8 v8  }
0x19: {  	s18 =	simm.s32 $0x3;
	s6 =	sand.u32 $0x1, s1;
	s2 =	sshll.u32 s0, $0x1;
	v8 =	vimm.s32 $0x89ABCDEF;
	v19 =	vunpack.c.0.s8.s32 v6;
	v6 =	vimm.s32 $0x10325476  }
0x1a: {  	s19 =	simm.s32 $0x8000;
	s20 =	simm.s32 $0x4;
	s8 =	sor.u32 s6, s2;
	v20 =	vunpack.c.0.s8.s32 v4;
	v4 =	vunpack.c.l.s4.s8 v6;
	v6 =	vimm.s32 $0x1234567  }
0x1b: {  	s21 =	simm.s32 $0x0;
	s1 =	rddreg [dreg:$0x0];
	s3 =	smul.u32 $0xFFCE42F5, s8;
	v0 =	vsel vm6, $0x1000, v0;
	v8 =	vunpack.c.l.s4.s8 v8;
	v6 =	vunpack.c.l.s4.s8 v6  }
0x1c: {  	s5 =	sadd.s32 $0x1800, s5;
	s2 =	rddreg [dreg:$0x3];
	s7 =	smul.u32 $0x1A17DD, s8;
	v5 =	vcombine.low v15, v14;
	v1 =	vsel vm5, $0x1080, v0;
	v0 =	vlaneseq.u32  }
0x1d: {  	s6 =	ssub.s32 $0x2, s6;
	s29 =	smul.u32 $0x30D420, s8;
	s4 =	sand.u32 $0xFFFF, s3;
	v1 =	vsel vm4, $0x1100, v1;
	v8 =	vunpack.c.0.s8.s32 v8;
	v6 =	vunpack.c.0.s8.s32 v6  }
0x1e: {  	p0 =	seq.s32 s8, $0x0;
	s3 =	smul.u32 $0x9F, s8;
	p1 =	sgt.u32 s4, $0x150;
	v23 =	vunpack.c.0.s8.s32 v4;
	v4 =	vunpack.c.0.s8.s32 v9;
	v9 =	vsel vm13, $0x2080, v22  }
0x1f: {  	s13 =	sshrl.u32 s6, $0x1;
	s30 =	smul.u32 $0x284, s8;
	p0 =	por !p0, !p1;
	v1 =	vsel vm1, $0x1180, v1;
	v61 =	vcombine.low v6, v8;
	v8 =	vsel vm12, $0x2100, v9  }
0x20: {  	s13 =	ssub.s32 s6, s13;
	s11 =	smin.u32 s3, $0x132F;
	p0 =	por !p0, !p0;
	v7 =	vcombine.low v17, v16;
	v1 =	vsel vm0, $0x1200, v1;
	v8 =	vsel vm11, $0x2180, v8  }
0x21: {  	s7 =	sshrl.u32 s7, $0x15;
	s11 =	sadd.s32 $0x9E, s11;
	s9 =	simm.s32 @!p0 $0x0;
	v5 =	vand.u32 $0xF, v5;
	v1 =	vsel vm2, $0x1280, v1;
	v8 =	vsel vm10, $0x2200, v8  }
0x22: {  	s6 =	simm.s32 $0x1;
	s28 =	smul.u32 $0x2A03, s11;
	s7 =	ssub.s32 s7, s9;
	v1 =	vsel vm3, $0x1300, v1;
	v6 =	vunpack.c.0.s8.s32 v21;
	v24 =	vsel vm9, $0x2280, v8  }
0x23: {  	s10 =	sadd.s32 s10, s30;
	s4 =	simm.s32 $0x0;
	s12 =	smul.u32 $0xFFF3D, s7;
	v4 =	vand.u32 $0xF, v4;
	v9 =	vcombine.low v19, v18;
	v63 =	vsel vm8, $0x2300, v24  }
0x24: {  	[smem:$0x7FF] =	sst s4;
	s7 =	smul.u32 $0x30E000, s7;
	s9 =	sshrl.u32 s28, $0x15;
	v62 =	vcombine.low v23, v20;
	v4 =	vcombine.low v4, v6;
	v21 =	vsel vm7, $0x2380, v63  }
0x25: {  	s8 =	sadd.s32 $0x1, s3;
	_ =	strace $0x80000047;
	s14 =	smul.u32 $0x3FF3D, s9;
	v6 =	vand.u32 $0xF, v7;
	v7 =	vand.u32 $0xF, v9;
	v12 =	vsel vm6, $0x3000, v21  }
0x26: {  	p0 =	sgt.u32 s0, $0xC;
	s9 =	smul.u32 $0x30D420, s9;
	s12 =	sadd.s32 s3, s12;
	v9 =	vand.u32 $0xF, v61;
	v8 =	vand.u32 $0xF, v62;
	v14 =	vsel vm5, $0x3080, v12  }
0x27: {  	s12 =	sshll.u32 s12, $0xC;
	s11 =	sadd.s32 s11, s14;
	s14 =	simm.s32 $0xC3800;
	v12 =	vcombine.low v13, v15;
	v13 =	vand.u32 $0xF, v16;
	v14 =	vsel vm4, $0x3100, v14  }
0x28: {  	s7 =	sadd.s32 s12, s7;
	s11 =	sshll.u32 s11, $0xE;
	s12 =	sshrl.u32 s29, $0x3;
	v15 =	vand.u32 $0xF, v18;
	v16 =	vand.u32 $0xF, v20;
	v14 =	vsel vm1, $0x3180, v14  }
0x29: {  	s7 =	sshrl.u32 s7, $0x3;
	s9 =	sadd.s32 s9, s11;
	s31 =	sadd.s32 s5, s12;
	v13 =	vcombine.low v13, v17;
	v17 =	vmul.u32 $0xFFFFFFFF, v0;
	v18 =	vsel vm0, $0x3200, v14  }
0x2a: {  	s12 =	smax.u32 s13, $0x1;
	s13 =	simm.s32 $0x1000;
	s9 =	sshrl.u32 s9, $0x3;
	v14 =	vcombine.low v15, v19;
	v15 =	vcombine.low v16, v23;
	v18 =	vsel vm2, $0x3280, v18  }
0x2b: {  	s7 =	sadd.s32 s1, s7;
	s11 =	sadd.s32 $0x61800, s31;
	s9 =	sadd.s32 s5, s9;
	v16 =	vadd.s32 $0xF, v17;
	v17 =	vsel vm3, $0x3300, v18;
	v18 =	vor.u32 $0x10, v0  }
.LBB2_1:
.Ltmp0:
0x2c: {  	(pc) =	sbr.rel .LBB2_2-.Ltmp0, $3  }
0x2d: {  	_ =	sdelay $0x1  }
0x2e: {  	[tilespmem:s4], [sflag:$0x1] =	stream.strided.gather [hbm4b:s7+s13], $0x4000, s14, s13, $0x38;
	[tilespmem:$0x10000] =	vst v63  }
0x2f: {  	s22 =	simm.s32 $0x0  }
.LBB2_9:
0x30: {  	s22 =	sadd.s32 $0x1, s22  }
0x31: {  	p1 =	sne.s32 s22, $0x9E  }
.Ltmp1:
0x32: {  	_ = 	snop;
	(pc) =	sbr.rel @!p1 .LBB2_10-.Ltmp1, $1  }
0x33: {  	_ =	sdelay $0x3  }
.LBB2_2:
0x34: {  	s23 =	sadd.s32 s22, s8  }
0x35: {  	p1 =	slt.s32 s23, $0x13CD  }
0x36: {  	s23 =	simm.s32 @!p1 $0x13CD  }
0x37: {  	s24 =	smulhi.u32 $0x50150151, s23;
	_ =	sdelay $0x1  }
0x38: {  	s25 =	ssub.s32 s23, s24  }
0x39: {  	s25 =	sshrl.u32 s25, $0x1  }
0x3a: {  	s24 =	sadd.s32 s24, s25  }
0x3b: {  	s24 =	sshrl.u32 s24, $0x7  }
0x3c: {  	s31 =	smul.u32 $0xFFF3D, s24  }
0x3d: {  	s26 =	smul.u32 $0x30E000, s24;
	s24 =	sand.u32 $0x1, s22  }
0x3e: {  	p1 =	seq.s32 s24, $0x1  }
.Ltmp2:
0x3f: {  	s23 =	sadd.s32 s23, s31;
	(pc) =	sbr.rel @p1 .LBB2_6-.Ltmp2, $4  }
0x40: {  	s23 =	sshll.u32 s23, $0xC  }
0x41: {  	s23 =	sadd.s32 s26, s23  }
0x42: {  	s23 =	sshrl.u32 s23, $0x3  }
0x43: {  	s23 =	sadd.s32 s1, s23  }
0x44: {  	s25 =	simm.s32 $0x0  }
0x45: {  	v19 =	vmov s25  }
0x46: {  	v19 =	vshll.u32 v19, $0x3  }
0x47: {  	[tilespmem:s16], [sflag:$0x2] =	stream.strided.gather [hbm4b:s23+s13], $0x4000, s14, s13, $0x38;
	v20 =	vor.u32 s25, v0;
	v21 =	vand.u32 $0xC00, v19;
	[tilespmem:$0x10000] =	vst v63  }
0x48: {  	_ =	swait.ge [sflag:s6], $0x4000;
	v22 =	vand.u32 $0x7F, v20;
	v19 =	vor.u32 v1, v21  }
0x49: {  	p1 =	slt.u32 s22, $0x2;
	[sflag:s6] =	ssyncset.done $0x0;
	v23 =	vor.u32 v22, v19  }
0x4a: {  	s26 =	simm.s32 @!p1 $0x3;
	[sflag:s6] =	ssyncadd.s32 $0xFFFFC000  }
0x4b: {  	_ =	swait.ge @!p1 [sflag:s26], $0x4000  }
0x4c: {  	[sflag:s26] =	ssyncset.done @!p1 $0x0  }
0x4d: {  	v24 =	vor.u32 s25, v2;
	v20 =	vshll.u32 v20, $0x5;
	[sflag:s26] =	ssyncadd.s32 @!p1 $0xFFFFC000  }
0x4e: {  	v26 =	vand.u32 $0x7F, v24;
	v25 =	vor.u32 v0, v20;
	v23 =	vld.idx.msk [tilespmem:v23+s4+$0x0], $0xffff  }
0x4f: {  	v27 =	vor.u32 v26, v19;
	_ =	sdelay $0x3  }
0x50: {  	v34 =	vor.u32 s25, v3;
	[tilespmem:v25+s19+$0x0] =	vst.idx.msk $0xffff, v23;
	v23 =	vshll.u32 v24, $0x5  }
0x51: {  	v28 =	vand.u32 $0x7F, v34;
	v25 =	vld.idx.msk [tilespmem:v27+s4+$0x0], $0xffff;
	v35 =	vor.u32 v0, v23  }
0x52: {  	v29 =	vor.u32 v28, v19;
	_ =	sdelay $0x3  }
0x53: {  	v36 =	vor.u32 s25, v5;
	v24 =	vshll.u32 v34, $0x5;
	[tilespmem:v35+s19+$0x0] =	vst.idx.msk $0xffff, v25  }
0x54: {  	v30 =	vand.u32 $0x7F, v36;
	v37 =	vor.u32 v0, v24;
	v27 =	vld.idx.msk [tilespmem:v29+s4+$0x0], $0xffff  }
0x55: {  	v31 =	vor.u32 v30, v19;
	_ =	sdelay $0x3  }
0x56: {  	v38 =	vor.u32 s25, v6;
	v25 =	vshll.u32 v36, $0x5;
	[tilespmem:v37+s19+$0x0] =	vst.idx.msk $0xffff, v27  }
0x57: {  	v32 =	vand.u32 $0x7F, v38;
	v39 =	vor.u32 v0, v25;
	v29 =	vld.idx.msk [tilespmem:v31+s4+$0x0], $0xffff  }
0x58: {  	v33 =	vor.u32 v32, v19;
	_ =	sdelay $0x3  }
0x59: {  	v40 =	vor.u32 s25, v7;
	v27 =	vshll.u32 v38, $0x5;
	[tilespmem:v39+s19+$0x0] =	vst.idx.msk $0xffff, v29  }
0x5a: {  	v34 =	vand.u32 $0x7F, v40;
	v41 =	vor.u32 v0, v27;
	v31 =	vld.idx.msk [tilespmem:v33+s4+$0x0], $0xffff  }
0x5b: {  	v35 =	vor.u32 v34, v19;
	_ =	sdelay $0x3  }
0x5c: {  	v42 =	vor.u32 s25, v8;
	v29 =	vshll.u32 v40, $0x5;
	[tilespmem:v41+s19+$0x0] =	vst.idx.msk $0xffff, v31  }
0x5d: {  	v36 =	vand.u32 $0x7F, v42;
	v43 =	vor.u32 v0, v29;
	v33 =	vld.idx.msk [tilespmem:v35+s4+$0x0], $0xffff  }
0x5e: {  	v37 =	vor.u32 v36, v19;
	_ =	sdelay $0x3  }
0x5f: {  	v44 =	vor.u32 s25, v9;
	v31 =	vshll.u32 v42, $0x5;
	[tilespmem:v43+s19+$0x0] =	vst.idx.msk $0xffff, v33  }
0x60: {  	v38 =	vand.u32 $0x7F, v44;
	v45 =	vor.u32 v0, v31;
	v35 =	vld.idx.msk [tilespmem:v37+s4+$0x0], $0xffff  }
0x61: {  	v39 =	vor.u32 v38, v19;
	_ =	sdelay $0x3  }
0x62: {  	v46 =	vor.u32 s25, v4;
	v33 =	vshll.u32 v44, $0x5;
	[tilespmem:v45+s19+$0x0] =	vst.idx.msk $0xffff, v35  }
0x63: {  	v40 =	vand.u32 $0x7F, v46;
	v47 =	vor.u32 v0, v33;
	v37 =	vld.idx.msk [tilespmem:v39+s4+$0x0], $0xffff  }
0x64: {  	v41 =	vor.u32 v40, v19;
	_ =	sdelay $0x3  }
0x65: {  	v48 =	vor.u32 s25, v10;
	v35 =	vshll.u32 v46, $0x5;
	[tilespmem:v47+s19+$0x0] =	vst.idx.msk $0xffff, v37  }
0x66: {  	v42 =	vand.u32 $0x7F, v48;
	v49 =	vor.u32 v0, v35;
	v39 =	vld.idx.msk [tilespmem:v41+s4+$0x0], $0xffff  }
0x67: {  	v43 =	vor.u32 v42, v19;
	_ =	sdelay $0x3  }
0x68: {  	v50 =	vor.u32 s25, v11;
	v37 =	vshll.u32 v48, $0x5;
	[tilespmem:v49+s19+$0x0] =	vst.idx.msk $0xffff, v39  }
0x69: {  	v44 =	vand.u32 $0x7F, v50;
	v51 =	vor.u32 v0, v37;
	v41 =	vld.idx.msk [tilespmem:v43+s4+$0x0], $0xffff  }
0x6a: {  	v45 =	vor.u32 v44, v19;
	_ =	sdelay $0x3  }
0x6b: {  	v52 =	vor.u32 s25, v12;
	v39 =	vshll.u32 v50, $0x5;
	[tilespmem:v51+s19+$0x0] =	vst.idx.msk $0xffff, v41  }
0x6c: {  	v46 =	vand.u32 $0x7F, v52;
	v53 =	vor.u32 v0, v39;
	v43 =	vld.idx.msk [tilespmem:v45+s4+$0x0], $0xffff  }
0x6d: {  	v47 =	vor.u32 v46, v19;
	_ =	sdelay $0x3  }
0x6e: {  	v54 =	vor.u32 s25, v13;
	v41 =	vshll.u32 v52, $0x5;
	[tilespmem:v53+s19+$0x0] =	vst.idx.msk $0xffff, v43  }
0x6f: {  	v48 =	vand.u32 $0x7F, v54;
	v55 =	vor.u32 v0, v41;
	v45 =	vld.idx.msk [tilespmem:v47+s4+$0x0], $0xffff  }
0x70: {  	v49 =	vor.u32 v48, v19;
	_ =	sdelay $0x3  }
0x71: {  	v56 =	vor.u32 s25, v14;
	v43 =	vshll.u32 v54, $0x5;
	[tilespmem:v55+s19+$0x0] =	vst.idx.msk $0xffff, v45  }
0x72: {  	v50 =	vand.u32 $0x7F, v56;
	v57 =	vor.u32 v0, v43;
	v47 =	vld.idx.msk [tilespmem:v49+s4+$0x0], $0xffff  }
0x73: {  	v51 =	vor.u32 v50, v19;
	_ =	sdelay $0x3  }
0x74: {  	v58 =	vor.u32 s25, v15;
	v45 =	vshll.u32 v56, $0x5;
	[tilespmem:v57+s19+$0x0] =	vst.idx.msk $0xffff, v47  }
0x75: {  	v52 =	vand.u32 $0x7F, v58;
	v59 =	vor.u32 v0, v45;
	v49 =	vld.idx.msk [tilespmem:v51+s4+$0x0], $0xffff  }
0x76: {  	v53 =	vor.u32 v52, v19;
	_ =	sdelay $0x3  }
0x77: {  	v60 =	vor.u32 s25, v16;
	v47 =	vshll.u32 v58, $0x5;
	[tilespmem:v59+s19+$0x0] =	vst.idx.msk $0xffff, v49  }
0x78: {  	v54 =	vand.u32 $0x7F, v60;
	v61 =	vor.u32 v0, v47;
	v51 =	vld.idx.msk [tilespmem:v53+s4+$0x0], $0xffff  }
0x79: {  	v55 =	vor.u32 v54, v19;
	_ =	sdelay $0x3  }
0x7a: {  	v19 =	vshll.u32 v60, $0x5;
	[tilespmem:v61+s19+$0x0] =	vst.idx.msk $0xffff, v51  }
0x7b: {  	v21 =	vor.u32 v17, v21;
	v63 =	vor.u32 v0, v19;
	v62 =	vld.idx.msk [tilespmem:v55+s4+$0x0], $0xffff  }
0x7c: {  	v22 =	vor.u32 v22, v21;
	_ =	sdelay $0x3  }
0x7d: {  	[tilespmem:v63+s19+$0x0] =	vst.idx.msk $0xffff, v62  }
0x7e: {  	v20 =	vor.u32 v18, v20;
	v22 =	vld.idx.msk [tilespmem:v22+s4+$0x0], $0xffff  }
0x7f: {  	v26 =	vor.u32 v26, v21;
	_ =	sdelay $0x3  }
0x80: {  	[tilespmem:v20+s19+$0x0] =	vst.idx.msk $0xffff, v22  }
0x81: {  	v22 =	vor.u32 v18, v23;
	v20 =	vld.idx.msk [tilespmem:v26+s4+$0x0], $0xffff  }
0x82: {  	v23 =	vor.u32 v28, v21;
	_ =	sdelay $0x3  }
0x83: {  	[tilespmem:v22+s19+$0x0] =	vst.idx.msk $0xffff, v20  }
0x84: {  	v22 =	vor.u32 v18, v24;
	v20 =	vld.idx.msk [tilespmem:v23+s4+$0x0], $0xffff  }
0x85: {  	v23 =	vor.u32 v30, v21;
	_ =	sdelay $0x3  }
0x86: {  	[tilespmem:v22+s19+$0x0] =	vst.idx.msk $0xffff, v20  }
0x87: {  	v22 =	vor.u32 v18, v25;
	v20 =	vld.idx.msk [tilespmem:v23+s4+$0x0], $0xffff  }
0x88: {  	v23 =	vor.u32 v32, v21;
	_ =	sdelay $0x3  }
0x89: {  	[tilespmem:v22+s19+$0x0] =	vst.idx.msk $0xffff, v20  }
0x8a: {  	v22 =	vor.u32 v18, v27;
	v20 =	vld.idx.msk [tilespmem:v23+s4+$0x0], $0xffff  }
0x8b: {  	v23 =	vor.u32 v34, v21;
	_ =	sdelay $0x3  }
0x8c: {  	[tilespmem:v22+s19+$0x0] =	vst.idx.msk $0xffff, v20  }
0x8d: {  	v22 =	vor.u32 v18, v29;
	v20 =	vld.idx.msk [tilespmem:v23+s4+$0x0], $0xffff  }
0x8e: {  	v23 =	vor.u32 v36, v21;
	_ =	sdelay $0x3  }
0x8f: {  	[tilespmem:v22+s19+$0x0] =	vst.idx.msk $0xffff, v20  }
0x90: {  	v22 =	vor.u32 v18, v31;
	v20 =	vld.idx.msk [tilespmem:v23+s4+$0x0], $0xffff  }
0x91: {  	v23 =	vor.u32 v38, v21;
	_ =	sdelay $0x3  }
0x92: {  	[tilespmem:v22+s19+$0x0] =	vst.idx.msk $0xffff, v20  }
0x93: {  	v22 =	vor.u32 v18, v33;
	v20 =	vld.idx.msk [tilespmem:v23+s4+$0x0], $0xffff  }
0x94: {  	v23 =	vor.u32 v40, v21;
	_ =	sdelay $0x3  }
0x95: {  	[tilespmem:v22+s19+$0x0] =	vst.idx.msk $0xffff, v20  }
0x96: {  	v22 =	vor.u32 v18, v35;
	v20 =	vld.idx.msk [tilespmem:v23+s4+$0x0], $0xffff  }
0x97: {  	v23 =	vor.u32 v42, v21;
	_ =	sdelay $0x3  }
0x98: {  	[tilespmem:v22+s19+$0x0] =	vst.idx.msk $0xffff, v20  }
0x99: {  	v22 =	vor.u32 v18, v37;
	v20 =	vld.idx.msk [tilespmem:v23+s4+$0x0], $0xffff  }
0x9a: {  	v23 =	vor.u32 v44, v21;
	_ =	sdelay $0x3  }
0x9b: {  	[tilespmem:v22+s19+$0x0] =	vst.idx.msk $0xffff, v20  }
0x9c: {  	v22 =	vor.u32 v18, v39;
	v20 =	vld.idx.msk [tilespmem:v23+s4+$0x0], $0xffff  }
0x9d: {  	v23 =	vor.u32 v46, v21;
	_ =	sdelay $0x3  }
0x9e: {  	[tilespmem:v22+s19+$0x0] =	vst.idx.msk $0xffff, v20  }
0x9f: {  	v22 =	vor.u32 v18, v41;
	v20 =	vld.idx.msk [tilespmem:v23+s4+$0x0], $0xffff  }
0xa0: {  	v23 =	vor.u32 v48, v21;
	_ =	sdelay $0x3  }
0xa1: {  	[tilespmem:v22+s19+$0x0] =	vst.idx.msk $0xffff, v20  }
0xa2: {  	v22 =	vor.u32 v18, v43;
	v20 =	vld.idx.msk [tilespmem:v23+s4+$0x0], $0xffff  }
0xa3: {  	v23 =	vor.u32 v50, v21;
	_ =	sdelay $0x3  }
0xa4: {  	[tilespmem:v22+s19+$0x0] =	vst.idx.msk $0xffff, v20  }
0xa5: {  	v22 =	vor.u32 v18, v45;
	v20 =	vld.idx.msk [tilespmem:v23+s4+$0x0], $0xffff  }
0xa6: {  	v23 =	vor.u32 v52, v21;
	_ =	sdelay $0x3  }
0xa7: {  	[tilespmem:v22+s19+$0x0] =	vst.idx.msk $0xffff, v20  }
0xa8: {  	v22 =	vld.idx.msk [tilespmem:v23+s4+$0x0], $0xffff;
	v23 =	vor.u32 v18, v47  }
0xa9: {  	v21 =	vor.u32 v54, v21;
	_ =	sdelay $0x1  }
0xaa: {  	s25 =	simm.s32 $0x10  }
0xab: {  	s26 =	simm.s32 $0x20;
	v20 =	vmov s25  }
.LBB2_4:
0xac: {  	p1 =	sne.s32 s26, $0x1F0;
	v20 =	vshll.u32 v20, $0x3;
	[tilespmem:v23+s19+$0x0] =	vst.idx.msk $0xffff, v22  }
0xad: {  	v22 =	vor.u32 s25, v0;
	v20 =	vand.u32 $0xC00, v20;
	v23 =	vld.idx.msk [tilespmem:v21+s4+$0x0], $0xffff  }
0xae: {  	v19 =	vor.u32 v18, v19;
	v21 =	vand.u32 $0x7F, v22;
	v29 =	vor.u32 v1, v20  }
0xaf: {  	v24 =	vor.u32 v21, v29;
	_ =	sdelay $0x3  }
0xb0: {  	[tilespmem:v19+s19+$0x0] =	vst.idx.msk $0xffff, v23  }
0xb1: {  	v22 =	vshll.u32 v22, $0x5;
	v19 =	vld.idx.msk [tilespmem:v24+s4+$0x0], $0xffff;
	v24 =	vor.u32 s25, v2  }
0xb2: {  	v25 =	vor.u32 v0, v22;
	v23 =	vand.u32 $0x7F, v24  }
0xb3: {  	v26 =	vor.u32 v23, v29;
	_ =	sdelay $0x3  }
0xb4: {  	[tilespmem:v25+s19+$0x0] =	vst.idx.msk $0xffff, v19  }
0xb5: {  	v24 =	vshll.u32 v24, $0x5;
	v19 =	vld.idx.msk [tilespmem:v26+s4+$0x0], $0xffff;
	v26 =	vor.u32 s25, v3  }
0xb6: {  	v27 =	vor.u32 v0, v24;
	v25 =	vand.u32 $0x7F, v26  }
0xb7: {  	v28 =	vor.u32 v25, v29;
	_ =	sdelay $0x3  }
0xb8: {  	[tilespmem:v27+s19+$0x0] =	vst.idx.msk $0xffff, v19  }
0xb9: {  	v26 =	vshll.u32 v26, $0x5;
	v19 =	vld.idx.msk [tilespmem:v28+s4+$0x0], $0xffff;
	v28 =	vor.u32 s25, v5  }
0xba: {  	v30 =	vor.u32 v0, v26;
	v27 =	vand.u32 $0x7F, v28  }
0xbb: {  	v31 =	vor.u32 v27, v29;
	_ =	sdelay $0x3  }
0xbc: {  	[tilespmem:v30+s19+$0x0] =	vst.idx.msk $0xffff, v19  }
0xbd: {  	v28 =	vshll.u32 v28, $0x5;
	v19 =	vld.idx.msk [tilespmem:v31+s4+$0x0], $0xffff;
	v31 =	vor.u32 s25, v6  }
0xbe: {  	v32 =	vor.u32 v0, v28;
	v30 =	vand.u32 $0x7F, v31  }
0xbf: {  	v33 =	vor.u32 v30, v29;
	_ =	sdelay $0x3  }
0xc0: {  	[tilespmem:v32+s19+$0x0] =	vst.idx.msk $0xffff, v19  }
0xc1: {  	v31 =	vshll.u32 v31, $0x5;
	v19 =	vld.idx.msk [tilespmem:v33+s4+$0x0], $0xffff;
	v33 =	vor.u32 s25, v7  }
0xc2: {  	v34 =	vor.u32 v0, v31;
	v32 =	vand.u32 $0x7F, v33  }
0xc3: {  	v35 =	vor.u32 v32, v29;
	_ =	sdelay $0x3  }
0xc4: {  	[tilespmem:v34+s19+$0x0] =	vst.idx.msk $0xffff, v19  }
0xc5: {  	v33 =	vshll.u32 v33, $0x5;
	v19 =	vld.idx.msk [tilespmem:v35+s4+$0x0], $0xffff;
	v35 =	vor.u32 s25, v8  }
0xc6: {  	v36 =	vor.u32 v0, v33;
	v34 =	vand.u32 $0x7F, v35  }
0xc7: {  	v37 =	vor.u32 v34, v29;
	_ =	sdelay $0x3  }
0xc8: {  	[tilespmem:v36+s19+$0x0] =	vst.idx.msk $0xffff, v19  }
0xc9: {  	v35 =	vshll.u32 v35, $0x5;
	v19 =	vld.idx.msk [tilespmem:v37+s4+$0x0], $0xffff;
	v37 =	vor.u32 s25, v9  }
0xca: {  	v38 =	vor.u32 v0, v35;
	v36 =	vand.u32 $0x7F, v37  }
0xcb: {  	v39 =	vor.u32 v36, v29;
	_ =	sdelay $0x3  }
0xcc: {  	[tilespmem:v38+s19+$0x0] =	vst.idx.msk $0xffff, v19  }
0xcd: {  	v37 =	vshll.u32 v37, $0x5;
	v19 =	vld.idx.msk [tilespmem:v39+s4+$0x0], $0xffff;
	v39 =	vor.u32 s25, v4  }
0xce: {  	v40 =	vor.u32 v0, v37;
	v38 =	vand.u32 $0x7F, v39  }
0xcf: {  	v41 =	vor.u32 v38, v29;
	_ =	sdelay $0x3  }
0xd0: {  	[tilespmem:v40+s19+$0x0] =	vst.idx.msk $0xffff, v19  }
0xd1: {  	v39 =	vshll.u32 v39, $0x5;
	v19 =	vld.idx.msk [tilespmem:v41+s4+$0x0], $0xffff;
	v41 =	vor.u32 s25, v10  }
0xd2: {  	v42 =	vor.u32 v0, v39;
	v40 =	vand.u32 $0x7F, v41  }
0xd3: {  	v43 =	vor.u32 v40, v29;
	_ =	sdelay $0x3  }
0xd4: {  	[tilespmem:v42+s19+$0x0] =	vst.idx.msk $0xffff, v19  }
0xd5: {  	v41 =	vshll.u32 v41, $0x5;
	v19 =	vld.idx.msk [tilespmem:v43+s4+$0x0], $0xffff;
	v43 =	vor.u32 s25, v11  }
0xd6: {  	v44 =	vor.u32 v0, v41;
	v42 =	vand.u32 $0x7F, v43  }
0xd7: {  	v45 =	vor.u32 v42, v29;
	_ =	sdelay $0x3  }
0xd8: {  	[tilespmem:v44+s19+$0x0] =	vst.idx.msk $0xffff, v19  }
0xd9: {  	v43 =	vshll.u32 v43, $0x5;
	v19 =	vld.idx.msk [tilespmem:v45+s4+$0x0], $0xffff;
	v45 =	vor.u32 s25, v12  }
0xda: {  	v46 =	vor.u32 v0, v43;
	v44 =	vand.u32 $0x7F, v45  }
0xdb: {  	v47 =	vor.u32 v44, v29;
	_ =	sdelay $0x3  }
0xdc: {  	[tilespmem:v46+s19+$0x0] =	vst.idx.msk $0xffff, v19  }
0xdd: {  	v45 =	vshll.u32 v45, $0x5;
	v19 =	vld.idx.msk [tilespmem:v47+s4+$0x0], $0xffff;
	v47 =	vor.u32 s25, v13  }
0xde: {  	v48 =	vor.u32 v0, v45;
	v46 =	vand.u32 $0x7F, v47  }
0xdf: {  	v49 =	vor.u32 v46, v29;
	_ =	sdelay $0x3  }
0xe0: {  	[tilespmem:v48+s19+$0x0] =	vst.idx.msk $0xffff, v19  }
0xe1: {  	v47 =	vshll.u32 v47, $0x5;
	v19 =	vld.idx.msk [tilespmem:v49+s4+$0x0], $0xffff;
	v49 =	vor.u32 s25, v14  }
0xe2: {  	v50 =	vor.u32 v0, v47;
	v48 =	vand.u32 $0x7F, v49  }
0xe3: {  	v51 =	vor.u32 v48, v29;
	_ =	sdelay $0x3  }
0xe4: {  	[tilespmem:v50+s19+$0x0] =	vst.idx.msk $0xffff, v19  }
0xe5: {  	v49 =	vshll.u32 v49, $0x5;
	v19 =	vld.idx.msk [tilespmem:v51+s4+$0x0], $0xffff;
	v51 =	vor.u32 s25, v15  }
0xe6: {  	v52 =	vor.u32 v0, v49;
	v50 =	vand.u32 $0x7F, v51  }
0xe7: {  	v53 =	vor.u32 v50, v29;
	_ =	sdelay $0x3  }
0xe8: {  	[tilespmem:v52+s19+$0x0] =	vst.idx.msk $0xffff, v19  }
0xe9: {  	v51 =	vshll.u32 v51, $0x5;
	v19 =	vld.idx.msk [tilespmem:v53+s4+$0x0], $0xffff;
	v53 =	vor.u32 s25, v16;
	s25 =	smov.u32 s26  }
0xea: {  	v54 =	vor.u32 v0, v51;
	v52 =	vand.u32 $0x7F, v53  }
0xeb: {  	v29 =	vor.u32 v52, v29;
	_ =	sdelay $0x3  }
0xec: {  	[tilespmem:v54+s19+$0x0] =	vst.idx.msk $0xffff, v19  }
0xed: {  	v19 =	vshll.u32 v53, $0x5;
	v29 =	vld.idx.msk [tilespmem:v29+s4+$0x0], $0xffff  }
0xee: {  	v20 =	vor.u32 v17, v20;
	v53 =	vor.u32 v0, v19  }
0xef: {  	v21 =	vor.u32 v21, v20;
	_ =	sdelay $0x3  }
0xf0: {  	[tilespmem:v53+s19+$0x0] =	vst.idx.msk $0xffff, v29  }
0xf1: {  	v21 =	vld.idx.msk [tilespmem:v21+s4+$0x0], $0xffff  }
0xf2: {  	v22 =	vor.u32 v18, v22  }
0xf3: {  	v23 =	vor.u32 v23, v20;
	_ =	sdelay $0x3  }
0xf4: {  	[tilespmem:v22+s19+$0x0] =	vst.idx.msk $0xffff, v21  }
0xf5: {  	v21 =	vld.idx.msk [tilespmem:v23+s4+$0x0], $0xffff  }
0xf6: {  	v22 =	vor.u32 v18, v24  }
0xf7: {  	v23 =	vor.u32 v25, v20;
	_ =	sdelay $0x3  }
0xf8: {  	[tilespmem:v22+s19+$0x0] =	vst.idx.msk $0xffff, v21  }
0xf9: {  	v21 =	vld.idx.msk [tilespmem:v23+s4+$0x0], $0xffff  }
0xfa: {  	v22 =	vor.u32 v18, v26  }
0xfb: {  	v23 =	vor.u32 v27, v20;
	_ =	sdelay $0x3  }
0xfc: {  	[tilespmem:v22+s19+$0x0] =	vst.idx.msk $0xffff, v21  }
0xfd: {  	v21 =	vld.idx.msk [tilespmem:v23+s4+$0x0], $0xffff  }
0xfe: {  	v22 =	vor.u32 v18, v28  }
0xff: {  	v23 =	vor.u32 v30, v20;
	_ =	sdelay $0x3  }
0x100: {  	[tilespmem:v22+s19+$0x0] =	vst.idx.msk $0xffff, v21  }
0x101: {  	v21 =	vld.idx.msk [tilespmem:v23+s4+$0x0], $0xffff  }
0x102: {  	v22 =	vor.u32 v18, v31  }
0x103: {  	v23 =	vor.u32 v32, v20;
	_ =	sdelay $0x3  }
0x104: {  	[tilespmem:v22+s19+$0x0] =	vst.idx.msk $0xffff, v21  }
0x105: {  	v21 =	vld.idx.msk [tilespmem:v23+s4+$0x0], $0xffff  }
0x106: {  	v22 =	vor.u32 v18, v33  }
0x107: {  	v23 =	vor.u32 v34, v20;
	_ =	sdelay $0x3  }
0x108: {  	[tilespmem:v22+s19+$0x0] =	vst.idx.msk $0xffff, v21  }
0x109: {  	v21 =	vld.idx.msk [tilespmem:v23+s4+$0x0], $0xffff  }
0x10a: {  	v22 =	vor.u32 v18, v35  }
0x10b: {  	v23 =	vor.u32 v36, v20;
	_ =	sdelay $0x3  }
0x10c: {  	[tilespmem:v22+s19+$0x0] =	vst.idx.msk $0xffff, v21  }
0x10d: {  	v21 =	vld.idx.msk [tilespmem:v23+s4+$0x0], $0xffff  }
0x10e: {  	v22 =	vor.u32 v18, v37  }
0x10f: {  	v23 =	vor.u32 v38, v20;
	_ =	sdelay $0x3  }
0x110: {  	[tilespmem:v22+s19+$0x0] =	vst.idx.msk $0xffff, v21  }
0x111: {  	v21 =	vld.idx.msk [tilespmem:v23+s4+$0x0], $0xffff  }
0x112: {  	v22 =	vor.u32 v18, v39  }
0x113: {  	v23 =	vor.u32 v40, v20;
	_ =	sdelay $0x3  }
0x114: {  	[tilespmem:v22+s19+$0x0] =	vst.idx.msk $0xffff, v21  }
0x115: {  	v21 =	vld.idx.msk [tilespmem:v23+s4+$0x0], $0xffff  }
0x116: {  	v22 =	vor.u32 v18, v41  }
0x117: {  	v23 =	vor.u32 v42, v20;
	_ =	sdelay $0x3  }
0x118: {  	[tilespmem:v22+s19+$0x0] =	vst.idx.msk $0xffff, v21  }
0x119: {  	v21 =	vld.idx.msk [tilespmem:v23+s4+$0x0], $0xffff  }
0x11a: {  	v22 =	vor.u32 v18, v43  }
0x11b: {  	v23 =	vor.u32 v44, v20;
	_ =	sdelay $0x3  }
0x11c: {  	[tilespmem:v22+s19+$0x0] =	vst.idx.msk $0xffff, v21  }
0x11d: {  	v21 =	vld.idx.msk [tilespmem:v23+s4+$0x0], $0xffff  }
0x11e: {  	v22 =	vor.u32 v18, v45  }
0x11f: {  	v23 =	vor.u32 v46, v20;
	_ =	sdelay $0x3  }
0x120: {  	[tilespmem:v22+s19+$0x0] =	vst.idx.msk $0xffff, v21  }
0x121: {  	v21 =	vld.idx.msk [tilespmem:v23+s4+$0x0], $0xffff  }
0x122: {  	v22 =	vor.u32 v18, v47  }
0x123: {  	v23 =	vor.u32 v48, v20;
	_ =	sdelay $0x3  }
0x124: {  	[tilespmem:v22+s19+$0x0] =	vst.idx.msk $0xffff, v21  }
0x125: {  	v21 =	vld.idx.msk [tilespmem:v23+s4+$0x0], $0xffff  }
0x126: {  	v22 =	vor.u32 v18, v49  }
0x127: {  	v23 =	vor.u32 v50, v20;
	_ =	sdelay $0x3  }
0x128: {  	[tilespmem:v22+s19+$0x0] =	vst.idx.msk $0xffff, v21  }
0x129: {  	v22 =	vld.idx.msk [tilespmem:v23+s4+$0x0], $0xffff  }
.Ltmp3:
0x12a: {  	v23 =	vor.u32 v18, v51;
	(pc) =	sbr.rel @p1 .LBB2_4-.Ltmp3, $2  }
0x12b: {  	v21 =	vor.u32 v52, v20;
	_ =	sdelay $0x2  }
0x12c: {  	s26 =	sadd.s32 $0x10, s26;
	v20 =	vmov s25  }
0x12d: {  	_ =	sdelay $0x2  }
0x12e: {  	v20 =	vshll.u32 v20, $0x3  }
0x12f: {  	[tilespmem:v23+s19+$0x0] =	vst.idx.msk $0xffff, v22;
	v61 =	vor.u32 s25, v0;
	v20 =	vand.u32 $0xC00, v20  }
0x130: {  	v19 =	vor.u32 v18, v19;
	v21 =	vld.idx.msk [tilespmem:v21+s4+$0x0], $0xffff;
	v62 =	vand.u32 $0x7F, v61;
	v24 =	vor.u32 v1, v20  }
0x131: {  	v25 =	vor.u32 v62, v24;
	_ =	sdelay $0x3  }
0x132: {  	v63 =	vor.u32 s25, v2;
	[tilespmem:v19+s19+$0x0] =	vst.idx.msk $0xffff, v21;
	v19 =	vshll.u32 v61, $0x5  }
0x133: {  	v26 =	vand.u32 $0x7F, v63;
	v31 =	vor.u32 v0, v19;
	v30 =	vld.idx.msk [tilespmem:v25+s4+$0x0], $0xffff  }
0x134: {  	v27 =	vor.u32 v26, v24;
	_ =	sdelay $0x3  }
0x135: {  	v32 =	vor.u32 s25, v3;
	v21 =	vshll.u32 v63, $0x5;
	[tilespmem:v31+s19+$0x0] =	vst.idx.msk $0xffff, v30  }
0x136: {  	v28 =	vand.u32 $0x7F, v32;
	v33 =	vor.u32 v0, v21;
	v25 =	vld.idx.msk [tilespmem:v27+s4+$0x0], $0xffff  }
0x137: {  	v29 =	vor.u32 v28, v24;
	_ =	sdelay $0x3  }
0x138: {  	v34 =	vor.u32 s25, v5;
	v22 =	vshll.u32 v32, $0x5;
	[tilespmem:v33+s19+$0x0] =	vst.idx.msk $0xffff, v25  }
0x139: {  	v35 =	vor.u32 v0, v22;
	v30 =	vand.u32 $0x7F, v34;
	v27 =	vld.idx.msk [tilespmem:v29+s4+$0x0], $0xffff  }
0x13a: {  	v31 =	vor.u32 v30, v24;
	_ =	sdelay $0x3  }
0x13b: {  	v36 =	vor.u32 s25, v6;
	v25 =	vshll.u32 v34, $0x5;
	[tilespmem:v35+s19+$0x0] =	vst.idx.msk $0xffff, v27  }
0x13c: {  	v32 =	vand.u32 $0x7F, v36;
	v37 =	vor.u32 v0, v25;
	v29 =	vld.idx.msk [tilespmem:v31+s4+$0x0], $0xffff  }
0x13d: {  	v33 =	vor.u32 v32, v24;
	_ =	sdelay $0x3  }
0x13e: {  	v38 =	vor.u32 s25, v7;
	v27 =	vshll.u32 v36, $0x5;
	[tilespmem:v37+s19+$0x0] =	vst.idx.msk $0xffff, v29  }
0x13f: {  	v34 =	vand.u32 $0x7F, v38;
	v39 =	vor.u32 v0, v27;
	v31 =	vld.idx.msk [tilespmem:v33+s4+$0x0], $0xffff  }
0x140: {  	v35 =	vor.u32 v34, v24;
	_ =	sdelay $0x3  }
0x141: {  	v40 =	vor.u32 s25, v8;
	v29 =	vshll.u32 v38, $0x5;
	[tilespmem:v39+s19+$0x0] =	vst.idx.msk $0xffff, v31  }
0x142: {  	v36 =	vand.u32 $0x7F, v40;
	v41 =	vor.u32 v0, v29;
	v33 =	vld.idx.msk [tilespmem:v35+s4+$0x0], $0xffff  }
0x143: {  	v37 =	vor.u32 v36, v24;
	_ =	sdelay $0x3  }
0x144: {  	v42 =	vor.u32 s25, v9;
	v31 =	vshll.u32 v40, $0x5;
	[tilespmem:v41+s19+$0x0] =	vst.idx.msk $0xffff, v33  }
0x145: {  	v38 =	vand.u32 $0x7F, v42;
	v43 =	vor.u32 v0, v31;
	v35 =	vld.idx.msk [tilespmem:v37+s4+$0x0], $0xffff  }
0x146: {  	v39 =	vor.u32 v38, v24;
	_ =	sdelay $0x3  }
0x147: {  	v44 =	vor.u32 s25, v4;
	v33 =	vshll.u32 v42, $0x5;
	[tilespmem:v43+s19+$0x0] =	vst.idx.msk $0xffff, v35  }
0x148: {  	v40 =	vand.u32 $0x7F, v44;
	v45 =	vor.u32 v0, v33;
	v37 =	vld.idx.msk [tilespmem:v39+s4+$0x0], $0xffff  }
0x149: {  	v41 =	vor.u32 v40, v24;
	_ =	sdelay $0x3  }
0x14a: {  	v46 =	vor.u32 s25, v10;
	v35 =	vshll.u32 v44, $0x5;
	[tilespmem:v45+s19+$0x0] =	vst.idx.msk $0xffff, v37  }
0x14b: {  	v42 =	vand.u32 $0x7F, v46;
	v47 =	vor.u32 v0, v35;
	v39 =	vld.idx.msk [tilespmem:v41+s4+$0x0], $0xffff  }
0x14c: {  	v43 =	vor.u32 v42, v24;
	_ =	sdelay $0x3  }
0x14d: {  	v48 =	vor.u32 s25, v11;
	v37 =	vshll.u32 v46, $0x5;
	[tilespmem:v47+s19+$0x0] =	vst.idx.msk $0xffff, v39  }
0x14e: {  	v44 =	vand.u32 $0x7F, v48;
	v49 =	vor.u32 v0, v37;
	v41 =	vld.idx.msk [tilespmem:v43+s4+$0x0], $0xffff  }
0x14f: {  	v45 =	vor.u32 v44, v24;
	_ =	sdelay $0x3  }
0x150: {  	v50 =	vor.u32 s25, v12;
	v39 =	vshll.u32 v48, $0x5;
	[tilespmem:v49+s19+$0x0] =	vst.idx.msk $0xffff, v41  }
0x151: {  	v46 =	vand.u32 $0x7F, v50;
	v51 =	vor.u32 v0, v39;
	v43 =	vld.idx.msk [tilespmem:v45+s4+$0x0], $0xffff  }
0x152: {  	v47 =	vor.u32 v46, v24;
	_ =	sdelay $0x3  }
0x153: {  	v52 =	vor.u32 s25, v13;
	v41 =	vshll.u32 v50, $0x5;
	[tilespmem:v51+s19+$0x0] =	vst.idx.msk $0xffff, v43  }
0x154: {  	v48 =	vand.u32 $0x7F, v52;
	v53 =	vor.u32 v0, v41;
	v45 =	vld.idx.msk [tilespmem:v47+s4+$0x0], $0xffff  }
0x155: {  	v49 =	vor.u32 v48, v24;
	_ =	sdelay $0x3  }
0x156: {  	v54 =	vor.u32 s25, v14;
	v43 =	vshll.u32 v52, $0x5;
	[tilespmem:v53+s19+$0x0] =	vst.idx.msk $0xffff, v45  }
0x157: {  	v50 =	vand.u32 $0x7F, v54;
	v55 =	vor.u32 v0, v43;
	v47 =	vld.idx.msk [tilespmem:v49+s4+$0x0], $0xffff  }
0x158: {  	v51 =	vor.u32 v50, v24;
	_ =	sdelay $0x3  }
0x159: {  	v56 =	vor.u32 s25, v15;
	v45 =	vshll.u32 v54, $0x5;
	[tilespmem:v55+s19+$0x0] =	vst.idx.msk $0xffff, v47  }
0x15a: {  	v52 =	vand.u32 $0x7F, v56;
	v57 =	vor.u32 v0, v45;
	v49 =	vld.idx.msk [tilespmem:v51+s4+$0x0], $0xffff  }
0x15b: {  	v53 =	vor.u32 v52, v24;
	_ =	sdelay $0x3  }
0x15c: {  	v58 =	vor.u32 s25, v16;
	v47 =	vshll.u32 v56, $0x5;
	[tilespmem:v57+s19+$0x0] =	vst.idx.msk $0xffff, v49  }
0x15d: {  	v54 =	vand.u32 $0x7F, v58;
	v59 =	vor.u32 v0, v47;
	v51 =	vld.idx.msk [tilespmem:v53+s4+$0x0], $0xffff  }
0x15e: {  	v24 =	vor.u32 v54, v24;
	_ =	sdelay $0x3  }
0x15f: {  	v49 =	vshll.u32 v58, $0x5;
	[tilespmem:v59+s19+$0x0] =	vst.idx.msk $0xffff, v51  }
0x160: {  	v20 =	vor.u32 v17, v20;
	v60 =	vor.u32 v0, v49;
	v24 =	vld.idx.msk [tilespmem:v24+s4+$0x0], $0xffff  }
0x161: {  	v23 =	vor.u32 v62, v20;
	_ =	sdelay $0x3  }
0x162: {  	[tilespmem:v60+s19+$0x0] =	vst.idx.msk $0xffff, v24  }
0x163: {  	v19 =	vor.u32 v18, v19;
	v23 =	vld.idx.msk [tilespmem:v23+s4+$0x0], $0xffff  }
0x164: {  	v61 =	vor.u32 v26, v20;
	_ =	sdelay $0x3  }
0x165: {  	[tilespmem:v19+s19+$0x0] =	vst.idx.msk $0xffff, v23  }
0x166: {  	v21 =	vor.u32 v18, v21;
	v19 =	vld.idx.msk [tilespmem:v61+s4+$0x0], $0xffff  }
0x167: {  	v62 =	vor.u32 v28, v20;
	_ =	sdelay $0x3  }
0x168: {  	[tilespmem:v21+s19+$0x0] =	vst.idx.msk $0xffff, v19  }
0x169: {  	v63 =	vor.u32 v18, v22;
	v19 =	vld.idx.msk [tilespmem:v62+s4+$0x0], $0xffff  }
0x16a: {  	v24 =	vor.u32 v30, v20;
	_ =	sdelay $0x3  }
0x16b: {  	[tilespmem:v63+s19+$0x0] =	vst.idx.msk $0xffff, v19  }
0x16c: {  	v25 =	vor.u32 v18, v25;
	v19 =	vld.idx.msk [tilespmem:v24+s4+$0x0], $0xffff  }
0x16d: {  	v26 =	vor.u32 v32, v20;
	_ =	sdelay $0x3  }
0x16e: {  	[tilespmem:v25+s19+$0x0] =	vst.idx.msk $0xffff, v19  }
0x16f: {  	v27 =	vor.u32 v18, v27;
	v19 =	vld.idx.msk [tilespmem:v26+s4+$0x0], $0xffff  }
0x170: {  	v28 =	vor.u32 v34, v20;
	_ =	sdelay $0x3  }
0x171: {  	[tilespmem:v27+s19+$0x0] =	vst.idx.msk $0xffff, v19  }
0x172: {  	v29 =	vor.u32 v18, v29;
	v19 =	vld.idx.msk [tilespmem:v28+s4+$0x0], $0xffff  }
0x173: {  	v30 =	vor.u32 v36, v20;
	_ =	sdelay $0x3  }
0x174: {  	[tilespmem:v29+s19+$0x0] =	vst.idx.msk $0xffff, v19  }
0x175: {  	v32 =	vor.u32 v18, v31;
	v19 =	vld.idx.msk [tilespmem:v30+s4+$0x0], $0xffff  }
0x176: {  	v34 =	vor.u32 v38, v20;
	_ =	sdelay $0x3  }
0x177: {  	[tilespmem:v32+s19+$0x0] =	vst.idx.msk $0xffff, v19  }
0x178: {  	v36 =	vor.u32 v18, v33;
	v19 =	vld.idx.msk [tilespmem:v34+s4+$0x0], $0xffff  }
0x179: {  	v38 =	vor.u32 v40, v20;
	_ =	sdelay $0x3  }
0x17a: {  	[tilespmem:v36+s19+$0x0] =	vst.idx.msk $0xffff, v19  }
0x17b: {  	v40 =	vor.u32 v18, v35;
	v19 =	vld.idx.msk [tilespmem:v38+s4+$0x0], $0xffff  }
0x17c: {  	v42 =	vor.u32 v42, v20;
	_ =	sdelay $0x3  }
0x17d: {  	[tilespmem:v40+s19+$0x0] =	vst.idx.msk $0xffff, v19  }
0x17e: {  	v51 =	vor.u32 v18, v37;
	v19 =	vld.idx.msk [tilespmem:v42+s4+$0x0], $0xffff  }
0x17f: {  	v53 =	vor.u32 v44, v20;
	_ =	sdelay $0x3  }
0x180: {  	[tilespmem:v51+s19+$0x0] =	vst.idx.msk $0xffff, v19  }
0x181: {  	v55 =	vor.u32 v18, v39;
	v19 =	vld.idx.msk [tilespmem:v53+s4+$0x0], $0xffff  }
0x182: {  	v56 =	vor.u32 v46, v20;
	_ =	sdelay $0x3  }
0x183: {  	[tilespmem:v55+s19+$0x0] =	vst.idx.msk $0xffff, v19  }
0x184: {  	v57 =	vor.u32 v18, v41;
	v19 =	vld.idx.msk [tilespmem:v56+s4+$0x0], $0xffff  }
0x185: {  	v58 =	vor.u32 v48, v20;
	_ =	sdelay $0x3  }
0x186: {  	[tilespmem:v57+s19+$0x0] =	vst.idx.msk $0xffff, v19  }
0x187: {  	v59 =	vor.u32 v18, v43;
	v19 =	vld.idx.msk [tilespmem:v58+s4+$0x0], $0xffff  }
0x188: {  	v60 =	vor.u32 v50, v20;
	_ =	sdelay $0x3  }
0x189: {  	[tilespmem:v59+s19+$0x0] =	vst.idx.msk $0xffff, v19  }
0x18a: {  	v61 =	vor.u32 v18, v45;
	v19 =	vld.idx.msk [tilespmem:v60+s4+$0x0], $0xffff  }
0x18b: {  	v62 =	vor.u32 v52, v20  }
0x18c: {  	s25 =	sadd.s32 s3, s22  }
0x18d: {  	p1 =	slt.s32 s25, $0x13CD  }
0x18e: {  	s25 =	simm.s32 @!p1 $0x13CD  }
0x18f: {  	s26 =	smulhi.u32 $0x50150151, s25;
	[tilespmem:v61+s19+$0x0] =	vst.idx.msk $0xffff, v19  }
0x190: {  	v63 =	vor.u32 v18, v47;
	v19 =	vld.idx.msk [tilespmem:v62+s4+$0x0], $0xffff  }
0x191: {  	s28 =	ssub.s32 s25, s26;
	v20 =	vor.u32 v54, v20  }
0x192: {  	s28 =	sshrl.u32 s28, $0x1  }
0x193: {  	s26 =	sadd.s32 s26, s28  }
0x194: {  	s26 =	sshrl.u32 s26, $0x7  }
0x195: {  	s31 =	smul.u32 $0x3FF3D, s26;
	[tilespmem:v63+s19+$0x0] =	vst.idx.msk $0xffff, v19  }
0x196: {  	v19 =	vld.idx.msk [tilespmem:v20+s4+$0x0], $0xffff;
	v20 =	vor.u32 v18, v49  }
0x197: {  	p1 =	seq.s32 s24, $0x0;
	s26 =	smul.u32 $0x30D420, s26;
	s25 =	sadd.s32 s25, s31  }
.Ltmp4:
0x198: {  	s25 =	sshll.u32 s25, $0xE;
	(pc) =	sbr.rel @p1 .LBB2_9-.Ltmp4, $4  }
0x199: {  	s25 =	sadd.s32 s26, s25  }
0x19a: {  	s25 =	sshrl.u32 s25, $0x3  }
0x19b: {  	s25 =	sadd.s32 s5, s25;
	[tilespmem:v20+s19+$0x0] =	vst.idx.msk $0xffff, v19  }
0x19c: {  	[hbm4b:s25+s4] =	stream.linear.scatter [tilespmem:s19], [sflag:$0x3], $0x4000, $0x38;
	[tilespmem:$0x10000] =	vst v63  }
.LBB2_6:
0x19d: {  	s24 =	simm.s32 $0x0  }
0x19e: {  	v19 =	vmov s24  }
0x19f: {  	v19 =	vshll.u32 v19, $0x3  }
0x1a0: {  	[tilespmem:s4], [sflag:$0x1] =	stream.strided.gather [hbm4b:s23+s13], $0x4000, s14, s13, $0x38;
	v20 =	vor.u32 s24, v0;
	v21 =	vand.u32 $0xC00, v19;
	[tilespmem:$0x10000] =	vst v63  }
0x1a1: {  	_ =	swait.ge [sflag:s15], $0x4000;
	v22 =	vand.u32 $0x7F, v20;
	v19 =	vor.u32 v1, v21  }
0x1a2: {  	p1 =	slt.u32 s22, $0x2;
	[sflag:s15] =	ssyncset.done $0x0;
	v23 =	vor.u32 v22, v19  }
0x1a3: {  	s23 =	simm.s32 @!p1 $0x4;
	[sflag:s15] =	ssyncadd.s32 $0xFFFFC000  }
0x1a4: {  	_ =	swait.ge @!p1 [sflag:s23], $0x4000  }
0x1a5: {  	[sflag:s23] =	ssyncset.done @!p1 $0x0  }
0x1a6: {  	v24 =	vor.u32 s24, v2;
	v20 =	vshll.u32 v20, $0x5;
	[sflag:s23] =	ssyncadd.s32 @!p1 $0xFFFFC000  }
0x1a7: {  	v26 =	vand.u32 $0x7F, v24;
	v25 =	vor.u32 v0, v20;
	v23 =	vld.idx.msk [tilespmem:v23+s16+$0x0], $0xffff  }
0x1a8: {  	v27 =	vor.u32 v26, v19;
	_ =	sdelay $0x3  }
0x1a9: {  	v34 =	vor.u32 s24, v3;
	[tilespmem:v25+s17+$0x0] =	vst.idx.msk $0xffff, v23;
	v23 =	vshll.u32 v24, $0x5  }
0x1aa: {  	v28 =	vand.u32 $0x7F, v34;
	v25 =	vld.idx.msk [tilespmem:v27+s16+$0x0], $0xffff;
	v35 =	vor.u32 v0, v23  }
0x1ab: {  	v29 =	vor.u32 v28, v19;
	_ =	sdelay $0x3  }
0x1ac: {  	v36 =	vor.u32 s24, v5;
	v24 =	vshll.u32 v34, $0x5;
	[tilespmem:v35+s17+$0x0] =	vst.idx.msk $0xffff, v25  }
0x1ad: {  	v30 =	vand.u32 $0x7F, v36;
	v37 =	vor.u32 v0, v24;
	v27 =	vld.idx.msk [tilespmem:v29+s16+$0x0], $0xffff  }
0x1ae: {  	v31 =	vor.u32 v30, v19;
	_ =	sdelay $0x3  }
0x1af: {  	v38 =	vor.u32 s24, v6;
	v25 =	vshll.u32 v36, $0x5;
	[tilespmem:v37+s17+$0x0] =	vst.idx.msk $0xffff, v27  }
0x1b0: {  	v32 =	vand.u32 $0x7F, v38;
	v39 =	vor.u32 v0, v25;
	v29 =	vld.idx.msk [tilespmem:v31+s16+$0x0], $0xffff  }
0x1b1: {  	v33 =	vor.u32 v32, v19;
	_ =	sdelay $0x3  }
0x1b2: {  	v40 =	vor.u32 s24, v7;
	v27 =	vshll.u32 v38, $0x5;
	[tilespmem:v39+s17+$0x0] =	vst.idx.msk $0xffff, v29  }
0x1b3: {  	v34 =	vand.u32 $0x7F, v40;
	v41 =	vor.u32 v0, v27;
	v31 =	vld.idx.msk [tilespmem:v33+s16+$0x0], $0xffff  }
0x1b4: {  	v35 =	vor.u32 v34, v19;
	_ =	sdelay $0x3  }
0x1b5: {  	v42 =	vor.u32 s24, v8;
	v29 =	vshll.u32 v40, $0x5;
	[tilespmem:v41+s17+$0x0] =	vst.idx.msk $0xffff, v31  }
0x1b6: {  	v36 =	vand.u32 $0x7F, v42;
	v43 =	vor.u32 v0, v29;
	v33 =	vld.idx.msk [tilespmem:v35+s16+$0x0], $0xffff  }
0x1b7: {  	v37 =	vor.u32 v36, v19;
	_ =	sdelay $0x3  }
0x1b8: {  	v44 =	vor.u32 s24, v9;
	v31 =	vshll.u32 v42, $0x5;
	[tilespmem:v43+s17+$0x0] =	vst.idx.msk $0xffff, v33  }
0x1b9: {  	v38 =	vand.u32 $0x7F, v44;
	v45 =	vor.u32 v0, v31;
	v35 =	vld.idx.msk [tilespmem:v37+s16+$0x0], $0xffff  }
0x1ba: {  	v39 =	vor.u32 v38, v19;
	_ =	sdelay $0x3  }
0x1bb: {  	v46 =	vor.u32 s24, v4;
	v33 =	vshll.u32 v44, $0x5;
	[tilespmem:v45+s17+$0x0] =	vst.idx.msk $0xffff, v35  }
0x1bc: {  	v40 =	vand.u32 $0x7F, v46;
	v47 =	vor.u32 v0, v33;
	v37 =	vld.idx.msk [tilespmem:v39+s16+$0x0], $0xffff  }
0x1bd: {  	v41 =	vor.u32 v40, v19;
	_ =	sdelay $0x3  }
0x1be: {  	v48 =	vor.u32 s24, v10;
	v35 =	vshll.u32 v46, $0x5;
	[tilespmem:v47+s17+$0x0] =	vst.idx.msk $0xffff, v37  }
0x1bf: {  	v42 =	vand.u32 $0x7F, v48;
	v49 =	vor.u32 v0, v35;
	v39 =	vld.idx.msk [tilespmem:v41+s16+$0x0], $0xffff  }
0x1c0: {  	v43 =	vor.u32 v42, v19;
	_ =	sdelay $0x3  }
0x1c1: {  	v50 =	vor.u32 s24, v11;
	v37 =	vshll.u32 v48, $0x5;
	[tilespmem:v49+s17+$0x0] =	vst.idx.msk $0xffff, v39  }
0x1c2: {  	v44 =	vand.u32 $0x7F, v50;
	v51 =	vor.u32 v0, v37;
	v41 =	vld.idx.msk [tilespmem:v43+s16+$0x0], $0xffff  }
0x1c3: {  	v45 =	vor.u32 v44, v19;
	_ =	sdelay $0x3  }
0x1c4: {  	v52 =	vor.u32 s24, v12;
	v39 =	vshll.u32 v50, $0x5;
	[tilespmem:v51+s17+$0x0] =	vst.idx.msk $0xffff, v41  }
0x1c5: {  	v46 =	vand.u32 $0x7F, v52;
	v53 =	vor.u32 v0, v39;
	v43 =	vld.idx.msk [tilespmem:v45+s16+$0x0], $0xffff  }
0x1c6: {  	v47 =	vor.u32 v46, v19;
	_ =	sdelay $0x3  }
0x1c7: {  	v54 =	vor.u32 s24, v13;
	v41 =	vshll.u32 v52, $0x5;
	[tilespmem:v53+s17+$0x0] =	vst.idx.msk $0xffff, v43  }
0x1c8: {  	v48 =	vand.u32 $0x7F, v54;
	v55 =	vor.u32 v0, v41;
	v45 =	vld.idx.msk [tilespmem:v47+s16+$0x0], $0xffff  }
0x1c9: {  	v49 =	vor.u32 v48, v19;
	_ =	sdelay $0x3  }
0x1ca: {  	v56 =	vor.u32 s24, v14;
	v43 =	vshll.u32 v54, $0x5;
	[tilespmem:v55+s17+$0x0] =	vst.idx.msk $0xffff, v45  }
0x1cb: {  	v50 =	vand.u32 $0x7F, v56;
	v57 =	vor.u32 v0, v43;
	v47 =	vld.idx.msk [tilespmem:v49+s16+$0x0], $0xffff  }
0x1cc: {  	v51 =	vor.u32 v50, v19;
	_ =	sdelay $0x3  }
0x1cd: {  	v58 =	vor.u32 s24, v15;
	v45 =	vshll.u32 v56, $0x5;
	[tilespmem:v57+s17+$0x0] =	vst.idx.msk $0xffff, v47  }
0x1ce: {  	v52 =	vand.u32 $0x7F, v58;
	v59 =	vor.u32 v0, v45;
	v49 =	vld.idx.msk [tilespmem:v51+s16+$0x0], $0xffff  }
0x1cf: {  	v53 =	vor.u32 v52, v19;
	_ =	sdelay $0x3  }
0x1d0: {  	v60 =	vor.u32 s24, v16;
	v47 =	vshll.u32 v58, $0x5;
	[tilespmem:v59+s17+$0x0] =	vst.idx.msk $0xffff, v49  }
0x1d1: {  	v54 =	vand.u32 $0x7F, v60;
	v61 =	vor.u32 v0, v47;
	v51 =	vld.idx.msk [tilespmem:v53+s16+$0x0], $0xffff  }
0x1d2: {  	v55 =	vor.u32 v54, v19;
	_ =	sdelay $0x3  }
0x1d3: {  	v19 =	vshll.u32 v60, $0x5;
	[tilespmem:v61+s17+$0x0] =	vst.idx.msk $0xffff, v51  }
0x1d4: {  	v21 =	vor.u32 v17, v21;
	v63 =	vor.u32 v0, v19;
	v62 =	vld.idx.msk [tilespmem:v55+s16+$0x0], $0xffff  }
0x1d5: {  	v22 =	vor.u32 v22, v21;
	_ =	sdelay $0x3  }
0x1d6: {  	[tilespmem:v63+s17+$0x0] =	vst.idx.msk $0xffff, v62  }
0x1d7: {  	v20 =	vor.u32 v18, v20;
	v22 =	vld.idx.msk [tilespmem:v22+s16+$0x0], $0xffff  }
0x1d8: {  	v26 =	vor.u32 v26, v21;
	_ =	sdelay $0x3  }
0x1d9: {  	[tilespmem:v20+s17+$0x0] =	vst.idx.msk $0xffff, v22  }
0x1da: {  	v22 =	vor.u32 v18, v23;
	v20 =	vld.idx.msk [tilespmem:v26+s16+$0x0], $0xffff  }
0x1db: {  	v23 =	vor.u32 v28, v21;
	_ =	sdelay $0x3  }
0x1dc: {  	[tilespmem:v22+s17+$0x0] =	vst.idx.msk $0xffff, v20  }
0x1dd: {  	v22 =	vor.u32 v18, v24;
	v20 =	vld.idx.msk [tilespmem:v23+s16+$0x0], $0xffff  }
0x1de: {  	v23 =	vor.u32 v30, v21;
	_ =	sdelay $0x3  }
0x1df: {  	[tilespmem:v22+s17+$0x0] =	vst.idx.msk $0xffff, v20  }
0x1e0: {  	v22 =	vor.u32 v18, v25;
	v20 =	vld.idx.msk [tilespmem:v23+s16+$0x0], $0xffff  }
0x1e1: {  	v23 =	vor.u32 v32, v21;
	_ =	sdelay $0x3  }
0x1e2: {  	[tilespmem:v22+s17+$0x0] =	vst.idx.msk $0xffff, v20  }
0x1e3: {  	v22 =	vor.u32 v18, v27;
	v20 =	vld.idx.msk [tilespmem:v23+s16+$0x0], $0xffff  }
0x1e4: {  	v23 =	vor.u32 v34, v21;
	_ =	sdelay $0x3  }
0x1e5: {  	[tilespmem:v22+s17+$0x0] =	vst.idx.msk $0xffff, v20  }
0x1e6: {  	v22 =	vor.u32 v18, v29;
	v20 =	vld.idx.msk [tilespmem:v23+s16+$0x0], $0xffff  }
0x1e7: {  	v23 =	vor.u32 v36, v21;
	_ =	sdelay $0x3  }
0x1e8: {  	[tilespmem:v22+s17+$0x0] =	vst.idx.msk $0xffff, v20  }
0x1e9: {  	v22 =	vor.u32 v18, v31;
	v20 =	vld.idx.msk [tilespmem:v23+s16+$0x0], $0xffff  }
0x1ea: {  	v23 =	vor.u32 v38, v21;
	_ =	sdelay $0x3  }
0x1eb: {  	[tilespmem:v22+s17+$0x0] =	vst.idx.msk $0xffff, v20  }
0x1ec: {  	v22 =	vor.u32 v18, v33;
	v20 =	vld.idx.msk [tilespmem:v23+s16+$0x0], $0xffff  }
0x1ed: {  	v23 =	vor.u32 v40, v21;
	_ =	sdelay $0x3  }
0x1ee: {  	[tilespmem:v22+s17+$0x0] =	vst.idx.msk $0xffff, v20  }
0x1ef: {  	v22 =	vor.u32 v18, v35;
	v20 =	vld.idx.msk [tilespmem:v23+s16+$0x0], $0xffff  }
0x1f0: {  	v23 =	vor.u32 v42, v21;
	_ =	sdelay $0x3  }
0x1f1: {  	[tilespmem:v22+s17+$0x0] =	vst.idx.msk $0xffff, v20  }
0x1f2: {  	v22 =	vor.u32 v18, v37;
	v20 =	vld.idx.msk [tilespmem:v23+s16+$0x0], $0xffff  }
0x1f3: {  	v23 =	vor.u32 v44, v21;
	_ =	sdelay $0x3  }
0x1f4: {  	[tilespmem:v22+s17+$0x0] =	vst.idx.msk $0xffff, v20  }
0x1f5: {  	v22 =	vor.u32 v18, v39;
	v20 =	vld.idx.msk [tilespmem:v23+s16+$0x0], $0xffff  }
0x1f6: {  	v23 =	vor.u32 v46, v21;
	_ =	sdelay $0x3  }
0x1f7: {  	[tilespmem:v22+s17+$0x0] =	vst.idx.msk $0xffff, v20  }
0x1f8: {  	v22 =	vor.u32 v18, v41;
	v20 =	vld.idx.msk [tilespmem:v23+s16+$0x0], $0xffff  }
0x1f9: {  	v23 =	vor.u32 v48, v21;
	_ =	sdelay $0x3  }
0x1fa: {  	[tilespmem:v22+s17+$0x0] =	vst.idx.msk $0xffff, v20  }
0x1fb: {  	v22 =	vor.u32 v18, v43;
	v20 =	vld.idx.msk [tilespmem:v23+s16+$0x0], $0xffff  }
0x1fc: {  	v23 =	vor.u32 v50, v21;
	_ =	sdelay $0x3  }
0x1fd: {  	[tilespmem:v22+s17+$0x0] =	vst.idx.msk $0xffff, v20  }
0x1fe: {  	v22 =	vor.u32 v18, v45;
	v20 =	vld.idx.msk [tilespmem:v23+s16+$0x0], $0xffff  }
0x1ff: {  	v23 =	vor.u32 v52, v21;
	_ =	sdelay $0x3  }
0x200: {  	[tilespmem:v22+s17+$0x0] =	vst.idx.msk $0xffff, v20  }
0x201: {  	v22 =	vld.idx.msk [tilespmem:v23+s16+$0x0], $0xffff;
	v23 =	vor.u32 v18, v47  }
0x202: {  	v21 =	vor.u32 v54, v21;
	_ =	sdelay $0x1  }
0x203: {  	s23 =	simm.s32 $0x10  }
0x204: {  	s24 =	simm.s32 $0x20;
	v20 =	vmov s23  }
.LBB2_7:
0x205: {  	p1 =	sne.s32 s24, $0x1F0;
	v20 =	vshll.u32 v20, $0x3;
	[tilespmem:v23+s17+$0x0] =	vst.idx.msk $0xffff, v22  }
0x206: {  	v22 =	vor.u32 s23, v0;
	v20 =	vand.u32 $0xC00, v20;
	v23 =	vld.idx.msk [tilespmem:v21+s16+$0x0], $0xffff  }
0x207: {  	v19 =	vor.u32 v18, v19;
	v21 =	vand.u32 $0x7F, v22;
	v29 =	vor.u32 v1, v20  }
0x208: {  	v24 =	vor.u32 v21, v29;
	_ =	sdelay $0x3  }
0x209: {  	[tilespmem:v19+s17+$0x0] =	vst.idx.msk $0xffff, v23  }
0x20a: {  	v22 =	vshll.u32 v22, $0x5;
	v19 =	vld.idx.msk [tilespmem:v24+s16+$0x0], $0xffff;
	v24 =	vor.u32 s23, v2  }
0x20b: {  	v25 =	vor.u32 v0, v22;
	v23 =	vand.u32 $0x7F, v24  }
0x20c: {  	v26 =	vor.u32 v23, v29;
	_ =	sdelay $0x3  }
0x20d: {  	[tilespmem:v25+s17+$0x0] =	vst.idx.msk $0xffff, v19  }
0x20e: {  	v24 =	vshll.u32 v24, $0x5;
	v19 =	vld.idx.msk [tilespmem:v26+s16+$0x0], $0xffff;
	v26 =	vor.u32 s23, v3  }
0x20f: {  	v27 =	vor.u32 v0, v24;
	v25 =	vand.u32 $0x7F, v26  }
0x210: {  	v28 =	vor.u32 v25, v29;
	_ =	sdelay $0x3  }
0x211: {  	[tilespmem:v27+s17+$0x0] =	vst.idx.msk $0xffff, v19  }
0x212: {  	v26 =	vshll.u32 v26, $0x5;
	v19 =	vld.idx.msk [tilespmem:v28+s16+$0x0], $0xffff;
	v28 =	vor.u32 s23, v5  }
0x213: {  	v30 =	vor.u32 v0, v26;
	v27 =	vand.u32 $0x7F, v28  }
0x214: {  	v31 =	vor.u32 v27, v29;
	_ =	sdelay $0x3  }
0x215: {  	[tilespmem:v30+s17+$0x0] =	vst.idx.msk $0xffff, v19  }
0x216: {  	v28 =	vshll.u32 v28, $0x5;
	v19 =	vld.idx.msk [tilespmem:v31+s16+$0x0], $0xffff;
	v31 =	vor.u32 s23, v6  }
0x217: {  	v32 =	vor.u32 v0, v28;
	v30 =	vand.u32 $0x7F, v31  }
0x218: {  	v33 =	vor.u32 v30, v29;
	_ =	sdelay $0x3  }
0x219: {  	[tilespmem:v32+s17+$0x0] =	vst.idx.msk $0xffff, v19  }
0x21a: {  	v31 =	vshll.u32 v31, $0x5;
	v19 =	vld.idx.msk [tilespmem:v33+s16+$0x0], $0xffff;
	v33 =	vor.u32 s23, v7  }
0x21b: {  	v34 =	vor.u32 v0, v31;
	v32 =	vand.u32 $0x7F, v33  }
0x21c: {  	v35 =	vor.u32 v32, v29;
	_ =	sdelay $0x3  }
0x21d: {  	[tilespmem:v34+s17+$0x0] =	vst.idx.msk $0xffff, v19  }
0x21e: {  	v33 =	vshll.u32 v33, $0x5;
	v19 =	vld.idx.msk [tilespmem:v35+s16+$0x0], $0xffff;
	v35 =	vor.u32 s23, v8  }
0x21f: {  	v36 =	vor.u32 v0, v33;
	v34 =	vand.u32 $0x7F, v35  }
0x220: {  	v37 =	vor.u32 v34, v29;
	_ =	sdelay $0x3  }
0x221: {  	[tilespmem:v36+s17+$0x0] =	vst.idx.msk $0xffff, v19  }
0x222: {  	v35 =	vshll.u32 v35, $0x5;
	v19 =	vld.idx.msk [tilespmem:v37+s16+$0x0], $0xffff;
	v37 =	vor.u32 s23, v9  }
0x223: {  	v38 =	vor.u32 v0, v35;
	v36 =	vand.u32 $0x7F, v37  }
0x224: {  	v39 =	vor.u32 v36, v29;
	_ =	sdelay $0x3  }
0x225: {  	[tilespmem:v38+s17+$0x0] =	vst.idx.msk $0xffff, v19  }
0x226: {  	v37 =	vshll.u32 v37, $0x5;
	v19 =	vld.idx.msk [tilespmem:v39+s16+$0x0], $0xffff;
	v39 =	vor.u32 s23, v4  }
0x227: {  	v40 =	vor.u32 v0, v37;
	v38 =	vand.u32 $0x7F, v39  }
0x228: {  	v41 =	vor.u32 v38, v29;
	_ =	sdelay $0x3  }
0x229: {  	[tilespmem:v40+s17+$0x0] =	vst.idx.msk $0xffff, v19  }
0x22a: {  	v39 =	vshll.u32 v39, $0x5;
	v19 =	vld.idx.msk [tilespmem:v41+s16+$0x0], $0xffff;
	v41 =	vor.u32 s23, v10  }
0x22b: {  	v42 =	vor.u32 v0, v39;
	v40 =	vand.u32 $0x7F, v41  }
0x22c: {  	v43 =	vor.u32 v40, v29;
	_ =	sdelay $0x3  }
0x22d: {  	[tilespmem:v42+s17+$0x0] =	vst.idx.msk $0xffff, v19  }
0x22e: {  	v41 =	vshll.u32 v41, $0x5;
	v19 =	vld.idx.msk [tilespmem:v43+s16+$0x0], $0xffff;
	v43 =	vor.u32 s23, v11  }
0x22f: {  	v44 =	vor.u32 v0, v41;
	v42 =	vand.u32 $0x7F, v43  }
0x230: {  	v45 =	vor.u32 v42, v29;
	_ =	sdelay $0x3  }
0x231: {  	[tilespmem:v44+s17+$0x0] =	vst.idx.msk $0xffff, v19  }
0x232: {  	v43 =	vshll.u32 v43, $0x5;
	v19 =	vld.idx.msk [tilespmem:v45+s16+$0x0], $0xffff;
	v45 =	vor.u32 s23, v12  }
0x233: {  	v46 =	vor.u32 v0, v43;
	v44 =	vand.u32 $0x7F, v45  }
0x234: {  	v47 =	vor.u32 v44, v29;
	_ =	sdelay $0x3  }
0x235: {  	[tilespmem:v46+s17+$0x0] =	vst.idx.msk $0xffff, v19  }
0x236: {  	v45 =	vshll.u32 v45, $0x5;
	v19 =	vld.idx.msk [tilespmem:v47+s16+$0x0], $0xffff;
	v47 =	vor.u32 s23, v13  }
0x237: {  	v48 =	vor.u32 v0, v45;
	v46 =	vand.u32 $0x7F, v47  }
0x238: {  	v49 =	vor.u32 v46, v29;
	_ =	sdelay $0x3  }
0x239: {  	[tilespmem:v48+s17+$0x0] =	vst.idx.msk $0xffff, v19  }
0x23a: {  	v47 =	vshll.u32 v47, $0x5;
	v19 =	vld.idx.msk [tilespmem:v49+s16+$0x0], $0xffff;
	v49 =	vor.u32 s23, v14  }
0x23b: {  	v50 =	vor.u32 v0, v47;
	v48 =	vand.u32 $0x7F, v49  }
0x23c: {  	v51 =	vor.u32 v48, v29;
	_ =	sdelay $0x3  }
0x23d: {  	[tilespmem:v50+s17+$0x0] =	vst.idx.msk $0xffff, v19  }
0x23e: {  	v49 =	vshll.u32 v49, $0x5;
	v19 =	vld.idx.msk [tilespmem:v51+s16+$0x0], $0xffff;
	v51 =	vor.u32 s23, v15  }
0x23f: {  	v52 =	vor.u32 v0, v49;
	v50 =	vand.u32 $0x7F, v51  }
0x240: {  	v53 =	vor.u32 v50, v29;
	_ =	sdelay $0x3  }
0x241: {  	[tilespmem:v52+s17+$0x0] =	vst.idx.msk $0xffff, v19  }
0x242: {  	v51 =	vshll.u32 v51, $0x5;
	v19 =	vld.idx.msk [tilespmem:v53+s16+$0x0], $0xffff;
	v53 =	vor.u32 s23, v16;
	s23 =	smov.u32 s24  }
0x243: {  	v54 =	vor.u32 v0, v51;
	v52 =	vand.u32 $0x7F, v53  }
0x244: {  	v29 =	vor.u32 v52, v29;
	_ =	sdelay $0x3  }
0x245: {  	[tilespmem:v54+s17+$0x0] =	vst.idx.msk $0xffff, v19  }
0x246: {  	v19 =	vshll.u32 v53, $0x5;
	v29 =	vld.idx.msk [tilespmem:v29+s16+$0x0], $0xffff  }
0x247: {  	v20 =	vor.u32 v17, v20;
	v53 =	vor.u32 v0, v19  }
0x248: {  	v21 =	vor.u32 v21, v20;
	_ =	sdelay $0x3  }
0x249: {  	[tilespmem:v53+s17+$0x0] =	vst.idx.msk $0xffff, v29  }
0x24a: {  	v21 =	vld.idx.msk [tilespmem:v21+s16+$0x0], $0xffff  }
0x24b: {  	v22 =	vor.u32 v18, v22  }
0x24c: {  	v23 =	vor.u32 v23, v20;
	_ =	sdelay $0x3  }
0x24d: {  	[tilespmem:v22+s17+$0x0] =	vst.idx.msk $0xffff, v21  }
0x24e: {  	v21 =	vld.idx.msk [tilespmem:v23+s16+$0x0], $0xffff  }
0x24f: {  	v22 =	vor.u32 v18, v24  }
0x250: {  	v23 =	vor.u32 v25, v20;
	_ =	sdelay $0x3  }
0x251: {  	[tilespmem:v22+s17+$0x0] =	vst.idx.msk $0xffff, v21  }
0x252: {  	v21 =	vld.idx.msk [tilespmem:v23+s16+$0x0], $0xffff  }
0x253: {  	v22 =	vor.u32 v18, v26  }
0x254: {  	v23 =	vor.u32 v27, v20;
	_ =	sdelay $0x3  }
0x255: {  	[tilespmem:v22+s17+$0x0] =	vst.idx.msk $0xffff, v21  }
0x256: {  	v21 =	vld.idx.msk [tilespmem:v23+s16+$0x0], $0xffff  }
0x257: {  	v22 =	vor.u32 v18, v28  }
0x258: {  	v23 =	vor.u32 v30, v20;
	_ =	sdelay $0x3  }
0x259: {  	[tilespmem:v22+s17+$0x0] =	vst.idx.msk $0xffff, v21  }
0x25a: {  	v21 =	vld.idx.msk [tilespmem:v23+s16+$0x0], $0xffff  }
0x25b: {  	v22 =	vor.u32 v18, v31  }
0x25c: {  	v23 =	vor.u32 v32, v20;
	_ =	sdelay $0x3  }
0x25d: {  	[tilespmem:v22+s17+$0x0] =	vst.idx.msk $0xffff, v21  }
0x25e: {  	v21 =	vld.idx.msk [tilespmem:v23+s16+$0x0], $0xffff  }
0x25f: {  	v22 =	vor.u32 v18, v33  }
0x260: {  	v23 =	vor.u32 v34, v20;
	_ =	sdelay $0x3  }
0x261: {  	[tilespmem:v22+s17+$0x0] =	vst.idx.msk $0xffff, v21  }
0x262: {  	v21 =	vld.idx.msk [tilespmem:v23+s16+$0x0], $0xffff  }
0x263: {  	v22 =	vor.u32 v18, v35  }
0x264: {  	v23 =	vor.u32 v36, v20;
	_ =	sdelay $0x3  }
0x265: {  	[tilespmem:v22+s17+$0x0] =	vst.idx.msk $0xffff, v21  }
0x266: {  	v21 =	vld.idx.msk [tilespmem:v23+s16+$0x0], $0xffff  }
0x267: {  	v22 =	vor.u32 v18, v37  }
0x268: {  	v23 =	vor.u32 v38, v20;
	_ =	sdelay $0x3  }
0x269: {  	[tilespmem:v22+s17+$0x0] =	vst.idx.msk $0xffff, v21  }
0x26a: {  	v21 =	vld.idx.msk [tilespmem:v23+s16+$0x0], $0xffff  }
0x26b: {  	v22 =	vor.u32 v18, v39  }
0x26c: {  	v23 =	vor.u32 v40, v20;
	_ =	sdelay $0x3  }
0x26d: {  	[tilespmem:v22+s17+$0x0] =	vst.idx.msk $0xffff, v21  }
0x26e: {  	v21 =	vld.idx.msk [tilespmem:v23+s16+$0x0], $0xffff  }
0x26f: {  	v22 =	vor.u32 v18, v41  }
0x270: {  	v23 =	vor.u32 v42, v20;
	_ =	sdelay $0x3  }
0x271: {  	[tilespmem:v22+s17+$0x0] =	vst.idx.msk $0xffff, v21  }
0x272: {  	v21 =	vld.idx.msk [tilespmem:v23+s16+$0x0], $0xffff  }
0x273: {  	v22 =	vor.u32 v18, v43  }
0x274: {  	v23 =	vor.u32 v44, v20;
	_ =	sdelay $0x3  }
0x275: {  	[tilespmem:v22+s17+$0x0] =	vst.idx.msk $0xffff, v21  }
0x276: {  	v21 =	vld.idx.msk [tilespmem:v23+s16+$0x0], $0xffff  }
0x277: {  	v22 =	vor.u32 v18, v45  }
0x278: {  	v23 =	vor.u32 v46, v20;
	_ =	sdelay $0x3  }
0x279: {  	[tilespmem:v22+s17+$0x0] =	vst.idx.msk $0xffff, v21  }
0x27a: {  	v21 =	vld.idx.msk [tilespmem:v23+s16+$0x0], $0xffff  }
0x27b: {  	v22 =	vor.u32 v18, v47  }
0x27c: {  	v23 =	vor.u32 v48, v20;
	_ =	sdelay $0x3  }
0x27d: {  	[tilespmem:v22+s17+$0x0] =	vst.idx.msk $0xffff, v21  }
0x27e: {  	v21 =	vld.idx.msk [tilespmem:v23+s16+$0x0], $0xffff  }
0x27f: {  	v22 =	vor.u32 v18, v49  }
0x280: {  	v23 =	vor.u32 v50, v20;
	_ =	sdelay $0x3  }
0x281: {  	[tilespmem:v22+s17+$0x0] =	vst.idx.msk $0xffff, v21  }
0x282: {  	v22 =	vld.idx.msk [tilespmem:v23+s16+$0x0], $0xffff  }
.Ltmp5:
0x283: {  	v23 =	vor.u32 v18, v51;
	(pc) =	sbr.rel @p1 .LBB2_7-.Ltmp5, $2  }
0x284: {  	v21 =	vor.u32 v52, v20;
	_ =	sdelay $0x2  }
0x285: {  	s24 =	sadd.s32 $0x10, s24;
	v20 =	vmov s23  }
0x286: {  	_ =	sdelay $0x2  }
0x287: {  	v20 =	vshll.u32 v20, $0x3  }
0x288: {  	[tilespmem:v23+s17+$0x0] =	vst.idx.msk $0xffff, v22;
	v61 =	vor.u32 s23, v0;
	v20 =	vand.u32 $0xC00, v20  }
0x289: {  	v19 =	vor.u32 v18, v19;
	v21 =	vld.idx.msk [tilespmem:v21+s16+$0x0], $0xffff;
	v62 =	vand.u32 $0x7F, v61;
	v24 =	vor.u32 v1, v20  }
0x28a: {  	v25 =	vor.u32 v62, v24;
	_ =	sdelay $0x3  }
0x28b: {  	v63 =	vor.u32 s23, v2;
	[tilespmem:v19+s17+$0x0] =	vst.idx.msk $0xffff, v21;
	v19 =	vshll.u32 v61, $0x5  }
0x28c: {  	v26 =	vand.u32 $0x7F, v63;
	v31 =	vor.u32 v0, v19;
	v30 =	vld.idx.msk [tilespmem:v25+s16+$0x0], $0xffff  }
0x28d: {  	v27 =	vor.u32 v26, v24;
	_ =	sdelay $0x3  }
0x28e: {  	v32 =	vor.u32 s23, v3;
	v21 =	vshll.u32 v63, $0x5;
	[tilespmem:v31+s17+$0x0] =	vst.idx.msk $0xffff, v30  }
0x28f: {  	v28 =	vand.u32 $0x7F, v32;
	v33 =	vor.u32 v0, v21;
	v25 =	vld.idx.msk [tilespmem:v27+s16+$0x0], $0xffff  }
0x290: {  	v29 =	vor.u32 v28, v24;
	_ =	sdelay $0x3  }
0x291: {  	v34 =	vor.u32 s23, v5;
	v22 =	vshll.u32 v32, $0x5;
	[tilespmem:v33+s17+$0x0] =	vst.idx.msk $0xffff, v25  }
0x292: {  	v35 =	vor.u32 v0, v22;
	v30 =	vand.u32 $0x7F, v34;
	v27 =	vld.idx.msk [tilespmem:v29+s16+$0x0], $0xffff  }
0x293: {  	v31 =	vor.u32 v30, v24;
	_ =	sdelay $0x3  }
0x294: {  	v36 =	vor.u32 s23, v6;
	v25 =	vshll.u32 v34, $0x5;
	[tilespmem:v35+s17+$0x0] =	vst.idx.msk $0xffff, v27  }
0x295: {  	v32 =	vand.u32 $0x7F, v36;
	v37 =	vor.u32 v0, v25;
	v29 =	vld.idx.msk [tilespmem:v31+s16+$0x0], $0xffff  }
0x296: {  	v33 =	vor.u32 v32, v24;
	_ =	sdelay $0x3  }
0x297: {  	v38 =	vor.u32 s23, v7;
	v27 =	vshll.u32 v36, $0x5;
	[tilespmem:v37+s17+$0x0] =	vst.idx.msk $0xffff, v29  }
0x298: {  	v34 =	vand.u32 $0x7F, v38;
	v39 =	vor.u32 v0, v27;
	v31 =	vld.idx.msk [tilespmem:v33+s16+$0x0], $0xffff  }
0x299: {  	v35 =	vor.u32 v34, v24;
	_ =	sdelay $0x3  }
0x29a: {  	v40 =	vor.u32 s23, v8;
	v29 =	vshll.u32 v38, $0x5;
	[tilespmem:v39+s17+$0x0] =	vst.idx.msk $0xffff, v31  }
0x29b: {  	v36 =	vand.u32 $0x7F, v40;
	v41 =	vor.u32 v0, v29;
	v33 =	vld.idx.msk [tilespmem:v35+s16+$0x0], $0xffff  }
0x29c: {  	v37 =	vor.u32 v36, v24;
	_ =	sdelay $0x3  }
0x29d: {  	v42 =	vor.u32 s23, v9;
	v31 =	vshll.u32 v40, $0x5;
	[tilespmem:v41+s17+$0x0] =	vst.idx.msk $0xffff, v33  }
0x29e: {  	v38 =	vand.u32 $0x7F, v42;
	v43 =	vor.u32 v0, v31;
	v35 =	vld.idx.msk [tilespmem:v37+s16+$0x0], $0xffff  }
0x29f: {  	v39 =	vor.u32 v38, v24;
	_ =	sdelay $0x3  }
0x2a0: {  	v44 =	vor.u32 s23, v4;
	v33 =	vshll.u32 v42, $0x5;
	[tilespmem:v43+s17+$0x0] =	vst.idx.msk $0xffff, v35  }
0x2a1: {  	v40 =	vand.u32 $0x7F, v44;
	v45 =	vor.u32 v0, v33;
	v37 =	vld.idx.msk [tilespmem:v39+s16+$0x0], $0xffff  }
0x2a2: {  	v41 =	vor.u32 v40, v24;
	_ =	sdelay $0x3  }
0x2a3: {  	v46 =	vor.u32 s23, v10;
	v35 =	vshll.u32 v44, $0x5;
	[tilespmem:v45+s17+$0x0] =	vst.idx.msk $0xffff, v37  }
0x2a4: {  	v42 =	vand.u32 $0x7F, v46;
	v47 =	vor.u32 v0, v35;
	v39 =	vld.idx.msk [tilespmem:v41+s16+$0x0], $0xffff  }
0x2a5: {  	v43 =	vor.u32 v42, v24;
	_ =	sdelay $0x3  }
0x2a6: {  	v48 =	vor.u32 s23, v11;
	v37 =	vshll.u32 v46, $0x5;
	[tilespmem:v47+s17+$0x0] =	vst.idx.msk $0xffff, v39  }
0x2a7: {  	v44 =	vand.u32 $0x7F, v48;
	v49 =	vor.u32 v0, v37;
	v41 =	vld.idx.msk [tilespmem:v43+s16+$0x0], $0xffff  }
0x2a8: {  	v45 =	vor.u32 v44, v24;
	_ =	sdelay $0x3  }
0x2a9: {  	v50 =	vor.u32 s23, v12;
	v39 =	vshll.u32 v48, $0x5;
	[tilespmem:v49+s17+$0x0] =	vst.idx.msk $0xffff, v41  }
0x2aa: {  	v46 =	vand.u32 $0x7F, v50;
	v51 =	vor.u32 v0, v39;
	v43 =	vld.idx.msk [tilespmem:v45+s16+$0x0], $0xffff  }
0x2ab: {  	v47 =	vor.u32 v46, v24;
	_ =	sdelay $0x3  }
0x2ac: {  	v52 =	vor.u32 s23, v13;
	v41 =	vshll.u32 v50, $0x5;
	[tilespmem:v51+s17+$0x0] =	vst.idx.msk $0xffff, v43  }
0x2ad: {  	v48 =	vand.u32 $0x7F, v52;
	v53 =	vor.u32 v0, v41;
	v45 =	vld.idx.msk [tilespmem:v47+s16+$0x0], $0xffff  }
0x2ae: {  	v49 =	vor.u32 v48, v24;
	_ =	sdelay $0x3  }
0x2af: {  	v54 =	vor.u32 s23, v14;
	v43 =	vshll.u32 v52, $0x5;
	[tilespmem:v53+s17+$0x0] =	vst.idx.msk $0xffff, v45  }
0x2b0: {  	v50 =	vand.u32 $0x7F, v54;
	v55 =	vor.u32 v0, v43;
	v47 =	vld.idx.msk [tilespmem:v49+s16+$0x0], $0xffff  }
0x2b1: {  	v51 =	vor.u32 v50, v24;
	_ =	sdelay $0x3  }
0x2b2: {  	v56 =	vor.u32 s23, v15;
	v45 =	vshll.u32 v54, $0x5;
	[tilespmem:v55+s17+$0x0] =	vst.idx.msk $0xffff, v47  }
0x2b3: {  	v52 =	vand.u32 $0x7F, v56;
	v57 =	vor.u32 v0, v45;
	v49 =	vld.idx.msk [tilespmem:v51+s16+$0x0], $0xffff  }
0x2b4: {  	v53 =	vor.u32 v52, v24;
	_ =	sdelay $0x3  }
0x2b5: {  	v58 =	vor.u32 s23, v16;
	v47 =	vshll.u32 v56, $0x5;
	[tilespmem:v57+s17+$0x0] =	vst.idx.msk $0xffff, v49  }
0x2b6: {  	v54 =	vand.u32 $0x7F, v58;
	v59 =	vor.u32 v0, v47;
	v51 =	vld.idx.msk [tilespmem:v53+s16+$0x0], $0xffff  }
0x2b7: {  	v24 =	vor.u32 v54, v24;
	_ =	sdelay $0x3  }
0x2b8: {  	v49 =	vshll.u32 v58, $0x5;
	[tilespmem:v59+s17+$0x0] =	vst.idx.msk $0xffff, v51  }
0x2b9: {  	v20 =	vor.u32 v17, v20;
	v60 =	vor.u32 v0, v49;
	v24 =	vld.idx.msk [tilespmem:v24+s16+$0x0], $0xffff  }
0x2ba: {  	v23 =	vor.u32 v62, v20;
	_ =	sdelay $0x3  }
0x2bb: {  	[tilespmem:v60+s17+$0x0] =	vst.idx.msk $0xffff, v24  }
0x2bc: {  	v19 =	vor.u32 v18, v19;
	v23 =	vld.idx.msk [tilespmem:v23+s16+$0x0], $0xffff  }
0x2bd: {  	v61 =	vor.u32 v26, v20;
	_ =	sdelay $0x3  }
0x2be: {  	[tilespmem:v19+s17+$0x0] =	vst.idx.msk $0xffff, v23  }
0x2bf: {  	v21 =	vor.u32 v18, v21;
	v19 =	vld.idx.msk [tilespmem:v61+s16+$0x0], $0xffff  }
0x2c0: {  	v62 =	vor.u32 v28, v20;
	_ =	sdelay $0x3  }
0x2c1: {  	[tilespmem:v21+s17+$0x0] =	vst.idx.msk $0xffff, v19  }
0x2c2: {  	v63 =	vor.u32 v18, v22;
	v19 =	vld.idx.msk [tilespmem:v62+s16+$0x0], $0xffff  }
0x2c3: {  	v24 =	vor.u32 v30, v20;
	_ =	sdelay $0x3  }
0x2c4: {  	[tilespmem:v63+s17+$0x0] =	vst.idx.msk $0xffff, v19  }
0x2c5: {  	v25 =	vor.u32 v18, v25;
	v19 =	vld.idx.msk [tilespmem:v24+s16+$0x0], $0xffff  }
0x2c6: {  	v26 =	vor.u32 v32, v20;
	_ =	sdelay $0x3  }
0x2c7: {  	[tilespmem:v25+s17+$0x0] =	vst.idx.msk $0xffff, v19  }
0x2c8: {  	v27 =	vor.u32 v18, v27;
	v19 =	vld.idx.msk [tilespmem:v26+s16+$0x0], $0xffff  }
0x2c9: {  	v28 =	vor.u32 v34, v20;
	_ =	sdelay $0x3  }
0x2ca: {  	[tilespmem:v27+s17+$0x0] =	vst.idx.msk $0xffff, v19  }
0x2cb: {  	v29 =	vor.u32 v18, v29;
	v19 =	vld.idx.msk [tilespmem:v28+s16+$0x0], $0xffff  }
0x2cc: {  	v30 =	vor.u32 v36, v20;
	_ =	sdelay $0x3  }
0x2cd: {  	[tilespmem:v29+s17+$0x0] =	vst.idx.msk $0xffff, v19  }
0x2ce: {  	v32 =	vor.u32 v18, v31;
	v19 =	vld.idx.msk [tilespmem:v30+s16+$0x0], $0xffff  }
0x2cf: {  	v34 =	vor.u32 v38, v20;
	_ =	sdelay $0x3  }
0x2d0: {  	[tilespmem:v32+s17+$0x0] =	vst.idx.msk $0xffff, v19  }
0x2d1: {  	v36 =	vor.u32 v18, v33;
	v19 =	vld.idx.msk [tilespmem:v34+s16+$0x0], $0xffff  }
0x2d2: {  	v38 =	vor.u32 v40, v20;
	_ =	sdelay $0x3  }
0x2d3: {  	[tilespmem:v36+s17+$0x0] =	vst.idx.msk $0xffff, v19  }
0x2d4: {  	v40 =	vor.u32 v18, v35;
	v19 =	vld.idx.msk [tilespmem:v38+s16+$0x0], $0xffff  }
0x2d5: {  	v42 =	vor.u32 v42, v20;
	_ =	sdelay $0x3  }
0x2d6: {  	[tilespmem:v40+s17+$0x0] =	vst.idx.msk $0xffff, v19  }
0x2d7: {  	v51 =	vor.u32 v18, v37;
	v19 =	vld.idx.msk [tilespmem:v42+s16+$0x0], $0xffff  }
0x2d8: {  	v53 =	vor.u32 v44, v20;
	_ =	sdelay $0x3  }
0x2d9: {  	[tilespmem:v51+s17+$0x0] =	vst.idx.msk $0xffff, v19  }
0x2da: {  	v55 =	vor.u32 v18, v39;
	v19 =	vld.idx.msk [tilespmem:v53+s16+$0x0], $0xffff  }
0x2db: {  	v56 =	vor.u32 v46, v20;
	_ =	sdelay $0x3  }
0x2dc: {  	[tilespmem:v55+s17+$0x0] =	vst.idx.msk $0xffff, v19  }
0x2dd: {  	v57 =	vor.u32 v18, v41;
	v19 =	vld.idx.msk [tilespmem:v56+s16+$0x0], $0xffff  }
0x2de: {  	v58 =	vor.u32 v48, v20;
	_ =	sdelay $0x3  }
0x2df: {  	[tilespmem:v57+s17+$0x0] =	vst.idx.msk $0xffff, v19  }
0x2e0: {  	v59 =	vor.u32 v18, v43;
	v19 =	vld.idx.msk [tilespmem:v58+s16+$0x0], $0xffff  }
0x2e1: {  	v60 =	vor.u32 v50, v20;
	_ =	sdelay $0x3  }
0x2e2: {  	[tilespmem:v59+s17+$0x0] =	vst.idx.msk $0xffff, v19  }
0x2e3: {  	v61 =	vor.u32 v18, v45;
	v19 =	vld.idx.msk [tilespmem:v60+s16+$0x0], $0xffff  }
0x2e4: {  	v62 =	vor.u32 v52, v20  }
0x2e5: {  	s23 =	sadd.s32 s3, s22  }
0x2e6: {  	p1 =	slt.s32 s23, $0x13CD  }
0x2e7: {  	s23 =	simm.s32 @!p1 $0x13CD  }
0x2e8: {  	s24 =	smulhi.u32 $0x50150151, s23;
	[tilespmem:v61+s17+$0x0] =	vst.idx.msk $0xffff, v19  }
0x2e9: {  	v63 =	vor.u32 v18, v47;
	v19 =	vld.idx.msk [tilespmem:v62+s16+$0x0], $0xffff  }
0x2ea: {  	s25 =	ssub.s32 s23, s24;
	v20 =	vor.u32 v54, v20  }
0x2eb: {  	s25 =	sshrl.u32 s25, $0x1  }
0x2ec: {  	s24 =	sadd.s32 s24, s25  }
0x2ed: {  	s24 =	sshrl.u32 s24, $0x7  }
0x2ee: {  	s31 =	smul.u32 $0x3FF3D, s24;
	[tilespmem:v63+s17+$0x0] =	vst.idx.msk $0xffff, v19  }
0x2ef: {  	v19 =	vld.idx.msk [tilespmem:v20+s16+$0x0], $0xffff;
	v20 =	vor.u32 v18, v49  }
0x2f0: {  	s24 =	smul.u32 $0x30D420, s24;
	s23 =	sadd.s32 s23, s31  }
.Ltmp6:
0x2f1: {  	s23 =	sshll.u32 s23, $0xE;
	(pc) =	sbr.rel .LBB2_9-.Ltmp6, $4  }
0x2f2: {  	s23 =	sadd.s32 s24, s23  }
0x2f3: {  	s23 =	sshrl.u32 s23, $0x3  }
0x2f4: {  	s23 =	sadd.s32 s5, s23;
	[tilespmem:v20+s17+$0x0] =	vst.idx.msk $0xffff, v19  }
0x2f5: {  	[hbm4b:s23+s4] =	stream.linear.scatter [tilespmem:s17], [sflag:$0x4], $0x4000, $0x38;
	[tilespmem:$0x10000] =	vst v63  }
.LBB2_10:
0x2f6: {  	s22 =	simm.s32 $0x0  }
0x2f7: {  	v19 =	vmov s22  }
0x2f8: {  	v19 =	vshll.u32 v19, $0x3  }
0x2f9: {  	v20 =	vor.u32 s22, v0;
	v21 =	vand.u32 $0xC00, v19  }
0x2fa: {  	_ =	swait.ge [sflag:s6], $0x4000;
	v22 =	vand.u32 $0x7F, v20;
	v19 =	vor.u32 v1, v21  }
0x2fb: {  	[sflag:s6] =	ssyncset.done $0x0;
	v23 =	vor.u32 v22, v19  }
0x2fc: {  	[sflag:s6] =	ssyncadd.s32 $0xFFFFC000  }
0x2fd: {  	_ =	swait.ge [sflag:s18], $0x4000  }
0x2fe: {  	[sflag:s18] =	ssyncset.done $0x0  }
0x2ff: {  	v24 =	vor.u32 s22, v2;
	v20 =	vshll.u32 v20, $0x5;
	[sflag:s18] =	ssyncadd.s32 $0xFFFFC000  }
0x300: {  	v26 =	vand.u32 $0x7F, v24;
	v25 =	vor.u32 v0, v20;
	v23 =	vld.idx.msk [tilespmem:v23+s4+$0x0], $0xffff  }
0x301: {  	v27 =	vor.u32 v26, v19;
	_ =	sdelay $0x3  }
0x302: {  	v34 =	vor.u32 s22, v3;
	[tilespmem:v25+s19+$0x0] =	vst.idx.msk $0xffff, v23;
	v23 =	vshll.u32 v24, $0x5  }
0x303: {  	v28 =	vand.u32 $0x7F, v34;
	v25 =	vld.idx.msk [tilespmem:v27+s4+$0x0], $0xffff;
	v35 =	vor.u32 v0, v23  }
0x304: {  	v29 =	vor.u32 v28, v19;
	_ =	sdelay $0x3  }
0x305: {  	v36 =	vor.u32 s22, v5;
	v24 =	vshll.u32 v34, $0x5;
	[tilespmem:v35+s19+$0x0] =	vst.idx.msk $0xffff, v25  }
0x306: {  	v30 =	vand.u32 $0x7F, v36;
	v37 =	vor.u32 v0, v24;
	v27 =	vld.idx.msk [tilespmem:v29+s4+$0x0], $0xffff  }
0x307: {  	v31 =	vor.u32 v30, v19;
	_ =	sdelay $0x3  }
0x308: {  	v38 =	vor.u32 s22, v6;
	v25 =	vshll.u32 v36, $0x5;
	[tilespmem:v37+s19+$0x0] =	vst.idx.msk $0xffff, v27  }
0x309: {  	v32 =	vand.u32 $0x7F, v38;
	v39 =	vor.u32 v0, v25;
	v29 =	vld.idx.msk [tilespmem:v31+s4+$0x0], $0xffff  }
0x30a: {  	v33 =	vor.u32 v32, v19;
	_ =	sdelay $0x3  }
0x30b: {  	v40 =	vor.u32 s22, v7;
	v27 =	vshll.u32 v38, $0x5;
	[tilespmem:v39+s19+$0x0] =	vst.idx.msk $0xffff, v29  }
0x30c: {  	v34 =	vand.u32 $0x7F, v40;
	v41 =	vor.u32 v0, v27;
	v31 =	vld.idx.msk [tilespmem:v33+s4+$0x0], $0xffff  }
0x30d: {  	v35 =	vor.u32 v34, v19;
	_ =	sdelay $0x3  }
0x30e: {  	v42 =	vor.u32 s22, v8;
	v29 =	vshll.u32 v40, $0x5;
	[tilespmem:v41+s19+$0x0] =	vst.idx.msk $0xffff, v31  }
0x30f: {  	v36 =	vand.u32 $0x7F, v42;
	v43 =	vor.u32 v0, v29;
	v33 =	vld.idx.msk [tilespmem:v35+s4+$0x0], $0xffff  }
0x310: {  	v37 =	vor.u32 v36, v19;
	_ =	sdelay $0x3  }
0x311: {  	v44 =	vor.u32 s22, v9;
	v31 =	vshll.u32 v42, $0x5;
	[tilespmem:v43+s19+$0x0] =	vst.idx.msk $0xffff, v33  }
0x312: {  	v38 =	vand.u32 $0x7F, v44;
	v45 =	vor.u32 v0, v31;
	v35 =	vld.idx.msk [tilespmem:v37+s4+$0x0], $0xffff  }
0x313: {  	v39 =	vor.u32 v38, v19;
	_ =	sdelay $0x3  }
0x314: {  	v46 =	vor.u32 s22, v4;
	v33 =	vshll.u32 v44, $0x5;
	[tilespmem:v45+s19+$0x0] =	vst.idx.msk $0xffff, v35  }
0x315: {  	v40 =	vand.u32 $0x7F, v46;
	v47 =	vor.u32 v0, v33;
	v37 =	vld.idx.msk [tilespmem:v39+s4+$0x0], $0xffff  }
0x316: {  	v41 =	vor.u32 v40, v19;
	_ =	sdelay $0x3  }
0x317: {  	v48 =	vor.u32 s22, v10;
	v35 =	vshll.u32 v46, $0x5;
	[tilespmem:v47+s19+$0x0] =	vst.idx.msk $0xffff, v37  }
0x318: {  	v42 =	vand.u32 $0x7F, v48;
	v49 =	vor.u32 v0, v35;
	v39 =	vld.idx.msk [tilespmem:v41+s4+$0x0], $0xffff  }
0x319: {  	v43 =	vor.u32 v42, v19;
	_ =	sdelay $0x3  }
0x31a: {  	v50 =	vor.u32 s22, v11;
	v37 =	vshll.u32 v48, $0x5;
	[tilespmem:v49+s19+$0x0] =	vst.idx.msk $0xffff, v39  }
0x31b: {  	v44 =	vand.u32 $0x7F, v50;
	v51 =	vor.u32 v0, v37;
	v41 =	vld.idx.msk [tilespmem:v43+s4+$0x0], $0xffff  }
0x31c: {  	v45 =	vor.u32 v44, v19;
	_ =	sdelay $0x3  }
0x31d: {  	v52 =	vor.u32 s22, v12;
	v39 =	vshll.u32 v50, $0x5;
	[tilespmem:v51+s19+$0x0] =	vst.idx.msk $0xffff, v41  }
0x31e: {  	v46 =	vand.u32 $0x7F, v52;
	v53 =	vor.u32 v0, v39;
	v43 =	vld.idx.msk [tilespmem:v45+s4+$0x0], $0xffff  }
0x31f: {  	v47 =	vor.u32 v46, v19;
	_ =	sdelay $0x3  }
0x320: {  	v54 =	vor.u32 s22, v13;
	v41 =	vshll.u32 v52, $0x5;
	[tilespmem:v53+s19+$0x0] =	vst.idx.msk $0xffff, v43  }
0x321: {  	v48 =	vand.u32 $0x7F, v54;
	v55 =	vor.u32 v0, v41;
	v45 =	vld.idx.msk [tilespmem:v47+s4+$0x0], $0xffff  }
0x322: {  	v49 =	vor.u32 v48, v19;
	_ =	sdelay $0x3  }
0x323: {  	v56 =	vor.u32 s22, v14;
	v43 =	vshll.u32 v54, $0x5;
	[tilespmem:v55+s19+$0x0] =	vst.idx.msk $0xffff, v45  }
0x324: {  	v50 =	vand.u32 $0x7F, v56;
	v57 =	vor.u32 v0, v43;
	v47 =	vld.idx.msk [tilespmem:v49+s4+$0x0], $0xffff  }
0x325: {  	v51 =	vor.u32 v50, v19;
	_ =	sdelay $0x3  }
0x326: {  	v58 =	vor.u32 s22, v15;
	v45 =	vshll.u32 v56, $0x5;
	[tilespmem:v57+s19+$0x0] =	vst.idx.msk $0xffff, v47  }
0x327: {  	v52 =	vand.u32 $0x7F, v58;
	v59 =	vor.u32 v0, v45;
	v49 =	vld.idx.msk [tilespmem:v51+s4+$0x0], $0xffff  }
0x328: {  	v53 =	vor.u32 v52, v19;
	_ =	sdelay $0x3  }
0x329: {  	v60 =	vor.u32 s22, v16;
	v47 =	vshll.u32 v58, $0x5;
	[tilespmem:v59+s19+$0x0] =	vst.idx.msk $0xffff, v49  }
0x32a: {  	v54 =	vand.u32 $0x7F, v60;
	v61 =	vor.u32 v0, v47;
	v51 =	vld.idx.msk [tilespmem:v53+s4+$0x0], $0xffff  }
0x32b: {  	v55 =	vor.u32 v54, v19;
	_ =	sdelay $0x3  }
0x32c: {  	v19 =	vshll.u32 v60, $0x5;
	[tilespmem:v61+s19+$0x0] =	vst.idx.msk $0xffff, v51  }
0x32d: {  	v21 =	vor.u32 v17, v21;
	v63 =	vor.u32 v0, v19;
	v62 =	vld.idx.msk [tilespmem:v55+s4+$0x0], $0xffff  }
0x32e: {  	v22 =	vor.u32 v22, v21;
	_ =	sdelay $0x3  }
0x32f: {  	[tilespmem:v63+s19+$0x0] =	vst.idx.msk $0xffff, v62  }
0x330: {  	v20 =	vor.u32 v18, v20;
	v22 =	vld.idx.msk [tilespmem:v22+s4+$0x0], $0xffff  }
0x331: {  	v26 =	vor.u32 v26, v21;
	_ =	sdelay $0x3  }
0x332: {  	[tilespmem:v20+s19+$0x0] =	vst.idx.msk $0xffff, v22  }
0x333: {  	v22 =	vor.u32 v18, v23;
	v20 =	vld.idx.msk [tilespmem:v26+s4+$0x0], $0xffff  }
0x334: {  	v23 =	vor.u32 v28, v21;
	_ =	sdelay $0x3  }
0x335: {  	[tilespmem:v22+s19+$0x0] =	vst.idx.msk $0xffff, v20  }
0x336: {  	v22 =	vor.u32 v18, v24;
	v20 =	vld.idx.msk [tilespmem:v23+s4+$0x0], $0xffff  }
0x337: {  	v23 =	vor.u32 v30, v21;
	_ =	sdelay $0x3  }
0x338: {  	[tilespmem:v22+s19+$0x0] =	vst.idx.msk $0xffff, v20  }
0x339: {  	v22 =	vor.u32 v18, v25;
	v20 =	vld.idx.msk [tilespmem:v23+s4+$0x0], $0xffff  }
0x33a: {  	v23 =	vor.u32 v32, v21;
	_ =	sdelay $0x3  }
0x33b: {  	[tilespmem:v22+s19+$0x0] =	vst.idx.msk $0xffff, v20  }
0x33c: {  	v22 =	vor.u32 v18, v27;
	v20 =	vld.idx.msk [tilespmem:v23+s4+$0x0], $0xffff  }
0x33d: {  	v23 =	vor.u32 v34, v21;
	_ =	sdelay $0x3  }
0x33e: {  	[tilespmem:v22+s19+$0x0] =	vst.idx.msk $0xffff, v20  }
0x33f: {  	v22 =	vor.u32 v18, v29;
	v20 =	vld.idx.msk [tilespmem:v23+s4+$0x0], $0xffff  }
0x340: {  	v23 =	vor.u32 v36, v21;
	_ =	sdelay $0x3  }
0x341: {  	[tilespmem:v22+s19+$0x0] =	vst.idx.msk $0xffff, v20  }
0x342: {  	v22 =	vor.u32 v18, v31;
	v20 =	vld.idx.msk [tilespmem:v23+s4+$0x0], $0xffff  }
0x343: {  	v23 =	vor.u32 v38, v21;
	_ =	sdelay $0x3  }
0x344: {  	[tilespmem:v22+s19+$0x0] =	vst.idx.msk $0xffff, v20  }
0x345: {  	v22 =	vor.u32 v18, v33;
	v20 =	vld.idx.msk [tilespmem:v23+s4+$0x0], $0xffff  }
0x346: {  	v23 =	vor.u32 v40, v21;
	_ =	sdelay $0x3  }
0x347: {  	[tilespmem:v22+s19+$0x0] =	vst.idx.msk $0xffff, v20  }
0x348: {  	v22 =	vor.u32 v18, v35;
	v20 =	vld.idx.msk [tilespmem:v23+s4+$0x0], $0xffff  }
0x349: {  	v23 =	vor.u32 v42, v21;
	_ =	sdelay $0x3  }
0x34a: {  	[tilespmem:v22+s19+$0x0] =	vst.idx.msk $0xffff, v20  }
0x34b: {  	v22 =	vor.u32 v18, v37;
	v20 =	vld.idx.msk [tilespmem:v23+s4+$0x0], $0xffff  }
0x34c: {  	v23 =	vor.u32 v44, v21;
	_ =	sdelay $0x3  }
0x34d: {  	[tilespmem:v22+s19+$0x0] =	vst.idx.msk $0xffff, v20  }
0x34e: {  	v22 =	vor.u32 v18, v39;
	v20 =	vld.idx.msk [tilespmem:v23+s4+$0x0], $0xffff  }
0x34f: {  	v23 =	vor.u32 v46, v21;
	_ =	sdelay $0x3  }
0x350: {  	[tilespmem:v22+s19+$0x0] =	vst.idx.msk $0xffff, v20  }
0x351: {  	v22 =	vor.u32 v18, v41;
	v20 =	vld.idx.msk [tilespmem:v23+s4+$0x0], $0xffff  }
0x352: {  	v23 =	vor.u32 v48, v21;
	_ =	sdelay $0x3  }
0x353: {  	[tilespmem:v22+s19+$0x0] =	vst.idx.msk $0xffff, v20  }
0x354: {  	v22 =	vor.u32 v18, v43;
	v20 =	vld.idx.msk [tilespmem:v23+s4+$0x0], $0xffff  }
0x355: {  	v23 =	vor.u32 v50, v21;
	_ =	sdelay $0x3  }
0x356: {  	[tilespmem:v22+s19+$0x0] =	vst.idx.msk $0xffff, v20  }
0x357: {  	v22 =	vor.u32 v18, v45;
	v20 =	vld.idx.msk [tilespmem:v23+s4+$0x0], $0xffff  }
0x358: {  	v23 =	vor.u32 v52, v21;
	_ =	sdelay $0x3  }
0x359: {  	[tilespmem:v22+s19+$0x0] =	vst.idx.msk $0xffff, v20  }
0x35a: {  	v22 =	vld.idx.msk [tilespmem:v23+s4+$0x0], $0xffff;
	v23 =	vor.u32 v18, v47  }
0x35b: {  	v21 =	vor.u32 v54, v21;
	_ =	sdelay $0x1  }
0x35c: {  	s22 =	simm.s32 $0x10  }
0x35d: {  	s23 =	simm.s32 $0x20;
	v20 =	vmov s22  }
.LBB2_11:
0x35e: {  	p1 =	sne.s32 s23, $0x1F0;
	v20 =	vshll.u32 v20, $0x3;
	[tilespmem:v23+s19+$0x0] =	vst.idx.msk $0xffff, v22  }
0x35f: {  	v22 =	vor.u32 s22, v0;
	v20 =	vand.u32 $0xC00, v20;
	v23 =	vld.idx.msk [tilespmem:v21+s4+$0x0], $0xffff  }
0x360: {  	v19 =	vor.u32 v18, v19;
	v21 =	vand.u32 $0x7F, v22;
	v29 =	vor.u32 v1, v20  }
0x361: {  	v24 =	vor.u32 v21, v29;
	_ =	sdelay $0x3  }
0x362: {  	[tilespmem:v19+s19+$0x0] =	vst.idx.msk $0xffff, v23  }
0x363: {  	v22 =	vshll.u32 v22, $0x5;
	v19 =	vld.idx.msk [tilespmem:v24+s4+$0x0], $0xffff;
	v24 =	vor.u32 s22, v2  }
0x364: {  	v25 =	vor.u32 v0, v22;
	v23 =	vand.u32 $0x7F, v24  }
0x365: {  	v26 =	vor.u32 v23, v29;
	_ =	sdelay $0x3  }
0x366: {  	[tilespmem:v25+s19+$0x0] =	vst.idx.msk $0xffff, v19  }
0x367: {  	v24 =	vshll.u32 v24, $0x5;
	v19 =	vld.idx.msk [tilespmem:v26+s4+$0x0], $0xffff;
	v26 =	vor.u32 s22, v3  }
0x368: {  	v27 =	vor.u32 v0, v24;
	v25 =	vand.u32 $0x7F, v26  }
0x369: {  	v28 =	vor.u32 v25, v29;
	_ =	sdelay $0x3  }
0x36a: {  	[tilespmem:v27+s19+$0x0] =	vst.idx.msk $0xffff, v19  }
0x36b: {  	v26 =	vshll.u32 v26, $0x5;
	v19 =	vld.idx.msk [tilespmem:v28+s4+$0x0], $0xffff;
	v28 =	vor.u32 s22, v5  }
0x36c: {  	v30 =	vor.u32 v0, v26;
	v27 =	vand.u32 $0x7F, v28  }
0x36d: {  	v31 =	vor.u32 v27, v29;
	_ =	sdelay $0x3  }
0x36e: {  	[tilespmem:v30+s19+$0x0] =	vst.idx.msk $0xffff, v19  }
0x36f: {  	v28 =	vshll.u32 v28, $0x5;
	v19 =	vld.idx.msk [tilespmem:v31+s4+$0x0], $0xffff;
	v31 =	vor.u32 s22, v6  }
0x370: {  	v32 =	vor.u32 v0, v28;
	v30 =	vand.u32 $0x7F, v31  }
0x371: {  	v33 =	vor.u32 v30, v29;
	_ =	sdelay $0x3  }
0x372: {  	[tilespmem:v32+s19+$0x0] =	vst.idx.msk $0xffff, v19  }
0x373: {  	v31 =	vshll.u32 v31, $0x5;
	v19 =	vld.idx.msk [tilespmem:v33+s4+$0x0], $0xffff;
	v33 =	vor.u32 s22, v7  }
0x374: {  	v34 =	vor.u32 v0, v31;
	v32 =	vand.u32 $0x7F, v33  }
0x375: {  	v35 =	vor.u32 v32, v29;
	_ =	sdelay $0x3  }
0x376: {  	[tilespmem:v34+s19+$0x0] =	vst.idx.msk $0xffff, v19  }
0x377: {  	v33 =	vshll.u32 v33, $0x5;
	v19 =	vld.idx.msk [tilespmem:v35+s4+$0x0], $0xffff;
	v35 =	vor.u32 s22, v8  }
0x378: {  	v36 =	vor.u32 v0, v33;
	v34 =	vand.u32 $0x7F, v35  }
0x379: {  	v37 =	vor.u32 v34, v29;
	_ =	sdelay $0x3  }
0x37a: {  	[tilespmem:v36+s19+$0x0] =	vst.idx.msk $0xffff, v19  }
0x37b: {  	v35 =	vshll.u32 v35, $0x5;
	v19 =	vld.idx.msk [tilespmem:v37+s4+$0x0], $0xffff;
	v37 =	vor.u32 s22, v9  }
0x37c: {  	v38 =	vor.u32 v0, v35;
	v36 =	vand.u32 $0x7F, v37  }
0x37d: {  	v39 =	vor.u32 v36, v29;
	_ =	sdelay $0x3  }
0x37e: {  	[tilespmem:v38+s19+$0x0] =	vst.idx.msk $0xffff, v19  }
0x37f: {  	v37 =	vshll.u32 v37, $0x5;
	v19 =	vld.idx.msk [tilespmem:v39+s4+$0x0], $0xffff;
	v39 =	vor.u32 s22, v4  }
0x380: {  	v40 =	vor.u32 v0, v37;
	v38 =	vand.u32 $0x7F, v39  }
0x381: {  	v41 =	vor.u32 v38, v29;
	_ =	sdelay $0x3  }
0x382: {  	[tilespmem:v40+s19+$0x0] =	vst.idx.msk $0xffff, v19  }
0x383: {  	v39 =	vshll.u32 v39, $0x5;
	v19 =	vld.idx.msk [tilespmem:v41+s4+$0x0], $0xffff;
	v41 =	vor.u32 s22, v10  }
0x384: {  	v42 =	vor.u32 v0, v39;
	v40 =	vand.u32 $0x7F, v41  }
0x385: {  	v43 =	vor.u32 v40, v29;
	_ =	sdelay $0x3  }
0x386: {  	[tilespmem:v42+s19+$0x0] =	vst.idx.msk $0xffff, v19  }
0x387: {  	v41 =	vshll.u32 v41, $0x5;
	v19 =	vld.idx.msk [tilespmem:v43+s4+$0x0], $0xffff;
	v43 =	vor.u32 s22, v11  }
0x388: {  	v44 =	vor.u32 v0, v41;
	v42 =	vand.u32 $0x7F, v43  }
0x389: {  	v45 =	vor.u32 v42, v29;
	_ =	sdelay $0x3  }
0x38a: {  	[tilespmem:v44+s19+$0x0] =	vst.idx.msk $0xffff, v19  }
0x38b: {  	v43 =	vshll.u32 v43, $0x5;
	v19 =	vld.idx.msk [tilespmem:v45+s4+$0x0], $0xffff;
	v45 =	vor.u32 s22, v12  }
0x38c: {  	v46 =	vor.u32 v0, v43;
	v44 =	vand.u32 $0x7F, v45  }
0x38d: {  	v47 =	vor.u32 v44, v29;
	_ =	sdelay $0x3  }
0x38e: {  	[tilespmem:v46+s19+$0x0] =	vst.idx.msk $0xffff, v19  }
0x38f: {  	v45 =	vshll.u32 v45, $0x5;
	v19 =	vld.idx.msk [tilespmem:v47+s4+$0x0], $0xffff;
	v47 =	vor.u32 s22, v13  }
0x390: {  	v48 =	vor.u32 v0, v45;
	v46 =	vand.u32 $0x7F, v47  }
0x391: {  	v49 =	vor.u32 v46, v29;
	_ =	sdelay $0x3  }
0x392: {  	[tilespmem:v48+s19+$0x0] =	vst.idx.msk $0xffff, v19  }
0x393: {  	v47 =	vshll.u32 v47, $0x5;
	v19 =	vld.idx.msk [tilespmem:v49+s4+$0x0], $0xffff;
	v49 =	vor.u32 s22, v14  }
0x394: {  	v50 =	vor.u32 v0, v47;
	v48 =	vand.u32 $0x7F, v49  }
0x395: {  	v51 =	vor.u32 v48, v29;
	_ =	sdelay $0x3  }
0x396: {  	[tilespmem:v50+s19+$0x0] =	vst.idx.msk $0xffff, v19  }
0x397: {  	v49 =	vshll.u32 v49, $0x5;
	v19 =	vld.idx.msk [tilespmem:v51+s4+$0x0], $0xffff;
	v51 =	vor.u32 s22, v15  }
0x398: {  	v52 =	vor.u32 v0, v49;
	v50 =	vand.u32 $0x7F, v51  }
0x399: {  	v53 =	vor.u32 v50, v29;
	_ =	sdelay $0x3  }
0x39a: {  	[tilespmem:v52+s19+$0x0] =	vst.idx.msk $0xffff, v19  }
0x39b: {  	v51 =	vshll.u32 v51, $0x5;
	v19 =	vld.idx.msk [tilespmem:v53+s4+$0x0], $0xffff;
	v53 =	vor.u32 s22, v16;
	s22 =	smov.u32 s23  }
0x39c: {  	v54 =	vor.u32 v0, v51;
	v52 =	vand.u32 $0x7F, v53  }
0x39d: {  	v29 =	vor.u32 v52, v29;
	_ =	sdelay $0x3  }
0x39e: {  	[tilespmem:v54+s19+$0x0] =	vst.idx.msk $0xffff, v19  }
0x39f: {  	v19 =	vshll.u32 v53, $0x5;
	v29 =	vld.idx.msk [tilespmem:v29+s4+$0x0], $0xffff  }
0x3a0: {  	v20 =	vor.u32 v17, v20;
	v53 =	vor.u32 v0, v19  }
0x3a1: {  	v21 =	vor.u32 v21, v20;
	_ =	sdelay $0x3  }
0x3a2: {  	[tilespmem:v53+s19+$0x0] =	vst.idx.msk $0xffff, v29  }
0x3a3: {  	v21 =	vld.idx.msk [tilespmem:v21+s4+$0x0], $0xffff  }
0x3a4: {  	v22 =	vor.u32 v18, v22  }
0x3a5: {  	v23 =	vor.u32 v23, v20;
	_ =	sdelay $0x3  }
0x3a6: {  	[tilespmem:v22+s19+$0x0] =	vst.idx.msk $0xffff, v21  }
0x3a7: {  	v21 =	vld.idx.msk [tilespmem:v23+s4+$0x0], $0xffff  }
0x3a8: {  	v22 =	vor.u32 v18, v24  }
0x3a9: {  	v23 =	vor.u32 v25, v20;
	_ =	sdelay $0x3  }
0x3aa: {  	[tilespmem:v22+s19+$0x0] =	vst.idx.msk $0xffff, v21  }
0x3ab: {  	v21 =	vld.idx.msk [tilespmem:v23+s4+$0x0], $0xffff  }
0x3ac: {  	v22 =	vor.u32 v18, v26  }
0x3ad: {  	v23 =	vor.u32 v27, v20;
	_ =	sdelay $0x3  }
0x3ae: {  	[tilespmem:v22+s19+$0x0] =	vst.idx.msk $0xffff, v21  }
0x3af: {  	v21 =	vld.idx.msk [tilespmem:v23+s4+$0x0], $0xffff  }
0x3b0: {  	v22 =	vor.u32 v18, v28  }
0x3b1: {  	v23 =	vor.u32 v30, v20;
	_ =	sdelay $0x3  }
0x3b2: {  	[tilespmem:v22+s19+$0x0] =	vst.idx.msk $0xffff, v21  }
0x3b3: {  	v21 =	vld.idx.msk [tilespmem:v23+s4+$0x0], $0xffff  }
0x3b4: {  	v22 =	vor.u32 v18, v31  }
0x3b5: {  	v23 =	vor.u32 v32, v20;
	_ =	sdelay $0x3  }
0x3b6: {  	[tilespmem:v22+s19+$0x0] =	vst.idx.msk $0xffff, v21  }
0x3b7: {  	v21 =	vld.idx.msk [tilespmem:v23+s4+$0x0], $0xffff  }
0x3b8: {  	v22 =	vor.u32 v18, v33  }
0x3b9: {  	v23 =	vor.u32 v34, v20;
	_ =	sdelay $0x3  }
0x3ba: {  	[tilespmem:v22+s19+$0x0] =	vst.idx.msk $0xffff, v21  }
0x3bb: {  	v21 =	vld.idx.msk [tilespmem:v23+s4+$0x0], $0xffff  }
0x3bc: {  	v22 =	vor.u32 v18, v35  }
0x3bd: {  	v23 =	vor.u32 v36, v20;
	_ =	sdelay $0x3  }
0x3be: {  	[tilespmem:v22+s19+$0x0] =	vst.idx.msk $0xffff, v21  }
0x3bf: {  	v21 =	vld.idx.msk [tilespmem:v23+s4+$0x0], $0xffff  }
0x3c0: {  	v22 =	vor.u32 v18, v37  }
0x3c1: {  	v23 =	vor.u32 v38, v20;
	_ =	sdelay $0x3  }
0x3c2: {  	[tilespmem:v22+s19+$0x0] =	vst.idx.msk $0xffff, v21  }
0x3c3: {  	v21 =	vld.idx.msk [tilespmem:v23+s4+$0x0], $0xffff  }
0x3c4: {  	v22 =	vor.u32 v18, v39  }
0x3c5: {  	v23 =	vor.u32 v40, v20;
	_ =	sdelay $0x3  }
0x3c6: {  	[tilespmem:v22+s19+$0x0] =	vst.idx.msk $0xffff, v21  }
0x3c7: {  	v21 =	vld.idx.msk [tilespmem:v23+s4+$0x0], $0xffff  }
0x3c8: {  	v22 =	vor.u32 v18, v41  }
0x3c9: {  	v23 =	vor.u32 v42, v20;
	_ =	sdelay $0x3  }
0x3ca: {  	[tilespmem:v22+s19+$0x0] =	vst.idx.msk $0xffff, v21  }
0x3cb: {  	v21 =	vld.idx.msk [tilespmem:v23+s4+$0x0], $0xffff  }
0x3cc: {  	v22 =	vor.u32 v18, v43  }
0x3cd: {  	v23 =	vor.u32 v44, v20;
	_ =	sdelay $0x3  }
0x3ce: {  	[tilespmem:v22+s19+$0x0] =	vst.idx.msk $0xffff, v21  }
0x3cf: {  	v21 =	vld.idx.msk [tilespmem:v23+s4+$0x0], $0xffff  }
0x3d0: {  	v22 =	vor.u32 v18, v45  }
0x3d1: {  	v23 =	vor.u32 v46, v20;
	_ =	sdelay $0x3  }
0x3d2: {  	[tilespmem:v22+s19+$0x0] =	vst.idx.msk $0xffff, v21  }
0x3d3: {  	v21 =	vld.idx.msk [tilespmem:v23+s4+$0x0], $0xffff  }
0x3d4: {  	v22 =	vor.u32 v18, v47  }
0x3d5: {  	v23 =	vor.u32 v48, v20;
	_ =	sdelay $0x3  }
0x3d6: {  	[tilespmem:v22+s19+$0x0] =	vst.idx.msk $0xffff, v21  }
0x3d7: {  	v21 =	vld.idx.msk [tilespmem:v23+s4+$0x0], $0xffff  }
0x3d8: {  	v22 =	vor.u32 v18, v49  }
0x3d9: {  	v23 =	vor.u32 v50, v20;
	_ =	sdelay $0x3  }
0x3da: {  	[tilespmem:v22+s19+$0x0] =	vst.idx.msk $0xffff, v21  }
0x3db: {  	v22 =	vld.idx.msk [tilespmem:v23+s4+$0x0], $0xffff  }
.Ltmp7:
0x3dc: {  	v23 =	vor.u32 v18, v51;
	(pc) =	sbr.rel @p1 .LBB2_11-.Ltmp7, $2  }
0x3dd: {  	v21 =	vor.u32 v52, v20;
	_ =	sdelay $0x2  }
0x3de: {  	s23 =	sadd.s32 $0x10, s23;
	v20 =	vmov s22  }
0x3df: {  	_ =	sdelay $0x2  }
0x3e0: {  	v20 =	vshll.u32 v20, $0x3  }
0x3e1: {  	[tilespmem:v23+s19+$0x0] =	vst.idx.msk $0xffff, v22;
	v61 =	vor.u32 s22, v0;
	v20 =	vand.u32 $0xC00, v20  }
0x3e2: {  	v19 =	vor.u32 v18, v19;
	v21 =	vld.idx.msk [tilespmem:v21+s4+$0x0], $0xffff;
	v62 =	vand.u32 $0x7F, v61;
	v24 =	vor.u32 v1, v20  }
0x3e3: {  	v25 =	vor.u32 v62, v24;
	_ =	sdelay $0x3  }
0x3e4: {  	v63 =	vor.u32 s22, v2;
	[tilespmem:v19+s19+$0x0] =	vst.idx.msk $0xffff, v21;
	v19 =	vshll.u32 v61, $0x5  }
0x3e5: {  	v26 =	vand.u32 $0x7F, v63;
	v31 =	vor.u32 v0, v19;
	v30 =	vld.idx.msk [tilespmem:v25+s4+$0x0], $0xffff  }
0x3e6: {  	v27 =	vor.u32 v26, v24;
	_ =	sdelay $0x3  }
0x3e7: {  	v32 =	vor.u32 s22, v3;
	v21 =	vshll.u32 v63, $0x5;
	[tilespmem:v31+s19+$0x0] =	vst.idx.msk $0xffff, v30  }
0x3e8: {  	v28 =	vand.u32 $0x7F, v32;
	v33 =	vor.u32 v0, v21;
	v25 =	vld.idx.msk [tilespmem:v27+s4+$0x0], $0xffff  }
0x3e9: {  	v29 =	vor.u32 v28, v24;
	_ =	sdelay $0x3  }
0x3ea: {  	v34 =	vor.u32 s22, v5;
	v22 =	vshll.u32 v32, $0x5;
	[tilespmem:v33+s19+$0x0] =	vst.idx.msk $0xffff, v25  }
0x3eb: {  	v35 =	vor.u32 v0, v22;
	v30 =	vand.u32 $0x7F, v34;
	v27 =	vld.idx.msk [tilespmem:v29+s4+$0x0], $0xffff  }
0x3ec: {  	v31 =	vor.u32 v30, v24;
	_ =	sdelay $0x3  }
0x3ed: {  	v36 =	vor.u32 s22, v6;
	v25 =	vshll.u32 v34, $0x5;
	[tilespmem:v35+s19+$0x0] =	vst.idx.msk $0xffff, v27  }
0x3ee: {  	v32 =	vand.u32 $0x7F, v36;
	v37 =	vor.u32 v0, v25;
	v29 =	vld.idx.msk [tilespmem:v31+s4+$0x0], $0xffff  }
0x3ef: {  	v33 =	vor.u32 v32, v24;
	_ =	sdelay $0x3  }
0x3f0: {  	v38 =	vor.u32 s22, v7;
	v27 =	vshll.u32 v36, $0x5;
	[tilespmem:v37+s19+$0x0] =	vst.idx.msk $0xffff, v29  }
0x3f1: {  	v34 =	vand.u32 $0x7F, v38;
	v39 =	vor.u32 v0, v27;
	v31 =	vld.idx.msk [tilespmem:v33+s4+$0x0], $0xffff  }
0x3f2: {  	v35 =	vor.u32 v34, v24;
	_ =	sdelay $0x3  }
0x3f3: {  	v40 =	vor.u32 s22, v8;
	v29 =	vshll.u32 v38, $0x5;
	[tilespmem:v39+s19+$0x0] =	vst.idx.msk $0xffff, v31  }
0x3f4: {  	v36 =	vand.u32 $0x7F, v40;
	v41 =	vor.u32 v0, v29;
	v33 =	vld.idx.msk [tilespmem:v35+s4+$0x0], $0xffff  }
0x3f5: {  	v37 =	vor.u32 v36, v24;
	_ =	sdelay $0x3  }
0x3f6: {  	v42 =	vor.u32 s22, v9;
	v31 =	vshll.u32 v40, $0x5;
	[tilespmem:v41+s19+$0x0] =	vst.idx.msk $0xffff, v33  }
0x3f7: {  	v38 =	vand.u32 $0x7F, v42;
	v43 =	vor.u32 v0, v31;
	v35 =	vld.idx.msk [tilespmem:v37+s4+$0x0], $0xffff  }
0x3f8: {  	v39 =	vor.u32 v38, v24;
	_ =	sdelay $0x3  }
0x3f9: {  	v44 =	vor.u32 s22, v4;
	v33 =	vshll.u32 v42, $0x5;
	[tilespmem:v43+s19+$0x0] =	vst.idx.msk $0xffff, v35  }
0x3fa: {  	v40 =	vand.u32 $0x7F, v44;
	v45 =	vor.u32 v0, v33;
	v37 =	vld.idx.msk [tilespmem:v39+s4+$0x0], $0xffff  }
0x3fb: {  	v41 =	vor.u32 v40, v24;
	_ =	sdelay $0x3  }
0x3fc: {  	v46 =	vor.u32 s22, v10;
	v35 =	vshll.u32 v44, $0x5;
	[tilespmem:v45+s19+$0x0] =	vst.idx.msk $0xffff, v37  }
0x3fd: {  	v42 =	vand.u32 $0x7F, v46;
	v47 =	vor.u32 v0, v35;
	v39 =	vld.idx.msk [tilespmem:v41+s4+$0x0], $0xffff  }
0x3fe: {  	v43 =	vor.u32 v42, v24;
	_ =	sdelay $0x3  }
0x3ff: {  	v48 =	vor.u32 s22, v11;
	v37 =	vshll.u32 v46, $0x5;
	[tilespmem:v47+s19+$0x0] =	vst.idx.msk $0xffff, v39  }
0x400: {  	v44 =	vand.u32 $0x7F, v48;
	v49 =	vor.u32 v0, v37;
	v41 =	vld.idx.msk [tilespmem:v43+s4+$0x0], $0xffff  }
0x401: {  	v45 =	vor.u32 v44, v24;
	_ =	sdelay $0x3  }
0x402: {  	v50 =	vor.u32 s22, v12;
	v39 =	vshll.u32 v48, $0x5;
	[tilespmem:v49+s19+$0x0] =	vst.idx.msk $0xffff, v41  }
0x403: {  	v46 =	vand.u32 $0x7F, v50;
	v51 =	vor.u32 v0, v39;
	v43 =	vld.idx.msk [tilespmem:v45+s4+$0x0], $0xffff  }
0x404: {  	v47 =	vor.u32 v46, v24;
	_ =	sdelay $0x3  }
0x405: {  	v52 =	vor.u32 s22, v13;
	v41 =	vshll.u32 v50, $0x5;
	[tilespmem:v51+s19+$0x0] =	vst.idx.msk $0xffff, v43  }
0x406: {  	v48 =	vand.u32 $0x7F, v52;
	v53 =	vor.u32 v0, v41;
	v45 =	vld.idx.msk [tilespmem:v47+s4+$0x0], $0xffff  }
0x407: {  	v49 =	vor.u32 v48, v24;
	_ =	sdelay $0x3  }
0x408: {  	v54 =	vor.u32 s22, v14;
	v43 =	vshll.u32 v52, $0x5;
	[tilespmem:v53+s19+$0x0] =	vst.idx.msk $0xffff, v45  }
0x409: {  	v50 =	vand.u32 $0x7F, v54;
	v55 =	vor.u32 v0, v43;
	v47 =	vld.idx.msk [tilespmem:v49+s4+$0x0], $0xffff  }
0x40a: {  	v51 =	vor.u32 v50, v24;
	_ =	sdelay $0x3  }
0x40b: {  	v56 =	vor.u32 s22, v15;
	v45 =	vshll.u32 v54, $0x5;
	[tilespmem:v55+s19+$0x0] =	vst.idx.msk $0xffff, v47  }
0x40c: {  	v52 =	vand.u32 $0x7F, v56;
	v57 =	vor.u32 v0, v45;
	v49 =	vld.idx.msk [tilespmem:v51+s4+$0x0], $0xffff  }
0x40d: {  	v53 =	vor.u32 v52, v24;
	_ =	sdelay $0x3  }
0x40e: {  	v58 =	vor.u32 s22, v16;
	v47 =	vshll.u32 v56, $0x5;
	[tilespmem:v57+s19+$0x0] =	vst.idx.msk $0xffff, v49  }
0x40f: {  	v54 =	vand.u32 $0x7F, v58;
	v59 =	vor.u32 v0, v47;
	v51 =	vld.idx.msk [tilespmem:v53+s4+$0x0], $0xffff  }
0x410: {  	v24 =	vor.u32 v54, v24;
	_ =	sdelay $0x3  }
0x411: {  	v49 =	vshll.u32 v58, $0x5;
	[tilespmem:v59+s19+$0x0] =	vst.idx.msk $0xffff, v51  }
0x412: {  	v20 =	vor.u32 v17, v20;
	v60 =	vor.u32 v0, v49;
	v24 =	vld.idx.msk [tilespmem:v24+s4+$0x0], $0xffff  }
0x413: {  	v23 =	vor.u32 v62, v20;
	_ =	sdelay $0x3  }
0x414: {  	[tilespmem:v60+s19+$0x0] =	vst.idx.msk $0xffff, v24  }
0x415: {  	v19 =	vor.u32 v18, v19;
	v23 =	vld.idx.msk [tilespmem:v23+s4+$0x0], $0xffff  }
0x416: {  	v61 =	vor.u32 v26, v20;
	_ =	sdelay $0x3  }
0x417: {  	[tilespmem:v19+s19+$0x0] =	vst.idx.msk $0xffff, v23  }
0x418: {  	v21 =	vor.u32 v18, v21;
	v19 =	vld.idx.msk [tilespmem:v61+s4+$0x0], $0xffff  }
0x419: {  	v62 =	vor.u32 v28, v20;
	_ =	sdelay $0x3  }
0x41a: {  	[tilespmem:v21+s19+$0x0] =	vst.idx.msk $0xffff, v19  }
0x41b: {  	v63 =	vor.u32 v18, v22;
	v19 =	vld.idx.msk [tilespmem:v62+s4+$0x0], $0xffff  }
0x41c: {  	v24 =	vor.u32 v30, v20;
	_ =	sdelay $0x3  }
0x41d: {  	[tilespmem:v63+s19+$0x0] =	vst.idx.msk $0xffff, v19  }
0x41e: {  	v25 =	vor.u32 v18, v25;
	v19 =	vld.idx.msk [tilespmem:v24+s4+$0x0], $0xffff  }
0x41f: {  	v26 =	vor.u32 v32, v20;
	_ =	sdelay $0x3  }
0x420: {  	[tilespmem:v25+s19+$0x0] =	vst.idx.msk $0xffff, v19  }
0x421: {  	v27 =	vor.u32 v18, v27;
	v19 =	vld.idx.msk [tilespmem:v26+s4+$0x0], $0xffff  }
0x422: {  	v28 =	vor.u32 v34, v20;
	_ =	sdelay $0x3  }
0x423: {  	[tilespmem:v27+s19+$0x0] =	vst.idx.msk $0xffff, v19  }
0x424: {  	v29 =	vor.u32 v18, v29;
	v19 =	vld.idx.msk [tilespmem:v28+s4+$0x0], $0xffff  }
0x425: {  	v30 =	vor.u32 v36, v20;
	_ =	sdelay $0x3  }
0x426: {  	[tilespmem:v29+s19+$0x0] =	vst.idx.msk $0xffff, v19  }
0x427: {  	v32 =	vor.u32 v18, v31;
	v19 =	vld.idx.msk [tilespmem:v30+s4+$0x0], $0xffff  }
0x428: {  	v34 =	vor.u32 v38, v20;
	_ =	sdelay $0x3  }
0x429: {  	[tilespmem:v32+s19+$0x0] =	vst.idx.msk $0xffff, v19  }
0x42a: {  	v36 =	vor.u32 v18, v33;
	v19 =	vld.idx.msk [tilespmem:v34+s4+$0x0], $0xffff  }
0x42b: {  	v38 =	vor.u32 v40, v20;
	_ =	sdelay $0x3  }
0x42c: {  	[tilespmem:v36+s19+$0x0] =	vst.idx.msk $0xffff, v19  }
0x42d: {  	v40 =	vor.u32 v18, v35;
	v19 =	vld.idx.msk [tilespmem:v38+s4+$0x0], $0xffff  }
0x42e: {  	v42 =	vor.u32 v42, v20;
	_ =	sdelay $0x3  }
0x42f: {  	[tilespmem:v40+s19+$0x0] =	vst.idx.msk $0xffff, v19  }
0x430: {  	v51 =	vor.u32 v18, v37;
	v19 =	vld.idx.msk [tilespmem:v42+s4+$0x0], $0xffff  }
0x431: {  	v53 =	vor.u32 v44, v20;
	_ =	sdelay $0x3  }
0x432: {  	[tilespmem:v51+s19+$0x0] =	vst.idx.msk $0xffff, v19  }
0x433: {  	v55 =	vor.u32 v18, v39;
	v19 =	vld.idx.msk [tilespmem:v53+s4+$0x0], $0xffff  }
0x434: {  	v56 =	vor.u32 v46, v20;
	_ =	sdelay $0x3  }
0x435: {  	[tilespmem:v55+s19+$0x0] =	vst.idx.msk $0xffff, v19  }
0x436: {  	v57 =	vor.u32 v18, v41;
	v19 =	vld.idx.msk [tilespmem:v56+s4+$0x0], $0xffff  }
0x437: {  	v58 =	vor.u32 v48, v20;
	_ =	sdelay $0x3  }
0x438: {  	[tilespmem:v57+s19+$0x0] =	vst.idx.msk $0xffff, v19  }
0x439: {  	v59 =	vor.u32 v18, v43;
	v19 =	vld.idx.msk [tilespmem:v58+s4+$0x0], $0xffff  }
0x43a: {  	v60 =	vor.u32 v50, v20;
	_ =	sdelay $0x3  }
0x43b: {  	[tilespmem:v59+s19+$0x0] =	vst.idx.msk $0xffff, v19  }
0x43c: {  	v61 =	vor.u32 v18, v45;
	v19 =	vld.idx.msk [tilespmem:v60+s4+$0x0], $0xffff  }
0x43d: {  	v62 =	vor.u32 v52, v20;
	_ =	sdelay $0x3  }
0x43e: {  	[tilespmem:v61+s19+$0x0] =	vst.idx.msk $0xffff, v19  }
0x43f: {  	v63 =	vor.u32 v18, v47;
	v19 =	vld.idx.msk [tilespmem:v62+s4+$0x0], $0xffff  }
0x440: {  	v20 =	vor.u32 v54, v20;
	_ =	sdelay $0x3  }
0x441: {  	[tilespmem:v63+s19+$0x0] =	vst.idx.msk $0xffff, v19  }
0x442: {  	v19 =	vld.idx.msk [tilespmem:v20+s4+$0x0], $0xffff;
	v20 =	vor.u32 v18, v49;
	_ =	sdelay $0x4  }
0x443: {  	[tilespmem:v20+s19+$0x0] =	vst.idx.msk $0xffff, v19  }
0x444: {  	[hbm4b:s9+s4] =	stream.linear.scatter [tilespmem:s19], [sflag:$0x3], $0x4000, $0x38;
	[tilespmem:$0x10000] =	vst v63  }
0x445: {  	_ =	swait.ge [sflag:s18], $0x4000  }
0x446: {  	[sflag:s18] =	ssyncset.done $0x0  }
0x447: {  	[sflag:s18] =	ssyncadd.s32 $0xFFFFC000  }
0x448: {  	_ =	swait.ge [sflag:s20], $0x4000  }
0x449: {  	s22 =	simm.s32 @!p0 $0x0;
	[sflag:s20] =	ssyncset.done $0x0  }
0x44a: {  	s23 =	simm.s32 @!p0 $0x8000;
	s24 =	simm.s32 @!p0 $0x5;
	[sflag:s20] =	ssyncadd.s32 $0xFFFFC000  }
0x44b: {  	[tilespmem:s23], [sflag:$0x5] =	stream.linear.gather @!p0 [hbm4b:s10+s22], $0x1420, $0x38;
	[tilespmem:$0x10000] =	vst v63  }
0x44c: {  	s21 =	sadd.s32 $0x1, s21;
	_ =	swait.ge @!p0 [sflag:s24], $0x1420  }
0x44d: {  	p1 =	sne.s32 s21, s12;
	[sflag:s24] =	ssyncset.done @!p0 $0x0  }
.Ltmp8:
0x44e: {  	[sflag:s24] =	ssyncadd.s32 @!p0 $0xFFFFEBE0;
	(pc) =	sbr.rel @p1 .LBB2_1-.Ltmp8, $4  }
0x44f: {  	[hbm4b:s11+s22] =	stream.linear.scatter @!p0 [tilespmem:s23], [sflag:$0x5], $0x1420, $0x38;
	[tilespmem:$0x10000] =	vst v63  }
0x450: {  	_ =	swait.ge @!p0 [sflag:s24], $0x1420  }
0x451: {  	[sflag:s24] =	ssyncset.done @!p0 $0x0  }
0x452: {  	[sflag:s24] =	ssyncadd.s32 @!p0 $0xFFFFEBE0  }
0x453: {  	_ =	sfence.sel $0x180000  }
0x454: {  	[bflag:$0x0] =	sbarrier.arrive $0xFFFF  }
0x455: {  	p0 =	sne.s32 s0, $0x0;
	_ =	strace $0x90000047  }
0x456: {  	s0 =	sadd.s32 @!p0 $0x100000, s2;
	[bflag:$0x2] =	sbarrier.arrive $0xFFFF  }
0x457: {  	[sflag:s0] =	ssyncadd.tile.s32 @!p0 $0x1;
	_ =	shalt  }
.Lfunc_end2:
_tile_overlayer_lowered:
.L_overlay_start_2:
0x458: {  	(tag) =	ssettag $0x2  }
0x459: {  	s0 =	rddreg [dreg:$0x0];
	s2 =	stileid.u32  }
0x45a: {  	s1 =	rddreg [dreg:$0x1];
	p0 =	sne.s32 s2, $0x0  }
0x45b: {  	s3 =	rddreg [dreg:$0x2];
	[bflag:$0x3] =	sbarrier.arrive $0xFFFF;
	s2 =	simm.s32 @!p0 $0x1C05  }
0x45c: {  	[timem:s3], [sflag:s2] =	dma.local @!p0 [hbm:s0], s1  }
0x45d: {  	s0 =	simm.s32 @!p0 $0x5  }
0x45e: {  	_ =	swait.ge @!p0 [sflag:s0], s1  }
0x45f: {  	s1 =	ssub.s32 @!p0 $0x0, s1;
	[sflag:s0] =	ssyncset.done @!p0 $0x0  }
0x460: {  	[sflag:s0] =	ssyncadd.s32 @!p0 s1  }
0x461: {  	[bflag:$0x3] =	sbarrier.arrive $0xFFFF  }
0x462: {  	_ =	shalt  }

// kernel: kernel.8.cloned.1.call-start
scs
__scs_entry_jumppad:
0x0: {  	(pc) =	sbr.rel $0x88, $3  }
0x1: {  	(tag) =	ssettag $0x0;
	lr =	simm.s32 $0x1  }
0x2: {  	[smem:$0x3F9B] =	sst lr;
	_ =	strace $0xD0000000  }
0x3: {  	_ = 	snop  }
0x4: {  	_ = 	snop  }
0x5: {  	_ = 	snop  }
0x6: {  	_ = 	snop  }
0x7: {  	_ = 	snop  }
__scs_overlays_trampoline_lowered:
0x8: {  	[smem:$0x3FAA] =	sst s0  }
0x9: {  	[smem:$0x3FAB] =	sst s1  }
0xa: {  	[smem:$0x3FAC] =	sst s2  }
0xb: {  	[smem:$0x3FAD] =	sst s3  }
0xc: {  	[smem:$0x3FAE] =	sst s4  }
0xd: {  	[smem:$0x3FAF] =	sst s5  }
0xe: {  	[smem:$0x3FB0] =	sst s6  }
0xf: {  	[smem:$0x3FB1] =	sst s7  }
0x10: {  	[smem:$0x3FB2] =	sst s8  }
0x11: {  	[smem:$0x3FB3] =	sst s9;
	s0 =	simm.s32 @!p0 $0x0  }
0x12: {  	s1 =	sld [smem:$0x3F99];
	s0 =	simm.s32 @p0 $0x1  }
0x13: {  	[smem:$0x3FB4] =	sst s0;
	s0 =	simm.s32 @!p1 $0x0  }
0x14: {  	s2 =	sld [smem:$0x3F98];
	s0 =	simm.s32 @p1 $0x1  }
0x15: {  	[smem:$0x3FB5] =	sst s0;
	s0 =	simm.s32 @!p2 $0x0  }
0x16: {  	s3 =	sld [smem:$0x3FDB];
	s0 =	simm.s32 @p2 $0x1  }
0x17: {  	s4 =	simm.s32 $0x1BF5;
	[smem:$0x3FB7] =	sst s0  }
0x18: {  	s0 =	sld [smem:$0x3F9A];
	_ =	swait.ge [sflag:s4], $0x0  }
0x19: {  	s7 =	sld [smem:$0x3F9B]  }
0x1a: {  	s8 =	sadd.s32 $0xFFFFE003, lr  }
0x1b: {  	s9 =	sadd.s32 $0xFFFFFEF7, lr;
	s5 =	simm.s32 $0xFFFFFFFF;
	p2 =	slt.u32 s8, $0xFFFFF086  }
0x1c: {  	p1 =	slt.u32 s9, $0xF7A;
	s5 =	simm.s32 @!p2 $0x0  }
0x1d: {  	s5 =	simm.s32 @p1 $0x1;
	p0 =	seq.s32 s7, s2  }
0x1e: {  	s7 =	smul.u32 @!p0 $0xF7A, s2;
	p2 =	seq.s32 @!p0 s5, $0x0  }
0x1f: {  	s9 =	smul.u32 $0xF7A, s1;
	s8 =	simm.s32 @!p0 $0x1BF5;
	p2 =	por !p2, p0  }
0x20: {  	[sflag:s8] =	ssyncset.s32 @!p0 $0xFFFFF086;
	s6 =	sadd.s32 @!p0 s3, s7;
	s7 =	simm.s32 @!p0 $0x108  }
0x21: {  	s3 =	sadd.s32 s3, s9;
	s6 =	sadd.s32 @!p0 $0x88, s6;
	s7 =	simm.s32 @p2 $0x1082  }
0x22: {  	[simem:s7], [sflag:s8] =	dma.local @!p0 [hbm:s6], $0xF7A  }
0x23: {  	s9 =	sor.u32 $0xD0000000, s2;
	s6 =	simm.s32 $0x108;
	_ =	swait.ge @!p0 [sflag:s8], $0x0  }
0x24: {  	s3 =	sadd.s32 $0x88, s3;
	s6 =	simm.s32 @!p1 $0x1082;
	[sflag:s4] =	ssyncset.s32 $0xFFFFF086  }
0x25: {  	[simem:s6], [sflag:s4] =	dma.local [hbm:s3], $0xF7A  }
0x26: {  	[smem:$0x3F9B] =	sst s1;
	(tag) =	ssettag s2;
	_ =	strace s9  }
0x27: {  	s1 =	sld [smem:$0x3FAB]  }
0x28: {  	s2 =	sld [smem:$0x3FAC]  }
0x29: {  	s4 =	sld [smem:$0x3FAE]  }
0x2a: {  	p0 =	seq.s32 s5, $0x0;
	s5 =	sld [smem:$0x3FAF]  }
0x2b: {  	s6 =	sld [smem:$0x3FB0]  }
0x2c: {  	s7 =	sld [smem:$0x3FB1]  }
0x2d: {  	s3 =	simm.s32 $0x108;
	s8 =	sld [smem:$0x3FB2]  }
0x2e: {  	s3 =	simm.s32 @!p0 $0x1082;
	s9 =	sld [smem:$0x3FB3]  }
0x2f: {  	lr =	sadd.s32 s0, s3;
	s0 =	sld [smem:$0x3FAA]  }
0x30: {  	s3 =	sld [smem:$0x3FAD]  }
0x31: {  	[smem:$0x3FB6] =	sst s10  }
0x32: {  	s10 =	sld [smem:$0x3FB4];
	_ =	sdelay $0x3  }
0x33: {  	p0 =	seq.s32 s10, $0x1;
	s10 =	sld [smem:$0x3FB6];
	_ =	sdelay $0x3  }
0x34: {  	[smem:$0x3FB6] =	sst s10  }
0x35: {  	s10 =	sld [smem:$0x3FB5];
	_ =	sdelay $0x3  }
0x36: {  	p1 =	seq.s32 s10, $0x1;
	s10 =	sld [smem:$0x3FB6];
	_ =	sdelay $0x3  }
0x37: {  	[smem:$0x3FB6] =	sst s10  }
0x38: {  	s10 =	sld [smem:$0x3FB7]  }
0x39: {  	_ = 	snop;
	(pc) =	sbr.ind lr, $3  }
0x3a: {  	_ = 	snop  }
0x3b: {  	_ = 	snop  }
0x3c: {  	p2 =	seq.s32 s10, $0x1;
	s10 =	sld [smem:$0x3FB6]  }
0x3d: {  	_ =	shalt  }
0x3e: {  	_ =	shalt  }
0x3f: {  	_ =	shalt  }
0x40: {  	_ =	shalt  }
0x41: {  	_ =	shalt  }
0x42: {  	_ =	shalt  }
0x43: {  	_ =	shalt  }
0x44: {  	_ =	shalt  }
0x45: {  	_ =	shalt  }
0x46: {  	_ =	shalt  }
0x47: {  	_ =	shalt  }
0x48: {  	_ =	shalt  }
0x49: {  	_ =	shalt  }
0x4a: {  	_ =	shalt  }
0x4b: {  	_ =	shalt  }
0x4c: {  	_ =	shalt  }
0x4d: {  	_ =	shalt  }
0x4e: {  	_ =	shalt  }
0x4f: {  	_ =	shalt  }
0x50: {  	_ =	shalt  }
0x51: {  	_ =	shalt  }
0x52: {  	_ =	shalt  }
0x53: {  	_ =	shalt  }
0x54: {  	_ =	shalt  }
0x55: {  	_ =	shalt  }
0x56: {  	_ =	shalt  }
0x57: {  	_ =	shalt  }
0x58: {  	_ =	shalt  }
0x59: {  	_ =	shalt  }
0x5a: {  	_ =	shalt  }
0x5b: {  	_ =	shalt  }
0x5c: {  	_ =	shalt  }
0x5d: {  	_ =	shalt  }
0x5e: {  	_ =	shalt  }
0x5f: {  	_ =	shalt  }
0x60: {  	_ =	shalt  }
0x61: {  	_ =	shalt  }
0x62: {  	_ =	shalt  }
0x63: {  	_ =	shalt  }
0x64: {  	_ =	shalt  }
0x65: {  	_ =	shalt  }
0x66: {  	_ =	shalt  }
0x67: {  	_ =	shalt  }
0x68: {  	_ =	shalt  }
0x69: {  	_ =	shalt  }
0x6a: {  	_ =	shalt  }
0x6b: {  	_ =	shalt  }
0x6c: {  	_ =	shalt  }
0x6d: {  	_ =	shalt  }
0x6e: {  	_ =	shalt  }
0x6f: {  	_ =	shalt  }
0x70: {  	_ =	shalt  }
0x71: {  	_ =	shalt  }
0x72: {  	_ =	shalt  }
0x73: {  	_ =	shalt  }
0x74: {  	_ =	shalt  }
0x75: {  	_ =	shalt  }
0x76: {  	_ =	shalt  }
0x77: {  	_ =	shalt  }
0x78: {  	_ =	shalt  }
0x79: {  	_ =	shalt  }
0x7a: {  	_ =	shalt  }
0x7b: {  	_ =	shalt  }
0x7c: {  	_ =	shalt  }
0x7d: {  	_ =	shalt  }
0x7e: {  	_ =	shalt  }
0x7f: {  	_ =	shalt  }
0x80: {  	_ =	shalt  }
0x81: {  	_ =	shalt  }
0x82: {  	_ =	shalt  }
0x83: {  	_ =	shalt  }
0x84: {  	_ =	shalt  }
0x85: {  	_ =	shalt  }
0x86: {  	_ =	shalt  }
0x87: {  	_ =	shalt  }
.Lfunc_end0:
.L_simem_size_0:
called_computation.1_lowered:
.L_overlay_start_0:
0x88: {  	s2 =	sld [smem:$0x3FD9]  }
0x89: {  	s3 =	sld [smem:$0x3FFE];
	_ =	sdelay $0x1  }
0x8a: {  	s1 =	srdreg.scid  }
0x8b: {  	s0 =	sand.u32 $0x1, s1  }
0x8c: {  	s17 =	sshll.u32 s0, $0xA;
	s2 =	sadd.s32 s3, s2  }
0x8d: {  	s2 =	sadd.s32 s2, s17  }
0x8e: {  	[smem:$0x3FC2] =	sst s2  }
0x8f: {  	_ = 	snop  }
0x90: {  	s2 =	sld [smem:$0x3FD0];
	(tm) =	ssettm $0x1  }
0x91: {  	s18 =	sld [smem:$0x3FFB];
	_ =	sdelay $0x3  }
0x92: {  	_ =	strace s18  }
0x93: {  	s3 =	sld [smem:$0x3FFC];
	_ =	sdelay $0x3  }
0x94: {  	_ =	strace s3  }
0x95: {  	s3 =	sld [smem:$0x3FFD];
	_ =	sdelay $0x3  }
0x96: {  	_ =	strace s3  }
0x97: {  	_ =	strace $0x8FFFFFFF  }
0x98: {  	s19 =	sld [smem:$0x3FDB];
	_ =	sdelay $0x1  }
0x99: {  	s4 =	simm.s32 $_scs_section_size  }
0x9a: {  	s5 =	simm.s32 $_size__tile_overlayer_lowered;
	s6 =	simm.s32 $_tile_overlayer_lowered  }
0x9b: {  	s22 =	simm.s32 $0x1BFF;
	s21 =	sshll.u32 s6, $0x1;
	s3 =	sadd.s32 s4, s19  }
0x9c: {  	s7 =	simm.s32 $0x0;
	s20 =	sshll.u32 s5, $0x1;
	s5 =	sadd.s32 s21, s3  }
0x9d: {  	[timem:s7], [sflag:s22] =	dma.local [hbm:s5], s20  }
0x9e: {  	_ =	swait.ge [sflag:s22], s20  }
0x9f: {  	s4 =	ssub.s32 $0x0, s20;
	[sflag:s22] =	ssyncset.done $0x0  }
0xa0: {  	[sflag:s22] =	ssyncadd.s32 s4;
	_ =	sdelay $0x1  }
0xa1: {  	s23 =	simm.s32 $0x1B8B  }
0xa2: {  	_ =	swait.ge [sflag:s23], $0x1  }
0xa3: {  	[sflag:s23] =	ssyncset.done $0x0  }
0xa4: {  	s25 =	simm.s32 $0x1B8E;
	s24 =	sld [smem:$0x3FFE];
	[sflag:s23] =	ssyncadd.s32 $0xFFFFFFFF  }
0xa5: {  	s26 =	simm.s32 $execute0_lowered;
	[smem:$0x3FD2] =	sst s25  }
0xa6: {  	s5 =	sshll.u32 s26, $0x1;
	_ =	strace $0x80000049;
	[dreg:$0x1] =	wrdreg $0xFFFFFFFF  }
0xa7: {  	s28 =	simm.s32 $_size_execute0_lowered;
	s3 =	sadd.s32 s3, s5;
	[dreg:$0x0] =	wrdreg $0x0  }
0xa8: {  	s5 =	sshll.u32 s28, $0x1;
	[dreg:$0x2] =	wrdreg s3  }
0xa9: {  	[dreg:$0x3] =	wrdreg s5  }
0xaa: {  	[dreg:$0x4] =	wrdreg $0xC0  }
0xab: {  	_ =	task [dreg:s7], $0x5FFFF  }
0xac: {  	[dreg:$0x1] =	wrdreg $0xFFFFFFFF  }
0xad: {  	[dreg:$0x0] =	wrdreg $0x60  }
0xae: {  	[dreg:$0x2] =	wrdreg s24  }
0xaf: {  	[dreg:$0x3] =	wrdreg s2  }
0xb0: {  	[dreg:$0x4] =	wrdreg $0x9  }
0xb1: {  	_ =	task.clear_ibuf [dreg:s7], $0x5FFFF;
	_ =	strace $0x90000049  }
0xb2: {  	s29 =	simm.s32 $0x9;
	_ =	strace $0x8000004B  }
0xb3: {  	_ =	swait.ge [sflag:s29], $0x1  }
0xb4: {  	[sflag:s29] =	ssyncadd.s32 $0xFFFFFFFF  }
0xb5: {  	_ =	strace $0x9000004B  }
0xb6: {  	_ =	sfence  }
0xb7: {  	s30 =	sld [smem:$0x0];
	_ =	sdelay $0x2  }
0xb8: {  	s31 =	sshll.u32 s1, $0xD;
	s1 =	sshrl.u32 s1, $0x2  }
0xb9: {  	s3 =	sand.u32 $0x4000, s31;
	s1 =	sadd.s32 s1, s30  }
0xba: {  	s0 =	sor.u32 s3, s0;
	s1 =	sshll.u32 s1, $0x11  }
0xbb: {  	s0 =	sor.u32 s1, s0  }
0xbc: {  	s0 =	sadd.s32 $0x8F2B, s0  }
0xbd: {  	[sflag:s0] =	ssyncadd.remote.s32 $0x1  }
0xbe: {  	_ =	sfence.sel $0xFFFF  }
0xbf: {  	[dreg:$0x0] =	wrdreg $0xFFFFFFFF;
	(pc) =	sbr.abs _section_cstart, $3  }
0xc0: {  	[dreg:$0x1] =	wrdreg $0xFFFFFFFF  }
0xc1: {  	_ =	task.clear_ibuf [dreg:s7], $0x2FFFF;
	_ =	strace $0x9FFFFFFF  }
0xc2: {  	(tm) =	ssettm $0x7FFFFFFF  }
0xc3: {  	_ =	shalt  }
tec
execute0_lowered:
.L_overlay_start_1:
0x0: {  	(tag) =	ssettag $0x1  }
0x1: {  	s0 =	rddreg [dreg:$0x0];
	s1 =	simm.s32 $0x0  }
0x2: {  	s25 =	srdreg.scid;
	s6 =	stileid.u32;
	s9 =	simm.s32 $0x2  }
0x3: {  	s10 =	simm.s32 $0x80;
	s23 =	simm.s32 $0x2300;
	s24 =	simm.s32 $0x8690  }
0x4: {  	s28 =	simm.s32 $0x2400;
	s29 =	simm.s32 $0xA690;
	s30 =	simm.s32 $0x2480  }
0x5: {  	s31 =	simm.s32 $0xB690;
	s8 =	simm.s32 $0x2580;
	s11 =	simm.s32 $0xE690  }
0x6: {  	s12 =	simm.s32 $0xF690;
	s13 =	simm.s32 $0x1;
	s14 =	simm.s32 $0x11690  }
0x7: {  	s16 =	simm.s32 $0x0;
	[smem:$0x7FF] =	sst s1;
	s4 =	sadd.s32 $0x9ECA00, s0  }
0x8: {  	s1 =	sand.u32 $0x1, s25;
	s5 =	sadd.s32 $0x1800, s0;
	s7 =	sshll.u32 s6, $0xA  }
0x9: {  	s6 =	sadd.s32 $0xA2CA00, s0;
	s25 =	simm.s32 $0x2380;
	s2 =	ssub.s32 $0x2, s1  }
0xa: {  	_ =	strace $0x8000004A;
	s1 =	sshll.u32 s1, $0x9;
	s3 =	sshrl.u32 s2, $0x1  }
0xb: {  	s7 =	sor.u32 s1, s7;
	s1 =	simm.s32 $0xD690;
	s26 =	ssub.s32 s2, s3  }
0xc: {  	s3 =	simm.s32 $0xC690;
	s2 =	simm.s32 $0x2600;
	s0 =	smax.u32 s26, $0x1  }
0xd: {  	s26 =	simm.s32 $0x9690;
	[dreg:$0x3] =	wrdreg s0;
	s0 =	simm.s32 $0x2500  }
.LBB2_1:
0xe: {  	[dreg:$0x4] =	wrdreg s16;
	s15 =	simm.s32 $0x0  }
.LBB2_2:
0xf: {  	s16 =	sshll.u32 s15, $0x6  }
0x10: {  	s16 =	sadd.s32 s7, s16  }
0x11: {  	s17 =	sshll.u32 s16, $0x4  }
0x12: {  	s19 =	simm.s32 $0x0;
	s18 =	sadd.s32 s4, s17  }
0x13: {  	[tilespmem:s19], [sflag:$0x2] =	stream.linear.gather [hbm4b:s18+s19], $0x2000, $0x38;
	[tilespmem:$0x11E90] =	vst v63  }
0x14: {  	_ =	swait.ge [sflag:s9], $0x2000  }
0x15: {  	[sflag:s9] =	ssyncset.done $0x0  }
0x16: {  	s20 =	simm.s32 $0x10;
	[sflag:s9] =	ssyncadd.s32 $0xFFFFE000  }
0x17: {  	v0 =	vld [tilespmem:s20+$0xFFFFFFF0];
	_ =	sdelay $0x3  }
0x18: {  	s18 =	simm.s32 $0x2000  }
0x19: {  	[tilespmem:s18+$0x0] =	vst v0  }
0x1a: {  	v0 =	vld [tilespmem:s20+$0x0];
	_ =	sdelay $0x3  }
0x1b: {  	s19 =	sand.u32 $0x7FE, s19  }
0x1c: {  	[tilespmem:s19+$0x2010] =	vst v0;
	s19 =	simm.s32 $0x90  }
0x1d: {  	s21 =	simm.s32 $0x34;
	s20 =	simm.s32 $0x1A;
	v0 =	vld [tilespmem:s19+$0xFFFFFFF0]  }
.LBB2_3:
0x1e: {  	p0 =	sne.s32 s21, $0x666;
	_ =	sdelay $0x2  }
0x1f: {  	s18 =	sadd.s32 $0x1A, s18  }
0x20: {  	[tilespmem:s18+$0x0] =	vst v0  }
0x21: {  	v0 =	vld [tilespmem:s19+$0x0];
	_ =	sdelay $0x1  }
.Ltmp0:
0x22: {  	(pc) =	sbr.rel @p0 .LBB2_3-.Ltmp0, $4  }
0x23: {  	_ = 	snop  }
0x24: {  	s22 =	sand.u32 $0x7FE, s20;
	s20 =	smov.u32 s21  }
0x25: {  	s19 =	sadd.s32 $0x80, s19;
	[tilespmem:s22+$0x2010] =	vst v0  }
0x26: {  	s21 =	sadd.s32 $0x1A, s21;
	v0 =	vld [tilespmem:s19+$0xFFFFFFF0]  }
0x27: {  	_ =	sdelay $0x2  }
0x28: {  	s18 =	sadd.s32 $0x1A, s18  }
0x29: {  	[tilespmem:s18+$0x0] =	vst v0  }
0x2a: {  	v0 =	vld [tilespmem:s19+$0x0];
	_ =	sdelay $0x3  }
0x2b: {  	s20 =	sand.u32 $0x7FE, s20  }
0x2c: {  	s21 =	simm.s32 $0x2000;
	s22 =	simm.s32 $0x2690;
	[tilespmem:s20+$0x2010] =	vst v0  }
0x2d: {  	[tilespmem:s22], [sflag:$0x1] =	stream.indirect.gather [hbm4b:s5+s10], $0x20, s21, s10, $0xb8;
	[tilespmem:$0x11E90] =	vst v63  }
0x2e: {  	s19 =	simm.s32 $0x2080;
	s20 =	simm.s32 $0x3690  }
0x2f: {  	[tilespmem:s20], [sflag:$0x1] =	stream.indirect.gather [hbm4b:s5+s10], $0x20, s19, s10, $0xb8;
	[tilespmem:$0x11E90] =	vst v63  }
0x30: {  	s21 =	simm.s32 $0x2100;
	s22 =	simm.s32 $0x4690  }
0x31: {  	[tilespmem:s22], [sflag:$0x1] =	stream.indirect.gather [hbm4b:s5+s10], $0x20, s21, s10, $0xb8;
	[tilespmem:$0x11E90] =	vst v63  }
0x32: {  	s19 =	simm.s32 $0x2180;
	s20 =	simm.s32 $0x5690  }
0x33: {  	[tilespmem:s20], [sflag:$0x1] =	stream.indirect.gather [hbm4b:s5+s10], $0x20, s19, s10, $0xb8;
	[tilespmem:$0x11E90] =	vst v63  }
0x34: {  	s21 =	simm.s32 $0x2200;
	s22 =	simm.s32 $0x6690  }
0x35: {  	[tilespmem:s22], [sflag:$0x1] =	stream.indirect.gather [hbm4b:s5+s10], $0x20, s21, s10, $0xb8;
	[tilespmem:$0x11E90] =	vst v63  }
0x36: {  	s20 =	simm.s32 $0x2280;
	s21 =	simm.s32 $0x7690  }
0x37: {  	[tilespmem:s21], [sflag:$0x1] =	stream.indirect.gather [hbm4b:s5+s10], $0x20, s20, s10, $0xb8;
	[tilespmem:$0x11E90] =	vst v63  }
0x38: {  	_ = 	snop  }
0x39: {  	[tilespmem:s24], [sflag:$0x1] =	stream.indirect.gather [hbm4b:s5+s10], $0x20, s23, s10, $0xb8;
	[tilespmem:$0x11E90] =	vst v63  }
0x3a: {  	_ = 	snop  }
0x3b: {  	[tilespmem:s26], [sflag:$0x1] =	stream.indirect.gather [hbm4b:s5+s10], $0x20, s25, s10, $0xb8;
	[tilespmem:$0x11E90] =	vst v63  }
0x3c: {  	_ = 	snop  }
0x3d: {  	[tilespmem:s29], [sflag:$0x1] =	stream.indirect.gather [hbm4b:s5+s10], $0x20, s28, s10, $0xb8;
	[tilespmem:$0x11E90] =	vst v63  }
0x3e: {  	_ = 	snop  }
0x3f: {  	[tilespmem:s31], [sflag:$0x1] =	stream.indirect.gather [hbm4b:s5+s10], $0x20, s30, s10, $0xb8;
	[tilespmem:$0x11E90] =	vst v63  }
0x40: {  	_ = 	snop  }
0x41: {  	[tilespmem:s3], [sflag:$0x1] =	stream.indirect.gather [hbm4b:s5+s10], $0x20, s0, s10, $0xb8;
	[tilespmem:$0x11E90] =	vst v63  }
0x42: {  	_ = 	snop  }
0x43: {  	[tilespmem:s1], [sflag:$0x1] =	stream.indirect.gather [hbm4b:s5+s10], $0x20, s8, s10, $0xb8;
	[tilespmem:$0x11E90] =	vst v63  }
0x44: {  	_ = 	snop  }
0x45: {  	[tilespmem:s11], [sflag:$0x1] =	stream.indirect.gather [hbm4b:s5+s10], $0x20, s2, s10, $0xb8;
	[tilespmem:$0x11E90] =	vst v63  }
0x46: {  	s17 =	sadd.s32 s6, s17;
	s22 =	simm.s32 $0x0  }
0x47: {  	[tilespmem:s12], [sflag:$0x2] =	stream.linear.gather [hbm4b:s17+s22], $0x2000, $0x38;
	[tilespmem:$0x11E90] =	vst v63  }
0x48: {  	_ =	swait.ge [sflag:s9], $0x2000  }
0x49: {  	[sflag:s9] =	ssyncset.done $0x0  }
0x4a: {  	[sflag:s9] =	ssyncadd.s32 $0xFFFFE000  }
0x4b: {  	_ =	swait.ge [sflag:s13], $0x1000  }
0x4c: {  	[sflag:s13] =	ssyncset.done $0x0  }
0x4d: {  	[sflag:s13] =	ssyncadd.s32 $0xFFFFF000  }
0x4e: {  	_ =	swait.ge [sflag:s13], $0x1000  }
0x4f: {  	[sflag:s13] =	ssyncset.done $0x0  }
0x50: {  	[sflag:s13] =	ssyncadd.s32 $0xFFFFF000  }
0x51: {  	_ =	swait.ge [sflag:s13], $0x1000  }
0x52: {  	[sflag:s13] =	ssyncset.done $0x0  }
0x53: {  	[sflag:s13] =	ssyncadd.s32 $0xFFFFF000  }
0x54: {  	_ =	swait.ge [sflag:s13], $0x1000  }
0x55: {  	[sflag:s13] =	ssyncset.done $0x0  }
0x56: {  	[sflag:s13] =	ssyncadd.s32 $0xFFFFF000  }
0x57: {  	_ =	swait.ge [sflag:s13], $0x1000  }
0x58: {  	[sflag:s13] =	ssyncset.done $0x0  }
0x59: {  	[sflag:s13] =	ssyncadd.s32 $0xFFFFF000  }
0x5a: {  	_ =	swait.ge [sflag:s13], $0x1000  }
0x5b: {  	[sflag:s13] =	ssyncset.done $0x0  }
0x5c: {  	[sflag:s13] =	ssyncadd.s32 $0xFFFFF000  }
0x5d: {  	_ =	swait.ge [sflag:s13], $0x1000  }
0x5e: {  	[sflag:s13] =	ssyncset.done $0x0  }
0x5f: {  	[sflag:s13] =	ssyncadd.s32 $0xFFFFF000  }
0x60: {  	_ =	swait.ge [sflag:s13], $0x1000  }
0x61: {  	[sflag:s13] =	ssyncset.done $0x0  }
0x62: {  	[sflag:s13] =	ssyncadd.s32 $0xFFFFF000  }
0x63: {  	_ =	swait.ge [sflag:s13], $0x1000  }
0x64: {  	[sflag:s13] =	ssyncset.done $0x0  }
0x65: {  	[sflag:s13] =	ssyncadd.s32 $0xFFFFF000  }
0x66: {  	_ =	swait.ge [sflag:s13], $0x1000  }
0x67: {  	[sflag:s13] =	ssyncset.done $0x0  }
0x68: {  	[sflag:s13] =	ssyncadd.s32 $0xFFFFF000  }
0x69: {  	_ =	swait.ge [sflag:s13], $0x1000  }
0x6a: {  	[sflag:s13] =	ssyncset.done $0x0  }
0x6b: {  	[sflag:s13] =	ssyncadd.s32 $0xFFFFF000  }
0x6c: {  	_ =	swait.ge [sflag:s13], $0x1000  }
0x6d: {  	[sflag:s13] =	ssyncset.done $0x0  }
0x6e: {  	[sflag:s13] =	ssyncadd.s32 $0xFFFFF000  }
0x6f: {  	_ =	swait.ge [sflag:s13], $0x1000  }
0x70: {  	[sflag:s13] =	ssyncset.done $0x0  }
0x71: {  	s17 =	simm.s32 $0x2830;
	[sflag:s13] =	ssyncadd.s32 $0xFFFFF000  }
0x72: {  	s18 =	simm.s32 $0xF6A0;
	v0 =	vld [tilespmem:s17+$0xFFFFFE70]  }
0x73: {  	v1 =	vld [tilespmem:s18+$0xFFFFFFF0]  }
0x74: {  	v2 =	vld [tilespmem:s17+$0xFFFFFE60]  }
0x75: {  	v3 =	vld [tilespmem:s18+$0x0]  }
0x76: {  	v4 =	vld [tilespmem:s17+$0xFFFFFE80]  }
0x77: {  	v5 =	vld [tilespmem:s17+$0xFFFFFE90]  }
0x78: {  	v6 =	vld [tilespmem:s17+$0xFFFFFEA0]  }
0x79: {  	v1 =	vadd.f32 v2, v1;
	v2 =	vld [tilespmem:s17+$0xFFFFFEB0]  }
0x7a: {  	v7 =	vld [tilespmem:s17+$0xFFFFFEC0];
	v0 =	vadd.f32 v0, v3  }
0x7b: {  	v3 =	vld [tilespmem:s17+$0xFFFFFED0];
	v1 =	vadd.f32 v4, v1  }
0x7c: {  	v34 =	vld [tilespmem:s17+$0xFFFFFEE0];
	v0 =	vadd.f32 v5, v0  }
0x7d: {  	v35 =	vld [tilespmem:s17+$0xFFFFFEF0];
	v1 =	vadd.f32 v6, v1  }
0x7e: {  	v36 =	vld [tilespmem:s17+$0xFFFFFF00];
	v0 =	vadd.f32 v2, v0  }
0x7f: {  	v2 =	vld [tilespmem:s17+$0xFFFFFF10];
	v1 =	vadd.f32 v7, v1  }
0x80: {  	v37 =	vld [tilespmem:s17+$0xFFFFFF20];
	v0 =	vadd.f32 v3, v0  }
0x81: {  	v3 =	vld [tilespmem:s17+$0xFFFFFF30];
	v1 =	vadd.f32 v34, v1  }
0x82: {  	v38 =	vld [tilespmem:s17+$0xFFFFFF40];
	v0 =	vadd.f32 v35, v0  }
0x83: {  	v39 =	vld [tilespmem:s17+$0xFFFFFF50];
	v1 =	vadd.f32 v36, v1  }
0x84: {  	v40 =	vld [tilespmem:s17+$0xFFFFFF60];
	v0 =	vadd.f32 v2, v0  }
0x85: {  	v2 =	vld [tilespmem:s17+$0xFFFFFF70];
	v1 =	vadd.f32 v37, v1  }
0x86: {  	v41 =	vld [tilespmem:s17+$0xFFFFFF80];
	v0 =	vadd.f32 v3, v0  }
0x87: {  	v3 =	vld [tilespmem:s17+$0xFFFFFF90];
	v1 =	vadd.f32 v38, v1  }
0x88: {  	v42 =	vld [tilespmem:s17+$0xFFFFFFA0];
	v0 =	vadd.f32 v39, v0  }
0x89: {  	v43 =	vld [tilespmem:s17+$0xFFFFFFB0];
	v1 =	vadd.f32 v40, v1  }
0x8a: {  	v44 =	vld [tilespmem:s17+$0xFFFFFFC0];
	v0 =	vadd.f32 v2, v0  }
0x8b: {  	v2 =	vld [tilespmem:s17+$0xFFFFFFD0];
	v1 =	vadd.f32 v41, v1  }
0x8c: {  	v45 =	vld [tilespmem:s17+$0xFFFFFFE0];
	v0 =	vadd.f32 v3, v0  }
0x8d: {  	v3 =	vld [tilespmem:s17+$0xFFFFFFF0];
	v1 =	vadd.f32 v42, v1  }
0x8e: {  	v46 =	vld [tilespmem:s17+$0x0];
	v0 =	vadd.f32 v43, v0  }
0x8f: {  	v47 =	vld [tilespmem:s17+$0x10];
	v1 =	vadd.f32 v44, v1  }
0x90: {  	v48 =	vld [tilespmem:s17+$0x20];
	v0 =	vadd.f32 v2, v0  }
0x91: {  	v2 =	vld [tilespmem:s17+$0x30];
	v1 =	vadd.f32 v45, v1  }
0x92: {  	v49 =	vld [tilespmem:s17+$0x40];
	v0 =	vadd.f32 v3, v0  }
0x93: {  	v3 =	vld [tilespmem:s17+$0x50];
	v1 =	vadd.f32 v46, v1  }
0x94: {  	v50 =	vld [tilespmem:s17+$0x60];
	v0 =	vadd.f32 v47, v0  }
0x95: {  	v51 =	vld [tilespmem:s17+$0x70];
	v1 =	vadd.f32 v48, v1  }
0x96: {  	v52 =	vld [tilespmem:s17+$0x80];
	v0 =	vadd.f32 v2, v0  }
0x97: {  	v2 =	vld [tilespmem:s17+$0x90];
	v1 =	vadd.f32 v49, v1  }
0x98: {  	v53 =	vld [tilespmem:s17+$0xA0];
	v0 =	vadd.f32 v3, v0  }
0x99: {  	v3 =	vld [tilespmem:s17+$0xB0];
	v1 =	vadd.f32 v50, v1  }
0x9a: {  	v54 =	vld [tilespmem:s17+$0xC0];
	v0 =	vadd.f32 v51, v0  }
0x9b: {  	v55 =	vld [tilespmem:s17+$0xD0];
	v1 =	vadd.f32 v52, v1  }
0x9c: {  	v56 =	vld [tilespmem:s17+$0xE0];
	v0 =	vadd.f32 v2, v0  }
0x9d: {  	v2 =	vld [tilespmem:s17+$0xF0];
	v1 =	vadd.f32 v53, v1  }
0x9e: {  	v57 =	vld [tilespmem:s17+$0x100];
	v0 =	vadd.f32 v3, v0  }
0x9f: {  	v3 =	vld [tilespmem:s17+$0x110];
	v1 =	vadd.f32 v54, v1  }
0xa0: {  	v58 =	vld [tilespmem:s17+$0x120];
	v0 =	vadd.f32 v55, v0  }
0xa1: {  	v59 =	vld [tilespmem:s17+$0x130];
	v1 =	vadd.f32 v56, v1  }
0xa2: {  	v60 =	vld [tilespmem:s17+$0x140];
	v0 =	vadd.f32 v2, v0  }
0xa3: {  	v2 =	vld [tilespmem:s17+$0x150];
	v1 =	vadd.f32 v57, v1  }
0xa4: {  	v61 =	vld [tilespmem:s17+$0x160];
	v0 =	vadd.f32 v3, v0  }
0xa5: {  	v3 =	vld [tilespmem:s17+$0x170];
	v1 =	vadd.f32 v58, v1  }
0xa6: {  	v62 =	vld [tilespmem:s17+$0x180];
	v0 =	vadd.f32 v59, v0  }
0xa7: {  	v63 =	vld [tilespmem:s17+$0x190];
	v1 =	vadd.f32 v60, v1  }
0xa8: {  	v0 =	vadd.f32 v2, v0  }
0xa9: {  	v1 =	vadd.f32 v61, v1  }
0xaa: {  	v0 =	vadd.f32 v3, v0  }
0xab: {  	v1 =	vadd.f32 v62, v1  }
0xac: {  	v0 =	vadd.f32 v63, v0  }
0xad: {  	v1 =	vmul.f32 $2.564102600e-02, v1  }
0xae: {  	s20 =	simm.s32 $0x0;
	v0 =	vmul.f32 $2.564102600e-02, v0  }
0xaf: {  	s19 =	simm.s32 $0x80;
	[tilespmem:s20+$0x11690] =	vst v1  }
.LBB2_5:
0xb0: {  	p0 =	sne.s32 s19, $0x1F80;
	[tilespmem:s20+$0x116A0] =	vst v0;
	s18 =	sadd.s32 $0x80, s18;
	s17 =	sadd.s32 $0x340, s17  }
0xb1: {  	s20 =	smov.u32 s19;
	s19 =	sadd.s32 $0x80, s19;
	v0 =	vld [tilespmem:s17+$0xFFFFFE70]  }
0xb2: {  	v1 =	vld [tilespmem:s18+$0xFFFFFFF0]  }
0xb3: {  	v2 =	vld [tilespmem:s17+$0xFFFFFE60]  }
0xb4: {  	v3 =	vld [tilespmem:s18+$0x0]  }
0xb5: {  	v4 =	vld [tilespmem:s17+$0xFFFFFE80]  }
0xb6: {  	v5 =	vld [tilespmem:s17+$0xFFFFFE90]  }
0xb7: {  	v6 =	vld [tilespmem:s17+$0xFFFFFEA0]  }
0xb8: {  	v1 =	vadd.f32 v2, v1;
	v2 =	vld [tilespmem:s17+$0xFFFFFEB0]  }
0xb9: {  	v0 =	vadd.f32 v0, v3;
	v3 =	vld [tilespmem:s17+$0xFFFFFEC0]  }
0xba: {  	v1 =	vadd.f32 v4, v1;
	v4 =	vld [tilespmem:s17+$0xFFFFFED0]  }
0xbb: {  	v0 =	vadd.f32 v5, v0;
	v5 =	vld [tilespmem:s17+$0xFFFFFEE0]  }
0xbc: {  	v1 =	vadd.f32 v6, v1;
	v6 =	vld [tilespmem:s17+$0xFFFFFEF0]  }
0xbd: {  	v0 =	vadd.f32 v2, v0;
	v2 =	vld [tilespmem:s17+$0xFFFFFF00]  }
0xbe: {  	v1 =	vadd.f32 v3, v1;
	v3 =	vld [tilespmem:s17+$0xFFFFFF10]  }
0xbf: {  	v0 =	vadd.f32 v4, v0;
	v4 =	vld [tilespmem:s17+$0xFFFFFF20]  }
0xc0: {  	v1 =	vadd.f32 v5, v1;
	v5 =	vld [tilespmem:s17+$0xFFFFFF30]  }
0xc1: {  	v0 =	vadd.f32 v6, v0;
	v6 =	vld [tilespmem:s17+$0xFFFFFF40]  }
0xc2: {  	v1 =	vadd.f32 v2, v1;
	v2 =	vld [tilespmem:s17+$0xFFFFFF50]  }
0xc3: {  	v0 =	vadd.f32 v3, v0;
	v3 =	vld [tilespmem:s17+$0xFFFFFF60]  }
0xc4: {  	v1 =	vadd.f32 v4, v1;
	v4 =	vld [tilespmem:s17+$0xFFFFFF70]  }
0xc5: {  	v0 =	vadd.f32 v5, v0;
	v5 =	vld [tilespmem:s17+$0xFFFFFF80]  }
0xc6: {  	v1 =	vadd.f32 v6, v1;
	v6 =	vld [tilespmem:s17+$0xFFFFFF90]  }
0xc7: {  	v0 =	vadd.f32 v2, v0;
	v2 =	vld [tilespmem:s17+$0xFFFFFFA0]  }
0xc8: {  	v1 =	vadd.f32 v3, v1;
	v3 =	vld [tilespmem:s17+$0xFFFFFFB0]  }
0xc9: {  	v0 =	vadd.f32 v4, v0;
	v4 =	vld [tilespmem:s17+$0xFFFFFFC0]  }
0xca: {  	v1 =	vadd.f32 v5, v1;
	v5 =	vld [tilespmem:s17+$0xFFFFFFD0]  }
0xcb: {  	v0 =	vadd.f32 v6, v0;
	v6 =	vld [tilespmem:s17+$0xFFFFFFE0]  }
0xcc: {  	v1 =	vadd.f32 v2, v1;
	v2 =	vld [tilespmem:s17+$0xFFFFFFF0]  }
0xcd: {  	v0 =	vadd.f32 v3, v0;
	v3 =	vld [tilespmem:s17+$0x0]  }
0xce: {  	v1 =	vadd.f32 v4, v1;
	v4 =	vld [tilespmem:s17+$0x10]  }
0xcf: {  	v0 =	vadd.f32 v5, v0;
	v5 =	vld [tilespmem:s17+$0x20]  }
0xd0: {  	v1 =	vadd.f32 v6, v1;
	v6 =	vld [tilespmem:s17+$0x30]  }
0xd1: {  	v0 =	vadd.f32 v2, v0;
	v2 =	vld [tilespmem:s17+$0x40]  }
0xd2: {  	v1 =	vadd.f32 v3, v1;
	v3 =	vld [tilespmem:s17+$0x50]  }
0xd3: {  	v0 =	vadd.f32 v4, v0;
	v4 =	vld [tilespmem:s17+$0x60]  }
0xd4: {  	v1 =	vadd.f32 v5, v1;
	v5 =	vld [tilespmem:s17+$0x70]  }
0xd5: {  	v0 =	vadd.f32 v6, v0;
	v6 =	vld [tilespmem:s17+$0x80]  }
0xd6: {  	v1 =	vadd.f32 v2, v1;
	v2 =	vld [tilespmem:s17+$0x90]  }
0xd7: {  	v0 =	vadd.f32 v3, v0;
	v3 =	vld [tilespmem:s17+$0xA0]  }
0xd8: {  	v1 =	vadd.f32 v4, v1;
	v4 =	vld [tilespmem:s17+$0xB0]  }
0xd9: {  	v0 =	vadd.f32 v5, v0;
	v5 =	vld [tilespmem:s17+$0xC0]  }
0xda: {  	v1 =	vadd.f32 v6, v1;
	v6 =	vld [tilespmem:s17+$0xD0]  }
0xdb: {  	v0 =	vadd.f32 v2, v0;
	v2 =	vld [tilespmem:s17+$0xE0]  }
0xdc: {  	v1 =	vadd.f32 v3, v1;
	v3 =	vld [tilespmem:s17+$0xF0]  }
0xdd: {  	v0 =	vadd.f32 v4, v0;
	v4 =	vld [tilespmem:s17+$0x100]  }
0xde: {  	v1 =	vadd.f32 v5, v1;
	v5 =	vld [tilespmem:s17+$0x110]  }
0xdf: {  	v0 =	vadd.f32 v6, v0;
	v6 =	vld [tilespmem:s17+$0x120]  }
0xe0: {  	v1 =	vadd.f32 v2, v1;
	v2 =	vld [tilespmem:s17+$0x130]  }
0xe1: {  	v0 =	vadd.f32 v3, v0;
	v3 =	vld [tilespmem:s17+$0x140]  }
0xe2: {  	v1 =	vadd.f32 v4, v1;
	v4 =	vld [tilespmem:s17+$0x150]  }
0xe3: {  	v0 =	vadd.f32 v5, v0;
	v5 =	vld [tilespmem:s17+$0x160]  }
0xe4: {  	v1 =	vadd.f32 v6, v1;
	v6 =	vld [tilespmem:s17+$0x170]  }
0xe5: {  	v0 =	vadd.f32 v2, v0;
	v2 =	vld [tilespmem:s17+$0x180]  }
0xe6: {  	v1 =	vadd.f32 v3, v1;
	v3 =	vld [tilespmem:s17+$0x190]  }
0xe7: {  	v0 =	vadd.f32 v4, v0  }
0xe8: {  	v1 =	vadd.f32 v5, v1  }
0xe9: {  	v0 =	vadd.f32 v6, v0  }
.Ltmp1:
0xea: {  	v1 =	vadd.f32 v2, v1;
	(pc) =	sbr.rel @p0 .LBB2_5-.Ltmp1, $4  }
0xeb: {  	v0 =	vadd.f32 v3, v0  }
0xec: {  	v1 =	vmul.f32 $2.564102600e-02, v1  }
0xed: {  	s20 =	sshra.s32 s20, $0x2;
	v0 =	vmul.f32 $2.564102600e-02, v0  }
0xee: {  	[tilespmem:s20+$0x11690] =	vst v1  }
0xef: {  	s15 =	sadd.s32 $0x1, s15  }
0xf0: {  	s16 =	sshll.u32 s16, $0x2;
	s17 =	rddreg [dreg:$0x1];
	p0 =	sne.s32 s15, $0x8  }
.Ltmp2:
0xf1: {  	[tilespmem:s20+$0x116A0] =	vst v0;
	s22 =	simm.s32 $0x0;
	s16 =	sadd.s32 s17, s16;
	(pc) =	sbr.rel @p0 .LBB2_2-.Ltmp2, $4  }
0xf2: {  	[hbm4b:s16+s22] =	stream.linear.scatter [tilespmem:s14], [sflag:$0x2], $0x800, $0x38;
	[tilespmem:$0x11E90] =	vst v63  }
0xf3: {  	_ =	swait.ge [sflag:s9], $0x800  }
0xf4: {  	[sflag:s9] =	ssyncset.done $0x0  }
0xf5: {  	[sflag:s9] =	ssyncadd.s32 $0xFFFFF800  }
0xf6: {  	s16 =	rddreg [dreg:$0x4]  }
0xf7: {  	s15 =	rddreg [dreg:$0x3];
	s16 =	sadd.s32 $0x1, s16  }
0xf8: {  	p0 =	sne.s32 s16, s15  }
.Ltmp3:
0xf9: {  	_ = 	snop;
	(pc) =	sbr.rel @p0 .LBB2_1-.Ltmp3, $1  }
0xfa: {  	_ =	sdelay $0x3  }
0xfb: {  	_ =	sfence.sel $0x180000  }
0xfc: {  	[bflag:$0x0] =	sbarrier.arrive $0xFFFF  }
0xfd: {  	_ =	strace $0x9000004A  }
0xfe: {  	s0 =	stileid.u32;
	[bflag:$0x2] =	sbarrier.arrive $0xFFFF  }
0xff: {  	p0 =	sne.s32 s0, $0x0;
	s0 =	rddreg [dreg:$0x2]  }
0x100: {  	s0 =	sadd.s32 @!p0 $0x100000, s0  }
0x101: {  	[sflag:s0] =	ssyncadd.tile.s32 @!p0 $0x1;
	_ =	shalt  }
.Lfunc_end2:
_tile_overlayer_lowered:
.L_overlay_start_2:
0x102: {  	(tag) =	ssettag $0x2  }
0x103: {  	s0 =	rddreg [dreg:$0x0];
	s2 =	stileid.u32  }
0x104: {  	s1 =	rddreg [dreg:$0x1];
	p0 =	sne.s32 s2, $0x0  }
0x105: {  	s3 =	rddreg [dreg:$0x2];
	[bflag:$0x3] =	sbarrier.arrive $0xFFFF;
	s2 =	simm.s32 @!p0 $0x1C02  }
0x106: {  	[timem:s3], [sflag:s2] =	dma.local @!p0 [hbm:s0], s1  }
0x107: {  	s0 =	simm.s32 @!p0 $0x2  }
0x108: {  	_ =	swait.ge @!p0 [sflag:s0], s1  }
0x109: {  	s1 =	ssub.s32 @!p0 $0x0, s1;
	[sflag:s0] =	ssyncset.done @!p0 $0x0  }
0x10a: {  	[sflag:s0] =	ssyncadd.s32 @!p0 s1  }
0x10b: {  	[bflag:$0x3] =	sbarrier.arrive $0xFFFF  }
0x10c: {  	_ =	shalt  }

</sc_bundles>
